<compile_context>
chip_gen: v7x
topology: tpu7x:2x2x1
jax: 0.10.2.dev20260603
libtpu: 0.0.44.dev20260713+nightly
codegen_flags: <defaults>
</compile_context>

<pallas_src>
import jax
import jax.numpy as jnp
from jax import lax
from jax.experimental import pallas as pl
from jax.experimental.pallas import tpu as pltpu
from jax.experimental.pallas import tpu_sc as plsc

N_NODES = 10000
IN_CH = 128
OUT_CH = 64
HALF = OUT_CH // 2

NC = 2
NS = 16
CHUNK = 128
N_GARBAGE = 240
N_ROWS = N_NODES + N_GARBAGE
RPT = N_ROWS // NS
DEG_W = 8
LANES = 16
NBUF = 8
LEAD = 6
EROWS = 160


def _sc_mesh():
    return plsc.VectorSubcoreMesh(core_axis_name="c", subcore_axis_name="s")


def _sc_params():
    return pltpu.CompilerParams(
        use_tc_tiling_on_sc=False,
        disable_bounds_checks=True,
        disable_semaphore_checks=True,
    )


def _deg_body(dst_hbm, ones_hbm, zeros_hbm, out_hbm, dst_v, ones_v, acc,
              ssem):
    c = lax.axis_index("c")
    s = lax.axis_index("s")
    nchunk = dst_hbm.shape[1] // NC
    pltpu.sync_copy(dst_hbm.at[s, pl.ds(c * nchunk, nchunk)], dst_v)
    pltpu.sync_copy(ones_hbm, ones_v)
    pltpu.sync_copy(zeros_hbm, acc.at[pl.ds(s * RPT, RPT)])
    plsc.subcore_barrier()

    def body(i, _):
        for b in range(NBUF):
            j = i * NBUF + b

            @pl.when(j >= NBUF)
            def _drain():
                pltpu.make_async_copy(ones_v, acc.at[dst_v.at[j - NBUF]],
                                      ssem.at[b]).wait()
            pltpu.async_copy(ones_v, acc.at[dst_v.at[j]], ssem.at[b],
                             add=True)
        return _

    lax.fori_loop(0, nchunk // NBUF, body, None)
    for b in range(NBUF):
        pltpu.make_async_copy(ones_v, acc.at[dst_v.at[nchunk - NBUF + b]],
                              ssem.at[b]).wait()
    plsc.subcore_barrier()
    pltpu.sync_copy(acc.at[pl.ds(s * RPT, RPT)],
                    out_hbm.at[c, pl.ds(s * RPT, RPT)])


def _hop_body(table_hbm, src_hbm, dst_hbm, scale_hbm, zeros_hbm, out_hbm,
              src_v, dst_v, buf, abuf, tbuf, sbuf, acc, gsem, ssem):
    c = lax.axis_index("c")
    s = lax.axis_index("s")
    nchunk = src_hbm.shape[2]
    pltpu.sync_copy(src_hbm.at[c, s], src_v)
    pltpu.sync_copy(dst_hbm.at[s], dst_v)
    pltpu.sync_copy(zeros_hbm, acc.at[pl.ds(s * RPT, RPT)])
    plsc.subcore_barrier()

    def gather(j, b):
        pltpu.async_copy(table_hbm.at[src_v.at[j]], buf.at[b], gsem.at[b])

    def gather_wait(j, b):
        pltpu.make_async_copy(table_hbm.at[src_v.at[j]], buf.at[b],
                              gsem.at[b]).wait()

    def scatter(j, b):
        pltpu.async_copy(buf.at[b], acc.at[dst_v.at[j]], ssem.at[b], add=True)

    def scatter_wait(j, b):
        pltpu.make_async_copy(buf.at[b], acc.at[dst_v.at[j]],
                              ssem.at[b]).wait()

    for jj in range(LEAD):
        gather(jj, jj)

    def body(i, _):
        for b in range(NBUF):
            j = i * NBUF + b
            b2 = (b + LEAD) % NBUF
            gather_wait(j, b)
            scatter(j, b)

            @pl.when(j + LEAD < nchunk)
            def _issue():
                @pl.when(j + LEAD >= NBUF)
                def _drain():
                    scatter_wait(j + LEAD - NBUF, b2)
                gather(j + LEAD, b2)
        return _

    lax.fori_loop(0, nchunk // NBUF, body, None)
    for b in range(NBUF):
        scatter_wait(nchunk - NBUF + b, b)
    plsc.subcore_barrier()

    def epi(p, _):
        r0 = s * RPT + p * EROWS
        pltpu.sync_copy(acc.at[pl.ds(r0, EROWS)], abuf)
        pltpu.sync_copy(table_hbm.at[pl.ds(c * N_ROWS + r0, EROWS)], tbuf)
        pltpu.sync_copy(scale_hbm.at[pl.ds(r0, EROWS)], sbuf)

        def rows(i, _):
            for k in range(HALF // LANES):
                sl = (i, pl.ds(k * LANES, LANES))
                abuf[sl] = (abuf[sl] + tbuf[sl]) * sbuf[sl]
            return _

        lax.fori_loop(0, EROWS, rows, None)
        pltpu.sync_copy(abuf, out_hbm.at[c, pl.ds(r0, EROWS)])
        return _

    lax.fori_loop(0, RPT // EROWS, epi, None)


def _deg_call(dst_tiles):
    kfn = pl.kernel(
        _deg_body,
        out_type=jax.ShapeDtypeStruct((NC, N_ROWS, DEG_W), jnp.float32),
        mesh=_sc_mesh(),
        compiler_params=_sc_params(),
        scratch_types=[
            pltpu.VMEM((dst_tiles.shape[1] // NC, CHUNK), jnp.int32),
            pltpu.VMEM((CHUNK, DEG_W), jnp.float32),
            pltpu.VMEM_SHARED((N_ROWS, DEG_W), jnp.float32),
            pltpu.SemaphoreType.DMA((NBUF,)),
        ],
    )
    return kfn(dst_tiles, jnp.ones((CHUNK, DEG_W), jnp.float32),
               jnp.zeros((RPT, DEG_W), jnp.float32))


def _hop_call(table, src_tiles, dst_tiles, scale):
    kfn = pl.kernel(
        _hop_body,
        out_type=jax.ShapeDtypeStruct((NC, N_ROWS, HALF), jnp.float32),
        mesh=_sc_mesh(),
        compiler_params=_sc_params(),
        scratch_types=[
            pltpu.VMEM(src_tiles.shape[2:], jnp.int32),
            pltpu.VMEM(dst_tiles.shape[1:], jnp.int32),
            pltpu.VMEM((NBUF, CHUNK, HALF), jnp.float32),
            pltpu.VMEM((EROWS, HALF), jnp.float32),
            pltpu.VMEM((EROWS, HALF), jnp.float32),
            pltpu.VMEM((EROWS, HALF), jnp.float32),
            pltpu.VMEM_SHARED((N_ROWS, HALF), jnp.float32),
            pltpu.SemaphoreType.DMA((NBUF,)),
            pltpu.SemaphoreType.DMA((NBUF,)),
        ],
    )
    out = kfn(table, src_tiles, dst_tiles, scale,
              jnp.zeros((RPT, HALF), jnp.float32))
    return out.reshape(NC * N_ROWS, HALF)


def _prep_tc(x_ref, w_ref, degp_ref, v0_ref, dinvx_ref, disx_ref):
    deg = degp_ref[0, :, 0:1] + degp_ref[1, :, 0:1] + 1.0
    valid = lax.broadcasted_iota(jnp.int32, (N_ROWS, 1), 0) < N_NODES
    dis = jnp.where(valid, lax.rsqrt(deg), 0.0)
    dinv = jnp.where(valid, 1.0 / deg, 0.0)
    dinvx_ref[...] = jnp.broadcast_to(dinv, (N_ROWS, HALF))
    disx_ref[...] = jnp.broadcast_to(dis, (N_ROWS, HALF))
    g = lax.dot_general(x_ref[...], w_ref[...],
                        (((1,), (1,)), ((), ())),
                        preferred_element_type=jnp.float32)
    gs = g * dis[:N_NODES]
    zpad = jnp.zeros((N_GARBAGE, HALF), jnp.float32)
    v0_ref[pl.ds(0, N_NODES), :] = gs[:, :HALF]
    v0_ref[pl.ds(N_NODES, N_GARBAGE), :] = zpad
    v0_ref[pl.ds(N_ROWS, N_NODES), :] = gs[:, HALF:]
    v0_ref[pl.ds(N_ROWS + N_NODES, N_GARBAGE), :] = zpad


def _final_tc(p_ref, b_ref, out_ref):
    h = jnp.concatenate(
        [p_ref[:N_NODES, :], p_ref[N_ROWS:N_ROWS + N_NODES, :]], axis=1)
    logits = h + b_ref[...]
    m = jnp.max(logits, axis=-1, keepdims=True)
    lse = jnp.log(jnp.sum(jnp.exp(logits - m), axis=-1, keepdims=True)) + m
    out_ref[...] = logits - lse


def kernel(x, edge_index, W, b):
    n_edges = edge_index.shape[1]
    ept = n_edges // NS
    nchunk = -(-ept // CHUNK)
    nchunk += (-nchunk) % (2 * NBUF)
    pad_per_tile = nchunk * CHUNK - ept

    src = edge_index[0]
    dst = edge_index[1]
    ar = jnp.arange(NS * pad_per_tile, dtype=jnp.int32)
    pad_src = (ar * 131) % N_NODES
    pad_dst = N_NODES + (ar % N_GARBAGE)
    src_t = jnp.concatenate(
        [src.reshape(NS, ept), pad_src.reshape(NS, pad_per_tile)], axis=1
    ).reshape(NS, nchunk, CHUNK)
    src_tiles = jnp.stack([src_t, src_t + N_ROWS])
    dst_tiles = jnp.concatenate(
        [dst.reshape(NS, ept), pad_dst.reshape(NS, pad_per_tile)], axis=1
    ).reshape(NS, nchunk, CHUNK)

    degp = _deg_call(dst_tiles)

    f32 = jnp.float32
    v0, dinvx, disx = pl.pallas_call(
        _prep_tc,
        out_shape=[
            jax.ShapeDtypeStruct((NC * N_ROWS, HALF), f32),
            jax.ShapeDtypeStruct((N_ROWS, HALF), f32),
            jax.ShapeDtypeStruct((N_ROWS, HALF), f32),
        ],
    )(x, W, degp)

    v2 = _hop_call(v0, src_tiles, dst_tiles, dinvx)
    v4 = _hop_call(v2, src_tiles, dst_tiles, disx)

    out = pl.pallas_call(
        _final_tc,
        out_shape=jax.ShapeDtypeStruct((N_NODES, OUT_CH), f32),
    )(v4, b.reshape(1, OUT_CH))

    return out

# --- scband reference (transcript-rebuilt; emitter-appended) ---
"""Pipeline reference for scband-sgcnet-90675349553257 (READ-ONLY COPY).

The authoritative reference and input builder live on the scoring server;
editing this copy changes nothing except your own understanding.
"""

import jax
import jax.numpy as jnp
import numpy as np

N_NODES = 10000
N_EDGES = 320000
IN_CH = 128
OUT_CH = 64
K_HOPS = 2


def setup_inputs(seed: int = 0) -> dict:
    key = jax.random.key(seed)
    k1, k2, k3, k4 = jax.random.split(key, 4)
    x = jax.random.normal(k1, (N_NODES, IN_CH), dtype=jnp.float32)
    edge_index = jax.random.randint(k2, (2, N_EDGES), 0, N_NODES, dtype=jnp.int32)
    # SGConv linear layer parameters (torch.nn.Linear convention: W [out, in], b [out])
    bound = 1.0 / np.sqrt(IN_CH)
    W = jax.random.uniform(k3, (OUT_CH, IN_CH), dtype=jnp.float32, minval=-bound, maxval=bound)
    b = jax.random.uniform(k4, (OUT_CH,), dtype=jnp.float32, minval=-bound, maxval=bound)
    return {"x": x, "edge_index": edge_index, "W": W, "b": b}


def reference(x, edge_index, W, b):
    # SGC (Wu et al. 2019): out = log_softmax( S^K x W^T + b ),
    # S = D^{-1/2} (A + I) D^{-1/2}  (GCN normalization with self-loops).
    src = edge_index[0]
    dst = edge_index[1]
    loop = jnp.arange(N_NODES, dtype=src.dtype)
    src = jnp.concatenate([src, loop])
    dst = jnp.concatenate([dst, loop])
    edge_weight = jnp.ones(src.shape[0], dtype=x.dtype)
    deg = jax.ops.segment_sum(edge_weight, dst, num_segments=N_NODES)
    deg_inv_sqrt = jnp.where(deg > 0, 1.0 / jnp.sqrt(deg), 0.0)
    norm = deg_inv_sqrt[src] * edge_weight * deg_inv_sqrt[dst]
    h = x
    for _ in range(K_HOPS):
        msg = norm[:, None] * jnp.take(h, src, axis=0)
        h = jax.ops.segment_sum(msg, dst, num_segments=N_NODES)
    out = h @ W.T + b
    return jax.nn.log_softmax(out, axis=-1)

if __name__ == "__main__":
    import jax
    _d = setup_inputs()
    print(jax.jit(kernel)(*tuple(_d.values())))

</pallas_src>

<mosaic_0001>
#map = affine_map<(d0, d1) -> (0, 0, 0)>
#map1 = affine_map<(d0, d1) -> (0, 0)>
module attributes {stable_mosaic.version = 14 : i64} {
  func.func @_deg_body(%arg0: i32, %arg1: i32, %arg2: memref<16x160x128xi32, #tpu.memory_space<hbm>>, %arg3: memref<128x8xf32, #tpu.memory_space<hbm>>, %arg4: memref<640x8xf32, #tpu.memory_space<hbm>>, %arg5: memref<2x10240x8xf32, #tpu.memory_space<hbm>>, %arg6: memref<80x128xi32, #tpu.memory_space<vmem>>, %arg7: memref<128x8xf32, #tpu.memory_space<vmem>>, %arg8: memref<10240x8xf32, #tpu.memory_space<vmem_shared>>, %arg9: memref<8x!tpu.dma_semaphore, #tpu.memory_space<semaphore_mem>>) attributes {dimension_semantics = [#tpu.dimension_semantics<core_parallel>, #tpu.dimension_semantics<subcore_parallel>], iteration_bounds = array<i64: 2, 16>, scalar_prefetch = 0 : i64, scratch_operands = 4 : i64, tpu.core_type = #tpu.core_type<sc_vector_subcore>, window_params = [{transform_indices = #map}, {transform_indices = #map1}, {transform_indices = #map1}, {transform_indices = #map}]} {
    %mul3A = arith.constant 80 : i32
    %mul3A_0 = arith.muli %arg0, %mul3A : i32
    "tpu.region"() ({
      %run_scoped3A = tpu.sem_alloc : memref<!tpu.dma_semaphore, #tpu.memory_space<semaphore_mem>>
      %dma_start3A = arith.constant 0 : i32
      %dma_start3A_91 = tpu.memref_slice %arg2[%arg1, %mul3A_0, %dma_start3A] : memref<16x160x128xi32, #tpu.memory_space<hbm>> -> memref<1x80x128xi32, #tpu.memory_space<hbm>>
      %dma_start3A_92 = tpu.memref_squeeze %dma_start3A_91 : memref<1x80x128xi32, #tpu.memory_space<hbm>> -> memref<80x128xi32, #tpu.memory_space<hbm>>
      %dma_start3A_93 = arith.constant 0 : i32
      %dma_start3A_94 = tpu.memref_slice %arg2[%arg1, %mul3A_0, %dma_start3A_93] : memref<16x160x128xi32, #tpu.memory_space<hbm>> -> memref<1x80x128xi32, #tpu.memory_space<hbm>>
      %dma_start3A_95 = tpu.memref_squeeze %dma_start3A_94 : memref<1x80x128xi32, #tpu.memory_space<hbm>> -> memref<80x128xi32, #tpu.memory_space<hbm>>
      tpu.enqueue_dma source(%dma_start3A_95 : memref<80x128xi32, #tpu.memory_space<hbm>>) target(%arg6 : memref<80x128xi32, #tpu.memory_space<vmem>>) target_semaphore(%run_scoped3A : memref<!tpu.dma_semaphore, #tpu.memory_space<semaphore_mem>>)
      %dma_wait3A_96 = arith.constant 0 : i32
      %dma_wait3A_97 = tpu.memref_slice %arg2[%arg1, %mul3A_0, %dma_wait3A_96] : memref<16x160x128xi32, #tpu.memory_space<hbm>> -> memref<1x80x128xi32, #tpu.memory_space<hbm>>
      %dma_wait3A_98 = tpu.memref_squeeze %dma_wait3A_97 : memref<1x80x128xi32, #tpu.memory_space<hbm>> -> memref<80x128xi32, #tpu.memory_space<hbm>>
      %dma_wait3A_99 = arith.constant 0 : i32
      %dma_wait3A_100 = tpu.memref_slice %arg2[%arg1, %mul3A_0, %dma_wait3A_99] : memref<16x160x128xi32, #tpu.memory_space<hbm>> -> memref<1x80x128xi32, #tpu.memory_space<hbm>>
      %dma_wait3A_101 = tpu.memref_squeeze %dma_wait3A_100 : memref<1x80x128xi32, #tpu.memory_space<hbm>> -> memref<80x128xi32, #tpu.memory_space<hbm>>
      tpu.wait_dma2 semaphore(%run_scoped3A : memref<!tpu.dma_semaphore, #tpu.memory_space<semaphore_mem>>) src(%dma_wait3A_101 : memref<80x128xi32, #tpu.memory_space<hbm>>) dst(%arg6 : memref<80x128xi32, #tpu.memory_space<vmem>>)
      tpu.yield
    }) : () -> ()
    "tpu.region"() ({
      %run_scoped3A = tpu.sem_alloc : memref<!tpu.dma_semaphore, #tpu.memory_space<semaphore_mem>>
      tpu.enqueue_dma source(%arg3 : memref<128x8xf32, #tpu.memory_space<hbm>>) target(%arg7 : memref<128x8xf32, #tpu.memory_space<vmem>>) target_semaphore(%run_scoped3A : memref<!tpu.dma_semaphore, #tpu.memory_space<semaphore_mem>>)
      tpu.wait_dma2 semaphore(%run_scoped3A : memref<!tpu.dma_semaphore, #tpu.memory_space<semaphore_mem>>) src(%arg3 : memref<128x8xf32, #tpu.memory_space<hbm>>) dst(%arg7 : memref<128x8xf32, #tpu.memory_space<vmem>>)
      tpu.yield
    }) : () -> ()
    %mul3A_1 = arith.constant 640 : i32
    %mul3A_2 = arith.muli %arg1, %mul3A_1 : i32
    "tpu.region"() ({
      %run_scoped3A = tpu.sem_alloc : memref<!tpu.dma_semaphore, #tpu.memory_space<semaphore_mem>>
      %dma_start3A = arith.constant 0 : i32
      %dma_start3A_91 = tpu.memref_slice %arg8[%mul3A_2, %dma_start3A] : memref<10240x8xf32, #tpu.memory_space<vmem_shared>> -> memref<640x8xf32, #tpu.memory_space<vmem_shared>>
      tpu.enqueue_dma source(%arg4 : memref<640x8xf32, #tpu.memory_space<hbm>>) target(%dma_start3A_91 : memref<640x8xf32, #tpu.memory_space<vmem_shared>>) target_semaphore(%run_scoped3A : memref<!tpu.dma_semaphore, #tpu.memory_space<semaphore_mem>>)
      %dma_wait3A_92 = arith.constant 0 : i32
      %dma_wait3A_93 = tpu.memref_slice %arg8[%mul3A_2, %dma_wait3A_92] : memref<10240x8xf32, #tpu.memory_space<vmem_shared>> -> memref<640x8xf32, #tpu.memory_space<vmem_shared>>
      tpu.wait_dma2 semaphore(%run_scoped3A : memref<!tpu.dma_semaphore, #tpu.memory_space<semaphore_mem>>) src(%arg4 : memref<640x8xf32, #tpu.memory_space<hbm>>) dst(%dma_wait3A_93 : memref<640x8xf32, #tpu.memory_space<vmem_shared>>)
      tpu.yield
    }) : () -> ()
    %barrier3A = arith.constant 0 : index
    tpu.barrier barrier_id(%barrier3A)
    %scan3A = arith.constant 0 : i32
    %scan3A_3 = arith.constant 10 : i32
    %scan3A_4 = arith.addi %scan3A, %scan3A_3 : i32
    %scan3A_5 = arith.constant 1 : i32
    scf.for %scan3A_91 = %scan3A to %scan3A_4 step %scan3A_5  : i32 {
      %mul3A_92 = arith.constant 8 : i32
      %mul3A_93 = arith.muli %scan3A_91, %mul3A_92 : i32
      %add3A = arith.constant 0 : i32
      %add3A_94 = arith.addi %mul3A_93, %add3A : i32
      %ge3A = arith.constant 8 : i32
      %ge3A_95 = arith.cmpi sge, %add3A_94, %ge3A : i32
      %convert_element_type3A = arith.extui %ge3A_95 : i1 to i32
      %cond3A = arith.constant 0 : i32
      %cond3A_96 = arith.cmpi ne, %convert_element_type3A, %cond3A : i32
      scf.if %cond3A_96 {
        %sub3A = arith.constant 8 : i32
        %sub3A_231 = arith.subi %add3A_94, %sub3A : i32
        %dma_wait3A_232 = arith.constant 0 : i32
        %dma_wait3A_233 = arith.constant 0 : i32
        %dma_wait3A_234 = tpu.memref_slice %arg6[%sub3A_231, %dma_wait3A_233] : memref<80x128xi32, #tpu.memory_space<vmem>> -> memref<1x128xi32, #tpu.memory_space<vmem>>
        %dma_wait3A_235 = tpu.memref_squeeze %dma_wait3A_234 : memref<1x128xi32, #tpu.memory_space<vmem>> -> memref<128xi32, #tpu.memory_space<vmem>>
        %dma_wait3A_236 = arith.constant 0 : i32
        %dma_wait3A_237 = arith.constant 0 : i32
        %dma_wait3A_238 = tpu.memref_slice %arg8[%dma_wait3A_236, %dma_wait3A_237] : memref<10240x8xf32, #tpu.memory_space<vmem_shared>> -> memref<10240x8xf32, #tpu.memory_space<vmem_shared>>
        %dma_wait3A_239 = tpu.memref_slice %arg9[%dma_wait3A_232] : memref<8x!tpu.dma_semaphore, #tpu.memory_space<semaphore_mem>> -> memref<1x!tpu.dma_semaphore, #tpu.memory_space<semaphore_mem>>
        %dma_wait3A_240 = tpu.memref_squeeze %dma_wait3A_239 : memref<1x!tpu.dma_semaphore, #tpu.memory_space<semaphore_mem>> -> memref<!tpu.dma_semaphore, #tpu.memory_space<semaphore_mem>>
        tpu.wait_indirect_dma semaphore(%dma_wait3A_240 : memref<!tpu.dma_semaphore, #tpu.memory_space<semaphore_mem>>) src(%arg7 : memref<128x8xf32, #tpu.memory_space<vmem>>) dst(%dma_wait3A_238 : memref<10240x8xf32, #tpu.memory_space<vmem_shared>>)
      } else {
      }
      %dma_start3A = arith.constant 0 : i32
      %dma_start3A_97 = arith.constant 0 : i32
      %dma_start3A_98 = tpu.memref_slice %arg6[%add3A_94, %dma_start3A_97] : memref<80x128xi32, #tpu.memory_space<vmem>> -> memref<1x128xi32, #tpu.memory_space<vmem>>
      %dma_start3A_99 = tpu.memref_squeeze %dma_start3A_98 : memref<1x128xi32, #tpu.memory_space<vmem>> -> memref<128xi32, #tpu.memory_space<vmem>>
      %dma_start3A_100 = arith.constant 0 : i32
      %dma_start3A_101 = arith.constant 0 : i32
      %dma_start3A_102 = tpu.memref_slice %arg8[%dma_start3A_100, %dma_start3A_101] : memref<10240x8xf32, #tpu.memory_space<vmem_shared>> -> memref<10240x8xf32, #tpu.memory_space<vmem_shared>>
      %dma_start3A_103 = tpu.memref_slice %arg9[%dma_start3A] : memref<8x!tpu.dma_semaphore, #tpu.memory_space<semaphore_mem>> -> memref<1x!tpu.dma_semaphore, #tpu.memory_space<semaphore_mem>>
      %dma_start3A_104 = tpu.memref_squeeze %dma_start3A_103 : memref<1x!tpu.dma_semaphore, #tpu.memory_space<semaphore_mem>> -> memref<!tpu.dma_semaphore, #tpu.memory_space<semaphore_mem>>
      tpu.enqueue_indirect_dma source(%arg7 : memref<128x8xf32, #tpu.memory_space<vmem>>) target(%dma_start3A_102 : memref<10240x8xf32, #tpu.memory_space<vmem_shared>>) offsets(%dma_start3A_99 : memref<128xi32, #tpu.memory_space<vmem>>) semaphore(%dma_start3A_104 : memref<!tpu.dma_semaphore, #tpu.memory_space<semaphore_mem>>) {add = true}
      %mul3A_105 = arith.constant 8 : i32
      %mul3A_106 = arith.muli %scan3A_91, %mul3A_105 : i32
      %add3A_107 = arith.constant 1 : i32
      %add3A_108 = arith.addi %mul3A_106, %add3A_107 : i32
      %ge3A_109 = arith.constant 8 : i32
      %ge3A_110 = arith.cmpi sge, %add3A_108, %ge3A_109 : i32
      %convert_element_type3A_111 = arith.extui %ge3A_110 : i1 to i32
      %cond3A_112 = arith.constant 0 : i32
      %cond3A_113 = arith.cmpi ne, %convert_element_type3A_111, %cond3A_112 : i32
      scf.if %cond3A_113 {
        %sub3A = arith.constant 8 : i32
        %sub3A_231 = arith.subi %add3A_108, %sub3A : i32
        %dma_wait3A_232 = arith.constant 1 : i32
        %dma_wait3A_233 = arith.constant 0 : i32
        %dma_wait3A_234 = tpu.memref_slice %arg6[%sub3A_231, %dma_wait3A_233] : memref<80x128xi32, #tpu.memory_space<vmem>> -> memref<1x128xi32, #tpu.memory_space<vmem>>
        %dma_wait3A_235 = tpu.memref_squeeze %dma_wait3A_234 : memref<1x128xi32, #tpu.memory_space<vmem>> -> memref<128xi32, #tpu.memory_space<vmem>>
        %dma_wait3A_236 = arith.constant 0 : i32
        %dma_wait3A_237 = arith.constant 0 : i32
        %dma_wait3A_238 = tpu.memref_slice %arg8[%dma_wait3A_236, %dma_wait3A_237] : memref<10240x8xf32, #tpu.memory_space<vmem_shared>> -> memref<10240x8xf32, #tpu.memory_space<vmem_shared>>
        %dma_wait3A_239 = tpu.memref_slice %arg9[%dma_wait3A_232] : memref<8x!tpu.dma_semaphore, #tpu.memory_space<semaphore_mem>> -> memref<1x!tpu.dma_semaphore, #tpu.memory_space<semaphore_mem>>
        %dma_wait3A_240 = tpu.memref_squeeze %dma_wait3A_239 : memref<1x!tpu.dma_semaphore, #tpu.memory_space<semaphore_mem>> -> memref<!tpu.dma_semaphore, #tpu.memory_space<semaphore_mem>>
        tpu.wait_indirect_dma semaphore(%dma_wait3A_240 : memref<!tpu.dma_semaphore, #tpu.memory_space<semaphore_mem>>) src(%arg7 : memref<128x8xf32, #tpu.memory_space<vmem>>) dst(%dma_wait3A_238 : memref<10240x8xf32, #tpu.memory_space<vmem_shared>>)
      } else {
      }
      %dma_start3A_114 = arith.constant 1 : i32
      %dma_start3A_115 = arith.constant 0 : i32
      %dma_start3A_116 = tpu.memref_slice %arg6[%add3A_108, %dma_start3A_115] : memref<80x128xi32, #tpu.memory_space<vmem>> -> memref<1x128xi32, #tpu.memory_space<vmem>>
      %dma_start3A_117 = tpu.memref_squeeze %dma_start3A_116 : memref<1x128xi32, #tpu.memory_space<vmem>> -> memref<128xi32, #tpu.memory_space<vmem>>
      %dma_start3A_118 = arith.constant 0 : i32
      %dma_start3A_119 = arith.constant 0 : i32
      %dma_start3A_120 = tpu.memref_slice %arg8[%dma_start3A_118, %dma_start3A_119] : memref<10240x8xf32, #tpu.memory_space<vmem_shared>> -> memref<10240x8xf32, #tpu.memory_space<vmem_shared>>
      %dma_start3A_121 = tpu.memref_slice %arg9[%dma_start3A_114] : memref<8x!tpu.dma_semaphore, #tpu.memory_space<semaphore_mem>> -> memref<1x!tpu.dma_semaphore, #tpu.memory_space<semaphore_mem>>
      %dma_start3A_122 = tpu.memref_squeeze %dma_start3A_121 : memref<1x!tpu.dma_semaphore, #tpu.memory_space<semaphore_mem>> -> memref<!tpu.dma_semaphore, #tpu.memory_space<semaphore_mem>>
      tpu.enqueue_indirect_dma source(%arg7 : memref<128x8xf32, #tpu.memory_space<vmem>>) target(%dma_start3A_120 : memref<10240x8xf32, #tpu.memory_space<vmem_shared>>) offsets(%dma_start3A_117 : memref<128xi32, #tpu.memory_space<vmem>>) semaphore(%dma_start3A_122 : memref<!tpu.dma_semaphore, #tpu.memory_space<semaphore_mem>>) {add = true}
      %mul3A_123 = arith.constant 8 : i32
      %mul3A_124 = arith.muli %scan3A_91, %mul3A_123 : i32
      %add3A_125 = arith.constant 2 : i32
      %add3A_126 = arith.addi %mul3A_124, %add3A_125 : i32
      %ge3A_127 = arith.constant 8 : i32
      %ge3A_128 = arith.cmpi sge, %add3A_126, %ge3A_127 : i32
      %convert_element_type3A_129 = arith.extui %ge3A_128 : i1 to i32
      %cond3A_130 = arith.constant 0 : i32
      %cond3A_131 = arith.cmpi ne, %convert_element_type3A_129, %cond3A_130 : i32
      scf.if %cond3A_131 {
        %sub3A = arith.constant 8 : i32
        %sub3A_231 = arith.subi %add3A_126, %sub3A : i32
        %dma_wait3A_232 = arith.constant 2 : i32
        %dma_wait3A_233 = arith.constant 0 : i32
        %dma_wait3A_234 = tpu.memref_slice %arg6[%sub3A_231, %dma_wait3A_233] : memref<80x128xi32, #tpu.memory_space<vmem>> -> memref<1x128xi32, #tpu.memory_space<vmem>>
        %dma_wait3A_235 = tpu.memref_squeeze %dma_wait3A_234 : memref<1x128xi32, #tpu.memory_space<vmem>> -> memref<128xi32, #tpu.memory_space<vmem>>
        %dma_wait3A_236 = arith.constant 0 : i32
        %dma_wait3A_237 = arith.constant 0 : i32
        %dma_wait3A_238 = tpu.memref_slice %arg8[%dma_wait3A_236, %dma_wait3A_237] : memref<10240x8xf32, #tpu.memory_space<vmem_shared>> -> memref<10240x8xf32, #tpu.memory_space<vmem_shared>>
        %dma_wait3A_239 = tpu.memref_slice %arg9[%dma_wait3A_232] : memref<8x!tpu.dma_semaphore, #tpu.memory_space<semaphore_mem>> -> memref<1x!tpu.dma_semaphore, #tpu.memory_space<semaphore_mem>>
        %dma_wait3A_240 = tpu.memref_squeeze %dma_wait3A_239 : memref<1x!tpu.dma_semaphore, #tpu.memory_space<semaphore_mem>> -> memref<!tpu.dma_semaphore, #tpu.memory_space<semaphore_mem>>
        tpu.wait_indirect_dma semaphore(%dma_wait3A_240 : memref<!tpu.dma_semaphore, #tpu.memory_space<semaphore_mem>>) src(%arg7 : memref<128x8xf32, #tpu.memory_space<vmem>>) dst(%dma_wait3A_238 : memref<10240x8xf32, #tpu.memory_space<vmem_shared>>)
      } else {
      }
      %dma_start3A_132 = arith.constant 2 : i32
      %dma_start3A_133 = arith.constant 0 : i32
      %dma_start3A_134 = tpu.memref_slice %arg6[%add3A_126, %dma_start3A_133] : memref<80x128xi32, #tpu.memory_space<vmem>> -> memref<1x128xi32, #tpu.memory_space<vmem>>
      %dma_start3A_135 = tpu.memref_squeeze %dma_start3A_134 : memref<1x128xi32, #tpu.memory_space<vmem>> -> memref<128xi32, #tpu.memory_space<vmem>>
      %dma_start3A_136 = arith.constant 0 : i32
      %dma_start3A_137 = arith.constant 0 : i32
      %dma_start3A_138 = tpu.memref_slice %arg8[%dma_start3A_136, %dma_start3A_137] : memref<10240x8xf32, #tpu.memory_space<vmem_shared>> -> memref<10240x8xf32, #tpu.memory_space<vmem_shared>>
      %dma_start3A_139 = tpu.memref_slice %arg9[%dma_start3A_132] : memref<8x!tpu.dma_semaphore, #tpu.memory_space<semaphore_mem>> -> memref<1x!tpu.dma_semaphore, #tpu.memory_space<semaphore_mem>>
      %dma_start3A_140 = tpu.memref_squeeze %dma_start3A_139 : memref<1x!tpu.dma_semaphore, #tpu.memory_space<semaphore_mem>> -> memref<!tpu.dma_semaphore, #tpu.memory_space<semaphore_mem>>
      tpu.enqueue_indirect_dma source(%arg7 : memref<128x8xf32, #tpu.memory_space<vmem>>) target(%dma_start3A_138 : memref<10240x8xf32, #tpu.memory_space<vmem_shared>>) offsets(%dma_start3A_135 : memref<128xi32, #tpu.memory_space<vmem>>) semaphore(%dma_start3A_140 : memref<!tpu.dma_semaphore, #tpu.memory_space<semaphore_mem>>) {add = true}
      %mul3A_141 = arith.constant 8 : i32
      %mul3A_142 = arith.muli %scan3A_91, %mul3A_141 : i32
      %add3A_143 = arith.constant 3 : i32
      %add3A_144 = arith.addi %mul3A_142, %add3A_143 : i32
      %ge3A_145 = arith.constant 8 : i32
      %ge3A_146 = arith.cmpi sge, %add3A_144, %ge3A_145 : i32
      %convert_element_type3A_147 = arith.extui %ge3A_146 : i1 to i32
      %cond3A_148 = arith.constant 0 : i32
      %cond3A_149 = arith.cmpi ne, %convert_element_type3A_147, %cond3A_148 : i32
      scf.if %cond3A_149 {
        %sub3A = arith.constant 8 : i32
        %sub3A_231 = arith.subi %add3A_144, %sub3A : i32
        %dma_wait3A_232 = arith.constant 3 : i32
        %dma_wait3A_233 = arith.constant 0 : i32
        %dma_wait3A_234 = tpu.memref_slice %arg6[%sub3A_231, %dma_wait3A_233] : memref<80x128xi32, #tpu.memory_space<vmem>> -> memref<1x128xi32, #tpu.memory_space<vmem>>
        %dma_wait3A_235 = tpu.memref_squeeze %dma_wait3A_234 : memref<1x128xi32, #tpu.memory_space<vmem>> -> memref<128xi32, #tpu.memory_space<vmem>>
        %dma_wait3A_236 = arith.constant 0 : i32
        %dma_wait3A_237 = arith.constant 0 : i32
        %dma_wait3A_238 = tpu.memref_slice %arg8[%dma_wait3A_236, %dma_wait3A_237] : memref<10240x8xf32, #tpu.memory_space<vmem_shared>> -> memref<10240x8xf32, #tpu.memory_space<vmem_shared>>
        %dma_wait3A_239 = tpu.memref_slice %arg9[%dma_wait3A_232] : memref<8x!tpu.dma_semaphore, #tpu.memory_space<semaphore_mem>> -> memref<1x!tpu.dma_semaphore, #tpu.memory_space<semaphore_mem>>
        %dma_wait3A_240 = tpu.memref_squeeze %dma_wait3A_239 : memref<1x!tpu.dma_semaphore, #tpu.memory_space<semaphore_mem>> -> memref<!tpu.dma_semaphore, #tpu.memory_space<semaphore_mem>>
        tpu.wait_indirect_dma semaphore(%dma_wait3A_240 : memref<!tpu.dma_semaphore, #tpu.memory_space<semaphore_mem>>) src(%arg7 : memref<128x8xf32, #tpu.memory_space<vmem>>) dst(%dma_wait3A_238 : memref<10240x8xf32, #tpu.memory_space<vmem_shared>>)
      } else {
      }
      %dma_start3A_150 = arith.constant 3 : i32
      %dma_start3A_151 = arith.constant 0 : i32
      %dma_start3A_152 = tpu.memref_slice %arg6[%add3A_144, %dma_start3A_151] : memref<80x128xi32, #tpu.memory_space<vmem>> -> memref<1x128xi32, #tpu.memory_space<vmem>>
      %dma_start3A_153 = tpu.memref_squeeze %dma_start3A_152 : memref<1x128xi32, #tpu.memory_space<vmem>> -> memref<128xi32, #tpu.memory_space<vmem>>
      %dma_start3A_154 = arith.constant 0 : i32
      %dma_start3A_155 = arith.constant 0 : i32
      %dma_start3A_156 = tpu.memref_slice %arg8[%dma_start3A_154, %dma_start3A_155] : memref<10240x8xf32, #tpu.memory_space<vmem_shared>> -> memref<10240x8xf32, #tpu.memory_space<vmem_shared>>
      %dma_start3A_157 = tpu.memref_slice %arg9[%dma_start3A_150] : memref<8x!tpu.dma_semaphore, #tpu.memory_space<semaphore_mem>> -> memref<1x!tpu.dma_semaphore, #tpu.memory_space<semaphore_mem>>
      %dma_start3A_158 = tpu.memref_squeeze %dma_start3A_157 : memref<1x!tpu.dma_semaphore, #tpu.memory_space<semaphore_mem>> -> memref<!tpu.dma_semaphore, #tpu.memory_space<semaphore_mem>>
      tpu.enqueue_indirect_dma source(%arg7 : memref<128x8xf32, #tpu.memory_space<vmem>>) target(%dma_start3A_156 : memref<10240x8xf32, #tpu.memory_space<vmem_shared>>) offsets(%dma_start3A_153 : memref<128xi32, #tpu.memory_space<vmem>>) semaphore(%dma_start3A_158 : memref<!tpu.dma_semaphore, #tpu.memory_space<semaphore_mem>>) {add = true}
      %mul3A_159 = arith.constant 8 : i32
      %mul3A_160 = arith.muli %scan3A_91, %mul3A_159 : i32
      %add3A_161 = arith.constant 4 : i32
      %add3A_162 = arith.addi %mul3A_160, %add3A_161 : i32
      %ge3A_163 = arith.constant 8 : i32
      %ge3A_164 = arith.cmpi sge, %add3A_162, %ge3A_163 : i32
      %convert_element_type3A_165 = arith.extui %ge3A_164 : i1 to i32
      %cond3A_166 = arith.constant 0 : i32
      %cond3A_167 = arith.cmpi ne, %convert_element_type3A_165, %cond3A_166 : i32
      scf.if %cond3A_167 {
        %sub3A = arith.constant 8 : i32
        %sub3A_231 = arith.subi %add3A_162, %sub3A : i32
        %dma_wait3A_232 = arith.constant 4 : i32
        %dma_wait3A_233 = arith.constant 0 : i32
        %dma_wait3A_234 = tpu.memref_slice %arg6[%sub3A_231, %dma_wait3A_233] : memref<80x128xi32, #tpu.memory_space<vmem>> -> memref<1x128xi32, #tpu.memory_space<vmem>>
        %dma_wait3A_235 = tpu.memref_squeeze %dma_wait3A_234 : memref<1x128xi32, #tpu.memory_space<vmem>> -> memref<128xi32, #tpu.memory_space<vmem>>
        %dma_wait3A_236 = arith.constant 0 : i32
        %dma_wait3A_237 = arith.constant 0 : i32
        %dma_wait3A_238 = tpu.memref_slice %arg8[%dma_wait3A_236, %dma_wait3A_237] : memref<10240x8xf32, #tpu.memory_space<vmem_shared>> -> memref<10240x8xf32, #tpu.memory_space<vmem_shared>>
        %dma_wait3A_239 = tpu.memref_slice %arg9[%dma_wait3A_232] : memref<8x!tpu.dma_semaphore, #tpu.memory_space<semaphore_mem>> -> memref<1x!tpu.dma_semaphore, #tpu.memory_space<semaphore_mem>>
        %dma_wait3A_240 = tpu.memref_squeeze %dma_wait3A_239 : memref<1x!tpu.dma_semaphore, #tpu.memory_space<semaphore_mem>> -> memref<!tpu.dma_semaphore, #tpu.memory_space<semaphore_mem>>
        tpu.wait_indirect_dma semaphore(%dma_wait3A_240 : memref<!tpu.dma_semaphore, #tpu.memory_space<semaphore_mem>>) src(%arg7 : memref<128x8xf32, #tpu.memory_space<vmem>>) dst(%dma_wait3A_238 : memref<10240x8xf32, #tpu.memory_space<vmem_shared>>)
      } else {
      }
      %dma_start3A_168 = arith.constant 4 : i32
      %dma_start3A_169 = arith.constant 0 : i32
      %dma_start3A_170 = tpu.memref_slice %arg6[%add3A_162, %dma_start3A_169] : memref<80x128xi32, #tpu.memory_space<vmem>> -> memref<1x128xi32, #tpu.memory_space<vmem>>
      %dma_start3A_171 = tpu.memref_squeeze %dma_start3A_170 : memref<1x128xi32, #tpu.memory_space<vmem>> -> memref<128xi32, #tpu.memory_space<vmem>>
      %dma_start3A_172 = arith.constant 0 : i32
      %dma_start3A_173 = arith.constant 0 : i32
      %dma_start3A_174 = tpu.memref_slice %arg8[%dma_start3A_172, %dma_start3A_173] : memref<10240x8xf32, #tpu.memory_space<vmem_shared>> -> memref<10240x8xf32, #tpu.memory_space<vmem_shared>>
      %dma_start3A_175 = tpu.memref_slice %arg9[%dma_start3A_168] : memref<8x!tpu.dma_semaphore, #tpu.memory_space<semaphore_mem>> -> memref<1x!tpu.dma_semaphore, #tpu.memory_space<semaphore_mem>>
      %dma_start3A_176 = tpu.memref_squeeze %dma_start3A_175 : memref<1x!tpu.dma_semaphore, #tpu.memory_space<semaphore_mem>> -> memref<!tpu.dma_semaphore, #tpu.memory_space<semaphore_mem>>
      tpu.enqueue_indirect_dma source(%arg7 : memref<128x8xf32, #tpu.memory_space<vmem>>) target(%dma_start3A_174 : memref<10240x8xf32, #tpu.memory_space<vmem_shared>>) offsets(%dma_start3A_171 : memref<128xi32, #tpu.memory_space<vmem>>) semaphore(%dma_start3A_176 : memref<!tpu.dma_semaphore, #tpu.memory_space<semaphore_mem>>) {add = true}
      %mul3A_177 = arith.constant 8 : i32
      %mul3A_178 = arith.muli %scan3A_91, %mul3A_177 : i32
      %add3A_179 = arith.constant 5 : i32
      %add3A_180 = arith.addi %mul3A_178, %add3A_179 : i32
      %ge3A_181 = arith.constant 8 : i32
      %ge3A_182 = arith.cmpi sge, %add3A_180, %ge3A_181 : i32
      %convert_element_type3A_183 = arith.extui %ge3A_182 : i1 to i32
      %cond3A_184 = arith.constant 0 : i32
      %cond3A_185 = arith.cmpi ne, %convert_element_type3A_183, %cond3A_184 : i32
      scf.if %cond3A_185 {
        %sub3A = arith.constant 8 : i32
        %sub3A_231 = arith.subi %add3A_180, %sub3A : i32
        %dma_wait3A_232 = arith.constant 5 : i32
        %dma_wait3A_233 = arith.constant 0 : i32
        %dma_wait3A_234 = tpu.memref_slice %arg6[%sub3A_231, %dma_wait3A_233] : memref<80x128xi32, #tpu.memory_space<vmem>> -> memref<1x128xi32, #tpu.memory_space<vmem>>
        %dma_wait3A_235 = tpu.memref_squeeze %dma_wait3A_234 : memref<1x128xi32, #tpu.memory_space<vmem>> -> memref<128xi32, #tpu.memory_space<vmem>>
        %dma_wait3A_236 = arith.constant 0 : i32
        %dma_wait3A_237 = arith.constant 0 : i32
        %dma_wait3A_238 = tpu.memref_slice %arg8[%dma_wait3A_236, %dma_wait3A_237] : memref<10240x8xf32, #tpu.memory_space<vmem_shared>> -> memref<10240x8xf32, #tpu.memory_space<vmem_shared>>
        %dma_wait3A_239 = tpu.memref_slice %arg9[%dma_wait3A_232] : memref<8x!tpu.dma_semaphore, #tpu.memory_space<semaphore_mem>> -> memref<1x!tpu.dma_semaphore, #tpu.memory_space<semaphore_mem>>
        %dma_wait3A_240 = tpu.memref_squeeze %dma_wait3A_239 : memref<1x!tpu.dma_semaphore, #tpu.memory_space<semaphore_mem>> -> memref<!tpu.dma_semaphore, #tpu.memory_space<semaphore_mem>>
        tpu.wait_indirect_dma semaphore(%dma_wait3A_240 : memref<!tpu.dma_semaphore, #tpu.memory_space<semaphore_mem>>) src(%arg7 : memref<128x8xf32, #tpu.memory_space<vmem>>) dst(%dma_wait3A_238 : memref<10240x8xf32, #tpu.memory_space<vmem_shared>>)
      } else {
      }
      %dma_start3A_186 = arith.constant 5 : i32
      %dma_start3A_187 = arith.constant 0 : i32
      %dma_start3A_188 = tpu.memref_slice %arg6[%add3A_180, %dma_start3A_187] : memref<80x128xi32, #tpu.memory_space<vmem>> -> memref<1x128xi32, #tpu.memory_space<vmem>>
      %dma_start3A_189 = tpu.memref_squeeze %dma_start3A_188 : memref<1x128xi32, #tpu.memory_space<vmem>> -> memref<128xi32, #tpu.memory_space<vmem>>
      %dma_start3A_190 = arith.constant 0 : i32
      %dma_start3A_191 = arith.constant 0 : i32
      %dma_start3A_192 = tpu.memref_slice %arg8[%dma_start3A_190, %dma_start3A_191] : memref<10240x8xf32, #tpu.memory_space<vmem_shared>> -> memref<10240x8xf32, #tpu.memory_space<vmem_shared>>
      %dma_start3A_193 = tpu.memref_slice %arg9[%dma_start3A_186] : memref<8x!tpu.dma_semaphore, #tpu.memory_space<semaphore_mem>> -> memref<1x!tpu.dma_semaphore, #tpu.memory_space<semaphore_mem>>
      %dma_start3A_194 = tpu.memref_squeeze %dma_start3A_193 : memref<1x!tpu.dma_semaphore, #tpu.memory_space<semaphore_mem>> -> memref<!tpu.dma_semaphore, #tpu.memory_space<semaphore_mem>>
      tpu.enqueue_indirect_dma source(%arg7 : memref<128x8xf32, #tpu.memory_space<vmem>>) target(%dma_start3A_192 : memref<10240x8xf32, #tpu.memory_space<vmem_shared>>) offsets(%dma_start3A_189 : memref<128xi32, #tpu.memory_space<vmem>>) semaphore(%dma_start3A_194 : memref<!tpu.dma_semaphore, #tpu.memory_space<semaphore_mem>>) {add = true}
      %mul3A_195 = arith.constant 8 : i32
      %mul3A_196 = arith.muli %scan3A_91, %mul3A_195 : i32
      %add3A_197 = arith.constant 6 : i32
      %add3A_198 = arith.addi %mul3A_196, %add3A_197 : i32
      %ge3A_199 = arith.constant 8 : i32
      %ge3A_200 = arith.cmpi sge, %add3A_198, %ge3A_199 : i32
      %convert_element_type3A_201 = arith.extui %ge3A_200 : i1 to i32
      %cond3A_202 = arith.constant 0 : i32
      %cond3A_203 = arith.cmpi ne, %convert_element_type3A_201, %cond3A_202 : i32
      scf.if %cond3A_203 {
        %sub3A = arith.constant 8 : i32
        %sub3A_231 = arith.subi %add3A_198, %sub3A : i32
        %dma_wait3A_232 = arith.constant 6 : i32
        %dma_wait3A_233 = arith.constant 0 : i32
        %dma_wait3A_234 = tpu.memref_slice %arg6[%sub3A_231, %dma_wait3A_233] : memref<80x128xi32, #tpu.memory_space<vmem>> -> memref<1x128xi32, #tpu.memory_space<vmem>>
        %dma_wait3A_235 = tpu.memref_squeeze %dma_wait3A_234 : memref<1x128xi32, #tpu.memory_space<vmem>> -> memref<128xi32, #tpu.memory_space<vmem>>
        %dma_wait3A_236 = arith.constant 0 : i32
        %dma_wait3A_237 = arith.constant 0 : i32
        %dma_wait3A_238 = tpu.memref_slice %arg8[%dma_wait3A_236, %dma_wait3A_237] : memref<10240x8xf32, #tpu.memory_space<vmem_shared>> -> memref<10240x8xf32, #tpu.memory_space<vmem_shared>>
        %dma_wait3A_239 = tpu.memref_slice %arg9[%dma_wait3A_232] : memref<8x!tpu.dma_semaphore, #tpu.memory_space<semaphore_mem>> -> memref<1x!tpu.dma_semaphore, #tpu.memory_space<semaphore_mem>>
        %dma_wait3A_240 = tpu.memref_squeeze %dma_wait3A_239 : memref<1x!tpu.dma_semaphore, #tpu.memory_space<semaphore_mem>> -> memref<!tpu.dma_semaphore, #tpu.memory_space<semaphore_mem>>
        tpu.wait_indirect_dma semaphore(%dma_wait3A_240 : memref<!tpu.dma_semaphore, #tpu.memory_space<semaphore_mem>>) src(%arg7 : memref<128x8xf32, #tpu.memory_space<vmem>>) dst(%dma_wait3A_238 : memref<10240x8xf32, #tpu.memory_space<vmem_shared>>)
      } else {
      }
      %dma_start3A_204 = arith.constant 6 : i32
      %dma_start3A_205 = arith.constant 0 : i32
      %dma_start3A_206 = tpu.memref_slice %arg6[%add3A_198, %dma_start3A_205] : memref<80x128xi32, #tpu.memory_space<vmem>> -> memref<1x128xi32, #tpu.memory_space<vmem>>
      %dma_start3A_207 = tpu.memref_squeeze %dma_start3A_206 : memref<1x128xi32, #tpu.memory_space<vmem>> -> memref<128xi32, #tpu.memory_space<vmem>>
      %dma_start3A_208 = arith.constant 0 : i32
      %dma_start3A_209 = arith.constant 0 : i32
      %dma_start3A_210 = tpu.memref_slice %arg8[%dma_start3A_208, %dma_start3A_209] : memref<10240x8xf32, #tpu.memory_space<vmem_shared>> -> memref<10240x8xf32, #tpu.memory_space<vmem_shared>>
      %dma_start3A_211 = tpu.memref_slice %arg9[%dma_start3A_204] : memref<8x!tpu.dma_semaphore, #tpu.memory_space<semaphore_mem>> -> memref<1x!tpu.dma_semaphore, #tpu.memory_space<semaphore_mem>>
      %dma_start3A_212 = tpu.memref_squeeze %dma_start3A_211 : memref<1x!tpu.dma_semaphore, #tpu.memory_space<semaphore_mem>> -> memref<!tpu.dma_semaphore, #tpu.memory_space<semaphore_mem>>
      tpu.enqueue_indirect_dma source(%arg7 : memref<128x8xf32, #tpu.memory_space<vmem>>) target(%dma_start3A_210 : memref<10240x8xf32, #tpu.memory_space<vmem_shared>>) offsets(%dma_start3A_207 : memref<128xi32, #tpu.memory_space<vmem>>) semaphore(%dma_start3A_212 : memref<!tpu.dma_semaphore, #tpu.memory_space<semaphore_mem>>) {add = true}
      %mul3A_213 = arith.constant 8 : i32
      %mul3A_214 = arith.muli %scan3A_91, %mul3A_213 : i32
      %add3A_215 = arith.constant 7 : i32
      %add3A_216 = arith.addi %mul3A_214, %add3A_215 : i32
      %ge3A_217 = arith.constant 8 : i32
      %ge3A_218 = arith.cmpi sge, %add3A_216, %ge3A_217 : i32
      %convert_element_type3A_219 = arith.extui %ge3A_218 : i1 to i32
      %cond3A_220 = arith.constant 0 : i32
      %cond3A_221 = arith.cmpi ne, %convert_element_type3A_219, %cond3A_220 : i32
      scf.if %cond3A_221 {
        %sub3A = arith.constant 8 : i32
        %sub3A_231 = arith.subi %add3A_216, %sub3A : i32
        %dma_wait3A_232 = arith.constant 7 : i32
        %dma_wait3A_233 = arith.constant 0 : i32
        %dma_wait3A_234 = tpu.memref_slice %arg6[%sub3A_231, %dma_wait3A_233] : memref<80x128xi32, #tpu.memory_space<vmem>> -> memref<1x128xi32, #tpu.memory_space<vmem>>
        %dma_wait3A_235 = tpu.memref_squeeze %dma_wait3A_234 : memref<1x128xi32, #tpu.memory_space<vmem>> -> memref<128xi32, #tpu.memory_space<vmem>>
        %dma_wait3A_236 = arith.constant 0 : i32
        %dma_wait3A_237 = arith.constant 0 : i32
        %dma_wait3A_238 = tpu.memref_slice %arg8[%dma_wait3A_236, %dma_wait3A_237] : memref<10240x8xf32, #tpu.memory_space<vmem_shared>> -> memref<10240x8xf32, #tpu.memory_space<vmem_shared>>
        %dma_wait3A_239 = tpu.memref_slice %arg9[%dma_wait3A_232] : memref<8x!tpu.dma_semaphore, #tpu.memory_space<semaphore_mem>> -> memref<1x!tpu.dma_semaphore, #tpu.memory_space<semaphore_mem>>
        %dma_wait3A_240 = tpu.memref_squeeze %dma_wait3A_239 : memref<1x!tpu.dma_semaphore, #tpu.memory_space<semaphore_mem>> -> memref<!tpu.dma_semaphore, #tpu.memory_space<semaphore_mem>>
        tpu.wait_indirect_dma semaphore(%dma_wait3A_240 : memref<!tpu.dma_semaphore, #tpu.memory_space<semaphore_mem>>) src(%arg7 : memref<128x8xf32, #tpu.memory_space<vmem>>) dst(%dma_wait3A_238 : memref<10240x8xf32, #tpu.memory_space<vmem_shared>>)
      } else {
      }
      %dma_start3A_222 = arith.constant 7 : i32
      %dma_start3A_223 = arith.constant 0 : i32
      %dma_start3A_224 = tpu.memref_slice %arg6[%add3A_216, %dma_start3A_223] : memref<80x128xi32, #tpu.memory_space<vmem>> -> memref<1x128xi32, #tpu.memory_space<vmem>>
      %dma_start3A_225 = tpu.memref_squeeze %dma_start3A_224 : memref<1x128xi32, #tpu.memory_space<vmem>> -> memref<128xi32, #tpu.memory_space<vmem>>
      %dma_start3A_226 = arith.constant 0 : i32
      %dma_start3A_227 = arith.constant 0 : i32
      %dma_start3A_228 = tpu.memref_slice %arg8[%dma_start3A_226, %dma_start3A_227] : memref<10240x8xf32, #tpu.memory_space<vmem_shared>> -> memref<10240x8xf32, #tpu.memory_space<vmem_shared>>
      %dma_start3A_229 = tpu.memref_slice %arg9[%dma_start3A_222] : memref<8x!tpu.dma_semaphore, #tpu.memory_space<semaphore_mem>> -> memref<1x!tpu.dma_semaphore, #tpu.memory_space<semaphore_mem>>
      %dma_start3A_230 = tpu.memref_squeeze %dma_start3A_229 : memref<1x!tpu.dma_semaphore, #tpu.memory_space<semaphore_mem>> -> memref<!tpu.dma_semaphore, #tpu.memory_space<semaphore_mem>>
      tpu.enqueue_indirect_dma source(%arg7 : memref<128x8xf32, #tpu.memory_space<vmem>>) target(%dma_start3A_228 : memref<10240x8xf32, #tpu.memory_space<vmem_shared>>) offsets(%dma_start3A_225 : memref<128xi32, #tpu.memory_space<vmem>>) semaphore(%dma_start3A_230 : memref<!tpu.dma_semaphore, #tpu.memory_space<semaphore_mem>>) {add = true}
    }
    %scan3A_6 = arith.constant 10 : i32
    %dma_wait3A = arith.constant 72 : i32
    %dma_wait3A_7 = arith.constant 0 : i32
    %dma_wait3A_8 = arith.constant 0 : i32
    %dma_wait3A_9 = tpu.memref_slice %arg6[%dma_wait3A, %dma_wait3A_8] : memref<80x128xi32, #tpu.memory_space<vmem>> -> memref<1x128xi32, #tpu.memory_space<vmem>>
    %dma_wait3A_10 = tpu.memref_squeeze %dma_wait3A_9 : memref<1x128xi32, #tpu.memory_space<vmem>> -> memref<128xi32, #tpu.memory_space<vmem>>
    %dma_wait3A_11 = arith.constant 0 : i32
    %dma_wait3A_12 = arith.constant 0 : i32
    %dma_wait3A_13 = tpu.memref_slice %arg8[%dma_wait3A_11, %dma_wait3A_12] : memref<10240x8xf32, #tpu.memory_space<vmem_shared>> -> memref<10240x8xf32, #tpu.memory_space<vmem_shared>>
    %dma_wait3A_14 = tpu.memref_slice %arg9[%dma_wait3A_7] : memref<8x!tpu.dma_semaphore, #tpu.memory_space<semaphore_mem>> -> memref<1x!tpu.dma_semaphore, #tpu.memory_space<semaphore_mem>>
    %dma_wait3A_15 = tpu.memref_squeeze %dma_wait3A_14 : memref<1x!tpu.dma_semaphore, #tpu.memory_space<semaphore_mem>> -> memref<!tpu.dma_semaphore, #tpu.memory_space<semaphore_mem>>
    tpu.wait_indirect_dma semaphore(%dma_wait3A_15 : memref<!tpu.dma_semaphore, #tpu.memory_space<semaphore_mem>>) src(%arg7 : memref<128x8xf32, #tpu.memory_space<vmem>>) dst(%dma_wait3A_13 : memref<10240x8xf32, #tpu.memory_space<vmem_shared>>)
    %dma_wait3A_16 = arith.constant 73 : i32
    %dma_wait3A_17 = arith.constant 1 : i32
    %dma_wait3A_18 = arith.constant 0 : i32
    %dma_wait3A_19 = tpu.memref_slice %arg6[%dma_wait3A_16, %dma_wait3A_18] : memref<80x128xi32, #tpu.memory_space<vmem>> -> memref<1x128xi32, #tpu.memory_space<vmem>>
    %dma_wait3A_20 = tpu.memref_squeeze %dma_wait3A_19 : memref<1x128xi32, #tpu.memory_space<vmem>> -> memref<128xi32, #tpu.memory_space<vmem>>
    %dma_wait3A_21 = arith.constant 0 : i32
    %dma_wait3A_22 = arith.constant 0 : i32
    %dma_wait3A_23 = tpu.memref_slice %arg8[%dma_wait3A_21, %dma_wait3A_22] : memref<10240x8xf32, #tpu.memory_space<vmem_shared>> -> memref<10240x8xf32, #tpu.memory_space<vmem_shared>>
    %dma_wait3A_24 = tpu.memref_slice %arg9[%dma_wait3A_17] : memref<8x!tpu.dma_semaphore, #tpu.memory_space<semaphore_mem>> -> memref<1x!tpu.dma_semaphore, #tpu.memory_space<semaphore_mem>>
    %dma_wait3A_25 = tpu.memref_squeeze %dma_wait3A_24 : memref<1x!tpu.dma_semaphore, #tpu.memory_space<semaphore_mem>> -> memref<!tpu.dma_semaphore, #tpu.memory_space<semaphore_mem>>
    tpu.wait_indirect_dma semaphore(%dma_wait3A_25 : memref<!tpu.dma_semaphore, #tpu.memory_space<semaphore_mem>>) src(%arg7 : memref<128x8xf32, #tpu.memory_space<vmem>>) dst(%dma_wait3A_23 : memref<10240x8xf32, #tpu.memory_space<vmem_shared>>)
    %dma_wait3A_26 = arith.constant 74 : i32
    %dma_wait3A_27 = arith.constant 2 : i32
    %dma_wait3A_28 = arith.constant 0 : i32
    %dma_wait3A_29 = tpu.memref_slice %arg6[%dma_wait3A_26, %dma_wait3A_28] : memref<80x128xi32, #tpu.memory_space<vmem>> -> memref<1x128xi32, #tpu.memory_space<vmem>>
    %dma_wait3A_30 = tpu.memref_squeeze %dma_wait3A_29 : memref<1x128xi32, #tpu.memory_space<vmem>> -> memref<128xi32, #tpu.memory_space<vmem>>
    %dma_wait3A_31 = arith.constant 0 : i32
    %dma_wait3A_32 = arith.constant 0 : i32
    %dma_wait3A_33 = tpu.memref_slice %arg8[%dma_wait3A_31, %dma_wait3A_32] : memref<10240x8xf32, #tpu.memory_space<vmem_shared>> -> memref<10240x8xf32, #tpu.memory_space<vmem_shared>>
    %dma_wait3A_34 = tpu.memref_slice %arg9[%dma_wait3A_27] : memref<8x!tpu.dma_semaphore, #tpu.memory_space<semaphore_mem>> -> memref<1x!tpu.dma_semaphore, #tpu.memory_space<semaphore_mem>>
    %dma_wait3A_35 = tpu.memref_squeeze %dma_wait3A_34 : memref<1x!tpu.dma_semaphore, #tpu.memory_space<semaphore_mem>> -> memref<!tpu.dma_semaphore, #tpu.memory_space<semaphore_mem>>
    tpu.wait_indirect_dma semaphore(%dma_wait3A_35 : memref<!tpu.dma_semaphore, #tpu.memory_space<semaphore_mem>>) src(%arg7 : memref<128x8xf32, #tpu.memory_space<vmem>>) dst(%dma_wait3A_33 : memref<10240x8xf32, #tpu.memory_space<vmem_shared>>)
    %dma_wait3A_36 = arith.constant 75 : i32
    %dma_wait3A_37 = arith.constant 3 : i32
    %dma_wait3A_38 = arith.constant 0 : i32
    %dma_wait3A_39 = tpu.memref_slice %arg6[%dma_wait3A_36, %dma_wait3A_38] : memref<80x128xi32, #tpu.memory_space<vmem>> -> memref<1x128xi32, #tpu.memory_space<vmem>>
    %dma_wait3A_40 = tpu.memref_squeeze %dma_wait3A_39 : memref<1x128xi32, #tpu.memory_space<vmem>> -> memref<128xi32, #tpu.memory_space<vmem>>
    %dma_wait3A_41 = arith.constant 0 : i32
    %dma_wait3A_42 = arith.constant 0 : i32
    %dma_wait3A_43 = tpu.memref_slice %arg8[%dma_wait3A_41, %dma_wait3A_42] : memref<10240x8xf32, #tpu.memory_space<vmem_shared>> -> memref<10240x8xf32, #tpu.memory_space<vmem_shared>>
    %dma_wait3A_44 = tpu.memref_slice %arg9[%dma_wait3A_37] : memref<8x!tpu.dma_semaphore, #tpu.memory_space<semaphore_mem>> -> memref<1x!tpu.dma_semaphore, #tpu.memory_space<semaphore_mem>>
    %dma_wait3A_45 = tpu.memref_squeeze %dma_wait3A_44 : memref<1x!tpu.dma_semaphore, #tpu.memory_space<semaphore_mem>> -> memref<!tpu.dma_semaphore, #tpu.memory_space<semaphore_mem>>
    tpu.wait_indirect_dma semaphore(%dma_wait3A_45 : memref<!tpu.dma_semaphore, #tpu.memory_space<semaphore_mem>>) src(%arg7 : memref<128x8xf32, #tpu.memory_space<vmem>>) dst(%dma_wait3A_43 : memref<10240x8xf32, #tpu.memory_space<vmem_shared>>)
    %dma_wait3A_46 = arith.constant 76 : i32
    %dma_wait3A_47 = arith.constant 4 : i32
    %dma_wait3A_48 = arith.constant 0 : i32
    %dma_wait3A_49 = tpu.memref_slice %arg6[%dma_wait3A_46, %dma_wait3A_48] : memref<80x128xi32, #tpu.memory_space<vmem>> -> memref<1x128xi32, #tpu.memory_space<vmem>>
    %dma_wait3A_50 = tpu.memref_squeeze %dma_wait3A_49 : memref<1x128xi32, #tpu.memory_space<vmem>> -> memref<128xi32, #tpu.memory_space<vmem>>
    %dma_wait3A_51 = arith.constant 0 : i32
    %dma_wait3A_52 = arith.constant 0 : i32
    %dma_wait3A_53 = tpu.memref_slice %arg8[%dma_wait3A_51, %dma_wait3A_52] : memref<10240x8xf32, #tpu.memory_space<vmem_shared>> -> memref<10240x8xf32, #tpu.memory_space<vmem_shared>>
    %dma_wait3A_54 = tpu.memref_slice %arg9[%dma_wait3A_47] : memref<8x!tpu.dma_semaphore, #tpu.memory_space<semaphore_mem>> -> memref<1x!tpu.dma_semaphore, #tpu.memory_space<semaphore_mem>>
    %dma_wait3A_55 = tpu.memref_squeeze %dma_wait3A_54 : memref<1x!tpu.dma_semaphore, #tpu.memory_space<semaphore_mem>> -> memref<!tpu.dma_semaphore, #tpu.memory_space<semaphore_mem>>
    tpu.wait_indirect_dma semaphore(%dma_wait3A_55 : memref<!tpu.dma_semaphore, #tpu.memory_space<semaphore_mem>>) src(%arg7 : memref<128x8xf32, #tpu.memory_space<vmem>>) dst(%dma_wait3A_53 : memref<10240x8xf32, #tpu.memory_space<vmem_shared>>)
    %dma_wait3A_56 = arith.constant 77 : i32
    %dma_wait3A_57 = arith.constant 5 : i32
    %dma_wait3A_58 = arith.constant 0 : i32
    %dma_wait3A_59 = tpu.memref_slice %arg6[%dma_wait3A_56, %dma_wait3A_58] : memref<80x128xi32, #tpu.memory_space<vmem>> -> memref<1x128xi32, #tpu.memory_space<vmem>>
    %dma_wait3A_60 = tpu.memref_squeeze %dma_wait3A_59 : memref<1x128xi32, #tpu.memory_space<vmem>> -> memref<128xi32, #tpu.memory_space<vmem>>
    %dma_wait3A_61 = arith.constant 0 : i32
    %dma_wait3A_62 = arith.constant 0 : i32
    %dma_wait3A_63 = tpu.memref_slice %arg8[%dma_wait3A_61, %dma_wait3A_62] : memref<10240x8xf32, #tpu.memory_space<vmem_shared>> -> memref<10240x8xf32, #tpu.memory_space<vmem_shared>>
    %dma_wait3A_64 = tpu.memref_slice %arg9[%dma_wait3A_57] : memref<8x!tpu.dma_semaphore, #tpu.memory_space<semaphore_mem>> -> memref<1x!tpu.dma_semaphore, #tpu.memory_space<semaphore_mem>>
    %dma_wait3A_65 = tpu.memref_squeeze %dma_wait3A_64 : memref<1x!tpu.dma_semaphore, #tpu.memory_space<semaphore_mem>> -> memref<!tpu.dma_semaphore, #tpu.memory_space<semaphore_mem>>
    tpu.wait_indirect_dma semaphore(%dma_wait3A_65 : memref<!tpu.dma_semaphore, #tpu.memory_space<semaphore_mem>>) src(%arg7 : memref<128x8xf32, #tpu.memory_space<vmem>>) dst(%dma_wait3A_63 : memref<10240x8xf32, #tpu.memory_space<vmem_shared>>)
    %dma_wait3A_66 = arith.constant 78 : i32
    %dma_wait3A_67 = arith.constant 6 : i32
    %dma_wait3A_68 = arith.constant 0 : i32
    %dma_wait3A_69 = tpu.memref_slice %arg6[%dma_wait3A_66, %dma_wait3A_68] : memref<80x128xi32, #tpu.memory_space<vmem>> -> memref<1x128xi32, #tpu.memory_space<vmem>>
    %dma_wait3A_70 = tpu.memref_squeeze %dma_wait3A_69 : memref<1x128xi32, #tpu.memory_space<vmem>> -> memref<128xi32, #tpu.memory_space<vmem>>
    %dma_wait3A_71 = arith.constant 0 : i32
    %dma_wait3A_72 = arith.constant 0 : i32
    %dma_wait3A_73 = tpu.memref_slice %arg8[%dma_wait3A_71, %dma_wait3A_72] : memref<10240x8xf32, #tpu.memory_space<vmem_shared>> -> memref<10240x8xf32, #tpu.memory_space<vmem_shared>>
    %dma_wait3A_74 = tpu.memref_slice %arg9[%dma_wait3A_67] : memref<8x!tpu.dma_semaphore, #tpu.memory_space<semaphore_mem>> -> memref<1x!tpu.dma_semaphore, #tpu.memory_space<semaphore_mem>>
    %dma_wait3A_75 = tpu.memref_squeeze %dma_wait3A_74 : memref<1x!tpu.dma_semaphore, #tpu.memory_space<semaphore_mem>> -> memref<!tpu.dma_semaphore, #tpu.memory_space<semaphore_mem>>
    tpu.wait_indirect_dma semaphore(%dma_wait3A_75 : memref<!tpu.dma_semaphore, #tpu.memory_space<semaphore_mem>>) src(%arg7 : memref<128x8xf32, #tpu.memory_space<vmem>>) dst(%dma_wait3A_73 : memref<10240x8xf32, #tpu.memory_space<vmem_shared>>)
    %dma_wait3A_76 = arith.constant 79 : i32
    %dma_wait3A_77 = arith.constant 7 : i32
    %dma_wait3A_78 = arith.constant 0 : i32
    %dma_wait3A_79 = tpu.memref_slice %arg6[%dma_wait3A_76, %dma_wait3A_78] : memref<80x128xi32, #tpu.memory_space<vmem>> -> memref<1x128xi32, #tpu.memory_space<vmem>>
    %dma_wait3A_80 = tpu.memref_squeeze %dma_wait3A_79 : memref<1x128xi32, #tpu.memory_space<vmem>> -> memref<128xi32, #tpu.memory_space<vmem>>
    %dma_wait3A_81 = arith.constant 0 : i32
    %dma_wait3A_82 = arith.constant 0 : i32
    %dma_wait3A_83 = tpu.memref_slice %arg8[%dma_wait3A_81, %dma_wait3A_82] : memref<10240x8xf32, #tpu.memory_space<vmem_shared>> -> memref<10240x8xf32, #tpu.memory_space<vmem_shared>>
    %dma_wait3A_84 = tpu.memref_slice %arg9[%dma_wait3A_77] : memref<8x!tpu.dma_semaphore, #tpu.memory_space<semaphore_mem>> -> memref<1x!tpu.dma_semaphore, #tpu.memory_space<semaphore_mem>>
    %dma_wait3A_85 = tpu.memref_squeeze %dma_wait3A_84 : memref<1x!tpu.dma_semaphore, #tpu.memory_space<semaphore_mem>> -> memref<!tpu.dma_semaphore, #tpu.memory_space<semaphore_mem>>
    tpu.wait_indirect_dma semaphore(%dma_wait3A_85 : memref<!tpu.dma_semaphore, #tpu.memory_space<semaphore_mem>>) src(%arg7 : memref<128x8xf32, #tpu.memory_space<vmem>>) dst(%dma_wait3A_83 : memref<10240x8xf32, #tpu.memory_space<vmem_shared>>)
    %barrier3A_86 = arith.constant 0 : index
    tpu.barrier barrier_id(%barrier3A_86)
    %mul3A_87 = arith.constant 640 : i32
    %mul3A_88 = arith.muli %arg1, %mul3A_87 : i32
    %mul3A_89 = arith.constant 640 : i32
    %mul3A_90 = arith.muli %arg1, %mul3A_89 : i32
    "tpu.region"() ({
      %run_scoped3A = tpu.sem_alloc : memref<!tpu.dma_semaphore, #tpu.memory_space<semaphore_mem>>
      %dma_start3A = arith.constant 0 : i32
      %dma_start3A_91 = tpu.memref_slice %arg5[%arg0, %mul3A_90, %dma_start3A] : memref<2x10240x8xf32, #tpu.memory_space<hbm>> -> memref<1x640x8xf32, #tpu.memory_space<hbm>>
      %dma_start3A_92 = tpu.memref_squeeze %dma_start3A_91 : memref<1x640x8xf32, #tpu.memory_space<hbm>> -> memref<640x8xf32, #tpu.memory_space<hbm>>
      %dma_start3A_93 = arith.constant 0 : i32
      %dma_start3A_94 = tpu.memref_slice %arg8[%mul3A_88, %dma_start3A_93] : memref<10240x8xf32, #tpu.memory_space<vmem_shared>> -> memref<640x8xf32, #tpu.memory_space<vmem_shared>>
      tpu.enqueue_dma source(%dma_start3A_94 : memref<640x8xf32, #tpu.memory_space<vmem_shared>>) target(%dma_start3A_92 : memref<640x8xf32, #tpu.memory_space<hbm>>) target_semaphore(%run_scoped3A : memref<!tpu.dma_semaphore, #tpu.memory_space<semaphore_mem>>)
      %dma_wait3A_95 = arith.constant 0 : i32
      %dma_wait3A_96 = tpu.memref_slice %arg5[%arg0, %mul3A_90, %dma_wait3A_95] : memref<2x10240x8xf32, #tpu.memory_space<hbm>> -> memref<1x640x8xf32, #tpu.memory_space<hbm>>
      %dma_wait3A_97 = tpu.memref_squeeze %dma_wait3A_96 : memref<1x640x8xf32, #tpu.memory_space<hbm>> -> memref<640x8xf32, #tpu.memory_space<hbm>>
      %dma_wait3A_98 = arith.constant 0 : i32
      %dma_wait3A_99 = tpu.memref_slice %arg8[%mul3A_88, %dma_wait3A_98] : memref<10240x8xf32, #tpu.memory_space<vmem_shared>> -> memref<640x8xf32, #tpu.memory_space<vmem_shared>>
      tpu.wait_dma2 semaphore(%run_scoped3A : memref<!tpu.dma_semaphore, #tpu.memory_space<semaphore_mem>>) src(%dma_wait3A_99 : memref<640x8xf32, #tpu.memory_space<vmem_shared>>) dst(%dma_wait3A_97 : memref<640x8xf32, #tpu.memory_space<hbm>>)
      tpu.yield
    }) : () -> ()
    return
  }
}

#map = affine_map<(d0, d1) -> (0, 0)>
#map1 = affine_map<(d0, d1) -> (0, 0, 0, 0)>
#map2 = affine_map<(d0, d1) -> (0, 0, 0)>
module attributes {stable_mosaic.version = 14 : i64} {
  func.func @_hop_body(%arg0: i32, %arg1: i32, %arg2: memref<20480x32xf32, #tpu.memory_space<hbm>>, %arg3: memref<2x16x160x128xi32, #tpu.memory_space<hbm>>, %arg4: memref<16x160x128xi32, #tpu.memory_space<hbm>>, %arg5: memref<10240x32xf32, #tpu.memory_space<hbm>>, %arg6: memref<640x32xf32, #tpu.memory_space<hbm>>, %arg7: memref<2x10240x32xf32, #tpu.memory_space<hbm>>, %arg8: memref<160x128xi32, #tpu.memory_space<vmem>>, %arg9: memref<160x128xi32, #tpu.memory_space<vmem>>, %arg10: memref<8x128x32xf32, #tpu.memory_space<vmem>>, %arg11: memref<160x32xf32, #tpu.memory_space<vmem>>, %arg12: memref<160x32xf32, #tpu.memory_space<vmem>>, %arg13: memref<160x32xf32, #tpu.memory_space<vmem>>, %arg14: memref<10240x32xf32, #tpu.memory_space<vmem_shared>>, %arg15: memref<8x!tpu.dma_semaphore, #tpu.memory_space<semaphore_mem>>, %arg16: memref<8x!tpu.dma_semaphore, #tpu.memory_space<semaphore_mem>>) attributes {dimension_semantics = [#tpu.dimension_semantics<core_parallel>, #tpu.dimension_semantics<subcore_parallel>], iteration_bounds = array<i64: 2, 16>, scalar_prefetch = 0 : i64, scratch_operands = 9 : i64, tpu.core_type = #tpu.core_type<sc_vector_subcore>, window_params = [{transform_indices = #map}, {transform_indices = #map1}, {transform_indices = #map2}, {transform_indices = #map}, {transform_indices = #map}, {transform_indices = #map2}]} {
    "tpu.region"() ({
      %run_scoped3A = tpu.sem_alloc : memref<!tpu.dma_semaphore, #tpu.memory_space<semaphore_mem>>
      %dma_start3A_219 = arith.constant 0 : i32
      %dma_start3A_220 = arith.constant 0 : i32
      %dma_start3A_221 = tpu.memref_slice %arg3[%arg0, %arg1, %dma_start3A_219, %dma_start3A_220] : memref<2x16x160x128xi32, #tpu.memory_space<hbm>> -> memref<1x1x160x128xi32, #tpu.memory_space<hbm>>
      %dma_start3A_222 = tpu.memref_squeeze %dma_start3A_221 : memref<1x1x160x128xi32, #tpu.memory_space<hbm>> -> memref<160x128xi32, #tpu.memory_space<hbm>>
      %dma_start3A_223 = arith.constant 0 : i32
      %dma_start3A_224 = arith.constant 0 : i32
      %dma_start3A_225 = tpu.memref_slice %arg3[%arg0, %arg1, %dma_start3A_223, %dma_start3A_224] : memref<2x16x160x128xi32, #tpu.memory_space<hbm>> -> memref<1x1x160x128xi32, #tpu.memory_space<hbm>>
      %dma_start3A_226 = tpu.memref_squeeze %dma_start3A_225 : memref<1x1x160x128xi32, #tpu.memory_space<hbm>> -> memref<160x128xi32, #tpu.memory_space<hbm>>
      tpu.enqueue_dma source(%dma_start3A_226 : memref<160x128xi32, #tpu.memory_space<hbm>>) target(%arg8 : memref<160x128xi32, #tpu.memory_space<vmem>>) target_semaphore(%run_scoped3A : memref<!tpu.dma_semaphore, #tpu.memory_space<semaphore_mem>>)
      %dma_wait3A_227 = arith.constant 0 : i32
      %dma_wait3A_228 = arith.constant 0 : i32
      %dma_wait3A_229 = tpu.memref_slice %arg3[%arg0, %arg1, %dma_wait3A_227, %dma_wait3A_228] : memref<2x16x160x128xi32, #tpu.memory_space<hbm>> -> memref<1x1x160x128xi32, #tpu.memory_space<hbm>>
      %dma_wait3A_230 = tpu.memref_squeeze %dma_wait3A_229 : memref<1x1x160x128xi32, #tpu.memory_space<hbm>> -> memref<160x128xi32, #tpu.memory_space<hbm>>
      %dma_wait3A_231 = arith.constant 0 : i32
      %dma_wait3A_232 = arith.constant 0 : i32
      %dma_wait3A_233 = tpu.memref_slice %arg3[%arg0, %arg1, %dma_wait3A_231, %dma_wait3A_232] : memref<2x16x160x128xi32, #tpu.memory_space<hbm>> -> memref<1x1x160x128xi32, #tpu.memory_space<hbm>>
      %dma_wait3A_234 = tpu.memref_squeeze %dma_wait3A_233 : memref<1x1x160x128xi32, #tpu.memory_space<hbm>> -> memref<160x128xi32, #tpu.memory_space<hbm>>
      tpu.wait_dma2 semaphore(%run_scoped3A : memref<!tpu.dma_semaphore, #tpu.memory_space<semaphore_mem>>) src(%dma_wait3A_234 : memref<160x128xi32, #tpu.memory_space<hbm>>) dst(%arg8 : memref<160x128xi32, #tpu.memory_space<vmem>>)
      tpu.yield
    }) : () -> ()
    "tpu.region"() ({
      %run_scoped3A = tpu.sem_alloc : memref<!tpu.dma_semaphore, #tpu.memory_space<semaphore_mem>>
      %dma_start3A_219 = arith.constant 0 : i32
      %dma_start3A_220 = arith.constant 0 : i32
      %dma_start3A_221 = tpu.memref_slice %arg4[%arg1, %dma_start3A_219, %dma_start3A_220] : memref<16x160x128xi32, #tpu.memory_space<hbm>> -> memref<1x160x128xi32, #tpu.memory_space<hbm>>
      %dma_start3A_222 = tpu.memref_squeeze %dma_start3A_221 : memref<1x160x128xi32, #tpu.memory_space<hbm>> -> memref<160x128xi32, #tpu.memory_space<hbm>>
      %dma_start3A_223 = arith.constant 0 : i32
      %dma_start3A_224 = arith.constant 0 : i32
      %dma_start3A_225 = tpu.memref_slice %arg4[%arg1, %dma_start3A_223, %dma_start3A_224] : memref<16x160x128xi32, #tpu.memory_space<hbm>> -> memref<1x160x128xi32, #tpu.memory_space<hbm>>
      %dma_start3A_226 = tpu.memref_squeeze %dma_start3A_225 : memref<1x160x128xi32, #tpu.memory_space<hbm>> -> memref<160x128xi32, #tpu.memory_space<hbm>>
      tpu.enqueue_dma source(%dma_start3A_226 : memref<160x128xi32, #tpu.memory_space<hbm>>) target(%arg9 : memref<160x128xi32, #tpu.memory_space<vmem>>) target_semaphore(%run_scoped3A : memref<!tpu.dma_semaphore, #tpu.memory_space<semaphore_mem>>)
      %dma_wait3A_227 = arith.constant 0 : i32
      %dma_wait3A_228 = arith.constant 0 : i32
      %dma_wait3A_229 = tpu.memref_slice %arg4[%arg1, %dma_wait3A_227, %dma_wait3A_228] : memref<16x160x128xi32, #tpu.memory_space<hbm>> -> memref<1x160x128xi32, #tpu.memory_space<hbm>>
      %dma_wait3A_230 = tpu.memref_squeeze %dma_wait3A_229 : memref<1x160x128xi32, #tpu.memory_space<hbm>> -> memref<160x128xi32, #tpu.memory_space<hbm>>
      %dma_wait3A_231 = arith.constant 0 : i32
      %dma_wait3A_232 = arith.constant 0 : i32
      %dma_wait3A_233 = tpu.memref_slice %arg4[%arg1, %dma_wait3A_231, %dma_wait3A_232] : memref<16x160x128xi32, #tpu.memory_space<hbm>> -> memref<1x160x128xi32, #tpu.memory_space<hbm>>
      %dma_wait3A_234 = tpu.memref_squeeze %dma_wait3A_233 : memref<1x160x128xi32, #tpu.memory_space<hbm>> -> memref<160x128xi32, #tpu.memory_space<hbm>>
      tpu.wait_dma2 semaphore(%run_scoped3A : memref<!tpu.dma_semaphore, #tpu.memory_space<semaphore_mem>>) src(%dma_wait3A_234 : memref<160x128xi32, #tpu.memory_space<hbm>>) dst(%arg9 : memref<160x128xi32, #tpu.memory_space<vmem>>)
      tpu.yield
    }) : () -> ()
    %mul3A = arith.constant 640 : i32
    %mul3A_0 = arith.muli %arg1, %mul3A : i32
    "tpu.region"() ({
      %run_scoped3A = tpu.sem_alloc : memref<!tpu.dma_semaphore, #tpu.memory_space<semaphore_mem>>
      %dma_start3A_219 = arith.constant 0 : i32
      %dma_start3A_220 = tpu.memref_slice %arg14[%mul3A_0, %dma_start3A_219] : memref<10240x32xf32, #tpu.memory_space<vmem_shared>> -> memref<640x32xf32, #tpu.memory_space<vmem_shared>>
      tpu.enqueue_dma source(%arg6 : memref<640x32xf32, #tpu.memory_space<hbm>>) target(%dma_start3A_220 : memref<640x32xf32, #tpu.memory_space<vmem_shared>>) target_semaphore(%run_scoped3A : memref<!tpu.dma_semaphore, #tpu.memory_space<semaphore_mem>>)
      %dma_wait3A_221 = arith.constant 0 : i32
      %dma_wait3A_222 = tpu.memref_slice %arg14[%mul3A_0, %dma_wait3A_221] : memref<10240x32xf32, #tpu.memory_space<vmem_shared>> -> memref<640x32xf32, #tpu.memory_space<vmem_shared>>
      tpu.wait_dma2 semaphore(%run_scoped3A : memref<!tpu.dma_semaphore, #tpu.memory_space<semaphore_mem>>) src(%arg6 : memref<640x32xf32, #tpu.memory_space<hbm>>) dst(%dma_wait3A_222 : memref<640x32xf32, #tpu.memory_space<vmem_shared>>)
      tpu.yield
    }) : () -> ()
    %barrier3A = arith.constant 0 : index
    tpu.barrier barrier_id(%barrier3A)
    %dma_start3A = arith.constant 0 : i32
    %dma_start3A_1 = arith.constant 0 : i32
    %dma_start3A_2 = arith.constant 0 : i32
    %dma_start3A_3 = arith.constant 0 : i32
    %dma_start3A_4 = arith.constant 0 : i32
    %dma_start3A_5 = tpu.memref_slice %arg10[%dma_start3A_1, %dma_start3A_3, %dma_start3A_4] : memref<8x128x32xf32, #tpu.memory_space<vmem>> -> memref<1x128x32xf32, #tpu.memory_space<vmem>>
    %dma_start3A_6 = tpu.memref_squeeze %dma_start3A_5 : memref<1x128x32xf32, #tpu.memory_space<vmem>> -> memref<128x32xf32, #tpu.memory_space<vmem>>
    %dma_start3A_7 = arith.constant 0 : i32
    %dma_start3A_8 = tpu.memref_slice %arg8[%dma_start3A, %dma_start3A_7] : memref<160x128xi32, #tpu.memory_space<vmem>> -> memref<1x128xi32, #tpu.memory_space<vmem>>
    %dma_start3A_9 = tpu.memref_squeeze %dma_start3A_8 : memref<1x128xi32, #tpu.memory_space<vmem>> -> memref<128xi32, #tpu.memory_space<vmem>>
    %dma_start3A_10 = arith.constant 0 : i32
    %dma_start3A_11 = arith.constant 0 : i32
    %dma_start3A_12 = tpu.memref_slice %arg2[%dma_start3A_10, %dma_start3A_11] : memref<20480x32xf32, #tpu.memory_space<hbm>> -> memref<20480x32xf32, #tpu.memory_space<hbm>>
    %dma_start3A_13 = tpu.memref_slice %arg15[%dma_start3A_2] : memref<8x!tpu.dma_semaphore, #tpu.memory_space<semaphore_mem>> -> memref<1x!tpu.dma_semaphore, #tpu.memory_space<semaphore_mem>>
    %dma_start3A_14 = tpu.memref_squeeze %dma_start3A_13 : memref<1x!tpu.dma_semaphore, #tpu.memory_space<semaphore_mem>> -> memref<!tpu.dma_semaphore, #tpu.memory_space<semaphore_mem>>
    tpu.enqueue_indirect_dma source(%dma_start3A_12 : memref<20480x32xf32, #tpu.memory_space<hbm>>) target(%dma_start3A_6 : memref<128x32xf32, #tpu.memory_space<vmem>>) offsets(%dma_start3A_9 : memref<128xi32, #tpu.memory_space<vmem>>) semaphore(%dma_start3A_14 : memref<!tpu.dma_semaphore, #tpu.memory_space<semaphore_mem>>)
    %dma_start3A_15 = arith.constant 1 : i32
    %dma_start3A_16 = arith.constant 1 : i32
    %dma_start3A_17 = arith.constant 1 : i32
    %dma_start3A_18 = arith.constant 0 : i32
    %dma_start3A_19 = arith.constant 0 : i32
    %dma_start3A_20 = tpu.memref_slice %arg10[%dma_start3A_16, %dma_start3A_18, %dma_start3A_19] : memref<8x128x32xf32, #tpu.memory_space<vmem>> -> memref<1x128x32xf32, #tpu.memory_space<vmem>>
    %dma_start3A_21 = tpu.memref_squeeze %dma_start3A_20 : memref<1x128x32xf32, #tpu.memory_space<vmem>> -> memref<128x32xf32, #tpu.memory_space<vmem>>
    %dma_start3A_22 = arith.constant 0 : i32
    %dma_start3A_23 = tpu.memref_slice %arg8[%dma_start3A_15, %dma_start3A_22] : memref<160x128xi32, #tpu.memory_space<vmem>> -> memref<1x128xi32, #tpu.memory_space<vmem>>
    %dma_start3A_24 = tpu.memref_squeeze %dma_start3A_23 : memref<1x128xi32, #tpu.memory_space<vmem>> -> memref<128xi32, #tpu.memory_space<vmem>>
    %dma_start3A_25 = arith.constant 0 : i32
    %dma_start3A_26 = arith.constant 0 : i32
    %dma_start3A_27 = tpu.memref_slice %arg2[%dma_start3A_25, %dma_start3A_26] : memref<20480x32xf32, #tpu.memory_space<hbm>> -> memref<20480x32xf32, #tpu.memory_space<hbm>>
    %dma_start3A_28 = tpu.memref_slice %arg15[%dma_start3A_17] : memref<8x!tpu.dma_semaphore, #tpu.memory_space<semaphore_mem>> -> memref<1x!tpu.dma_semaphore, #tpu.memory_space<semaphore_mem>>
    %dma_start3A_29 = tpu.memref_squeeze %dma_start3A_28 : memref<1x!tpu.dma_semaphore, #tpu.memory_space<semaphore_mem>> -> memref<!tpu.dma_semaphore, #tpu.memory_space<semaphore_mem>>
    tpu.enqueue_indirect_dma source(%dma_start3A_27 : memref<20480x32xf32, #tpu.memory_space<hbm>>) target(%dma_start3A_21 : memref<128x32xf32, #tpu.memory_space<vmem>>) offsets(%dma_start3A_24 : memref<128xi32, #tpu.memory_space<vmem>>) semaphore(%dma_start3A_29 : memref<!tpu.dma_semaphore, #tpu.memory_space<semaphore_mem>>)
    %dma_start3A_30 = arith.constant 2 : i32
    %dma_start3A_31 = arith.constant 2 : i32
    %dma_start3A_32 = arith.constant 2 : i32
    %dma_start3A_33 = arith.constant 0 : i32
    %dma_start3A_34 = arith.constant 0 : i32
    %dma_start3A_35 = tpu.memref_slice %arg10[%dma_start3A_31, %dma_start3A_33, %dma_start3A_34] : memref<8x128x32xf32, #tpu.memory_space<vmem>> -> memref<1x128x32xf32, #tpu.memory_space<vmem>>
    %dma_start3A_36 = tpu.memref_squeeze %dma_start3A_35 : memref<1x128x32xf32, #tpu.memory_space<vmem>> -> memref<128x32xf32, #tpu.memory_space<vmem>>
    %dma_start3A_37 = arith.constant 0 : i32
    %dma_start3A_38 = tpu.memref_slice %arg8[%dma_start3A_30, %dma_start3A_37] : memref<160x128xi32, #tpu.memory_space<vmem>> -> memref<1x128xi32, #tpu.memory_space<vmem>>
    %dma_start3A_39 = tpu.memref_squeeze %dma_start3A_38 : memref<1x128xi32, #tpu.memory_space<vmem>> -> memref<128xi32, #tpu.memory_space<vmem>>
    %dma_start3A_40 = arith.constant 0 : i32
    %dma_start3A_41 = arith.constant 0 : i32
    %dma_start3A_42 = tpu.memref_slice %arg2[%dma_start3A_40, %dma_start3A_41] : memref<20480x32xf32, #tpu.memory_space<hbm>> -> memref<20480x32xf32, #tpu.memory_space<hbm>>
    %dma_start3A_43 = tpu.memref_slice %arg15[%dma_start3A_32] : memref<8x!tpu.dma_semaphore, #tpu.memory_space<semaphore_mem>> -> memref<1x!tpu.dma_semaphore, #tpu.memory_space<semaphore_mem>>
    %dma_start3A_44 = tpu.memref_squeeze %dma_start3A_43 : memref<1x!tpu.dma_semaphore, #tpu.memory_space<semaphore_mem>> -> memref<!tpu.dma_semaphore, #tpu.memory_space<semaphore_mem>>
    tpu.enqueue_indirect_dma source(%dma_start3A_42 : memref<20480x32xf32, #tpu.memory_space<hbm>>) target(%dma_start3A_36 : memref<128x32xf32, #tpu.memory_space<vmem>>) offsets(%dma_start3A_39 : memref<128xi32, #tpu.memory_space<vmem>>) semaphore(%dma_start3A_44 : memref<!tpu.dma_semaphore, #tpu.memory_space<semaphore_mem>>)
    %dma_start3A_45 = arith.constant 3 : i32
    %dma_start3A_46 = arith.constant 3 : i32
    %dma_start3A_47 = arith.constant 3 : i32
    %dma_start3A_48 = arith.constant 0 : i32
    %dma_start3A_49 = arith.constant 0 : i32
    %dma_start3A_50 = tpu.memref_slice %arg10[%dma_start3A_46, %dma_start3A_48, %dma_start3A_49] : memref<8x128x32xf32, #tpu.memory_space<vmem>> -> memref<1x128x32xf32, #tpu.memory_space<vmem>>
    %dma_start3A_51 = tpu.memref_squeeze %dma_start3A_50 : memref<1x128x32xf32, #tpu.memory_space<vmem>> -> memref<128x32xf32, #tpu.memory_space<vmem>>
    %dma_start3A_52 = arith.constant 0 : i32
    %dma_start3A_53 = tpu.memref_slice %arg8[%dma_start3A_45, %dma_start3A_52] : memref<160x128xi32, #tpu.memory_space<vmem>> -> memref<1x128xi32, #tpu.memory_space<vmem>>
    %dma_start3A_54 = tpu.memref_squeeze %dma_start3A_53 : memref<1x128xi32, #tpu.memory_space<vmem>> -> memref<128xi32, #tpu.memory_space<vmem>>
    %dma_start3A_55 = arith.constant 0 : i32
    %dma_start3A_56 = arith.constant 0 : i32
    %dma_start3A_57 = tpu.memref_slice %arg2[%dma_start3A_55, %dma_start3A_56] : memref<20480x32xf32, #tpu.memory_space<hbm>> -> memref<20480x32xf32, #tpu.memory_space<hbm>>
    %dma_start3A_58 = tpu.memref_slice %arg15[%dma_start3A_47] : memref<8x!tpu.dma_semaphore, #tpu.memory_space<semaphore_mem>> -> memref<1x!tpu.dma_semaphore, #tpu.memory_space<semaphore_mem>>
    %dma_start3A_59 = tpu.memref_squeeze %dma_start3A_58 : memref<1x!tpu.dma_semaphore, #tpu.memory_space<semaphore_mem>> -> memref<!tpu.dma_semaphore, #tpu.memory_space<semaphore_mem>>
    tpu.enqueue_indirect_dma source(%dma_start3A_57 : memref<20480x32xf32, #tpu.memory_space<hbm>>) target(%dma_start3A_51 : memref<128x32xf32, #tpu.memory_space<vmem>>) offsets(%dma_start3A_54 : memref<128xi32, #tpu.memory_space<vmem>>) semaphore(%dma_start3A_59 : memref<!tpu.dma_semaphore, #tpu.memory_space<semaphore_mem>>)
    %dma_start3A_60 = arith.constant 4 : i32
    %dma_start3A_61 = arith.constant 4 : i32
    %dma_start3A_62 = arith.constant 4 : i32
    %dma_start3A_63 = arith.constant 0 : i32
    %dma_start3A_64 = arith.constant 0 : i32
    %dma_start3A_65 = tpu.memref_slice %arg10[%dma_start3A_61, %dma_start3A_63, %dma_start3A_64] : memref<8x128x32xf32, #tpu.memory_space<vmem>> -> memref<1x128x32xf32, #tpu.memory_space<vmem>>
    %dma_start3A_66 = tpu.memref_squeeze %dma_start3A_65 : memref<1x128x32xf32, #tpu.memory_space<vmem>> -> memref<128x32xf32, #tpu.memory_space<vmem>>
    %dma_start3A_67 = arith.constant 0 : i32
    %dma_start3A_68 = tpu.memref_slice %arg8[%dma_start3A_60, %dma_start3A_67] : memref<160x128xi32, #tpu.memory_space<vmem>> -> memref<1x128xi32, #tpu.memory_space<vmem>>
    %dma_start3A_69 = tpu.memref_squeeze %dma_start3A_68 : memref<1x128xi32, #tpu.memory_space<vmem>> -> memref<128xi32, #tpu.memory_space<vmem>>
    %dma_start3A_70 = arith.constant 0 : i32
    %dma_start3A_71 = arith.constant 0 : i32
    %dma_start3A_72 = tpu.memref_slice %arg2[%dma_start3A_70, %dma_start3A_71] : memref<20480x32xf32, #tpu.memory_space<hbm>> -> memref<20480x32xf32, #tpu.memory_space<hbm>>
    %dma_start3A_73 = tpu.memref_slice %arg15[%dma_start3A_62] : memref<8x!tpu.dma_semaphore, #tpu.memory_space<semaphore_mem>> -> memref<1x!tpu.dma_semaphore, #tpu.memory_space<semaphore_mem>>
    %dma_start3A_74 = tpu.memref_squeeze %dma_start3A_73 : memref<1x!tpu.dma_semaphore, #tpu.memory_space<semaphore_mem>> -> memref<!tpu.dma_semaphore, #tpu.memory_space<semaphore_mem>>
    tpu.enqueue_indirect_dma source(%dma_start3A_72 : memref<20480x32xf32, #tpu.memory_space<hbm>>) target(%dma_start3A_66 : memref<128x32xf32, #tpu.memory_space<vmem>>) offsets(%dma_start3A_69 : memref<128xi32, #tpu.memory_space<vmem>>) semaphore(%dma_start3A_74 : memref<!tpu.dma_semaphore, #tpu.memory_space<semaphore_mem>>)
    %dma_start3A_75 = arith.constant 5 : i32
    %dma_start3A_76 = arith.constant 5 : i32
    %dma_start3A_77 = arith.constant 5 : i32
    %dma_start3A_78 = arith.constant 0 : i32
    %dma_start3A_79 = arith.constant 0 : i32
    %dma_start3A_80 = tpu.memref_slice %arg10[%dma_start3A_76, %dma_start3A_78, %dma_start3A_79] : memref<8x128x32xf32, #tpu.memory_space<vmem>> -> memref<1x128x32xf32, #tpu.memory_space<vmem>>
    %dma_start3A_81 = tpu.memref_squeeze %dma_start3A_80 : memref<1x128x32xf32, #tpu.memory_space<vmem>> -> memref<128x32xf32, #tpu.memory_space<vmem>>
    %dma_start3A_82 = arith.constant 0 : i32
    %dma_start3A_83 = tpu.memref_slice %arg8[%dma_start3A_75, %dma_start3A_82] : memref<160x128xi32, #tpu.memory_space<vmem>> -> memref<1x128xi32, #tpu.memory_space<vmem>>
    %dma_start3A_84 = tpu.memref_squeeze %dma_start3A_83 : memref<1x128xi32, #tpu.memory_space<vmem>> -> memref<128xi32, #tpu.memory_space<vmem>>
    %dma_start3A_85 = arith.constant 0 : i32
    %dma_start3A_86 = arith.constant 0 : i32
    %dma_start3A_87 = tpu.memref_slice %arg2[%dma_start3A_85, %dma_start3A_86] : memref<20480x32xf32, #tpu.memory_space<hbm>> -> memref<20480x32xf32, #tpu.memory_space<hbm>>
    %dma_start3A_88 = tpu.memref_slice %arg15[%dma_start3A_77] : memref<8x!tpu.dma_semaphore, #tpu.memory_space<semaphore_mem>> -> memref<1x!tpu.dma_semaphore, #tpu.memory_space<semaphore_mem>>
    %dma_start3A_89 = tpu.memref_squeeze %dma_start3A_88 : memref<1x!tpu.dma_semaphore, #tpu.memory_space<semaphore_mem>> -> memref<!tpu.dma_semaphore, #tpu.memory_space<semaphore_mem>>
    tpu.enqueue_indirect_dma source(%dma_start3A_87 : memref<20480x32xf32, #tpu.memory_space<hbm>>) target(%dma_start3A_81 : memref<128x32xf32, #tpu.memory_space<vmem>>) offsets(%dma_start3A_84 : memref<128xi32, #tpu.memory_space<vmem>>) semaphore(%dma_start3A_89 : memref<!tpu.dma_semaphore, #tpu.memory_space<semaphore_mem>>)
    %scan3A = arith.constant 0 : i32
    %scan3A_90 = arith.constant 20 : i32
    %scan3A_91 = arith.addi %scan3A, %scan3A_90 : i32
    %scan3A_92 = arith.constant 1 : i32
    scf.for %scan3A_219 = %scan3A to %scan3A_91 step %scan3A_92  : i32 {
      %mul3A_220 = arith.constant 8 : i32
      %mul3A_221 = arith.muli %scan3A_219, %mul3A_220 : i32
      %add3A = arith.constant 0 : i32
      %add3A_222 = arith.addi %mul3A_221, %add3A : i32
      %dma_wait3A_223 = arith.constant 0 : i32
      %dma_wait3A_224 = arith.constant 0 : i32
      %dma_wait3A_225 = arith.constant 0 : i32
      %dma_wait3A_226 = arith.constant 0 : i32
      %dma_wait3A_227 = tpu.memref_slice %arg10[%dma_wait3A_223, %dma_wait3A_225, %dma_wait3A_226] : memref<8x128x32xf32, #tpu.memory_space<vmem>> -> memref<1x128x32xf32, #tpu.memory_space<vmem>>
      %dma_wait3A_228 = tpu.memref_squeeze %dma_wait3A_227 : memref<1x128x32xf32, #tpu.memory_space<vmem>> -> memref<128x32xf32, #tpu.memory_space<vmem>>
      %dma_wait3A_229 = arith.constant 0 : i32
      %dma_wait3A_230 = tpu.memref_slice %arg8[%add3A_222, %dma_wait3A_229] : memref<160x128xi32, #tpu.memory_space<vmem>> -> memref<1x128xi32, #tpu.memory_space<vmem>>
      %dma_wait3A_231 = tpu.memref_squeeze %dma_wait3A_230 : memref<1x128xi32, #tpu.memory_space<vmem>> -> memref<128xi32, #tpu.memory_space<vmem>>
      %dma_wait3A_232 = arith.constant 0 : i32
      %dma_wait3A_233 = arith.constant 0 : i32
      %dma_wait3A_234 = tpu.memref_slice %arg2[%dma_wait3A_232, %dma_wait3A_233] : memref<20480x32xf32, #tpu.memory_space<hbm>> -> memref<20480x32xf32, #tpu.memory_space<hbm>>
      %dma_wait3A_235 = tpu.memref_slice %arg15[%dma_wait3A_224] : memref<8x!tpu.dma_semaphore, #tpu.memory_space<semaphore_mem>> -> memref<1x!tpu.dma_semaphore, #tpu.memory_space<semaphore_mem>>
      %dma_wait3A_236 = tpu.memref_squeeze %dma_wait3A_235 : memref<1x!tpu.dma_semaphore, #tpu.memory_space<semaphore_mem>> -> memref<!tpu.dma_semaphore, #tpu.memory_space<semaphore_mem>>
      tpu.wait_indirect_dma semaphore(%dma_wait3A_236 : memref<!tpu.dma_semaphore, #tpu.memory_space<semaphore_mem>>) src(%dma_wait3A_234 : memref<20480x32xf32, #tpu.memory_space<hbm>>) dst(%dma_wait3A_228 : memref<128x32xf32, #tpu.memory_space<vmem>>)
      %dma_start3A_237 = arith.constant 0 : i32
      %dma_start3A_238 = arith.constant 0 : i32
      %dma_start3A_239 = arith.constant 0 : i32
      %dma_start3A_240 = arith.constant 0 : i32
      %dma_start3A_241 = tpu.memref_slice %arg10[%dma_start3A_237, %dma_start3A_239, %dma_start3A_240] : memref<8x128x32xf32, #tpu.memory_space<vmem>> -> memref<1x128x32xf32, #tpu.memory_space<vmem>>
      %dma_start3A_242 = tpu.memref_squeeze %dma_start3A_241 : memref<1x128x32xf32, #tpu.memory_space<vmem>> -> memref<128x32xf32, #tpu.memory_space<vmem>>
      %dma_start3A_243 = arith.constant 0 : i32
      %dma_start3A_244 = tpu.memref_slice %arg9[%add3A_222, %dma_start3A_243] : memref<160x128xi32, #tpu.memory_space<vmem>> -> memref<1x128xi32, #tpu.memory_space<vmem>>
      %dma_start3A_245 = tpu.memref_squeeze %dma_start3A_244 : memref<1x128xi32, #tpu.memory_space<vmem>> -> memref<128xi32, #tpu.memory_space<vmem>>
      %dma_start3A_246 = arith.constant 0 : i32
      %dma_start3A_247 = arith.constant 0 : i32
      %dma_start3A_248 = tpu.memref_slice %arg14[%dma_start3A_246, %dma_start3A_247] : memref<10240x32xf32, #tpu.memory_space<vmem_shared>> -> memref<10240x32xf32, #tpu.memory_space<vmem_shared>>
      %dma_start3A_249 = tpu.memref_slice %arg16[%dma_start3A_238] : memref<8x!tpu.dma_semaphore, #tpu.memory_space<semaphore_mem>> -> memref<1x!tpu.dma_semaphore, #tpu.memory_space<semaphore_mem>>
      %dma_start3A_250 = tpu.memref_squeeze %dma_start3A_249 : memref<1x!tpu.dma_semaphore, #tpu.memory_space<semaphore_mem>> -> memref<!tpu.dma_semaphore, #tpu.memory_space<semaphore_mem>>
      tpu.enqueue_indirect_dma source(%dma_start3A_242 : memref<128x32xf32, #tpu.memory_space<vmem>>) target(%dma_start3A_248 : memref<10240x32xf32, #tpu.memory_space<vmem_shared>>) offsets(%dma_start3A_245 : memref<128xi32, #tpu.memory_space<vmem>>) semaphore(%dma_start3A_250 : memref<!tpu.dma_semaphore, #tpu.memory_space<semaphore_mem>>) {add = true}
      %add3A_251 = arith.constant 6 : i32
      %add3A_252 = arith.addi %add3A_222, %add3A_251 : i32
      %lt3A = arith.constant 160 : i32
      %lt3A_253 = arith.cmpi slt, %add3A_252, %lt3A : i32
      %convert_element_type3A = arith.extui %lt3A_253 : i1 to i32
      %cond3A = arith.constant 0 : i32
      %cond3A_254 = arith.cmpi ne, %convert_element_type3A, %cond3A : i32
      scf.if %cond3A_254 {
        %add3A_528 = arith.constant 6 : i32
        %add3A_529 = arith.addi %add3A_222, %add3A_528 : i32
        %ge3A = arith.constant 8 : i32
        %ge3A_530 = arith.cmpi sge, %add3A_529, %ge3A : i32
        %convert_element_type3A_531 = arith.extui %ge3A_530 : i1 to i32
        %cond3A_532 = arith.constant 0 : i32
        %cond3A_533 = arith.cmpi ne, %convert_element_type3A_531, %cond3A_532 : i32
        scf.if %cond3A_533 {
          %add3A_550 = arith.constant 6 : i32
          %add3A_551 = arith.addi %add3A_222, %add3A_550 : i32
          %sub3A = arith.constant 8 : i32
          %sub3A_552 = arith.subi %add3A_551, %sub3A : i32
          %dma_wait3A_553 = arith.constant 6 : i32
          %dma_wait3A_554 = arith.constant 6 : i32
          %dma_wait3A_555 = arith.constant 0 : i32
          %dma_wait3A_556 = arith.constant 0 : i32
          %dma_wait3A_557 = tpu.memref_slice %arg10[%dma_wait3A_553, %dma_wait3A_555, %dma_wait3A_556] : memref<8x128x32xf32, #tpu.memory_space<vmem>> -> memref<1x128x32xf32, #tpu.memory_space<vmem>>
          %dma_wait3A_558 = tpu.memref_squeeze %dma_wait3A_557 : memref<1x128x32xf32, #tpu.memory_space<vmem>> -> memref<128x32xf32, #tpu.memory_space<vmem>>
          %dma_wait3A_559 = arith.constant 0 : i32
          %dma_wait3A_560 = tpu.memref_slice %arg9[%sub3A_552, %dma_wait3A_559] : memref<160x128xi32, #tpu.memory_space<vmem>> -> memref<1x128xi32, #tpu.memory_space<vmem>>
          %dma_wait3A_561 = tpu.memref_squeeze %dma_wait3A_560 : memref<1x128xi32, #tpu.memory_space<vmem>> -> memref<128xi32, #tpu.memory_space<vmem>>
          %dma_wait3A_562 = arith.constant 0 : i32
          %dma_wait3A_563 = arith.constant 0 : i32
          %dma_wait3A_564 = tpu.memref_slice %arg14[%dma_wait3A_562, %dma_wait3A_563] : memref<10240x32xf32, #tpu.memory_space<vmem_shared>> -> memref<10240x32xf32, #tpu.memory_space<vmem_shared>>
          %dma_wait3A_565 = tpu.memref_slice %arg16[%dma_wait3A_554] : memref<8x!tpu.dma_semaphore, #tpu.memory_space<semaphore_mem>> -> memref<1x!tpu.dma_semaphore, #tpu.memory_space<semaphore_mem>>
          %dma_wait3A_566 = tpu.memref_squeeze %dma_wait3A_565 : memref<1x!tpu.dma_semaphore, #tpu.memory_space<semaphore_mem>> -> memref<!tpu.dma_semaphore, #tpu.memory_space<semaphore_mem>>
          tpu.wait_indirect_dma semaphore(%dma_wait3A_566 : memref<!tpu.dma_semaphore, #tpu.memory_space<semaphore_mem>>) src(%dma_wait3A_558 : memref<128x32xf32, #tpu.memory_space<vmem>>) dst(%dma_wait3A_564 : memref<10240x32xf32, #tpu.memory_space<vmem_shared>>)
        } else {
        }
        %add3A_534 = arith.constant 6 : i32
        %add3A_535 = arith.addi %add3A_222, %add3A_534 : i32
        %dma_start3A_536 = arith.constant 6 : i32
        %dma_start3A_537 = arith.constant 6 : i32
        %dma_start3A_538 = arith.constant 0 : i32
        %dma_start3A_539 = arith.constant 0 : i32
        %dma_start3A_540 = tpu.memref_slice %arg10[%dma_start3A_536, %dma_start3A_538, %dma_start3A_539] : memref<8x128x32xf32, #tpu.memory_space<vmem>> -> memref<1x128x32xf32, #tpu.memory_space<vmem>>
        %dma_start3A_541 = tpu.memref_squeeze %dma_start3A_540 : memref<1x128x32xf32, #tpu.memory_space<vmem>> -> memref<128x32xf32, #tpu.memory_space<vmem>>
        %dma_start3A_542 = arith.constant 0 : i32
        %dma_start3A_543 = tpu.memref_slice %arg8[%add3A_535, %dma_start3A_542] : memref<160x128xi32, #tpu.memory_space<vmem>> -> memref<1x128xi32, #tpu.memory_space<vmem>>
        %dma_start3A_544 = tpu.memref_squeeze %dma_start3A_543 : memref<1x128xi32, #tpu.memory_space<vmem>> -> memref<128xi32, #tpu.memory_space<vmem>>
        %dma_start3A_545 = arith.constant 0 : i32
        %dma_start3A_546 = arith.constant 0 : i32
        %dma_start3A_547 = tpu.memref_slice %arg2[%dma_start3A_545, %dma_start3A_546] : memref<20480x32xf32, #tpu.memory_space<hbm>> -> memref<20480x32xf32, #tpu.memory_space<hbm>>
        %dma_start3A_548 = tpu.memref_slice %arg15[%dma_start3A_537] : memref<8x!tpu.dma_semaphore, #tpu.memory_space<semaphore_mem>> -> memref<1x!tpu.dma_semaphore, #tpu.memory_space<semaphore_mem>>
        %dma_start3A_549 = tpu.memref_squeeze %dma_start3A_548 : memref<1x!tpu.dma_semaphore, #tpu.memory_space<semaphore_mem>> -> memref<!tpu.dma_semaphore, #tpu.memory_space<semaphore_mem>>
        tpu.enqueue_indirect_dma source(%dma_start3A_547 : memref<20480x32xf32, #tpu.memory_space<hbm>>) target(%dma_start3A_541 : memref<128x32xf32, #tpu.memory_space<vmem>>) offsets(%dma_start3A_544 : memref<128xi32, #tpu.memory_space<vmem>>) semaphore(%dma_start3A_549 : memref<!tpu.dma_semaphore, #tpu.memory_space<semaphore_mem>>)
      } else {
      }
      %mul3A_255 = arith.constant 8 : i32
      %mul3A_256 = arith.muli %scan3A_219, %mul3A_255 : i32
      %add3A_257 = arith.constant 1 : i32
      %add3A_258 = arith.addi %mul3A_256, %add3A_257 : i32
      %dma_wait3A_259 = arith.constant 1 : i32
      %dma_wait3A_260 = arith.constant 1 : i32
      %dma_wait3A_261 = arith.constant 0 : i32
      %dma_wait3A_262 = arith.constant 0 : i32
      %dma_wait3A_263 = tpu.memref_slice %arg10[%dma_wait3A_259, %dma_wait3A_261, %dma_wait3A_262] : memref<8x128x32xf32, #tpu.memory_space<vmem>> -> memref<1x128x32xf32, #tpu.memory_space<vmem>>
      %dma_wait3A_264 = tpu.memref_squeeze %dma_wait3A_263 : memref<1x128x32xf32, #tpu.memory_space<vmem>> -> memref<128x32xf32, #tpu.memory_space<vmem>>
      %dma_wait3A_265 = arith.constant 0 : i32
      %dma_wait3A_266 = tpu.memref_slice %arg8[%add3A_258, %dma_wait3A_265] : memref<160x128xi32, #tpu.memory_space<vmem>> -> memref<1x128xi32, #tpu.memory_space<vmem>>
      %dma_wait3A_267 = tpu.memref_squeeze %dma_wait3A_266 : memref<1x128xi32, #tpu.memory_space<vmem>> -> memref<128xi32, #tpu.memory_space<vmem>>
      %dma_wait3A_268 = arith.constant 0 : i32
      %dma_wait3A_269 = arith.constant 0 : i32
      %dma_wait3A_270 = tpu.memref_slice %arg2[%dma_wait3A_268, %dma_wait3A_269] : memref<20480x32xf32, #tpu.memory_space<hbm>> -> memref<20480x32xf32, #tpu.memory_space<hbm>>
      %dma_wait3A_271 = tpu.memref_slice %arg15[%dma_wait3A_260] : memref<8x!tpu.dma_semaphore, #tpu.memory_space<semaphore_mem>> -> memref<1x!tpu.dma_semaphore, #tpu.memory_space<semaphore_mem>>
      %dma_wait3A_272 = tpu.memref_squeeze %dma_wait3A_271 : memref<1x!tpu.dma_semaphore, #tpu.memory_space<semaphore_mem>> -> memref<!tpu.dma_semaphore, #tpu.memory_space<semaphore_mem>>
      tpu.wait_indirect_dma semaphore(%dma_wait3A_272 : memref<!tpu.dma_semaphore, #tpu.memory_space<semaphore_mem>>) src(%dma_wait3A_270 : memref<20480x32xf32, #tpu.memory_space<hbm>>) dst(%dma_wait3A_264 : memref<128x32xf32, #tpu.memory_space<vmem>>)
      %dma_start3A_273 = arith.constant 1 : i32
      %dma_start3A_274 = arith.constant 1 : i32
      %dma_start3A_275 = arith.constant 0 : i32
      %dma_start3A_276 = arith.constant 0 : i32
      %dma_start3A_277 = tpu.memref_slice %arg10[%dma_start3A_273, %dma_start3A_275, %dma_start3A_276] : memref<8x128x32xf32, #tpu.memory_space<vmem>> -> memref<1x128x32xf32, #tpu.memory_space<vmem>>
      %dma_start3A_278 = tpu.memref_squeeze %dma_start3A_277 : memref<1x128x32xf32, #tpu.memory_space<vmem>> -> memref<128x32xf32, #tpu.memory_space<vmem>>
      %dma_start3A_279 = arith.constant 0 : i32
      %dma_start3A_280 = tpu.memref_slice %arg9[%add3A_258, %dma_start3A_279] : memref<160x128xi32, #tpu.memory_space<vmem>> -> memref<1x128xi32, #tpu.memory_space<vmem>>
      %dma_start3A_281 = tpu.memref_squeeze %dma_start3A_280 : memref<1x128xi32, #tpu.memory_space<vmem>> -> memref<128xi32, #tpu.memory_space<vmem>>
      %dma_start3A_282 = arith.constant 0 : i32
      %dma_start3A_283 = arith.constant 0 : i32
      %dma_start3A_284 = tpu.memref_slice %arg14[%dma_start3A_282, %dma_start3A_283] : memref<10240x32xf32, #tpu.memory_space<vmem_shared>> -> memref<10240x32xf32, #tpu.memory_space<vmem_shared>>
      %dma_start3A_285 = tpu.memref_slice %arg16[%dma_start3A_274] : memref<8x!tpu.dma_semaphore, #tpu.memory_space<semaphore_mem>> -> memref<1x!tpu.dma_semaphore, #tpu.memory_space<semaphore_mem>>
      %dma_start3A_286 = tpu.memref_squeeze %dma_start3A_285 : memref<1x!tpu.dma_semaphore, #tpu.memory_space<semaphore_mem>> -> memref<!tpu.dma_semaphore, #tpu.memory_space<semaphore_mem>>
      tpu.enqueue_indirect_dma source(%dma_start3A_278 : memref<128x32xf32, #tpu.memory_space<vmem>>) target(%dma_start3A_284 : memref<10240x32xf32, #tpu.memory_space<vmem_shared>>) offsets(%dma_start3A_281 : memref<128xi32, #tpu.memory_space<vmem>>) semaphore(%dma_start3A_286 : memref<!tpu.dma_semaphore, #tpu.memory_space<semaphore_mem>>) {add = true}
      %add3A_287 = arith.constant 6 : i32
      %add3A_288 = arith.addi %add3A_258, %add3A_287 : i32
      %lt3A_289 = arith.constant 160 : i32
      %lt3A_290 = arith.cmpi slt, %add3A_288, %lt3A_289 : i32
      %convert_element_type3A_291 = arith.extui %lt3A_290 : i1 to i32
      %cond3A_292 = arith.constant 0 : i32
      %cond3A_293 = arith.cmpi ne, %convert_element_type3A_291, %cond3A_292 : i32
      scf.if %cond3A_293 {
        %add3A_528 = arith.constant 6 : i32
        %add3A_529 = arith.addi %add3A_258, %add3A_528 : i32
        %ge3A = arith.constant 8 : i32
        %ge3A_530 = arith.cmpi sge, %add3A_529, %ge3A : i32
        %convert_element_type3A_531 = arith.extui %ge3A_530 : i1 to i32
        %cond3A_532 = arith.constant 0 : i32
        %cond3A_533 = arith.cmpi ne, %convert_element_type3A_531, %cond3A_532 : i32
        scf.if %cond3A_533 {
          %add3A_550 = arith.constant 6 : i32
          %add3A_551 = arith.addi %add3A_258, %add3A_550 : i32
          %sub3A = arith.constant 8 : i32
          %sub3A_552 = arith.subi %add3A_551, %sub3A : i32
          %dma_wait3A_553 = arith.constant 7 : i32
          %dma_wait3A_554 = arith.constant 7 : i32
          %dma_wait3A_555 = arith.constant 0 : i32
          %dma_wait3A_556 = arith.constant 0 : i32
          %dma_wait3A_557 = tpu.memref_slice %arg10[%dma_wait3A_553, %dma_wait3A_555, %dma_wait3A_556] : memref<8x128x32xf32, #tpu.memory_space<vmem>> -> memref<1x128x32xf32, #tpu.memory_space<vmem>>
          %dma_wait3A_558 = tpu.memref_squeeze %dma_wait3A_557 : memref<1x128x32xf32, #tpu.memory_space<vmem>> -> memref<128x32xf32, #tpu.memory_space<vmem>>
          %dma_wait3A_559 = arith.constant 0 : i32
          %dma_wait3A_560 = tpu.memref_slice %arg9[%sub3A_552, %dma_wait3A_559] : memref<160x128xi32, #tpu.memory_space<vmem>> -> memref<1x128xi32, #tpu.memory_space<vmem>>
          %dma_wait3A_561 = tpu.memref_squeeze %dma_wait3A_560 : memref<1x128xi32, #tpu.memory_space<vmem>> -> memref<128xi32, #tpu.memory_space<vmem>>
          %dma_wait3A_562 = arith.constant 0 : i32
          %dma_wait3A_563 = arith.constant 0 : i32
          %dma_wait3A_564 = tpu.memref_slice %arg14[%dma_wait3A_562, %dma_wait3A_563] : memref<10240x32xf32, #tpu.memory_space<vmem_shared>> -> memref<10240x32xf32, #tpu.memory_space<vmem_shared>>
          %dma_wait3A_565 = tpu.memref_slice %arg16[%dma_wait3A_554] : memref<8x!tpu.dma_semaphore, #tpu.memory_space<semaphore_mem>> -> memref<1x!tpu.dma_semaphore, #tpu.memory_space<semaphore_mem>>
          %dma_wait3A_566 = tpu.memref_squeeze %dma_wait3A_565 : memref<1x!tpu.dma_semaphore, #tpu.memory_space<semaphore_mem>> -> memref<!tpu.dma_semaphore, #tpu.memory_space<semaphore_mem>>
          tpu.wait_indirect_dma semaphore(%dma_wait3A_566 : memref<!tpu.dma_semaphore, #tpu.memory_space<semaphore_mem>>) src(%dma_wait3A_558 : memref<128x32xf32, #tpu.memory_space<vmem>>) dst(%dma_wait3A_564 : memref<10240x32xf32, #tpu.memory_space<vmem_shared>>)
        } else {
        }
        %add3A_534 = arith.constant 6 : i32
        %add3A_535 = arith.addi %add3A_258, %add3A_534 : i32
        %dma_start3A_536 = arith.constant 7 : i32
        %dma_start3A_537 = arith.constant 7 : i32
        %dma_start3A_538 = arith.constant 0 : i32
        %dma_start3A_539 = arith.constant 0 : i32
        %dma_start3A_540 = tpu.memref_slice %arg10[%dma_start3A_536, %dma_start3A_538, %dma_start3A_539] : memref<8x128x32xf32, #tpu.memory_space<vmem>> -> memref<1x128x32xf32, #tpu.memory_space<vmem>>
        %dma_start3A_541 = tpu.memref_squeeze %dma_start3A_540 : memref<1x128x32xf32, #tpu.memory_space<vmem>> -> memref<128x32xf32, #tpu.memory_space<vmem>>
        %dma_start3A_542 = arith.constant 0 : i32
        %dma_start3A_543 = tpu.memref_slice %arg8[%add3A_535, %dma_start3A_542] : memref<160x128xi32, #tpu.memory_space<vmem>> -> memref<1x128xi32, #tpu.memory_space<vmem>>
        %dma_start3A_544 = tpu.memref_squeeze %dma_start3A_543 : memref<1x128xi32, #tpu.memory_space<vmem>> -> memref<128xi32, #tpu.memory_space<vmem>>
        %dma_start3A_545 = arith.constant 0 : i32
        %dma_start3A_546 = arith.constant 0 : i32
        %dma_start3A_547 = tpu.memref_slice %arg2[%dma_start3A_545, %dma_start3A_546] : memref<20480x32xf32, #tpu.memory_space<hbm>> -> memref<20480x32xf32, #tpu.memory_space<hbm>>
        %dma_start3A_548 = tpu.memref_slice %arg15[%dma_start3A_537] : memref<8x!tpu.dma_semaphore, #tpu.memory_space<semaphore_mem>> -> memref<1x!tpu.dma_semaphore, #tpu.memory_space<semaphore_mem>>
        %dma_start3A_549 = tpu.memref_squeeze %dma_start3A_548 : memref<1x!tpu.dma_semaphore, #tpu.memory_space<semaphore_mem>> -> memref<!tpu.dma_semaphore, #tpu.memory_space<semaphore_mem>>
        tpu.enqueue_indirect_dma source(%dma_start3A_547 : memref<20480x32xf32, #tpu.memory_space<hbm>>) target(%dma_start3A_541 : memref<128x32xf32, #tpu.memory_space<vmem>>) offsets(%dma_start3A_544 : memref<128xi32, #tpu.memory_space<vmem>>) semaphore(%dma_start3A_549 : memref<!tpu.dma_semaphore, #tpu.memory_space<semaphore_mem>>)
      } else {
      }
      %mul3A_294 = arith.constant 8 : i32
      %mul3A_295 = arith.muli %scan3A_219, %mul3A_294 : i32
      %add3A_296 = arith.constant 2 : i32
      %add3A_297 = arith.addi %mul3A_295, %add3A_296 : i32
      %dma_wait3A_298 = arith.constant 2 : i32
      %dma_wait3A_299 = arith.constant 2 : i32
      %dma_wait3A_300 = arith.constant 0 : i32
      %dma_wait3A_301 = arith.constant 0 : i32
      %dma_wait3A_302 = tpu.memref_slice %arg10[%dma_wait3A_298, %dma_wait3A_300, %dma_wait3A_301] : memref<8x128x32xf32, #tpu.memory_space<vmem>> -> memref<1x128x32xf32, #tpu.memory_space<vmem>>
      %dma_wait3A_303 = tpu.memref_squeeze %dma_wait3A_302 : memref<1x128x32xf32, #tpu.memory_space<vmem>> -> memref<128x32xf32, #tpu.memory_space<vmem>>
      %dma_wait3A_304 = arith.constant 0 : i32
      %dma_wait3A_305 = tpu.memref_slice %arg8[%add3A_297, %dma_wait3A_304] : memref<160x128xi32, #tpu.memory_space<vmem>> -> memref<1x128xi32, #tpu.memory_space<vmem>>
      %dma_wait3A_306 = tpu.memref_squeeze %dma_wait3A_305 : memref<1x128xi32, #tpu.memory_space<vmem>> -> memref<128xi32, #tpu.memory_space<vmem>>
      %dma_wait3A_307 = arith.constant 0 : i32
      %dma_wait3A_308 = arith.constant 0 : i32
      %dma_wait3A_309 = tpu.memref_slice %arg2[%dma_wait3A_307, %dma_wait3A_308] : memref<20480x32xf32, #tpu.memory_space<hbm>> -> memref<20480x32xf32, #tpu.memory_space<hbm>>
      %dma_wait3A_310 = tpu.memref_slice %arg15[%dma_wait3A_299] : memref<8x!tpu.dma_semaphore, #tpu.memory_space<semaphore_mem>> -> memref<1x!tpu.dma_semaphore, #tpu.memory_space<semaphore_mem>>
      %dma_wait3A_311 = tpu.memref_squeeze %dma_wait3A_310 : memref<1x!tpu.dma_semaphore, #tpu.memory_space<semaphore_mem>> -> memref<!tpu.dma_semaphore, #tpu.memory_space<semaphore_mem>>
      tpu.wait_indirect_dma semaphore(%dma_wait3A_311 : memref<!tpu.dma_semaphore, #tpu.memory_space<semaphore_mem>>) src(%dma_wait3A_309 : memref<20480x32xf32, #tpu.memory_space<hbm>>) dst(%dma_wait3A_303 : memref<128x32xf32, #tpu.memory_space<vmem>>)
      %dma_start3A_312 = arith.constant 2 : i32
      %dma_start3A_313 = arith.constant 2 : i32
      %dma_start3A_314 = arith.constant 0 : i32
      %dma_start3A_315 = arith.constant 0 : i32
      %dma_start3A_316 = tpu.memref_slice %arg10[%dma_start3A_312, %dma_start3A_314, %dma_start3A_315] : memref<8x128x32xf32, #tpu.memory_space<vmem>> -> memref<1x128x32xf32, #tpu.memory_space<vmem>>
      %dma_start3A_317 = tpu.memref_squeeze %dma_start3A_316 : memref<1x128x32xf32, #tpu.memory_space<vmem>> -> memref<128x32xf32, #tpu.memory_space<vmem>>
      %dma_start3A_318 = arith.constant 0 : i32
      %dma_start3A_319 = tpu.memref_slice %arg9[%add3A_297, %dma_start3A_318] : memref<160x128xi32, #tpu.memory_space<vmem>> -> memref<1x128xi32, #tpu.memory_space<vmem>>
      %dma_start3A_320 = tpu.memref_squeeze %dma_start3A_319 : memref<1x128xi32, #tpu.memory_space<vmem>> -> memref<128xi32, #tpu.memory_space<vmem>>
      %dma_start3A_321 = arith.constant 0 : i32
      %dma_start3A_322 = arith.constant 0 : i32
      %dma_start3A_323 = tpu.memref_slice %arg14[%dma_start3A_321, %dma_start3A_322] : memref<10240x32xf32, #tpu.memory_space<vmem_shared>> -> memref<10240x32xf32, #tpu.memory_space<vmem_shared>>
      %dma_start3A_324 = tpu.memref_slice %arg16[%dma_start3A_313] : memref<8x!tpu.dma_semaphore, #tpu.memory_space<semaphore_mem>> -> memref<1x!tpu.dma_semaphore, #tpu.memory_space<semaphore_mem>>
      %dma_start3A_325 = tpu.memref_squeeze %dma_start3A_324 : memref<1x!tpu.dma_semaphore, #tpu.memory_space<semaphore_mem>> -> memref<!tpu.dma_semaphore, #tpu.memory_space<semaphore_mem>>
      tpu.enqueue_indirect_dma source(%dma_start3A_317 : memref<128x32xf32, #tpu.memory_space<vmem>>) target(%dma_start3A_323 : memref<10240x32xf32, #tpu.memory_space<vmem_shared>>) offsets(%dma_start3A_320 : memref<128xi32, #tpu.memory_space<vmem>>) semaphore(%dma_start3A_325 : memref<!tpu.dma_semaphore, #tpu.memory_space<semaphore_mem>>) {add = true}
      %add3A_326 = arith.constant 6 : i32
      %add3A_327 = arith.addi %add3A_297, %add3A_326 : i32
      %lt3A_328 = arith.constant 160 : i32
      %lt3A_329 = arith.cmpi slt, %add3A_327, %lt3A_328 : i32
      %convert_element_type3A_330 = arith.extui %lt3A_329 : i1 to i32
      %cond3A_331 = arith.constant 0 : i32
      %cond3A_332 = arith.cmpi ne, %convert_element_type3A_330, %cond3A_331 : i32
      scf.if %cond3A_332 {
        %add3A_528 = arith.constant 6 : i32
        %add3A_529 = arith.addi %add3A_297, %add3A_528 : i32
        %ge3A = arith.constant 8 : i32
        %ge3A_530 = arith.cmpi sge, %add3A_529, %ge3A : i32
        %convert_element_type3A_531 = arith.extui %ge3A_530 : i1 to i32
        %cond3A_532 = arith.constant 0 : i32
        %cond3A_533 = arith.cmpi ne, %convert_element_type3A_531, %cond3A_532 : i32
        scf.if %cond3A_533 {
          %add3A_550 = arith.constant 6 : i32
          %add3A_551 = arith.addi %add3A_297, %add3A_550 : i32
          %sub3A = arith.constant 8 : i32
          %sub3A_552 = arith.subi %add3A_551, %sub3A : i32
          %dma_wait3A_553 = arith.constant 0 : i32
          %dma_wait3A_554 = arith.constant 0 : i32
          %dma_wait3A_555 = arith.constant 0 : i32
          %dma_wait3A_556 = arith.constant 0 : i32
          %dma_wait3A_557 = tpu.memref_slice %arg10[%dma_wait3A_553, %dma_wait3A_555, %dma_wait3A_556] : memref<8x128x32xf32, #tpu.memory_space<vmem>> -> memref<1x128x32xf32, #tpu.memory_space<vmem>>
          %dma_wait3A_558 = tpu.memref_squeeze %dma_wait3A_557 : memref<1x128x32xf32, #tpu.memory_space<vmem>> -> memref<128x32xf32, #tpu.memory_space<vmem>>
          %dma_wait3A_559 = arith.constant 0 : i32
          %dma_wait3A_560 = tpu.memref_slice %arg9[%sub3A_552, %dma_wait3A_559] : memref<160x128xi32, #tpu.memory_space<vmem>> -> memref<1x128xi32, #tpu.memory_space<vmem>>
          %dma_wait3A_561 = tpu.memref_squeeze %dma_wait3A_560 : memref<1x128xi32, #tpu.memory_space<vmem>> -> memref<128xi32, #tpu.memory_space<vmem>>
          %dma_wait3A_562 = arith.constant 0 : i32
          %dma_wait3A_563 = arith.constant 0 : i32
          %dma_wait3A_564 = tpu.memref_slice %arg14[%dma_wait3A_562, %dma_wait3A_563] : memref<10240x32xf32, #tpu.memory_space<vmem_shared>> -> memref<10240x32xf32, #tpu.memory_space<vmem_shared>>
          %dma_wait3A_565 = tpu.memref_slice %arg16[%dma_wait3A_554] : memref<8x!tpu.dma_semaphore, #tpu.memory_space<semaphore_mem>> -> memref<1x!tpu.dma_semaphore, #tpu.memory_space<semaphore_mem>>
          %dma_wait3A_566 = tpu.memref_squeeze %dma_wait3A_565 : memref<1x!tpu.dma_semaphore, #tpu.memory_space<semaphore_mem>> -> memref<!tpu.dma_semaphore, #tpu.memory_space<semaphore_mem>>
          tpu.wait_indirect_dma semaphore(%dma_wait3A_566 : memref<!tpu.dma_semaphore, #tpu.memory_space<semaphore_mem>>) src(%dma_wait3A_558 : memref<128x32xf32, #tpu.memory_space<vmem>>) dst(%dma_wait3A_564 : memref<10240x32xf32, #tpu.memory_space<vmem_shared>>)
        } else {
        }
        %add3A_534 = arith.constant 6 : i32
        %add3A_535 = arith.addi %add3A_297, %add3A_534 : i32
        %dma_start3A_536 = arith.constant 0 : i32
        %dma_start3A_537 = arith.constant 0 : i32
        %dma_start3A_538 = arith.constant 0 : i32
        %dma_start3A_539 = arith.constant 0 : i32
        %dma_start3A_540 = tpu.memref_slice %arg10[%dma_start3A_536, %dma_start3A_538, %dma_start3A_539] : memref<8x128x32xf32, #tpu.memory_space<vmem>> -> memref<1x128x32xf32, #tpu.memory_space<vmem>>
        %dma_start3A_541 = tpu.memref_squeeze %dma_start3A_540 : memref<1x128x32xf32, #tpu.memory_space<vmem>> -> memref<128x32xf32, #tpu.memory_space<vmem>>
        %dma_start3A_542 = arith.constant 0 : i32
        %dma_start3A_543 = tpu.memref_slice %arg8[%add3A_535, %dma_start3A_542] : memref<160x128xi32, #tpu.memory_space<vmem>> -> memref<1x128xi32, #tpu.memory_space<vmem>>
        %dma_start3A_544 = tpu.memref_squeeze %dma_start3A_543 : memref<1x128xi32, #tpu.memory_space<vmem>> -> memref<128xi32, #tpu.memory_space<vmem>>
        %dma_start3A_545 = arith.constant 0 : i32
        %dma_start3A_546 = arith.constant 0 : i32
        %dma_start3A_547 = tpu.memref_slice %arg2[%dma_start3A_545, %dma_start3A_546] : memref<20480x32xf32, #tpu.memory_space<hbm>> -> memref<20480x32xf32, #tpu.memory_space<hbm>>
        %dma_start3A_548 = tpu.memref_slice %arg15[%dma_start3A_537] : memref<8x!tpu.dma_semaphore, #tpu.memory_space<semaphore_mem>> -> memref<1x!tpu.dma_semaphore, #tpu.memory_space<semaphore_mem>>
        %dma_start3A_549 = tpu.memref_squeeze %dma_start3A_548 : memref<1x!tpu.dma_semaphore, #tpu.memory_space<semaphore_mem>> -> memref<!tpu.dma_semaphore, #tpu.memory_space<semaphore_mem>>
        tpu.enqueue_indirect_dma source(%dma_start3A_547 : memref<20480x32xf32, #tpu.memory_space<hbm>>) target(%dma_start3A_541 : memref<128x32xf32, #tpu.memory_space<vmem>>) offsets(%dma_start3A_544 : memref<128xi32, #tpu.memory_space<vmem>>) semaphore(%dma_start3A_549 : memref<!tpu.dma_semaphore, #tpu.memory_space<semaphore_mem>>)
      } else {
      }
      %mul3A_333 = arith.constant 8 : i32
      %mul3A_334 = arith.muli %scan3A_219, %mul3A_333 : i32
      %add3A_335 = arith.constant 3 : i32
      %add3A_336 = arith.addi %mul3A_334, %add3A_335 : i32
      %dma_wait3A_337 = arith.constant 3 : i32
      %dma_wait3A_338 = arith.constant 3 : i32
      %dma_wait3A_339 = arith.constant 0 : i32
      %dma_wait3A_340 = arith.constant 0 : i32
      %dma_wait3A_341 = tpu.memref_slice %arg10[%dma_wait3A_337, %dma_wait3A_339, %dma_wait3A_340] : memref<8x128x32xf32, #tpu.memory_space<vmem>> -> memref<1x128x32xf32, #tpu.memory_space<vmem>>
      %dma_wait3A_342 = tpu.memref_squeeze %dma_wait3A_341 : memref<1x128x32xf32, #tpu.memory_space<vmem>> -> memref<128x32xf32, #tpu.memory_space<vmem>>
      %dma_wait3A_343 = arith.constant 0 : i32
      %dma_wait3A_344 = tpu.memref_slice %arg8[%add3A_336, %dma_wait3A_343] : memref<160x128xi32, #tpu.memory_space<vmem>> -> memref<1x128xi32, #tpu.memory_space<vmem>>
      %dma_wait3A_345 = tpu.memref_squeeze %dma_wait3A_344 : memref<1x128xi32, #tpu.memory_space<vmem>> -> memref<128xi32, #tpu.memory_space<vmem>>
      %dma_wait3A_346 = arith.constant 0 : i32
      %dma_wait3A_347 = arith.constant 0 : i32
      %dma_wait3A_348 = tpu.memref_slice %arg2[%dma_wait3A_346, %dma_wait3A_347] : memref<20480x32xf32, #tpu.memory_space<hbm>> -> memref<20480x32xf32, #tpu.memory_space<hbm>>
      %dma_wait3A_349 = tpu.memref_slice %arg15[%dma_wait3A_338] : memref<8x!tpu.dma_semaphore, #tpu.memory_space<semaphore_mem>> -> memref<1x!tpu.dma_semaphore, #tpu.memory_space<semaphore_mem>>
      %dma_wait3A_350 = tpu.memref_squeeze %dma_wait3A_349 : memref<1x!tpu.dma_semaphore, #tpu.memory_space<semaphore_mem>> -> memref<!tpu.dma_semaphore, #tpu.memory_space<semaphore_mem>>
      tpu.wait_indirect_dma semaphore(%dma_wait3A_350 : memref<!tpu.dma_semaphore, #tpu.memory_space<semaphore_mem>>) src(%dma_wait3A_348 : memref<20480x32xf32, #tpu.memory_space<hbm>>) dst(%dma_wait3A_342 : memref<128x32xf32, #tpu.memory_space<vmem>>)
      %dma_start3A_351 = arith.constant 3 : i32
      %dma_start3A_352 = arith.constant 3 : i32
      %dma_start3A_353 = arith.constant 0 : i32
      %dma_start3A_354 = arith.constant 0 : i32
      %dma_start3A_355 = tpu.memref_slice %arg10[%dma_start3A_351, %dma_start3A_353, %dma_start3A_354] : memref<8x128x32xf32, #tpu.memory_space<vmem>> -> memref<1x128x32xf32, #tpu.memory_space<vmem>>
      %dma_start3A_356 = tpu.memref_squeeze %dma_start3A_355 : memref<1x128x32xf32, #tpu.memory_space<vmem>> -> memref<128x32xf32, #tpu.memory_space<vmem>>
      %dma_start3A_357 = arith.constant 0 : i32
      %dma_start3A_358 = tpu.memref_slice %arg9[%add3A_336, %dma_start3A_357] : memref<160x128xi32, #tpu.memory_space<vmem>> -> memref<1x128xi32, #tpu.memory_space<vmem>>
      %dma_start3A_359 = tpu.memref_squeeze %dma_start3A_358 : memref<1x128xi32, #tpu.memory_space<vmem>> -> memref<128xi32, #tpu.memory_space<vmem>>
      %dma_start3A_360 = arith.constant 0 : i32
      %dma_start3A_361 = arith.constant 0 : i32
      %dma_start3A_362 = tpu.memref_slice %arg14[%dma_start3A_360, %dma_start3A_361] : memref<10240x32xf32, #tpu.memory_space<vmem_shared>> -> memref<10240x32xf32, #tpu.memory_space<vmem_shared>>
      %dma_start3A_363 = tpu.memref_slice %arg16[%dma_start3A_352] : memref<8x!tpu.dma_semaphore, #tpu.memory_space<semaphore_mem>> -> memref<1x!tpu.dma_semaphore, #tpu.memory_space<semaphore_mem>>
      %dma_start3A_364 = tpu.memref_squeeze %dma_start3A_363 : memref<1x!tpu.dma_semaphore, #tpu.memory_space<semaphore_mem>> -> memref<!tpu.dma_semaphore, #tpu.memory_space<semaphore_mem>>
      tpu.enqueue_indirect_dma source(%dma_start3A_356 : memref<128x32xf32, #tpu.memory_space<vmem>>) target(%dma_start3A_362 : memref<10240x32xf32, #tpu.memory_space<vmem_shared>>) offsets(%dma_start3A_359 : memref<128xi32, #tpu.memory_space<vmem>>) semaphore(%dma_start3A_364 : memref<!tpu.dma_semaphore, #tpu.memory_space<semaphore_mem>>) {add = true}
      %add3A_365 = arith.constant 6 : i32
      %add3A_366 = arith.addi %add3A_336, %add3A_365 : i32
      %lt3A_367 = arith.constant 160 : i32
      %lt3A_368 = arith.cmpi slt, %add3A_366, %lt3A_367 : i32
      %convert_element_type3A_369 = arith.extui %lt3A_368 : i1 to i32
      %cond3A_370 = arith.constant 0 : i32
      %cond3A_371 = arith.cmpi ne, %convert_element_type3A_369, %cond3A_370 : i32
      scf.if %cond3A_371 {
        %add3A_528 = arith.constant 6 : i32
        %add3A_529 = arith.addi %add3A_336, %add3A_528 : i32
        %ge3A = arith.constant 8 : i32
        %ge3A_530 = arith.cmpi sge, %add3A_529, %ge3A : i32
        %convert_element_type3A_531 = arith.extui %ge3A_530 : i1 to i32
        %cond3A_532 = arith.constant 0 : i32
        %cond3A_533 = arith.cmpi ne, %convert_element_type3A_531, %cond3A_532 : i32
        scf.if %cond3A_533 {
          %add3A_550 = arith.constant 6 : i32
          %add3A_551 = arith.addi %add3A_336, %add3A_550 : i32
          %sub3A = arith.constant 8 : i32
          %sub3A_552 = arith.subi %add3A_551, %sub3A : i32
          %dma_wait3A_553 = arith.constant 1 : i32
          %dma_wait3A_554 = arith.constant 1 : i32
          %dma_wait3A_555 = arith.constant 0 : i32
          %dma_wait3A_556 = arith.constant 0 : i32
          %dma_wait3A_557 = tpu.memref_slice %arg10[%dma_wait3A_553, %dma_wait3A_555, %dma_wait3A_556] : memref<8x128x32xf32, #tpu.memory_space<vmem>> -> memref<1x128x32xf32, #tpu.memory_space<vmem>>
          %dma_wait3A_558 = tpu.memref_squeeze %dma_wait3A_557 : memref<1x128x32xf32, #tpu.memory_space<vmem>> -> memref<128x32xf32, #tpu.memory_space<vmem>>
          %dma_wait3A_559 = arith.constant 0 : i32
          %dma_wait3A_560 = tpu.memref_slice %arg9[%sub3A_552, %dma_wait3A_559] : memref<160x128xi32, #tpu.memory_space<vmem>> -> memref<1x128xi32, #tpu.memory_space<vmem>>
          %dma_wait3A_561 = tpu.memref_squeeze %dma_wait3A_560 : memref<1x128xi32, #tpu.memory_space<vmem>> -> memref<128xi32, #tpu.memory_space<vmem>>
          %dma_wait3A_562 = arith.constant 0 : i32
          %dma_wait3A_563 = arith.constant 0 : i32
          %dma_wait3A_564 = tpu.memref_slice %arg14[%dma_wait3A_562, %dma_wait3A_563] : memref<10240x32xf32, #tpu.memory_space<vmem_shared>> -> memref<10240x32xf32, #tpu.memory_space<vmem_shared>>
          %dma_wait3A_565 = tpu.memref_slice %arg16[%dma_wait3A_554] : memref<8x!tpu.dma_semaphore, #tpu.memory_space<semaphore_mem>> -> memref<1x!tpu.dma_semaphore, #tpu.memory_space<semaphore_mem>>
          %dma_wait3A_566 = tpu.memref_squeeze %dma_wait3A_565 : memref<1x!tpu.dma_semaphore, #tpu.memory_space<semaphore_mem>> -> memref<!tpu.dma_semaphore, #tpu.memory_space<semaphore_mem>>
          tpu.wait_indirect_dma semaphore(%dma_wait3A_566 : memref<!tpu.dma_semaphore, #tpu.memory_space<semaphore_mem>>) src(%dma_wait3A_558 : memref<128x32xf32, #tpu.memory_space<vmem>>) dst(%dma_wait3A_564 : memref<10240x32xf32, #tpu.memory_space<vmem_shared>>)
        } else {
        }
        %add3A_534 = arith.constant 6 : i32
        %add3A_535 = arith.addi %add3A_336, %add3A_534 : i32
        %dma_start3A_536 = arith.constant 1 : i32
        %dma_start3A_537 = arith.constant 1 : i32
        %dma_start3A_538 = arith.constant 0 : i32
        %dma_start3A_539 = arith.constant 0 : i32
        %dma_start3A_540 = tpu.memref_slice %arg10[%dma_start3A_536, %dma_start3A_538, %dma_start3A_539] : memref<8x128x32xf32, #tpu.memory_space<vmem>> -> memref<1x128x32xf32, #tpu.memory_space<vmem>>
        %dma_start3A_541 = tpu.memref_squeeze %dma_start3A_540 : memref<1x128x32xf32, #tpu.memory_space<vmem>> -> memref<128x32xf32, #tpu.memory_space<vmem>>
        %dma_start3A_542 = arith.constant 0 : i32
        %dma_start3A_543 = tpu.memref_slice %arg8[%add3A_535, %dma_start3A_542] : memref<160x128xi32, #tpu.memory_space<vmem>> -> memref<1x128xi32, #tpu.memory_space<vmem>>
        %dma_start3A_544 = tpu.memref_squeeze %dma_start3A_543 : memref<1x128xi32, #tpu.memory_space<vmem>> -> memref<128xi32, #tpu.memory_space<vmem>>
        %dma_start3A_545 = arith.constant 0 : i32
        %dma_start3A_546 = arith.constant 0 : i32
        %dma_start3A_547 = tpu.memref_slice %arg2[%dma_start3A_545, %dma_start3A_546] : memref<20480x32xf32, #tpu.memory_space<hbm>> -> memref<20480x32xf32, #tpu.memory_space<hbm>>
        %dma_start3A_548 = tpu.memref_slice %arg15[%dma_start3A_537] : memref<8x!tpu.dma_semaphore, #tpu.memory_space<semaphore_mem>> -> memref<1x!tpu.dma_semaphore, #tpu.memory_space<semaphore_mem>>
        %dma_start3A_549 = tpu.memref_squeeze %dma_start3A_548 : memref<1x!tpu.dma_semaphore, #tpu.memory_space<semaphore_mem>> -> memref<!tpu.dma_semaphore, #tpu.memory_space<semaphore_mem>>
        tpu.enqueue_indirect_dma source(%dma_start3A_547 : memref<20480x32xf32, #tpu.memory_space<hbm>>) target(%dma_start3A_541 : memref<128x32xf32, #tpu.memory_space<vmem>>) offsets(%dma_start3A_544 : memref<128xi32, #tpu.memory_space<vmem>>) semaphore(%dma_start3A_549 : memref<!tpu.dma_semaphore, #tpu.memory_space<semaphore_mem>>)
      } else {
      }
      %mul3A_372 = arith.constant 8 : i32
      %mul3A_373 = arith.muli %scan3A_219, %mul3A_372 : i32
      %add3A_374 = arith.constant 4 : i32
      %add3A_375 = arith.addi %mul3A_373, %add3A_374 : i32
      %dma_wait3A_376 = arith.constant 4 : i32
      %dma_wait3A_377 = arith.constant 4 : i32
      %dma_wait3A_378 = arith.constant 0 : i32
      %dma_wait3A_379 = arith.constant 0 : i32
      %dma_wait3A_380 = tpu.memref_slice %arg10[%dma_wait3A_376, %dma_wait3A_378, %dma_wait3A_379] : memref<8x128x32xf32, #tpu.memory_space<vmem>> -> memref<1x128x32xf32, #tpu.memory_space<vmem>>
      %dma_wait3A_381 = tpu.memref_squeeze %dma_wait3A_380 : memref<1x128x32xf32, #tpu.memory_space<vmem>> -> memref<128x32xf32, #tpu.memory_space<vmem>>
      %dma_wait3A_382 = arith.constant 0 : i32
      %dma_wait3A_383 = tpu.memref_slice %arg8[%add3A_375, %dma_wait3A_382] : memref<160x128xi32, #tpu.memory_space<vmem>> -> memref<1x128xi32, #tpu.memory_space<vmem>>
      %dma_wait3A_384 = tpu.memref_squeeze %dma_wait3A_383 : memref<1x128xi32, #tpu.memory_space<vmem>> -> memref<128xi32, #tpu.memory_space<vmem>>
      %dma_wait3A_385 = arith.constant 0 : i32
      %dma_wait3A_386 = arith.constant 0 : i32
      %dma_wait3A_387 = tpu.memref_slice %arg2[%dma_wait3A_385, %dma_wait3A_386] : memref<20480x32xf32, #tpu.memory_space<hbm>> -> memref<20480x32xf32, #tpu.memory_space<hbm>>
      %dma_wait3A_388 = tpu.memref_slice %arg15[%dma_wait3A_377] : memref<8x!tpu.dma_semaphore, #tpu.memory_space<semaphore_mem>> -> memref<1x!tpu.dma_semaphore, #tpu.memory_space<semaphore_mem>>
      %dma_wait3A_389 = tpu.memref_squeeze %dma_wait3A_388 : memref<1x!tpu.dma_semaphore, #tpu.memory_space<semaphore_mem>> -> memref<!tpu.dma_semaphore, #tpu.memory_space<semaphore_mem>>
      tpu.wait_indirect_dma semaphore(%dma_wait3A_389 : memref<!tpu.dma_semaphore, #tpu.memory_space<semaphore_mem>>) src(%dma_wait3A_387 : memref<20480x32xf32, #tpu.memory_space<hbm>>) dst(%dma_wait3A_381 : memref<128x32xf32, #tpu.memory_space<vmem>>)
      %dma_start3A_390 = arith.constant 4 : i32
      %dma_start3A_391 = arith.constant 4 : i32
      %dma_start3A_392 = arith.constant 0 : i32
      %dma_start3A_393 = arith.constant 0 : i32
      %dma_start3A_394 = tpu.memref_slice %arg10[%dma_start3A_390, %dma_start3A_392, %dma_start3A_393] : memref<8x128x32xf32, #tpu.memory_space<vmem>> -> memref<1x128x32xf32, #tpu.memory_space<vmem>>
      %dma_start3A_395 = tpu.memref_squeeze %dma_start3A_394 : memref<1x128x32xf32, #tpu.memory_space<vmem>> -> memref<128x32xf32, #tpu.memory_space<vmem>>
      %dma_start3A_396 = arith.constant 0 : i32
      %dma_start3A_397 = tpu.memref_slice %arg9[%add3A_375, %dma_start3A_396] : memref<160x128xi32, #tpu.memory_space<vmem>> -> memref<1x128xi32, #tpu.memory_space<vmem>>
      %dma_start3A_398 = tpu.memref_squeeze %dma_start3A_397 : memref<1x128xi32, #tpu.memory_space<vmem>> -> memref<128xi32, #tpu.memory_space<vmem>>
      %dma_start3A_399 = arith.constant 0 : i32
      %dma_start3A_400 = arith.constant 0 : i32
      %dma_start3A_401 = tpu.memref_slice %arg14[%dma_start3A_399, %dma_start3A_400] : memref<10240x32xf32, #tpu.memory_space<vmem_shared>> -> memref<10240x32xf32, #tpu.memory_space<vmem_shared>>
      %dma_start3A_402 = tpu.memref_slice %arg16[%dma_start3A_391] : memref<8x!tpu.dma_semaphore, #tpu.memory_space<semaphore_mem>> -> memref<1x!tpu.dma_semaphore, #tpu.memory_space<semaphore_mem>>
      %dma_start3A_403 = tpu.memref_squeeze %dma_start3A_402 : memref<1x!tpu.dma_semaphore, #tpu.memory_space<semaphore_mem>> -> memref<!tpu.dma_semaphore, #tpu.memory_space<semaphore_mem>>
      tpu.enqueue_indirect_dma source(%dma_start3A_395 : memref<128x32xf32, #tpu.memory_space<vmem>>) target(%dma_start3A_401 : memref<10240x32xf32, #tpu.memory_space<vmem_shared>>) offsets(%dma_start3A_398 : memref<128xi32, #tpu.memory_space<vmem>>) semaphore(%dma_start3A_403 : memref<!tpu.dma_semaphore, #tpu.memory_space<semaphore_mem>>) {add = true}
      %add3A_404 = arith.constant 6 : i32
      %add3A_405 = arith.addi %add3A_375, %add3A_404 : i32
      %lt3A_406 = arith.constant 160 : i32
      %lt3A_407 = arith.cmpi slt, %add3A_405, %lt3A_406 : i32
      %convert_element_type3A_408 = arith.extui %lt3A_407 : i1 to i32
      %cond3A_409 = arith.constant 0 : i32
      %cond3A_410 = arith.cmpi ne, %convert_element_type3A_408, %cond3A_409 : i32
      scf.if %cond3A_410 {
        %add3A_528 = arith.constant 6 : i32
        %add3A_529 = arith.addi %add3A_375, %add3A_528 : i32
        %ge3A = arith.constant 8 : i32
        %ge3A_530 = arith.cmpi sge, %add3A_529, %ge3A : i32
        %convert_element_type3A_531 = arith.extui %ge3A_530 : i1 to i32
        %cond3A_532 = arith.constant 0 : i32
        %cond3A_533 = arith.cmpi ne, %convert_element_type3A_531, %cond3A_532 : i32
        scf.if %cond3A_533 {
          %add3A_550 = arith.constant 6 : i32
          %add3A_551 = arith.addi %add3A_375, %add3A_550 : i32
          %sub3A = arith.constant 8 : i32
          %sub3A_552 = arith.subi %add3A_551, %sub3A : i32
          %dma_wait3A_553 = arith.constant 2 : i32
          %dma_wait3A_554 = arith.constant 2 : i32
          %dma_wait3A_555 = arith.constant 0 : i32
          %dma_wait3A_556 = arith.constant 0 : i32
          %dma_wait3A_557 = tpu.memref_slice %arg10[%dma_wait3A_553, %dma_wait3A_555, %dma_wait3A_556] : memref<8x128x32xf32, #tpu.memory_space<vmem>> -> memref<1x128x32xf32, #tpu.memory_space<vmem>>
          %dma_wait3A_558 = tpu.memref_squeeze %dma_wait3A_557 : memref<1x128x32xf32, #tpu.memory_space<vmem>> -> memref<128x32xf32, #tpu.memory_space<vmem>>
          %dma_wait3A_559 = arith.constant 0 : i32
          %dma_wait3A_560 = tpu.memref_slice %arg9[%sub3A_552, %dma_wait3A_559] : memref<160x128xi32, #tpu.memory_space<vmem>> -> memref<1x128xi32, #tpu.memory_space<vmem>>
          %dma_wait3A_561 = tpu.memref_squeeze %dma_wait3A_560 : memref<1x128xi32, #tpu.memory_space<vmem>> -> memref<128xi32, #tpu.memory_space<vmem>>
          %dma_wait3A_562 = arith.constant 0 : i32
          %dma_wait3A_563 = arith.constant 0 : i32
          %dma_wait3A_564 = tpu.memref_slice %arg14[%dma_wait3A_562, %dma_wait3A_563] : memref<10240x32xf32, #tpu.memory_space<vmem_shared>> -> memref<10240x32xf32, #tpu.memory_space<vmem_shared>>
          %dma_wait3A_565 = tpu.memref_slice %arg16[%dma_wait3A_554] : memref<8x!tpu.dma_semaphore, #tpu.memory_space<semaphore_mem>> -> memref<1x!tpu.dma_semaphore, #tpu.memory_space<semaphore_mem>>
          %dma_wait3A_566 = tpu.memref_squeeze %dma_wait3A_565 : memref<1x!tpu.dma_semaphore, #tpu.memory_space<semaphore_mem>> -> memref<!tpu.dma_semaphore, #tpu.memory_space<semaphore_mem>>
          tpu.wait_indirect_dma semaphore(%dma_wait3A_566 : memref<!tpu.dma_semaphore, #tpu.memory_space<semaphore_mem>>) src(%dma_wait3A_558 : memref<128x32xf32, #tpu.memory_space<vmem>>) dst(%dma_wait3A_564 : memref<10240x32xf32, #tpu.memory_space<vmem_shared>>)
        } else {
        }
        %add3A_534 = arith.constant 6 : i32
        %add3A_535 = arith.addi %add3A_375, %add3A_534 : i32
        %dma_start3A_536 = arith.constant 2 : i32
        %dma_start3A_537 = arith.constant 2 : i32
        %dma_start3A_538 = arith.constant 0 : i32
        %dma_start3A_539 = arith.constant 0 : i32
        %dma_start3A_540 = tpu.memref_slice %arg10[%dma_start3A_536, %dma_start3A_538, %dma_start3A_539] : memref<8x128x32xf32, #tpu.memory_space<vmem>> -> memref<1x128x32xf32, #tpu.memory_space<vmem>>
        %dma_start3A_541 = tpu.memref_squeeze %dma_start3A_540 : memref<1x128x32xf32, #tpu.memory_space<vmem>> -> memref<128x32xf32, #tpu.memory_space<vmem>>
        %dma_start3A_542 = arith.constant 0 : i32
        %dma_start3A_543 = tpu.memref_slice %arg8[%add3A_535, %dma_start3A_542] : memref<160x128xi32, #tpu.memory_space<vmem>> -> memref<1x128xi32, #tpu.memory_space<vmem>>
        %dma_start3A_544 = tpu.memref_squeeze %dma_start3A_543 : memref<1x128xi32, #tpu.memory_space<vmem>> -> memref<128xi32, #tpu.memory_space<vmem>>
        %dma_start3A_545 = arith.constant 0 : i32
        %dma_start3A_546 = arith.constant 0 : i32
        %dma_start3A_547 = tpu.memref_slice %arg2[%dma_start3A_545, %dma_start3A_546] : memref<20480x32xf32, #tpu.memory_space<hbm>> -> memref<20480x32xf32, #tpu.memory_space<hbm>>
        %dma_start3A_548 = tpu.memref_slice %arg15[%dma_start3A_537] : memref<8x!tpu.dma_semaphore, #tpu.memory_space<semaphore_mem>> -> memref<1x!tpu.dma_semaphore, #tpu.memory_space<semaphore_mem>>
        %dma_start3A_549 = tpu.memref_squeeze %dma_start3A_548 : memref<1x!tpu.dma_semaphore, #tpu.memory_space<semaphore_mem>> -> memref<!tpu.dma_semaphore, #tpu.memory_space<semaphore_mem>>
        tpu.enqueue_indirect_dma source(%dma_start3A_547 : memref<20480x32xf32, #tpu.memory_space<hbm>>) target(%dma_start3A_541 : memref<128x32xf32, #tpu.memory_space<vmem>>) offsets(%dma_start3A_544 : memref<128xi32, #tpu.memory_space<vmem>>) semaphore(%dma_start3A_549 : memref<!tpu.dma_semaphore, #tpu.memory_space<semaphore_mem>>)
      } else {
      }
      %mul3A_411 = arith.constant 8 : i32
      %mul3A_412 = arith.muli %scan3A_219, %mul3A_411 : i32
      %add3A_413 = arith.constant 5 : i32
      %add3A_414 = arith.addi %mul3A_412, %add3A_413 : i32
      %dma_wait3A_415 = arith.constant 5 : i32
      %dma_wait3A_416 = arith.constant 5 : i32
      %dma_wait3A_417 = arith.constant 0 : i32
      %dma_wait3A_418 = arith.constant 0 : i32
      %dma_wait3A_419 = tpu.memref_slice %arg10[%dma_wait3A_415, %dma_wait3A_417, %dma_wait3A_418] : memref<8x128x32xf32, #tpu.memory_space<vmem>> -> memref<1x128x32xf32, #tpu.memory_space<vmem>>
      %dma_wait3A_420 = tpu.memref_squeeze %dma_wait3A_419 : memref<1x128x32xf32, #tpu.memory_space<vmem>> -> memref<128x32xf32, #tpu.memory_space<vmem>>
      %dma_wait3A_421 = arith.constant 0 : i32
      %dma_wait3A_422 = tpu.memref_slice %arg8[%add3A_414, %dma_wait3A_421] : memref<160x128xi32, #tpu.memory_space<vmem>> -> memref<1x128xi32, #tpu.memory_space<vmem>>
      %dma_wait3A_423 = tpu.memref_squeeze %dma_wait3A_422 : memref<1x128xi32, #tpu.memory_space<vmem>> -> memref<128xi32, #tpu.memory_space<vmem>>
      %dma_wait3A_424 = arith.constant 0 : i32
      %dma_wait3A_425 = arith.constant 0 : i32
      %dma_wait3A_426 = tpu.memref_slice %arg2[%dma_wait3A_424, %dma_wait3A_425] : memref<20480x32xf32, #tpu.memory_space<hbm>> -> memref<20480x32xf32, #tpu.memory_space<hbm>>
      %dma_wait3A_427 = tpu.memref_slice %arg15[%dma_wait3A_416] : memref<8x!tpu.dma_semaphore, #tpu.memory_space<semaphore_mem>> -> memref<1x!tpu.dma_semaphore, #tpu.memory_space<semaphore_mem>>
      %dma_wait3A_428 = tpu.memref_squeeze %dma_wait3A_427 : memref<1x!tpu.dma_semaphore, #tpu.memory_space<semaphore_mem>> -> memref<!tpu.dma_semaphore, #tpu.memory_space<semaphore_mem>>
      tpu.wait_indirect_dma semaphore(%dma_wait3A_428 : memref<!tpu.dma_semaphore, #tpu.memory_space<semaphore_mem>>) src(%dma_wait3A_426 : memref<20480x32xf32, #tpu.memory_space<hbm>>) dst(%dma_wait3A_420 : memref<128x32xf32, #tpu.memory_space<vmem>>)
      %dma_start3A_429 = arith.constant 5 : i32
      %dma_start3A_430 = arith.constant 5 : i32
      %dma_start3A_431 = arith.constant 0 : i32
      %dma_start3A_432 = arith.constant 0 : i32
      %dma_start3A_433 = tpu.memref_slice %arg10[%dma_start3A_429, %dma_start3A_431, %dma_start3A_432] : memref<8x128x32xf32, #tpu.memory_space<vmem>> -> memref<1x128x32xf32, #tpu.memory_space<vmem>>
      %dma_start3A_434 = tpu.memref_squeeze %dma_start3A_433 : memref<1x128x32xf32, #tpu.memory_space<vmem>> -> memref<128x32xf32, #tpu.memory_space<vmem>>
      %dma_start3A_435 = arith.constant 0 : i32
      %dma_start3A_436 = tpu.memref_slice %arg9[%add3A_414, %dma_start3A_435] : memref<160x128xi32, #tpu.memory_space<vmem>> -> memref<1x128xi32, #tpu.memory_space<vmem>>
      %dma_start3A_437 = tpu.memref_squeeze %dma_start3A_436 : memref<1x128xi32, #tpu.memory_space<vmem>> -> memref<128xi32, #tpu.memory_space<vmem>>
      %dma_start3A_438 = arith.constant 0 : i32
      %dma_start3A_439 = arith.constant 0 : i32
      %dma_start3A_440 = tpu.memref_slice %arg14[%dma_start3A_438, %dma_start3A_439] : memref<10240x32xf32, #tpu.memory_space<vmem_shared>> -> memref<10240x32xf32, #tpu.memory_space<vmem_shared>>
      %dma_start3A_441 = tpu.memref_slice %arg16[%dma_start3A_430] : memref<8x!tpu.dma_semaphore, #tpu.memory_space<semaphore_mem>> -> memref<1x!tpu.dma_semaphore, #tpu.memory_space<semaphore_mem>>
      %dma_start3A_442 = tpu.memref_squeeze %dma_start3A_441 : memref<1x!tpu.dma_semaphore, #tpu.memory_space<semaphore_mem>> -> memref<!tpu.dma_semaphore, #tpu.memory_space<semaphore_mem>>
      tpu.enqueue_indirect_dma source(%dma_start3A_434 : memref<128x32xf32, #tpu.memory_space<vmem>>) target(%dma_start3A_440 : memref<10240x32xf32, #tpu.memory_space<vmem_shared>>) offsets(%dma_start3A_437 : memref<128xi32, #tpu.memory_space<vmem>>) semaphore(%dma_start3A_442 : memref<!tpu.dma_semaphore, #tpu.memory_space<semaphore_mem>>) {add = true}
      %add3A_443 = arith.constant 6 : i32
      %add3A_444 = arith.addi %add3A_414, %add3A_443 : i32
      %lt3A_445 = arith.constant 160 : i32
      %lt3A_446 = arith.cmpi slt, %add3A_444, %lt3A_445 : i32
      %convert_element_type3A_447 = arith.extui %lt3A_446 : i1 to i32
      %cond3A_448 = arith.constant 0 : i32
      %cond3A_449 = arith.cmpi ne, %convert_element_type3A_447, %cond3A_448 : i32
      scf.if %cond3A_449 {
        %add3A_528 = arith.constant 6 : i32
        %add3A_529 = arith.addi %add3A_414, %add3A_528 : i32
        %ge3A = arith.constant 8 : i32
        %ge3A_530 = arith.cmpi sge, %add3A_529, %ge3A : i32
        %convert_element_type3A_531 = arith.extui %ge3A_530 : i1 to i32
        %cond3A_532 = arith.constant 0 : i32
        %cond3A_533 = arith.cmpi ne, %convert_element_type3A_531, %cond3A_532 : i32
        scf.if %cond3A_533 {
          %add3A_550 = arith.constant 6 : i32
          %add3A_551 = arith.addi %add3A_414, %add3A_550 : i32
          %sub3A = arith.constant 8 : i32
          %sub3A_552 = arith.subi %add3A_551, %sub3A : i32
          %dma_wait3A_553 = arith.constant 3 : i32
          %dma_wait3A_554 = arith.constant 3 : i32
          %dma_wait3A_555 = arith.constant 0 : i32
          %dma_wait3A_556 = arith.constant 0 : i32
          %dma_wait3A_557 = tpu.memref_slice %arg10[%dma_wait3A_553, %dma_wait3A_555, %dma_wait3A_556] : memref<8x128x32xf32, #tpu.memory_space<vmem>> -> memref<1x128x32xf32, #tpu.memory_space<vmem>>
          %dma_wait3A_558 = tpu.memref_squeeze %dma_wait3A_557 : memref<1x128x32xf32, #tpu.memory_space<vmem>> -> memref<128x32xf32, #tpu.memory_space<vmem>>
          %dma_wait3A_559 = arith.constant 0 : i32
          %dma_wait3A_560 = tpu.memref_slice %arg9[%sub3A_552, %dma_wait3A_559] : memref<160x128xi32, #tpu.memory_space<vmem>> -> memref<1x128xi32, #tpu.memory_space<vmem>>
          %dma_wait3A_561 = tpu.memref_squeeze %dma_wait3A_560 : memref<1x128xi32, #tpu.memory_space<vmem>> -> memref<128xi32, #tpu.memory_space<vmem>>
          %dma_wait3A_562 = arith.constant 0 : i32
          %dma_wait3A_563 = arith.constant 0 : i32
          %dma_wait3A_564 = tpu.memref_slice %arg14[%dma_wait3A_562, %dma_wait3A_563] : memref<10240x32xf32, #tpu.memory_space<vmem_shared>> -> memref<10240x32xf32, #tpu.memory_space<vmem_shared>>
          %dma_wait3A_565 = tpu.memref_slice %arg16[%dma_wait3A_554] : memref<8x!tpu.dma_semaphore, #tpu.memory_space<semaphore_mem>> -> memref<1x!tpu.dma_semaphore, #tpu.memory_space<semaphore_mem>>
          %dma_wait3A_566 = tpu.memref_squeeze %dma_wait3A_565 : memref<1x!tpu.dma_semaphore, #tpu.memory_space<semaphore_mem>> -> memref<!tpu.dma_semaphore, #tpu.memory_space<semaphore_mem>>
          tpu.wait_indirect_dma semaphore(%dma_wait3A_566 : memref<!tpu.dma_semaphore, #tpu.memory_space<semaphore_mem>>) src(%dma_wait3A_558 : memref<128x32xf32, #tpu.memory_space<vmem>>) dst(%dma_wait3A_564 : memref<10240x32xf32, #tpu.memory_space<vmem_shared>>)
        } else {
        }
        %add3A_534 = arith.constant 6 : i32
        %add3A_535 = arith.addi %add3A_414, %add3A_534 : i32
        %dma_start3A_536 = arith.constant 3 : i32
        %dma_start3A_537 = arith.constant 3 : i32
        %dma_start3A_538 = arith.constant 0 : i32
        %dma_start3A_539 = arith.constant 0 : i32
        %dma_start3A_540 = tpu.memref_slice %arg10[%dma_start3A_536, %dma_start3A_538, %dma_start3A_539] : memref<8x128x32xf32, #tpu.memory_space<vmem>> -> memref<1x128x32xf32, #tpu.memory_space<vmem>>
        %dma_start3A_541 = tpu.memref_squeeze %dma_start3A_540 : memref<1x128x32xf32, #tpu.memory_space<vmem>> -> memref<128x32xf32, #tpu.memory_space<vmem>>
        %dma_start3A_542 = arith.constant 0 : i32
        %dma_start3A_543 = tpu.memref_slice %arg8[%add3A_535, %dma_start3A_542] : memref<160x128xi32, #tpu.memory_space<vmem>> -> memref<1x128xi32, #tpu.memory_space<vmem>>
        %dma_start3A_544 = tpu.memref_squeeze %dma_start3A_543 : memref<1x128xi32, #tpu.memory_space<vmem>> -> memref<128xi32, #tpu.memory_space<vmem>>
        %dma_start3A_545 = arith.constant 0 : i32
        %dma_start3A_546 = arith.constant 0 : i32
        %dma_start3A_547 = tpu.memref_slice %arg2[%dma_start3A_545, %dma_start3A_546] : memref<20480x32xf32, #tpu.memory_space<hbm>> -> memref<20480x32xf32, #tpu.memory_space<hbm>>
        %dma_start3A_548 = tpu.memref_slice %arg15[%dma_start3A_537] : memref<8x!tpu.dma_semaphore, #tpu.memory_space<semaphore_mem>> -> memref<1x!tpu.dma_semaphore, #tpu.memory_space<semaphore_mem>>
        %dma_start3A_549 = tpu.memref_squeeze %dma_start3A_548 : memref<1x!tpu.dma_semaphore, #tpu.memory_space<semaphore_mem>> -> memref<!tpu.dma_semaphore, #tpu.memory_space<semaphore_mem>>
        tpu.enqueue_indirect_dma source(%dma_start3A_547 : memref<20480x32xf32, #tpu.memory_space<hbm>>) target(%dma_start3A_541 : memref<128x32xf32, #tpu.memory_space<vmem>>) offsets(%dma_start3A_544 : memref<128xi32, #tpu.memory_space<vmem>>) semaphore(%dma_start3A_549 : memref<!tpu.dma_semaphore, #tpu.memory_space<semaphore_mem>>)
      } else {
      }
      %mul3A_450 = arith.constant 8 : i32
      %mul3A_451 = arith.muli %scan3A_219, %mul3A_450 : i32
      %add3A_452 = arith.constant 6 : i32
      %add3A_453 = arith.addi %mul3A_451, %add3A_452 : i32
      %dma_wait3A_454 = arith.constant 6 : i32
      %dma_wait3A_455 = arith.constant 6 : i32
      %dma_wait3A_456 = arith.constant 0 : i32
      %dma_wait3A_457 = arith.constant 0 : i32
      %dma_wait3A_458 = tpu.memref_slice %arg10[%dma_wait3A_454, %dma_wait3A_456, %dma_wait3A_457] : memref<8x128x32xf32, #tpu.memory_space<vmem>> -> memref<1x128x32xf32, #tpu.memory_space<vmem>>
      %dma_wait3A_459 = tpu.memref_squeeze %dma_wait3A_458 : memref<1x128x32xf32, #tpu.memory_space<vmem>> -> memref<128x32xf32, #tpu.memory_space<vmem>>
      %dma_wait3A_460 = arith.constant 0 : i32
      %dma_wait3A_461 = tpu.memref_slice %arg8[%add3A_453, %dma_wait3A_460] : memref<160x128xi32, #tpu.memory_space<vmem>> -> memref<1x128xi32, #tpu.memory_space<vmem>>
      %dma_wait3A_462 = tpu.memref_squeeze %dma_wait3A_461 : memref<1x128xi32, #tpu.memory_space<vmem>> -> memref<128xi32, #tpu.memory_space<vmem>>
      %dma_wait3A_463 = arith.constant 0 : i32
      %dma_wait3A_464 = arith.constant 0 : i32
      %dma_wait3A_465 = tpu.memref_slice %arg2[%dma_wait3A_463, %dma_wait3A_464] : memref<20480x32xf32, #tpu.memory_space<hbm>> -> memref<20480x32xf32, #tpu.memory_space<hbm>>
      %dma_wait3A_466 = tpu.memref_slice %arg15[%dma_wait3A_455] : memref<8x!tpu.dma_semaphore, #tpu.memory_space<semaphore_mem>> -> memref<1x!tpu.dma_semaphore, #tpu.memory_space<semaphore_mem>>
      %dma_wait3A_467 = tpu.memref_squeeze %dma_wait3A_466 : memref<1x!tpu.dma_semaphore, #tpu.memory_space<semaphore_mem>> -> memref<!tpu.dma_semaphore, #tpu.memory_space<semaphore_mem>>
      tpu.wait_indirect_dma semaphore(%dma_wait3A_467 : memref<!tpu.dma_semaphore, #tpu.memory_space<semaphore_mem>>) src(%dma_wait3A_465 : memref<20480x32xf32, #tpu.memory_space<hbm>>) dst(%dma_wait3A_459 : memref<128x32xf32, #tpu.memory_space<vmem>>)
      %dma_start3A_468 = arith.constant 6 : i32
      %dma_start3A_469 = arith.constant 6 : i32
      %dma_start3A_470 = arith.constant 0 : i32
      %dma_start3A_471 = arith.constant 0 : i32
      %dma_start3A_472 = tpu.memref_slice %arg10[%dma_start3A_468, %dma_start3A_470, %dma_start3A_471] : memref<8x128x32xf32, #tpu.memory_space<vmem>> -> memref<1x128x32xf32, #tpu.memory_space<vmem>>
      %dma_start3A_473 = tpu.memref_squeeze %dma_start3A_472 : memref<1x128x32xf32, #tpu.memory_space<vmem>> -> memref<128x32xf32, #tpu.memory_space<vmem>>
      %dma_start3A_474 = arith.constant 0 : i32
      %dma_start3A_475 = tpu.memref_slice %arg9[%add3A_453, %dma_start3A_474] : memref<160x128xi32, #tpu.memory_space<vmem>> -> memref<1x128xi32, #tpu.memory_space<vmem>>
      %dma_start3A_476 = tpu.memref_squeeze %dma_start3A_475 : memref<1x128xi32, #tpu.memory_space<vmem>> -> memref<128xi32, #tpu.memory_space<vmem>>
      %dma_start3A_477 = arith.constant 0 : i32
      %dma_start3A_478 = arith.constant 0 : i32
      %dma_start3A_479 = tpu.memref_slice %arg14[%dma_start3A_477, %dma_start3A_478] : memref<10240x32xf32, #tpu.memory_space<vmem_shared>> -> memref<10240x32xf32, #tpu.memory_space<vmem_shared>>
      %dma_start3A_480 = tpu.memref_slice %arg16[%dma_start3A_469] : memref<8x!tpu.dma_semaphore, #tpu.memory_space<semaphore_mem>> -> memref<1x!tpu.dma_semaphore, #tpu.memory_space<semaphore_mem>>
      %dma_start3A_481 = tpu.memref_squeeze %dma_start3A_480 : memref<1x!tpu.dma_semaphore, #tpu.memory_space<semaphore_mem>> -> memref<!tpu.dma_semaphore, #tpu.memory_space<semaphore_mem>>
      tpu.enqueue_indirect_dma source(%dma_start3A_473 : memref<128x32xf32, #tpu.memory_space<vmem>>) target(%dma_start3A_479 : memref<10240x32xf32, #tpu.memory_space<vmem_shared>>) offsets(%dma_start3A_476 : memref<128xi32, #tpu.memory_space<vmem>>) semaphore(%dma_start3A_481 : memref<!tpu.dma_semaphore, #tpu.memory_space<semaphore_mem>>) {add = true}
      %add3A_482 = arith.constant 6 : i32
      %add3A_483 = arith.addi %add3A_453, %add3A_482 : i32
      %lt3A_484 = arith.constant 160 : i32
      %lt3A_485 = arith.cmpi slt, %add3A_483, %lt3A_484 : i32
      %convert_element_type3A_486 = arith.extui %lt3A_485 : i1 to i32
      %cond3A_487 = arith.constant 0 : i32
      %cond3A_488 = arith.cmpi ne, %convert_element_type3A_486, %cond3A_487 : i32
      scf.if %cond3A_488 {
        %add3A_528 = arith.constant 6 : i32
        %add3A_529 = arith.addi %add3A_453, %add3A_528 : i32
        %ge3A = arith.constant 8 : i32
        %ge3A_530 = arith.cmpi sge, %add3A_529, %ge3A : i32
        %convert_element_type3A_531 = arith.extui %ge3A_530 : i1 to i32
        %cond3A_532 = arith.constant 0 : i32
        %cond3A_533 = arith.cmpi ne, %convert_element_type3A_531, %cond3A_532 : i32
        scf.if %cond3A_533 {
          %add3A_550 = arith.constant 6 : i32
          %add3A_551 = arith.addi %add3A_453, %add3A_550 : i32
          %sub3A = arith.constant 8 : i32
          %sub3A_552 = arith.subi %add3A_551, %sub3A : i32
          %dma_wait3A_553 = arith.constant 4 : i32
          %dma_wait3A_554 = arith.constant 4 : i32
          %dma_wait3A_555 = arith.constant 0 : i32
          %dma_wait3A_556 = arith.constant 0 : i32
          %dma_wait3A_557 = tpu.memref_slice %arg10[%dma_wait3A_553, %dma_wait3A_555, %dma_wait3A_556] : memref<8x128x32xf32, #tpu.memory_space<vmem>> -> memref<1x128x32xf32, #tpu.memory_space<vmem>>
          %dma_wait3A_558 = tpu.memref_squeeze %dma_wait3A_557 : memref<1x128x32xf32, #tpu.memory_space<vmem>> -> memref<128x32xf32, #tpu.memory_space<vmem>>
          %dma_wait3A_559 = arith.constant 0 : i32
          %dma_wait3A_560 = tpu.memref_slice %arg9[%sub3A_552, %dma_wait3A_559] : memref<160x128xi32, #tpu.memory_space<vmem>> -> memref<1x128xi32, #tpu.memory_space<vmem>>
          %dma_wait3A_561 = tpu.memref_squeeze %dma_wait3A_560 : memref<1x128xi32, #tpu.memory_space<vmem>> -> memref<128xi32, #tpu.memory_space<vmem>>
          %dma_wait3A_562 = arith.constant 0 : i32
          %dma_wait3A_563 = arith.constant 0 : i32
          %dma_wait3A_564 = tpu.memref_slice %arg14[%dma_wait3A_562, %dma_wait3A_563] : memref<10240x32xf32, #tpu.memory_space<vmem_shared>> -> memref<10240x32xf32, #tpu.memory_space<vmem_shared>>
          %dma_wait3A_565 = tpu.memref_slice %arg16[%dma_wait3A_554] : memref<8x!tpu.dma_semaphore, #tpu.memory_space<semaphore_mem>> -> memref<1x!tpu.dma_semaphore, #tpu.memory_space<semaphore_mem>>
          %dma_wait3A_566 = tpu.memref_squeeze %dma_wait3A_565 : memref<1x!tpu.dma_semaphore, #tpu.memory_space<semaphore_mem>> -> memref<!tpu.dma_semaphore, #tpu.memory_space<semaphore_mem>>
          tpu.wait_indirect_dma semaphore(%dma_wait3A_566 : memref<!tpu.dma_semaphore, #tpu.memory_space<semaphore_mem>>) src(%dma_wait3A_558 : memref<128x32xf32, #tpu.memory_space<vmem>>) dst(%dma_wait3A_564 : memref<10240x32xf32, #tpu.memory_space<vmem_shared>>)
        } else {
        }
        %add3A_534 = arith.constant 6 : i32
        %add3A_535 = arith.addi %add3A_453, %add3A_534 : i32
        %dma_start3A_536 = arith.constant 4 : i32
        %dma_start3A_537 = arith.constant 4 : i32
        %dma_start3A_538 = arith.constant 0 : i32
        %dma_start3A_539 = arith.constant 0 : i32
        %dma_start3A_540 = tpu.memref_slice %arg10[%dma_start3A_536, %dma_start3A_538, %dma_start3A_539] : memref<8x128x32xf32, #tpu.memory_space<vmem>> -> memref<1x128x32xf32, #tpu.memory_space<vmem>>
        %dma_start3A_541 = tpu.memref_squeeze %dma_start3A_540 : memref<1x128x32xf32, #tpu.memory_space<vmem>> -> memref<128x32xf32, #tpu.memory_space<vmem>>
        %dma_start3A_542 = arith.constant 0 : i32
        %dma_start3A_543 = tpu.memref_slice %arg8[%add3A_535, %dma_start3A_542] : memref<160x128xi32, #tpu.memory_space<vmem>> -> memref<1x128xi32, #tpu.memory_space<vmem>>
        %dma_start3A_544 = tpu.memref_squeeze %dma_start3A_543 : memref<1x128xi32, #tpu.memory_space<vmem>> -> memref<128xi32, #tpu.memory_space<vmem>>
        %dma_start3A_545 = arith.constant 0 : i32
        %dma_start3A_546 = arith.constant 0 : i32
        %dma_start3A_547 = tpu.memref_slice %arg2[%dma_start3A_545, %dma_start3A_546] : memref<20480x32xf32, #tpu.memory_space<hbm>> -> memref<20480x32xf32, #tpu.memory_space<hbm>>
        %dma_start3A_548 = tpu.memref_slice %arg15[%dma_start3A_537] : memref<8x!tpu.dma_semaphore, #tpu.memory_space<semaphore_mem>> -> memref<1x!tpu.dma_semaphore, #tpu.memory_space<semaphore_mem>>
        %dma_start3A_549 = tpu.memref_squeeze %dma_start3A_548 : memref<1x!tpu.dma_semaphore, #tpu.memory_space<semaphore_mem>> -> memref<!tpu.dma_semaphore, #tpu.memory_space<semaphore_mem>>
        tpu.enqueue_indirect_dma source(%dma_start3A_547 : memref<20480x32xf32, #tpu.memory_space<hbm>>) target(%dma_start3A_541 : memref<128x32xf32, #tpu.memory_space<vmem>>) offsets(%dma_start3A_544 : memref<128xi32, #tpu.memory_space<vmem>>) semaphore(%dma_start3A_549 : memref<!tpu.dma_semaphore, #tpu.memory_space<semaphore_mem>>)
      } else {
      }
      %mul3A_489 = arith.constant 8 : i32
      %mul3A_490 = arith.muli %scan3A_219, %mul3A_489 : i32
      %add3A_491 = arith.constant 7 : i32
      %add3A_492 = arith.addi %mul3A_490, %add3A_491 : i32
      %dma_wait3A_493 = arith.constant 7 : i32
      %dma_wait3A_494 = arith.constant 7 : i32
      %dma_wait3A_495 = arith.constant 0 : i32
      %dma_wait3A_496 = arith.constant 0 : i32
      %dma_wait3A_497 = tpu.memref_slice %arg10[%dma_wait3A_493, %dma_wait3A_495, %dma_wait3A_496] : memref<8x128x32xf32, #tpu.memory_space<vmem>> -> memref<1x128x32xf32, #tpu.memory_space<vmem>>
      %dma_wait3A_498 = tpu.memref_squeeze %dma_wait3A_497 : memref<1x128x32xf32, #tpu.memory_space<vmem>> -> memref<128x32xf32, #tpu.memory_space<vmem>>
      %dma_wait3A_499 = arith.constant 0 : i32
      %dma_wait3A_500 = tpu.memref_slice %arg8[%add3A_492, %dma_wait3A_499] : memref<160x128xi32, #tpu.memory_space<vmem>> -> memref<1x128xi32, #tpu.memory_space<vmem>>
      %dma_wait3A_501 = tpu.memref_squeeze %dma_wait3A_500 : memref<1x128xi32, #tpu.memory_space<vmem>> -> memref<128xi32, #tpu.memory_space<vmem>>
      %dma_wait3A_502 = arith.constant 0 : i32
      %dma_wait3A_503 = arith.constant 0 : i32
      %dma_wait3A_504 = tpu.memref_slice %arg2[%dma_wait3A_502, %dma_wait3A_503] : memref<20480x32xf32, #tpu.memory_space<hbm>> -> memref<20480x32xf32, #tpu.memory_space<hbm>>
      %dma_wait3A_505 = tpu.memref_slice %arg15[%dma_wait3A_494] : memref<8x!tpu.dma_semaphore, #tpu.memory_space<semaphore_mem>> -> memref<1x!tpu.dma_semaphore, #tpu.memory_space<semaphore_mem>>
      %dma_wait3A_506 = tpu.memref_squeeze %dma_wait3A_505 : memref<1x!tpu.dma_semaphore, #tpu.memory_space<semaphore_mem>> -> memref<!tpu.dma_semaphore, #tpu.memory_space<semaphore_mem>>
      tpu.wait_indirect_dma semaphore(%dma_wait3A_506 : memref<!tpu.dma_semaphore, #tpu.memory_space<semaphore_mem>>) src(%dma_wait3A_504 : memref<20480x32xf32, #tpu.memory_space<hbm>>) dst(%dma_wait3A_498 : memref<128x32xf32, #tpu.memory_space<vmem>>)
      %dma_start3A_507 = arith.constant 7 : i32
      %dma_start3A_508 = arith.constant 7 : i32
      %dma_start3A_509 = arith.constant 0 : i32
      %dma_start3A_510 = arith.constant 0 : i32
      %dma_start3A_511 = tpu.memref_slice %arg10[%dma_start3A_507, %dma_start3A_509, %dma_start3A_510] : memref<8x128x32xf32, #tpu.memory_space<vmem>> -> memref<1x128x32xf32, #tpu.memory_space<vmem>>
      %dma_start3A_512 = tpu.memref_squeeze %dma_start3A_511 : memref<1x128x32xf32, #tpu.memory_space<vmem>> -> memref<128x32xf32, #tpu.memory_space<vmem>>
      %dma_start3A_513 = arith.constant 0 : i32
      %dma_start3A_514 = tpu.memref_slice %arg9[%add3A_492, %dma_start3A_513] : memref<160x128xi32, #tpu.memory_space<vmem>> -> memref<1x128xi32, #tpu.memory_space<vmem>>
      %dma_start3A_515 = tpu.memref_squeeze %dma_start3A_514 : memref<1x128xi32, #tpu.memory_space<vmem>> -> memref<128xi32, #tpu.memory_space<vmem>>
      %dma_start3A_516 = arith.constant 0 : i32
      %dma_start3A_517 = arith.constant 0 : i32
      %dma_start3A_518 = tpu.memref_slice %arg14[%dma_start3A_516, %dma_start3A_517] : memref<10240x32xf32, #tpu.memory_space<vmem_shared>> -> memref<10240x32xf32, #tpu.memory_space<vmem_shared>>
      %dma_start3A_519 = tpu.memref_slice %arg16[%dma_start3A_508] : memref<8x!tpu.dma_semaphore, #tpu.memory_space<semaphore_mem>> -> memref<1x!tpu.dma_semaphore, #tpu.memory_space<semaphore_mem>>
      %dma_start3A_520 = tpu.memref_squeeze %dma_start3A_519 : memref<1x!tpu.dma_semaphore, #tpu.memory_space<semaphore_mem>> -> memref<!tpu.dma_semaphore, #tpu.memory_space<semaphore_mem>>
      tpu.enqueue_indirect_dma source(%dma_start3A_512 : memref<128x32xf32, #tpu.memory_space<vmem>>) target(%dma_start3A_518 : memref<10240x32xf32, #tpu.memory_space<vmem_shared>>) offsets(%dma_start3A_515 : memref<128xi32, #tpu.memory_space<vmem>>) semaphore(%dma_start3A_520 : memref<!tpu.dma_semaphore, #tpu.memory_space<semaphore_mem>>) {add = true}
      %add3A_521 = arith.constant 6 : i32
      %add3A_522 = arith.addi %add3A_492, %add3A_521 : i32
      %lt3A_523 = arith.constant 160 : i32
      %lt3A_524 = arith.cmpi slt, %add3A_522, %lt3A_523 : i32
      %convert_element_type3A_525 = arith.extui %lt3A_524 : i1 to i32
      %cond3A_526 = arith.constant 0 : i32
      %cond3A_527 = arith.cmpi ne, %convert_element_type3A_525, %cond3A_526 : i32
      scf.if %cond3A_527 {
        %add3A_528 = arith.constant 6 : i32
        %add3A_529 = arith.addi %add3A_492, %add3A_528 : i32
        %ge3A = arith.constant 8 : i32
        %ge3A_530 = arith.cmpi sge, %add3A_529, %ge3A : i32
        %convert_element_type3A_531 = arith.extui %ge3A_530 : i1 to i32
        %cond3A_532 = arith.constant 0 : i32
        %cond3A_533 = arith.cmpi ne, %convert_element_type3A_531, %cond3A_532 : i32
        scf.if %cond3A_533 {
          %add3A_550 = arith.constant 6 : i32
          %add3A_551 = arith.addi %add3A_492, %add3A_550 : i32
          %sub3A = arith.constant 8 : i32
          %sub3A_552 = arith.subi %add3A_551, %sub3A : i32
          %dma_wait3A_553 = arith.constant 5 : i32
          %dma_wait3A_554 = arith.constant 5 : i32
          %dma_wait3A_555 = arith.constant 0 : i32
          %dma_wait3A_556 = arith.constant 0 : i32
          %dma_wait3A_557 = tpu.memref_slice %arg10[%dma_wait3A_553, %dma_wait3A_555, %dma_wait3A_556] : memref<8x128x32xf32, #tpu.memory_space<vmem>> -> memref<1x128x32xf32, #tpu.memory_space<vmem>>
          %dma_wait3A_558 = tpu.memref_squeeze %dma_wait3A_557 : memref<1x128x32xf32, #tpu.memory_space<vmem>> -> memref<128x32xf32, #tpu.memory_space<vmem>>
          %dma_wait3A_559 = arith.constant 0 : i32
          %dma_wait3A_560 = tpu.memref_slice %arg9[%sub3A_552, %dma_wait3A_559] : memref<160x128xi32, #tpu.memory_space<vmem>> -> memref<1x128xi32, #tpu.memory_space<vmem>>
          %dma_wait3A_561 = tpu.memref_squeeze %dma_wait3A_560 : memref<1x128xi32, #tpu.memory_space<vmem>> -> memref<128xi32, #tpu.memory_space<vmem>>
          %dma_wait3A_562 = arith.constant 0 : i32
          %dma_wait3A_563 = arith.constant 0 : i32
          %dma_wait3A_564 = tpu.memref_slice %arg14[%dma_wait3A_562, %dma_wait3A_563] : memref<10240x32xf32, #tpu.memory_space<vmem_shared>> -> memref<10240x32xf32, #tpu.memory_space<vmem_shared>>
          %dma_wait3A_565 = tpu.memref_slice %arg16[%dma_wait3A_554] : memref<8x!tpu.dma_semaphore, #tpu.memory_space<semaphore_mem>> -> memref<1x!tpu.dma_semaphore, #tpu.memory_space<semaphore_mem>>
          %dma_wait3A_566 = tpu.memref_squeeze %dma_wait3A_565 : memref<1x!tpu.dma_semaphore, #tpu.memory_space<semaphore_mem>> -> memref<!tpu.dma_semaphore, #tpu.memory_space<semaphore_mem>>
          tpu.wait_indirect_dma semaphore(%dma_wait3A_566 : memref<!tpu.dma_semaphore, #tpu.memory_space<semaphore_mem>>) src(%dma_wait3A_558 : memref<128x32xf32, #tpu.memory_space<vmem>>) dst(%dma_wait3A_564 : memref<10240x32xf32, #tpu.memory_space<vmem_shared>>)
        } else {
        }
        %add3A_534 = arith.constant 6 : i32
        %add3A_535 = arith.addi %add3A_492, %add3A_534 : i32
        %dma_start3A_536 = arith.constant 5 : i32
        %dma_start3A_537 = arith.constant 5 : i32
        %dma_start3A_538 = arith.constant 0 : i32
        %dma_start3A_539 = arith.constant 0 : i32
        %dma_start3A_540 = tpu.memref_slice %arg10[%dma_start3A_536, %dma_start3A_538, %dma_start3A_539] : memref<8x128x32xf32, #tpu.memory_space<vmem>> -> memref<1x128x32xf32, #tpu.memory_space<vmem>>
        %dma_start3A_541 = tpu.memref_squeeze %dma_start3A_540 : memref<1x128x32xf32, #tpu.memory_space<vmem>> -> memref<128x32xf32, #tpu.memory_space<vmem>>
        %dma_start3A_542 = arith.constant 0 : i32
        %dma_start3A_543 = tpu.memref_slice %arg8[%add3A_535, %dma_start3A_542] : memref<160x128xi32, #tpu.memory_space<vmem>> -> memref<1x128xi32, #tpu.memory_space<vmem>>
        %dma_start3A_544 = tpu.memref_squeeze %dma_start3A_543 : memref<1x128xi32, #tpu.memory_space<vmem>> -> memref<128xi32, #tpu.memory_space<vmem>>
        %dma_start3A_545 = arith.constant 0 : i32
        %dma_start3A_546 = arith.constant 0 : i32
        %dma_start3A_547 = tpu.memref_slice %arg2[%dma_start3A_545, %dma_start3A_546] : memref<20480x32xf32, #tpu.memory_space<hbm>> -> memref<20480x32xf32, #tpu.memory_space<hbm>>
        %dma_start3A_548 = tpu.memref_slice %arg15[%dma_start3A_537] : memref<8x!tpu.dma_semaphore, #tpu.memory_space<semaphore_mem>> -> memref<1x!tpu.dma_semaphore, #tpu.memory_space<semaphore_mem>>
        %dma_start3A_549 = tpu.memref_squeeze %dma_start3A_548 : memref<1x!tpu.dma_semaphore, #tpu.memory_space<semaphore_mem>> -> memref<!tpu.dma_semaphore, #tpu.memory_space<semaphore_mem>>
        tpu.enqueue_indirect_dma source(%dma_start3A_547 : memref<20480x32xf32, #tpu.memory_space<hbm>>) target(%dma_start3A_541 : memref<128x32xf32, #tpu.memory_space<vmem>>) offsets(%dma_start3A_544 : memref<128xi32, #tpu.memory_space<vmem>>) semaphore(%dma_start3A_549 : memref<!tpu.dma_semaphore, #tpu.memory_space<semaphore_mem>>)
      } else {
      }
    }
    %scan3A_93 = arith.constant 20 : i32
    %dma_wait3A = arith.constant 0 : i32
    %dma_wait3A_94 = arith.constant 152 : i32
    %dma_wait3A_95 = arith.constant 0 : i32
    %dma_wait3A_96 = arith.constant 0 : i32
    %dma_wait3A_97 = arith.constant 0 : i32
    %dma_wait3A_98 = tpu.memref_slice %arg10[%dma_wait3A, %dma_wait3A_96, %dma_wait3A_97] : memref<8x128x32xf32, #tpu.memory_space<vmem>> -> memref<1x128x32xf32, #tpu.memory_space<vmem>>
    %dma_wait3A_99 = tpu.memref_squeeze %dma_wait3A_98 : memref<1x128x32xf32, #tpu.memory_space<vmem>> -> memref<128x32xf32, #tpu.memory_space<vmem>>
    %dma_wait3A_100 = arith.constant 0 : i32
    %dma_wait3A_101 = tpu.memref_slice %arg9[%dma_wait3A_94, %dma_wait3A_100] : memref<160x128xi32, #tpu.memory_space<vmem>> -> memref<1x128xi32, #tpu.memory_space<vmem>>
    %dma_wait3A_102 = tpu.memref_squeeze %dma_wait3A_101 : memref<1x128xi32, #tpu.memory_space<vmem>> -> memref<128xi32, #tpu.memory_space<vmem>>
    %dma_wait3A_103 = arith.constant 0 : i32
    %dma_wait3A_104 = arith.constant 0 : i32
    %dma_wait3A_105 = tpu.memref_slice %arg14[%dma_wait3A_103, %dma_wait3A_104] : memref<10240x32xf32, #tpu.memory_space<vmem_shared>> -> memref<10240x32xf32, #tpu.memory_space<vmem_shared>>
    %dma_wait3A_106 = tpu.memref_slice %arg16[%dma_wait3A_95] : memref<8x!tpu.dma_semaphore, #tpu.memory_space<semaphore_mem>> -> memref<1x!tpu.dma_semaphore, #tpu.memory_space<semaphore_mem>>
    %dma_wait3A_107 = tpu.memref_squeeze %dma_wait3A_106 : memref<1x!tpu.dma_semaphore, #tpu.memory_space<semaphore_mem>> -> memref<!tpu.dma_semaphore, #tpu.memory_space<semaphore_mem>>
    tpu.wait_indirect_dma semaphore(%dma_wait3A_107 : memref<!tpu.dma_semaphore, #tpu.memory_space<semaphore_mem>>) src(%dma_wait3A_99 : memref<128x32xf32, #tpu.memory_space<vmem>>) dst(%dma_wait3A_105 : memref<10240x32xf32, #tpu.memory_space<vmem_shared>>)
    %dma_wait3A_108 = arith.constant 1 : i32
    %dma_wait3A_109 = arith.constant 153 : i32
    %dma_wait3A_110 = arith.constant 1 : i32
    %dma_wait3A_111 = arith.constant 0 : i32
    %dma_wait3A_112 = arith.constant 0 : i32
    %dma_wait3A_113 = tpu.memref_slice %arg10[%dma_wait3A_108, %dma_wait3A_111, %dma_wait3A_112] : memref<8x128x32xf32, #tpu.memory_space<vmem>> -> memref<1x128x32xf32, #tpu.memory_space<vmem>>
    %dma_wait3A_114 = tpu.memref_squeeze %dma_wait3A_113 : memref<1x128x32xf32, #tpu.memory_space<vmem>> -> memref<128x32xf32, #tpu.memory_space<vmem>>
    %dma_wait3A_115 = arith.constant 0 : i32
    %dma_wait3A_116 = tpu.memref_slice %arg9[%dma_wait3A_109, %dma_wait3A_115] : memref<160x128xi32, #tpu.memory_space<vmem>> -> memref<1x128xi32, #tpu.memory_space<vmem>>
    %dma_wait3A_117 = tpu.memref_squeeze %dma_wait3A_116 : memref<1x128xi32, #tpu.memory_space<vmem>> -> memref<128xi32, #tpu.memory_space<vmem>>
    %dma_wait3A_118 = arith.constant 0 : i32
    %dma_wait3A_119 = arith.constant 0 : i32
    %dma_wait3A_120 = tpu.memref_slice %arg14[%dma_wait3A_118, %dma_wait3A_119] : memref<10240x32xf32, #tpu.memory_space<vmem_shared>> -> memref<10240x32xf32, #tpu.memory_space<vmem_shared>>
    %dma_wait3A_121 = tpu.memref_slice %arg16[%dma_wait3A_110] : memref<8x!tpu.dma_semaphore, #tpu.memory_space<semaphore_mem>> -> memref<1x!tpu.dma_semaphore, #tpu.memory_space<semaphore_mem>>
    %dma_wait3A_122 = tpu.memref_squeeze %dma_wait3A_121 : memref<1x!tpu.dma_semaphore, #tpu.memory_space<semaphore_mem>> -> memref<!tpu.dma_semaphore, #tpu.memory_space<semaphore_mem>>
    tpu.wait_indirect_dma semaphore(%dma_wait3A_122 : memref<!tpu.dma_semaphore, #tpu.memory_space<semaphore_mem>>) src(%dma_wait3A_114 : memref<128x32xf32, #tpu.memory_space<vmem>>) dst(%dma_wait3A_120 : memref<10240x32xf32, #tpu.memory_space<vmem_shared>>)
    %dma_wait3A_123 = arith.constant 2 : i32
    %dma_wait3A_124 = arith.constant 154 : i32
    %dma_wait3A_125 = arith.constant 2 : i32
    %dma_wait3A_126 = arith.constant 0 : i32
    %dma_wait3A_127 = arith.constant 0 : i32
    %dma_wait3A_128 = tpu.memref_slice %arg10[%dma_wait3A_123, %dma_wait3A_126, %dma_wait3A_127] : memref<8x128x32xf32, #tpu.memory_space<vmem>> -> memref<1x128x32xf32, #tpu.memory_space<vmem>>
    %dma_wait3A_129 = tpu.memref_squeeze %dma_wait3A_128 : memref<1x128x32xf32, #tpu.memory_space<vmem>> -> memref<128x32xf32, #tpu.memory_space<vmem>>
    %dma_wait3A_130 = arith.constant 0 : i32
    %dma_wait3A_131 = tpu.memref_slice %arg9[%dma_wait3A_124, %dma_wait3A_130] : memref<160x128xi32, #tpu.memory_space<vmem>> -> memref<1x128xi32, #tpu.memory_space<vmem>>
    %dma_wait3A_132 = tpu.memref_squeeze %dma_wait3A_131 : memref<1x128xi32, #tpu.memory_space<vmem>> -> memref<128xi32, #tpu.memory_space<vmem>>
    %dma_wait3A_133 = arith.constant 0 : i32
    %dma_wait3A_134 = arith.constant 0 : i32
    %dma_wait3A_135 = tpu.memref_slice %arg14[%dma_wait3A_133, %dma_wait3A_134] : memref<10240x32xf32, #tpu.memory_space<vmem_shared>> -> memref<10240x32xf32, #tpu.memory_space<vmem_shared>>
    %dma_wait3A_136 = tpu.memref_slice %arg16[%dma_wait3A_125] : memref<8x!tpu.dma_semaphore, #tpu.memory_space<semaphore_mem>> -> memref<1x!tpu.dma_semaphore, #tpu.memory_space<semaphore_mem>>
    %dma_wait3A_137 = tpu.memref_squeeze %dma_wait3A_136 : memref<1x!tpu.dma_semaphore, #tpu.memory_space<semaphore_mem>> -> memref<!tpu.dma_semaphore, #tpu.memory_space<semaphore_mem>>
    tpu.wait_indirect_dma semaphore(%dma_wait3A_137 : memref<!tpu.dma_semaphore, #tpu.memory_space<semaphore_mem>>) src(%dma_wait3A_129 : memref<128x32xf32, #tpu.memory_space<vmem>>) dst(%dma_wait3A_135 : memref<10240x32xf32, #tpu.memory_space<vmem_shared>>)
    %dma_wait3A_138 = arith.constant 3 : i32
    %dma_wait3A_139 = arith.constant 155 : i32
    %dma_wait3A_140 = arith.constant 3 : i32
    %dma_wait3A_141 = arith.constant 0 : i32
    %dma_wait3A_142 = arith.constant 0 : i32
    %dma_wait3A_143 = tpu.memref_slice %arg10[%dma_wait3A_138, %dma_wait3A_141, %dma_wait3A_142] : memref<8x128x32xf32, #tpu.memory_space<vmem>> -> memref<1x128x32xf32, #tpu.memory_space<vmem>>
    %dma_wait3A_144 = tpu.memref_squeeze %dma_wait3A_143 : memref<1x128x32xf32, #tpu.memory_space<vmem>> -> memref<128x32xf32, #tpu.memory_space<vmem>>
    %dma_wait3A_145 = arith.constant 0 : i32
    %dma_wait3A_146 = tpu.memref_slice %arg9[%dma_wait3A_139, %dma_wait3A_145] : memref<160x128xi32, #tpu.memory_space<vmem>> -> memref<1x128xi32, #tpu.memory_space<vmem>>
    %dma_wait3A_147 = tpu.memref_squeeze %dma_wait3A_146 : memref<1x128xi32, #tpu.memory_space<vmem>> -> memref<128xi32, #tpu.memory_space<vmem>>
    %dma_wait3A_148 = arith.constant 0 : i32
    %dma_wait3A_149 = arith.constant 0 : i32
    %dma_wait3A_150 = tpu.memref_slice %arg14[%dma_wait3A_148, %dma_wait3A_149] : memref<10240x32xf32, #tpu.memory_space<vmem_shared>> -> memref<10240x32xf32, #tpu.memory_space<vmem_shared>>
    %dma_wait3A_151 = tpu.memref_slice %arg16[%dma_wait3A_140] : memref<8x!tpu.dma_semaphore, #tpu.memory_space<semaphore_mem>> -> memref<1x!tpu.dma_semaphore, #tpu.memory_space<semaphore_mem>>
    %dma_wait3A_152 = tpu.memref_squeeze %dma_wait3A_151 : memref<1x!tpu.dma_semaphore, #tpu.memory_space<semaphore_mem>> -> memref<!tpu.dma_semaphore, #tpu.memory_space<semaphore_mem>>
    tpu.wait_indirect_dma semaphore(%dma_wait3A_152 : memref<!tpu.dma_semaphore, #tpu.memory_space<semaphore_mem>>) src(%dma_wait3A_144 : memref<128x32xf32, #tpu.memory_space<vmem>>) dst(%dma_wait3A_150 : memref<10240x32xf32, #tpu.memory_space<vmem_shared>>)
    %dma_wait3A_153 = arith.constant 4 : i32
    %dma_wait3A_154 = arith.constant 156 : i32
    %dma_wait3A_155 = arith.constant 4 : i32
    %dma_wait3A_156 = arith.constant 0 : i32
    %dma_wait3A_157 = arith.constant 0 : i32
    %dma_wait3A_158 = tpu.memref_slice %arg10[%dma_wait3A_153, %dma_wait3A_156, %dma_wait3A_157] : memref<8x128x32xf32, #tpu.memory_space<vmem>> -> memref<1x128x32xf32, #tpu.memory_space<vmem>>
    %dma_wait3A_159 = tpu.memref_squeeze %dma_wait3A_158 : memref<1x128x32xf32, #tpu.memory_space<vmem>> -> memref<128x32xf32, #tpu.memory_space<vmem>>
    %dma_wait3A_160 = arith.constant 0 : i32
    %dma_wait3A_161 = tpu.memref_slice %arg9[%dma_wait3A_154, %dma_wait3A_160] : memref<160x128xi32, #tpu.memory_space<vmem>> -> memref<1x128xi32, #tpu.memory_space<vmem>>
    %dma_wait3A_162 = tpu.memref_squeeze %dma_wait3A_161 : memref<1x128xi32, #tpu.memory_space<vmem>> -> memref<128xi32, #tpu.memory_space<vmem>>
    %dma_wait3A_163 = arith.constant 0 : i32
    %dma_wait3A_164 = arith.constant 0 : i32
    %dma_wait3A_165 = tpu.memref_slice %arg14[%dma_wait3A_163, %dma_wait3A_164] : memref<10240x32xf32, #tpu.memory_space<vmem_shared>> -> memref<10240x32xf32, #tpu.memory_space<vmem_shared>>
    %dma_wait3A_166 = tpu.memref_slice %arg16[%dma_wait3A_155] : memref<8x!tpu.dma_semaphore, #tpu.memory_space<semaphore_mem>> -> memref<1x!tpu.dma_semaphore, #tpu.memory_space<semaphore_mem>>
    %dma_wait3A_167 = tpu.memref_squeeze %dma_wait3A_166 : memref<1x!tpu.dma_semaphore, #tpu.memory_space<semaphore_mem>> -> memref<!tpu.dma_semaphore, #tpu.memory_space<semaphore_mem>>
    tpu.wait_indirect_dma semaphore(%dma_wait3A_167 : memref<!tpu.dma_semaphore, #tpu.memory_space<semaphore_mem>>) src(%dma_wait3A_159 : memref<128x32xf32, #tpu.memory_space<vmem>>) dst(%dma_wait3A_165 : memref<10240x32xf32, #tpu.memory_space<vmem_shared>>)
    %dma_wait3A_168 = arith.constant 5 : i32
    %dma_wait3A_169 = arith.constant 157 : i32
    %dma_wait3A_170 = arith.constant 5 : i32
    %dma_wait3A_171 = arith.constant 0 : i32
    %dma_wait3A_172 = arith.constant 0 : i32
    %dma_wait3A_173 = tpu.memref_slice %arg10[%dma_wait3A_168, %dma_wait3A_171, %dma_wait3A_172] : memref<8x128x32xf32, #tpu.memory_space<vmem>> -> memref<1x128x32xf32, #tpu.memory_space<vmem>>
    %dma_wait3A_174 = tpu.memref_squeeze %dma_wait3A_173 : memref<1x128x32xf32, #tpu.memory_space<vmem>> -> memref<128x32xf32, #tpu.memory_space<vmem>>
    %dma_wait3A_175 = arith.constant 0 : i32
    %dma_wait3A_176 = tpu.memref_slice %arg9[%dma_wait3A_169, %dma_wait3A_175] : memref<160x128xi32, #tpu.memory_space<vmem>> -> memref<1x128xi32, #tpu.memory_space<vmem>>
    %dma_wait3A_177 = tpu.memref_squeeze %dma_wait3A_176 : memref<1x128xi32, #tpu.memory_space<vmem>> -> memref<128xi32, #tpu.memory_space<vmem>>
    %dma_wait3A_178 = arith.constant 0 : i32
    %dma_wait3A_179 = arith.constant 0 : i32
    %dma_wait3A_180 = tpu.memref_slice %arg14[%dma_wait3A_178, %dma_wait3A_179] : memref<10240x32xf32, #tpu.memory_space<vmem_shared>> -> memref<10240x32xf32, #tpu.memory_space<vmem_shared>>
    %dma_wait3A_181 = tpu.memref_slice %arg16[%dma_wait3A_170] : memref<8x!tpu.dma_semaphore, #tpu.memory_space<semaphore_mem>> -> memref<1x!tpu.dma_semaphore, #tpu.memory_space<semaphore_mem>>
    %dma_wait3A_182 = tpu.memref_squeeze %dma_wait3A_181 : memref<1x!tpu.dma_semaphore, #tpu.memory_space<semaphore_mem>> -> memref<!tpu.dma_semaphore, #tpu.memory_space<semaphore_mem>>
    tpu.wait_indirect_dma semaphore(%dma_wait3A_182 : memref<!tpu.dma_semaphore, #tpu.memory_space<semaphore_mem>>) src(%dma_wait3A_174 : memref<128x32xf32, #tpu.memory_space<vmem>>) dst(%dma_wait3A_180 : memref<10240x32xf32, #tpu.memory_space<vmem_shared>>)
    %dma_wait3A_183 = arith.constant 6 : i32
    %dma_wait3A_184 = arith.constant 158 : i32
    %dma_wait3A_185 = arith.constant 6 : i32
    %dma_wait3A_186 = arith.constant 0 : i32
    %dma_wait3A_187 = arith.constant 0 : i32
    %dma_wait3A_188 = tpu.memref_slice %arg10[%dma_wait3A_183, %dma_wait3A_186, %dma_wait3A_187] : memref<8x128x32xf32, #tpu.memory_space<vmem>> -> memref<1x128x32xf32, #tpu.memory_space<vmem>>
    %dma_wait3A_189 = tpu.memref_squeeze %dma_wait3A_188 : memref<1x128x32xf32, #tpu.memory_space<vmem>> -> memref<128x32xf32, #tpu.memory_space<vmem>>
    %dma_wait3A_190 = arith.constant 0 : i32
    %dma_wait3A_191 = tpu.memref_slice %arg9[%dma_wait3A_184, %dma_wait3A_190] : memref<160x128xi32, #tpu.memory_space<vmem>> -> memref<1x128xi32, #tpu.memory_space<vmem>>
    %dma_wait3A_192 = tpu.memref_squeeze %dma_wait3A_191 : memref<1x128xi32, #tpu.memory_space<vmem>> -> memref<128xi32, #tpu.memory_space<vmem>>
    %dma_wait3A_193 = arith.constant 0 : i32
    %dma_wait3A_194 = arith.constant 0 : i32
    %dma_wait3A_195 = tpu.memref_slice %arg14[%dma_wait3A_193, %dma_wait3A_194] : memref<10240x32xf32, #tpu.memory_space<vmem_shared>> -> memref<10240x32xf32, #tpu.memory_space<vmem_shared>>
    %dma_wait3A_196 = tpu.memref_slice %arg16[%dma_wait3A_185] : memref<8x!tpu.dma_semaphore, #tpu.memory_space<semaphore_mem>> -> memref<1x!tpu.dma_semaphore, #tpu.memory_space<semaphore_mem>>
    %dma_wait3A_197 = tpu.memref_squeeze %dma_wait3A_196 : memref<1x!tpu.dma_semaphore, #tpu.memory_space<semaphore_mem>> -> memref<!tpu.dma_semaphore, #tpu.memory_space<semaphore_mem>>
    tpu.wait_indirect_dma semaphore(%dma_wait3A_197 : memref<!tpu.dma_semaphore, #tpu.memory_space<semaphore_mem>>) src(%dma_wait3A_189 : memref<128x32xf32, #tpu.memory_space<vmem>>) dst(%dma_wait3A_195 : memref<10240x32xf32, #tpu.memory_space<vmem_shared>>)
    %dma_wait3A_198 = arith.constant 7 : i32
    %dma_wait3A_199 = arith.constant 159 : i32
    %dma_wait3A_200 = arith.constant 7 : i32
    %dma_wait3A_201 = arith.constant 0 : i32
    %dma_wait3A_202 = arith.constant 0 : i32
    %dma_wait3A_203 = tpu.memref_slice %arg10[%dma_wait3A_198, %dma_wait3A_201, %dma_wait3A_202] : memref<8x128x32xf32, #tpu.memory_space<vmem>> -> memref<1x128x32xf32, #tpu.memory_space<vmem>>
    %dma_wait3A_204 = tpu.memref_squeeze %dma_wait3A_203 : memref<1x128x32xf32, #tpu.memory_space<vmem>> -> memref<128x32xf32, #tpu.memory_space<vmem>>
    %dma_wait3A_205 = arith.constant 0 : i32
    %dma_wait3A_206 = tpu.memref_slice %arg9[%dma_wait3A_199, %dma_wait3A_205] : memref<160x128xi32, #tpu.memory_space<vmem>> -> memref<1x128xi32, #tpu.memory_space<vmem>>
    %dma_wait3A_207 = tpu.memref_squeeze %dma_wait3A_206 : memref<1x128xi32, #tpu.memory_space<vmem>> -> memref<128xi32, #tpu.memory_space<vmem>>
    %dma_wait3A_208 = arith.constant 0 : i32
    %dma_wait3A_209 = arith.constant 0 : i32
    %dma_wait3A_210 = tpu.memref_slice %arg14[%dma_wait3A_208, %dma_wait3A_209] : memref<10240x32xf32, #tpu.memory_space<vmem_shared>> -> memref<10240x32xf32, #tpu.memory_space<vmem_shared>>
    %dma_wait3A_211 = tpu.memref_slice %arg16[%dma_wait3A_200] : memref<8x!tpu.dma_semaphore, #tpu.memory_space<semaphore_mem>> -> memref<1x!tpu.dma_semaphore, #tpu.memory_space<semaphore_mem>>
    %dma_wait3A_212 = tpu.memref_squeeze %dma_wait3A_211 : memref<1x!tpu.dma_semaphore, #tpu.memory_space<semaphore_mem>> -> memref<!tpu.dma_semaphore, #tpu.memory_space<semaphore_mem>>
    tpu.wait_indirect_dma semaphore(%dma_wait3A_212 : memref<!tpu.dma_semaphore, #tpu.memory_space<semaphore_mem>>) src(%dma_wait3A_204 : memref<128x32xf32, #tpu.memory_space<vmem>>) dst(%dma_wait3A_210 : memref<10240x32xf32, #tpu.memory_space<vmem_shared>>)
    %barrier3A_213 = arith.constant 0 : index
    tpu.barrier barrier_id(%barrier3A_213)
    %scan3A_214 = arith.constant 0 : i32
    %scan3A_215 = arith.constant 4 : i32
    %scan3A_216 = arith.addi %scan3A_214, %scan3A_215 : i32
    %scan3A_217 = arith.constant 1 : i32
    scf.for %scan3A_219 = %scan3A_214 to %scan3A_216 step %scan3A_217  : i32 {
      %mul3A_220 = arith.constant 640 : i32
      %mul3A_221 = arith.muli %arg1, %mul3A_220 : i32
      %mul3A_222 = arith.constant 160 : i32
      %mul3A_223 = arith.muli %scan3A_219, %mul3A_222 : i32
      %add3A = arith.addi %mul3A_221, %mul3A_223 : i32
      "tpu.region"() ({
        %run_scoped3A = tpu.sem_alloc : memref<!tpu.dma_semaphore, #tpu.memory_space<semaphore_mem>>
        %dma_start3A_232 = arith.constant 0 : i32
        %dma_start3A_233 = tpu.memref_slice %arg14[%add3A, %dma_start3A_232] : memref<10240x32xf32, #tpu.memory_space<vmem_shared>> -> memref<160x32xf32, #tpu.memory_space<vmem_shared>>
        %dma_start3A_234 = arith.constant 0 : i32
        %dma_start3A_235 = tpu.memref_slice %arg14[%add3A, %dma_start3A_234] : memref<10240x32xf32, #tpu.memory_space<vmem_shared>> -> memref<160x32xf32, #tpu.memory_space<vmem_shared>>
        tpu.enqueue_dma source(%dma_start3A_235 : memref<160x32xf32, #tpu.memory_space<vmem_shared>>) target(%arg11 : memref<160x32xf32, #tpu.memory_space<vmem>>) target_semaphore(%run_scoped3A : memref<!tpu.dma_semaphore, #tpu.memory_space<semaphore_mem>>)
        %dma_wait3A_236 = arith.constant 0 : i32
        %dma_wait3A_237 = tpu.memref_slice %arg14[%add3A, %dma_wait3A_236] : memref<10240x32xf32, #tpu.memory_space<vmem_shared>> -> memref<160x32xf32, #tpu.memory_space<vmem_shared>>
        %dma_wait3A_238 = arith.constant 0 : i32
        %dma_wait3A_239 = tpu.memref_slice %arg14[%add3A, %dma_wait3A_238] : memref<10240x32xf32, #tpu.memory_space<vmem_shared>> -> memref<160x32xf32, #tpu.memory_space<vmem_shared>>
        tpu.wait_dma2 semaphore(%run_scoped3A : memref<!tpu.dma_semaphore, #tpu.memory_space<semaphore_mem>>) src(%dma_wait3A_239 : memref<160x32xf32, #tpu.memory_space<vmem_shared>>) dst(%arg11 : memref<160x32xf32, #tpu.memory_space<vmem>>)
        tpu.yield
      }) : () -> ()
      %mul3A_224 = arith.constant 10240 : i32
      %mul3A_225 = arith.muli %arg0, %mul3A_224 : i32
      %add3A_226 = arith.addi %mul3A_225, %add3A : i32
      "tpu.region"() ({
        %run_scoped3A = tpu.sem_alloc : memref<!tpu.dma_semaphore, #tpu.memory_space<semaphore_mem>>
        %dma_start3A_232 = arith.constant 0 : i32
        %dma_start3A_233 = tpu.memref_slice %arg2[%add3A_226, %dma_start3A_232] : memref<20480x32xf32, #tpu.memory_space<hbm>> -> memref<160x32xf32, #tpu.memory_space<hbm>>
        %dma_start3A_234 = arith.constant 0 : i32
        %dma_start3A_235 = tpu.memref_slice %arg2[%add3A_226, %dma_start3A_234] : memref<20480x32xf32, #tpu.memory_space<hbm>> -> memref<160x32xf32, #tpu.memory_space<hbm>>
        tpu.enqueue_dma source(%dma_start3A_235 : memref<160x32xf32, #tpu.memory_space<hbm>>) target(%arg12 : memref<160x32xf32, #tpu.memory_space<vmem>>) target_semaphore(%run_scoped3A : memref<!tpu.dma_semaphore, #tpu.memory_space<semaphore_mem>>)
        %dma_wait3A_236 = arith.constant 0 : i32
        %dma_wait3A_237 = tpu.memref_slice %arg2[%add3A_226, %dma_wait3A_236] : memref<20480x32xf32, #tpu.memory_space<hbm>> -> memref<160x32xf32, #tpu.memory_space<hbm>>
        %dma_wait3A_238 = arith.constant 0 : i32
        %dma_wait3A_239 = tpu.memref_slice %arg2[%add3A_226, %dma_wait3A_238] : memref<20480x32xf32, #tpu.memory_space<hbm>> -> memref<160x32xf32, #tpu.memory_space<hbm>>
        tpu.wait_dma2 semaphore(%run_scoped3A : memref<!tpu.dma_semaphore, #tpu.memory_space<semaphore_mem>>) src(%dma_wait3A_239 : memref<160x32xf32, #tpu.memory_space<hbm>>) dst(%arg12 : memref<160x32xf32, #tpu.memory_space<vmem>>)
        tpu.yield
      }) : () -> ()
      "tpu.region"() ({
        %run_scoped3A = tpu.sem_alloc : memref<!tpu.dma_semaphore, #tpu.memory_space<semaphore_mem>>
        %dma_start3A_232 = arith.constant 0 : i32
        %dma_start3A_233 = tpu.memref_slice %arg5[%add3A, %dma_start3A_232] : memref<10240x32xf32, #tpu.memory_space<hbm>> -> memref<160x32xf32, #tpu.memory_space<hbm>>
        %dma_start3A_234 = arith.constant 0 : i32
        %dma_start3A_235 = tpu.memref_slice %arg5[%add3A, %dma_start3A_234] : memref<10240x32xf32, #tpu.memory_space<hbm>> -> memref<160x32xf32, #tpu.memory_space<hbm>>
        tpu.enqueue_dma source(%dma_start3A_235 : memref<160x32xf32, #tpu.memory_space<hbm>>) target(%arg13 : memref<160x32xf32, #tpu.memory_space<vmem>>) target_semaphore(%run_scoped3A : memref<!tpu.dma_semaphore, #tpu.memory_space<semaphore_mem>>)
        %dma_wait3A_236 = arith.constant 0 : i32
        %dma_wait3A_237 = tpu.memref_slice %arg5[%add3A, %dma_wait3A_236] : memref<10240x32xf32, #tpu.memory_space<hbm>> -> memref<160x32xf32, #tpu.memory_space<hbm>>
        %dma_wait3A_238 = arith.constant 0 : i32
        %dma_wait3A_239 = tpu.memref_slice %arg5[%add3A, %dma_wait3A_238] : memref<10240x32xf32, #tpu.memory_space<hbm>> -> memref<160x32xf32, #tpu.memory_space<hbm>>
        tpu.wait_dma2 semaphore(%run_scoped3A : memref<!tpu.dma_semaphore, #tpu.memory_space<semaphore_mem>>) src(%dma_wait3A_239 : memref<160x32xf32, #tpu.memory_space<hbm>>) dst(%arg13 : memref<160x32xf32, #tpu.memory_space<vmem>>)
        tpu.yield
      }) : () -> ()
      %scan3A_227 = arith.constant 0 : i32
      %scan3A_228 = arith.constant 160 : i32
      %scan3A_229 = arith.addi %scan3A_227, %scan3A_228 : i32
      %scan3A_230 = arith.constant 1 : i32
      scf.for %scan3A_232 = %scan3A_227 to %scan3A_229 step %scan3A_230  : i32 {
        %get3A = arith.index_cast %scan3A_232 : i32 to index
        %get3A_233 = arith.constant 0 : index
        %get3A_234 = tpu.vector_load %arg11[%get3A, %get3A_233] {strides = array<i32>} : memref<160x32xf32, #tpu.memory_space<vmem>>, vector<1x16xf32>,
        %get3A_235 = vector.shape_cast %get3A_234 : vector<1x16xf32> to vector<16xf32>
        %get3A_236 = arith.index_cast %scan3A_232 : i32 to index
        %get3A_237 = arith.constant 0 : index
        %get3A_238 = tpu.vector_load %arg12[%get3A_236, %get3A_237] {strides = array<i32>} : memref<160x32xf32, #tpu.memory_space<vmem>>, vector<1x16xf32>,
        %get3A_239 = vector.shape_cast %get3A_238 : vector<1x16xf32> to vector<16xf32>
        %add3A_240 = arith.addf %get3A_235, %get3A_239 : vector<16xf32>
        %get3A_241 = arith.index_cast %scan3A_232 : i32 to index
        %get3A_242 = arith.constant 0 : index
        %get3A_243 = tpu.vector_load %arg13[%get3A_241, %get3A_242] {strides = array<i32>} : memref<160x32xf32, #tpu.memory_space<vmem>>, vector<1x16xf32>,
        %get3A_244 = vector.shape_cast %get3A_243 : vector<1x16xf32> to vector<16xf32>
        %mul3A_245 = arith.mulf %add3A_240, %get3A_244 : vector<16xf32>
        %swap3A = arith.index_cast %scan3A_232 : i32 to index
        %swap3A_246 = arith.constant 0 : index
        %swap3A_247 = tpu.vector_load %arg11[%swap3A, %swap3A_246] {strides = array<i32>} : memref<160x32xf32, #tpu.memory_space<vmem>>, vector<1x16xf32>,
        %swap3A_248 = vector.shape_cast %swap3A_247 : vector<1x16xf32> to vector<16xf32>
        %swap3A_249 = vector.shape_cast %mul3A_245 : vector<16xf32> to vector<1x16xf32>
        tpu.vector_store %arg11[%swap3A, %swap3A_246], %swap3A_249 {strides = array<i32>} : memref<160x32xf32, #tpu.memory_space<vmem>>, vector<1x16xf32>,
        %get3A_250 = arith.index_cast %scan3A_232 : i32 to index
        %get3A_251 = arith.constant 16 : index
        %get3A_252 = tpu.vector_load %arg11[%get3A_250, %get3A_251] {strides = array<i32>} : memref<160x32xf32, #tpu.memory_space<vmem>>, vector<1x16xf32>,
        %get3A_253 = vector.shape_cast %get3A_252 : vector<1x16xf32> to vector<16xf32>
        %get3A_254 = arith.index_cast %scan3A_232 : i32 to index
        %get3A_255 = arith.constant 16 : index
        %get3A_256 = tpu.vector_load %arg12[%get3A_254, %get3A_255] {strides = array<i32>} : memref<160x32xf32, #tpu.memory_space<vmem>>, vector<1x16xf32>,
        %get3A_257 = vector.shape_cast %get3A_256 : vector<1x16xf32> to vector<16xf32>
        %add3A_258 = arith.addf %get3A_253, %get3A_257 : vector<16xf32>
        %get3A_259 = arith.index_cast %scan3A_232 : i32 to index
        %get3A_260 = arith.constant 16 : index
        %get3A_261 = tpu.vector_load %arg13[%get3A_259, %get3A_260] {strides = array<i32>} : memref<160x32xf32, #tpu.memory_space<vmem>>, vector<1x16xf32>,
        %get3A_262 = vector.shape_cast %get3A_261 : vector<1x16xf32> to vector<16xf32>
        %mul3A_263 = arith.mulf %add3A_258, %get3A_262 : vector<16xf32>
        %swap3A_264 = arith.index_cast %scan3A_232 : i32 to index
        %swap3A_265 = arith.constant 16 : index
        %swap3A_266 = tpu.vector_load %arg11[%swap3A_264, %swap3A_265] {strides = array<i32>} : memref<160x32xf32, #tpu.memory_space<vmem>>, vector<1x16xf32>,
        %swap3A_267 = vector.shape_cast %swap3A_266 : vector<1x16xf32> to vector<16xf32>
        %swap3A_268 = vector.shape_cast %mul3A_263 : vector<16xf32> to vector<1x16xf32>
        tpu.vector_store %arg11[%swap3A_264, %swap3A_265], %swap3A_268 {strides = array<i32>} : memref<160x32xf32, #tpu.memory_space<vmem>>, vector<1x16xf32>,
      }
      %scan3A_231 = arith.constant 160 : i32
      "tpu.region"() ({
        %run_scoped3A = tpu.sem_alloc : memref<!tpu.dma_semaphore, #tpu.memory_space<semaphore_mem>>
        %dma_start3A_232 = arith.constant 0 : i32
        %dma_start3A_233 = tpu.memref_slice %arg7[%arg0, %add3A, %dma_start3A_232] : memref<2x10240x32xf32, #tpu.memory_space<hbm>> -> memref<1x160x32xf32, #tpu.memory_space<hbm>>
        %dma_start3A_234 = tpu.memref_squeeze %dma_start3A_233 : memref<1x160x32xf32, #tpu.memory_space<hbm>> -> memref<160x32xf32, #tpu.memory_space<hbm>>
        %dma_start3A_235 = arith.constant 0 : i32
        %dma_start3A_236 = tpu.memref_slice %arg7[%arg0, %add3A, %dma_start3A_235] : memref<2x10240x32xf32, #tpu.memory_space<hbm>> -> memref<1x160x32xf32, #tpu.memory_space<hbm>>
        %dma_start3A_237 = tpu.memref_squeeze %dma_start3A_236 : memref<1x160x32xf32, #tpu.memory_space<hbm>> -> memref<160x32xf32, #tpu.memory_space<hbm>>
        tpu.enqueue_dma source(%arg11 : memref<160x32xf32, #tpu.memory_space<vmem>>) target(%dma_start3A_237 : memref<160x32xf32, #tpu.memory_space<hbm>>) target_semaphore(%run_scoped3A : memref<!tpu.dma_semaphore, #tpu.memory_space<semaphore_mem>>)
        %dma_wait3A_238 = arith.constant 0 : i32
        %dma_wait3A_239 = tpu.memref_slice %arg7[%arg0, %add3A, %dma_wait3A_238] : memref<2x10240x32xf32, #tpu.memory_space<hbm>> -> memref<1x160x32xf32, #tpu.memory_space<hbm>>
        %dma_wait3A_240 = tpu.memref_squeeze %dma_wait3A_239 : memref<1x160x32xf32, #tpu.memory_space<hbm>> -> memref<160x32xf32, #tpu.memory_space<hbm>>
        %dma_wait3A_241 = arith.constant 0 : i32
        %dma_wait3A_242 = tpu.memref_slice %arg7[%arg0, %add3A, %dma_wait3A_241] : memref<2x10240x32xf32, #tpu.memory_space<hbm>> -> memref<1x160x32xf32, #tpu.memory_space<hbm>>
        %dma_wait3A_243 = tpu.memref_squeeze %dma_wait3A_242 : memref<1x160x32xf32, #tpu.memory_space<hbm>> -> memref<160x32xf32, #tpu.memory_space<hbm>>
        tpu.wait_dma2 semaphore(%run_scoped3A : memref<!tpu.dma_semaphore, #tpu.memory_space<semaphore_mem>>) src(%arg11 : memref<160x32xf32, #tpu.memory_space<vmem>>) dst(%dma_wait3A_243 : memref<160x32xf32, #tpu.memory_space<hbm>>)
        tpu.yield
      }) : () -> ()
    }
    %scan3A_218 = arith.constant 4 : i32
    return
  }
}

#map = affine_map<(d0, d1) -> (0, 0)>
#map1 = affine_map<(d0, d1) -> (0, 0, 0, 0)>
#map2 = affine_map<(d0, d1) -> (0, 0, 0)>
module attributes {stable_mosaic.version = 14 : i64} {
  func.func @_hop_body(%arg0: i32, %arg1: i32, %arg2: memref<20480x32xf32, #tpu.memory_space<hbm>>, %arg3: memref<2x16x160x128xi32, #tpu.memory_space<hbm>>, %arg4: memref<16x160x128xi32, #tpu.memory_space<hbm>>, %arg5: memref<10240x32xf32, #tpu.memory_space<hbm>>, %arg6: memref<640x32xf32, #tpu.memory_space<hbm>>, %arg7: memref<2x10240x32xf32, #tpu.memory_space<hbm>>, %arg8: memref<160x128xi32, #tpu.memory_space<vmem>>, %arg9: memref<160x128xi32, #tpu.memory_space<vmem>>, %arg10: memref<8x128x32xf32, #tpu.memory_space<vmem>>, %arg11: memref<160x32xf32, #tpu.memory_space<vmem>>, %arg12: memref<160x32xf32, #tpu.memory_space<vmem>>, %arg13: memref<160x32xf32, #tpu.memory_space<vmem>>, %arg14: memref<10240x32xf32, #tpu.memory_space<vmem_shared>>, %arg15: memref<8x!tpu.dma_semaphore, #tpu.memory_space<semaphore_mem>>, %arg16: memref<8x!tpu.dma_semaphore, #tpu.memory_space<semaphore_mem>>) attributes {dimension_semantics = [#tpu.dimension_semantics<core_parallel>, #tpu.dimension_semantics<subcore_parallel>], iteration_bounds = array<i64: 2, 16>, scalar_prefetch = 0 : i64, scratch_operands = 9 : i64, tpu.core_type = #tpu.core_type<sc_vector_subcore>, window_params = [{transform_indices = #map}, {transform_indices = #map1}, {transform_indices = #map2}, {transform_indices = #map}, {transform_indices = #map}, {transform_indices = #map2}]} {
    "tpu.region"() ({
      %run_scoped3A = tpu.sem_alloc : memref<!tpu.dma_semaphore, #tpu.memory_space<semaphore_mem>>
      %dma_start3A_219 = arith.constant 0 : i32
      %dma_start3A_220 = arith.constant 0 : i32
      %dma_start3A_221 = tpu.memref_slice %arg3[%arg0, %arg1, %dma_start3A_219, %dma_start3A_220] : memref<2x16x160x128xi32, #tpu.memory_space<hbm>> -> memref<1x1x160x128xi32, #tpu.memory_space<hbm>>
      %dma_start3A_222 = tpu.memref_squeeze %dma_start3A_221 : memref<1x1x160x128xi32, #tpu.memory_space<hbm>> -> memref<160x128xi32, #tpu.memory_space<hbm>>
      %dma_start3A_223 = arith.constant 0 : i32
      %dma_start3A_224 = arith.constant 0 : i32
      %dma_start3A_225 = tpu.memref_slice %arg3[%arg0, %arg1, %dma_start3A_223, %dma_start3A_224] : memref<2x16x160x128xi32, #tpu.memory_space<hbm>> -> memref<1x1x160x128xi32, #tpu.memory_space<hbm>>
      %dma_start3A_226 = tpu.memref_squeeze %dma_start3A_225 : memref<1x1x160x128xi32, #tpu.memory_space<hbm>> -> memref<160x128xi32, #tpu.memory_space<hbm>>
      tpu.enqueue_dma source(%dma_start3A_226 : memref<160x128xi32, #tpu.memory_space<hbm>>) target(%arg8 : memref<160x128xi32, #tpu.memory_space<vmem>>) target_semaphore(%run_scoped3A : memref<!tpu.dma_semaphore, #tpu.memory_space<semaphore_mem>>)
      %dma_wait3A_227 = arith.constant 0 : i32
      %dma_wait3A_228 = arith.constant 0 : i32
      %dma_wait3A_229 = tpu.memref_slice %arg3[%arg0, %arg1, %dma_wait3A_227, %dma_wait3A_228] : memref<2x16x160x128xi32, #tpu.memory_space<hbm>> -> memref<1x1x160x128xi32, #tpu.memory_space<hbm>>
      %dma_wait3A_230 = tpu.memref_squeeze %dma_wait3A_229 : memref<1x1x160x128xi32, #tpu.memory_space<hbm>> -> memref<160x128xi32, #tpu.memory_space<hbm>>
      %dma_wait3A_231 = arith.constant 0 : i32
      %dma_wait3A_232 = arith.constant 0 : i32
      %dma_wait3A_233 = tpu.memref_slice %arg3[%arg0, %arg1, %dma_wait3A_231, %dma_wait3A_232] : memref<2x16x160x128xi32, #tpu.memory_space<hbm>> -> memref<1x1x160x128xi32, #tpu.memory_space<hbm>>
      %dma_wait3A_234 = tpu.memref_squeeze %dma_wait3A_233 : memref<1x1x160x128xi32, #tpu.memory_space<hbm>> -> memref<160x128xi32, #tpu.memory_space<hbm>>
      tpu.wait_dma2 semaphore(%run_scoped3A : memref<!tpu.dma_semaphore, #tpu.memory_space<semaphore_mem>>) src(%dma_wait3A_234 : memref<160x128xi32, #tpu.memory_space<hbm>>) dst(%arg8 : memref<160x128xi32, #tpu.memory_space<vmem>>)
      tpu.yield
    }) : () -> ()
    "tpu.region"() ({
      %run_scoped3A = tpu.sem_alloc : memref<!tpu.dma_semaphore, #tpu.memory_space<semaphore_mem>>
      %dma_start3A_219 = arith.constant 0 : i32
      %dma_start3A_220 = arith.constant 0 : i32
      %dma_start3A_221 = tpu.memref_slice %arg4[%arg1, %dma_start3A_219, %dma_start3A_220] : memref<16x160x128xi32, #tpu.memory_space<hbm>> -> memref<1x160x128xi32, #tpu.memory_space<hbm>>
      %dma_start3A_222 = tpu.memref_squeeze %dma_start3A_221 : memref<1x160x128xi32, #tpu.memory_space<hbm>> -> memref<160x128xi32, #tpu.memory_space<hbm>>
      %dma_start3A_223 = arith.constant 0 : i32
      %dma_start3A_224 = arith.constant 0 : i32
      %dma_start3A_225 = tpu.memref_slice %arg4[%arg1, %dma_start3A_223, %dma_start3A_224] : memref<16x160x128xi32, #tpu.memory_space<hbm>> -> memref<1x160x128xi32, #tpu.memory_space<hbm>>
      %dma_start3A_226 = tpu.memref_squeeze %dma_start3A_225 : memref<1x160x128xi32, #tpu.memory_space<hbm>> -> memref<160x128xi32, #tpu.memory_space<hbm>>
      tpu.enqueue_dma source(%dma_start3A_226 : memref<160x128xi32, #tpu.memory_space<hbm>>) target(%arg9 : memref<160x128xi32, #tpu.memory_space<vmem>>) target_semaphore(%run_scoped3A : memref<!tpu.dma_semaphore, #tpu.memory_space<semaphore_mem>>)
      %dma_wait3A_227 = arith.constant 0 : i32
      %dma_wait3A_228 = arith.constant 0 : i32
      %dma_wait3A_229 = tpu.memref_slice %arg4[%arg1, %dma_wait3A_227, %dma_wait3A_228] : memref<16x160x128xi32, #tpu.memory_space<hbm>> -> memref<1x160x128xi32, #tpu.memory_space<hbm>>
      %dma_wait3A_230 = tpu.memref_squeeze %dma_wait3A_229 : memref<1x160x128xi32, #tpu.memory_space<hbm>> -> memref<160x128xi32, #tpu.memory_space<hbm>>
      %dma_wait3A_231 = arith.constant 0 : i32
      %dma_wait3A_232 = arith.constant 0 : i32
      %dma_wait3A_233 = tpu.memref_slice %arg4[%arg1, %dma_wait3A_231, %dma_wait3A_232] : memref<16x160x128xi32, #tpu.memory_space<hbm>> -> memref<1x160x128xi32, #tpu.memory_space<hbm>>
      %dma_wait3A_234 = tpu.memref_squeeze %dma_wait3A_233 : memref<1x160x128xi32, #tpu.memory_space<hbm>> -> memref<160x128xi32, #tpu.memory_space<hbm>>
      tpu.wait_dma2 semaphore(%run_scoped3A : memref<!tpu.dma_semaphore, #tpu.memory_space<semaphore_mem>>) src(%dma_wait3A_234 : memref<160x128xi32, #tpu.memory_space<hbm>>) dst(%arg9 : memref<160x128xi32, #tpu.memory_space<vmem>>)
      tpu.yield
    }) : () -> ()
    %mul3A = arith.constant 640 : i32
    %mul3A_0 = arith.muli %arg1, %mul3A : i32
    "tpu.region"() ({
      %run_scoped3A = tpu.sem_alloc : memref<!tpu.dma_semaphore, #tpu.memory_space<semaphore_mem>>
      %dma_start3A_219 = arith.constant 0 : i32
      %dma_start3A_220 = tpu.memref_slice %arg14[%mul3A_0, %dma_start3A_219] : memref<10240x32xf32, #tpu.memory_space<vmem_shared>> -> memref<640x32xf32, #tpu.memory_space<vmem_shared>>
      tpu.enqueue_dma source(%arg6 : memref<640x32xf32, #tpu.memory_space<hbm>>) target(%dma_start3A_220 : memref<640x32xf32, #tpu.memory_space<vmem_shared>>) target_semaphore(%run_scoped3A : memref<!tpu.dma_semaphore, #tpu.memory_space<semaphore_mem>>)
      %dma_wait3A_221 = arith.constant 0 : i32
      %dma_wait3A_222 = tpu.memref_slice %arg14[%mul3A_0, %dma_wait3A_221] : memref<10240x32xf32, #tpu.memory_space<vmem_shared>> -> memref<640x32xf32, #tpu.memory_space<vmem_shared>>
      tpu.wait_dma2 semaphore(%run_scoped3A : memref<!tpu.dma_semaphore, #tpu.memory_space<semaphore_mem>>) src(%arg6 : memref<640x32xf32, #tpu.memory_space<hbm>>) dst(%dma_wait3A_222 : memref<640x32xf32, #tpu.memory_space<vmem_shared>>)
      tpu.yield
    }) : () -> ()
    %barrier3A = arith.constant 0 : index
    tpu.barrier barrier_id(%barrier3A)
    %dma_start3A = arith.constant 0 : i32
    %dma_start3A_1 = arith.constant 0 : i32
    %dma_start3A_2 = arith.constant 0 : i32
    %dma_start3A_3 = arith.constant 0 : i32
    %dma_start3A_4 = arith.constant 0 : i32
    %dma_start3A_5 = tpu.memref_slice %arg10[%dma_start3A_1, %dma_start3A_3, %dma_start3A_4] : memref<8x128x32xf32, #tpu.memory_space<vmem>> -> memref<1x128x32xf32, #tpu.memory_space<vmem>>
    %dma_start3A_6 = tpu.memref_squeeze %dma_start3A_5 : memref<1x128x32xf32, #tpu.memory_space<vmem>> -> memref<128x32xf32, #tpu.memory_space<vmem>>
    %dma_start3A_7 = arith.constant 0 : i32
    %dma_start3A_8 = tpu.memref_slice %arg8[%dma_start3A, %dma_start3A_7] : memref<160x128xi32, #tpu.memory_space<vmem>> -> memref<1x128xi32, #tpu.memory_space<vmem>>
    %dma_start3A_9 = tpu.memref_squeeze %dma_start3A_8 : memref<1x128xi32, #tpu.memory_space<vmem>> -> memref<128xi32, #tpu.memory_space<vmem>>
    %dma_start3A_10 = arith.constant 0 : i32
    %dma_start3A_11 = arith.constant 0 : i32
    %dma_start3A_12 = tpu.memref_slice %arg2[%dma_start3A_10, %dma_start3A_11] : memref<20480x32xf32, #tpu.memory_space<hbm>> -> memref<20480x32xf32, #tpu.memory_space<hbm>>
    %dma_start3A_13 = tpu.memref_slice %arg15[%dma_start3A_2] : memref<8x!tpu.dma_semaphore, #tpu.memory_space<semaphore_mem>> -> memref<1x!tpu.dma_semaphore, #tpu.memory_space<semaphore_mem>>
    %dma_start3A_14 = tpu.memref_squeeze %dma_start3A_13 : memref<1x!tpu.dma_semaphore, #tpu.memory_space<semaphore_mem>> -> memref<!tpu.dma_semaphore, #tpu.memory_space<semaphore_mem>>
    tpu.enqueue_indirect_dma source(%dma_start3A_12 : memref<20480x32xf32, #tpu.memory_space<hbm>>) target(%dma_start3A_6 : memref<128x32xf32, #tpu.memory_space<vmem>>) offsets(%dma_start3A_9 : memref<128xi32, #tpu.memory_space<vmem>>) semaphore(%dma_start3A_14 : memref<!tpu.dma_semaphore, #tpu.memory_space<semaphore_mem>>)
    %dma_start3A_15 = arith.constant 1 : i32
    %dma_start3A_16 = arith.constant 1 : i32
    %dma_start3A_17 = arith.constant 1 : i32
    %dma_start3A_18 = arith.constant 0 : i32
    %dma_start3A_19 = arith.constant 0 : i32
    %dma_start3A_20 = tpu.memref_slice %arg10[%dma_start3A_16, %dma_start3A_18, %dma_start3A_19] : memref<8x128x32xf32, #tpu.memory_space<vmem>> -> memref<1x128x32xf32, #tpu.memory_space<vmem>>
    %dma_start3A_21 = tpu.memref_squeeze %dma_start3A_20 : memref<1x128x32xf32, #tpu.memory_space<vmem>> -> memref<128x32xf32, #tpu.memory_space<vmem>>
    %dma_start3A_22 = arith.constant 0 : i32
    %dma_start3A_23 = tpu.memref_slice %arg8[%dma_start3A_15, %dma_start3A_22] : memref<160x128xi32, #tpu.memory_space<vmem>> -> memref<1x128xi32, #tpu.memory_space<vmem>>
    %dma_start3A_24 = tpu.memref_squeeze %dma_start3A_23 : memref<1x128xi32, #tpu.memory_space<vmem>> -> memref<128xi32, #tpu.memory_space<vmem>>
    %dma_start3A_25 = arith.constant 0 : i32
    %dma_start3A_26 = arith.constant 0 : i32
    %dma_start3A_27 = tpu.memref_slice %arg2[%dma_start3A_25, %dma_start3A_26] : memref<20480x32xf32, #tpu.memory_space<hbm>> -> memref<20480x32xf32, #tpu.memory_space<hbm>>
    %dma_start3A_28 = tpu.memref_slice %arg15[%dma_start3A_17] : memref<8x!tpu.dma_semaphore, #tpu.memory_space<semaphore_mem>> -> memref<1x!tpu.dma_semaphore, #tpu.memory_space<semaphore_mem>>
    %dma_start3A_29 = tpu.memref_squeeze %dma_start3A_28 : memref<1x!tpu.dma_semaphore, #tpu.memory_space<semaphore_mem>> -> memref<!tpu.dma_semaphore, #tpu.memory_space<semaphore_mem>>
    tpu.enqueue_indirect_dma source(%dma_start3A_27 : memref<20480x32xf32, #tpu.memory_space<hbm>>) target(%dma_start3A_21 : memref<128x32xf32, #tpu.memory_space<vmem>>) offsets(%dma_start3A_24 : memref<128xi32, #tpu.memory_space<vmem>>) semaphore(%dma_start3A_29 : memref<!tpu.dma_semaphore, #tpu.memory_space<semaphore_mem>>)
    %dma_start3A_30 = arith.constant 2 : i32
    %dma_start3A_31 = arith.constant 2 : i32
    %dma_start3A_32 = arith.constant 2 : i32
    %dma_start3A_33 = arith.constant 0 : i32
    %dma_start3A_34 = arith.constant 0 : i32
    %dma_start3A_35 = tpu.memref_slice %arg10[%dma_start3A_31, %dma_start3A_33, %dma_start3A_34] : memref<8x128x32xf32, #tpu.memory_space<vmem>> -> memref<1x128x32xf32, #tpu.memory_space<vmem>>
    %dma_start3A_36 = tpu.memref_squeeze %dma_start3A_35 : memref<1x128x32xf32, #tpu.memory_space<vmem>> -> memref<128x32xf32, #tpu.memory_space<vmem>>
    %dma_start3A_37 = arith.constant 0 : i32
    %dma_start3A_38 = tpu.memref_slice %arg8[%dma_start3A_30, %dma_start3A_37] : memref<160x128xi32, #tpu.memory_space<vmem>> -> memref<1x128xi32, #tpu.memory_space<vmem>>
    %dma_start3A_39 = tpu.memref_squeeze %dma_start3A_38 : memref<1x128xi32, #tpu.memory_space<vmem>> -> memref<128xi32, #tpu.memory_space<vmem>>
    %dma_start3A_40 = arith.constant 0 : i32
    %dma_start3A_41 = arith.constant 0 : i32
    %dma_start3A_42 = tpu.memref_slice %arg2[%dma_start3A_40, %dma_start3A_41] : memref<20480x32xf32, #tpu.memory_space<hbm>> -> memref<20480x32xf32, #tpu.memory_space<hbm>>
    %dma_start3A_43 = tpu.memref_slice %arg15[%dma_start3A_32] : memref<8x!tpu.dma_semaphore, #tpu.memory_space<semaphore_mem>> -> memref<1x!tpu.dma_semaphore, #tpu.memory_space<semaphore_mem>>
    %dma_start3A_44 = tpu.memref_squeeze %dma_start3A_43 : memref<1x!tpu.dma_semaphore, #tpu.memory_space<semaphore_mem>> -> memref<!tpu.dma_semaphore, #tpu.memory_space<semaphore_mem>>
    tpu.enqueue_indirect_dma source(%dma_start3A_42 : memref<20480x32xf32, #tpu.memory_space<hbm>>) target(%dma_start3A_36 : memref<128x32xf32, #tpu.memory_space<vmem>>) offsets(%dma_start3A_39 : memref<128xi32, #tpu.memory_space<vmem>>) semaphore(%dma_start3A_44 : memref<!tpu.dma_semaphore, #tpu.memory_space<semaphore_mem>>)
    %dma_start3A_45 = arith.constant 3 : i32
    %dma_start3A_46 = arith.constant 3 : i32
    %dma_start3A_47 = arith.constant 3 : i32
    %dma_start3A_48 = arith.constant 0 : i32
    %dma_start3A_49 = arith.constant 0 : i32
    %dma_start3A_50 = tpu.memref_slice %arg10[%dma_start3A_46, %dma_start3A_48, %dma_start3A_49] : memref<8x128x32xf32, #tpu.memory_space<vmem>> -> memref<1x128x32xf32, #tpu.memory_space<vmem>>
    %dma_start3A_51 = tpu.memref_squeeze %dma_start3A_50 : memref<1x128x32xf32, #tpu.memory_space<vmem>> -> memref<128x32xf32, #tpu.memory_space<vmem>>
    %dma_start3A_52 = arith.constant 0 : i32
    %dma_start3A_53 = tpu.memref_slice %arg8[%dma_start3A_45, %dma_start3A_52] : memref<160x128xi32, #tpu.memory_space<vmem>> -> memref<1x128xi32, #tpu.memory_space<vmem>>
    %dma_start3A_54 = tpu.memref_squeeze %dma_start3A_53 : memref<1x128xi32, #tpu.memory_space<vmem>> -> memref<128xi32, #tpu.memory_space<vmem>>
    %dma_start3A_55 = arith.constant 0 : i32
    %dma_start3A_56 = arith.constant 0 : i32
    %dma_start3A_57 = tpu.memref_slice %arg2[%dma_start3A_55, %dma_start3A_56] : memref<20480x32xf32, #tpu.memory_space<hbm>> -> memref<20480x32xf32, #tpu.memory_space<hbm>>
    %dma_start3A_58 = tpu.memref_slice %arg15[%dma_start3A_47] : memref<8x!tpu.dma_semaphore, #tpu.memory_space<semaphore_mem>> -> memref<1x!tpu.dma_semaphore, #tpu.memory_space<semaphore_mem>>
    %dma_start3A_59 = tpu.memref_squeeze %dma_start3A_58 : memref<1x!tpu.dma_semaphore, #tpu.memory_space<semaphore_mem>> -> memref<!tpu.dma_semaphore, #tpu.memory_space<semaphore_mem>>
    tpu.enqueue_indirect_dma source(%dma_start3A_57 : memref<20480x32xf32, #tpu.memory_space<hbm>>) target(%dma_start3A_51 : memref<128x32xf32, #tpu.memory_space<vmem>>) offsets(%dma_start3A_54 : memref<128xi32, #tpu.memory_space<vmem>>) semaphore(%dma_start3A_59 : memref<!tpu.dma_semaphore, #tpu.memory_space<semaphore_mem>>)
    %dma_start3A_60 = arith.constant 4 : i32
    %dma_start3A_61 = arith.constant 4 : i32
    %dma_start3A_62 = arith.constant 4 : i32
    %dma_start3A_63 = arith.constant 0 : i32
    %dma_start3A_64 = arith.constant 0 : i32
    %dma_start3A_65 = tpu.memref_slice %arg10[%dma_start3A_61, %dma_start3A_63, %dma_start3A_64] : memref<8x128x32xf32, #tpu.memory_space<vmem>> -> memref<1x128x32xf32, #tpu.memory_space<vmem>>
    %dma_start3A_66 = tpu.memref_squeeze %dma_start3A_65 : memref<1x128x32xf32, #tpu.memory_space<vmem>> -> memref<128x32xf32, #tpu.memory_space<vmem>>
    %dma_start3A_67 = arith.constant 0 : i32
    %dma_start3A_68 = tpu.memref_slice %arg8[%dma_start3A_60, %dma_start3A_67] : memref<160x128xi32, #tpu.memory_space<vmem>> -> memref<1x128xi32, #tpu.memory_space<vmem>>
    %dma_start3A_69 = tpu.memref_squeeze %dma_start3A_68 : memref<1x128xi32, #tpu.memory_space<vmem>> -> memref<128xi32, #tpu.memory_space<vmem>>
    %dma_start3A_70 = arith.constant 0 : i32
    %dma_start3A_71 = arith.constant 0 : i32
    %dma_start3A_72 = tpu.memref_slice %arg2[%dma_start3A_70, %dma_start3A_71] : memref<20480x32xf32, #tpu.memory_space<hbm>> -> memref<20480x32xf32, #tpu.memory_space<hbm>>
    %dma_start3A_73 = tpu.memref_slice %arg15[%dma_start3A_62] : memref<8x!tpu.dma_semaphore, #tpu.memory_space<semaphore_mem>> -> memref<1x!tpu.dma_semaphore, #tpu.memory_space<semaphore_mem>>
    %dma_start3A_74 = tpu.memref_squeeze %dma_start3A_73 : memref<1x!tpu.dma_semaphore, #tpu.memory_space<semaphore_mem>> -> memref<!tpu.dma_semaphore, #tpu.memory_space<semaphore_mem>>
    tpu.enqueue_indirect_dma source(%dma_start3A_72 : memref<20480x32xf32, #tpu.memory_space<hbm>>) target(%dma_start3A_66 : memref<128x32xf32, #tpu.memory_space<vmem>>) offsets(%dma_start3A_69 : memref<128xi32, #tpu.memory_space<vmem>>) semaphore(%dma_start3A_74 : memref<!tpu.dma_semaphore, #tpu.memory_space<semaphore_mem>>)
    %dma_start3A_75 = arith.constant 5 : i32
    %dma_start3A_76 = arith.constant 5 : i32
    %dma_start3A_77 = arith.constant 5 : i32
    %dma_start3A_78 = arith.constant 0 : i32
    %dma_start3A_79 = arith.constant 0 : i32
    %dma_start3A_80 = tpu.memref_slice %arg10[%dma_start3A_76, %dma_start3A_78, %dma_start3A_79] : memref<8x128x32xf32, #tpu.memory_space<vmem>> -> memref<1x128x32xf32, #tpu.memory_space<vmem>>
    %dma_start3A_81 = tpu.memref_squeeze %dma_start3A_80 : memref<1x128x32xf32, #tpu.memory_space<vmem>> -> memref<128x32xf32, #tpu.memory_space<vmem>>
    %dma_start3A_82 = arith.constant 0 : i32
    %dma_start3A_83 = tpu.memref_slice %arg8[%dma_start3A_75, %dma_start3A_82] : memref<160x128xi32, #tpu.memory_space<vmem>> -> memref<1x128xi32, #tpu.memory_space<vmem>>
    %dma_start3A_84 = tpu.memref_squeeze %dma_start3A_83 : memref<1x128xi32, #tpu.memory_space<vmem>> -> memref<128xi32, #tpu.memory_space<vmem>>
    %dma_start3A_85 = arith.constant 0 : i32
    %dma_start3A_86 = arith.constant 0 : i32
    %dma_start3A_87 = tpu.memref_slice %arg2[%dma_start3A_85, %dma_start3A_86] : memref<20480x32xf32, #tpu.memory_space<hbm>> -> memref<20480x32xf32, #tpu.memory_space<hbm>>
    %dma_start3A_88 = tpu.memref_slice %arg15[%dma_start3A_77] : memref<8x!tpu.dma_semaphore, #tpu.memory_space<semaphore_mem>> -> memref<1x!tpu.dma_semaphore, #tpu.memory_space<semaphore_mem>>
    %dma_start3A_89 = tpu.memref_squeeze %dma_start3A_88 : memref<1x!tpu.dma_semaphore, #tpu.memory_space<semaphore_mem>> -> memref<!tpu.dma_semaphore, #tpu.memory_space<semaphore_mem>>
    tpu.enqueue_indirect_dma source(%dma_start3A_87 : memref<20480x32xf32, #tpu.memory_space<hbm>>) target(%dma_start3A_81 : memref<128x32xf32, #tpu.memory_space<vmem>>) offsets(%dma_start3A_84 : memref<128xi32, #tpu.memory_space<vmem>>) semaphore(%dma_start3A_89 : memref<!tpu.dma_semaphore, #tpu.memory_space<semaphore_mem>>)
    %scan3A = arith.constant 0 : i32
    %scan3A_90 = arith.constant 20 : i32
    %scan3A_91 = arith.addi %scan3A, %scan3A_90 : i32
    %scan3A_92 = arith.constant 1 : i32
    scf.for %scan3A_219 = %scan3A to %scan3A_91 step %scan3A_92  : i32 {
      %mul3A_220 = arith.constant 8 : i32
      %mul3A_221 = arith.muli %scan3A_219, %mul3A_220 : i32
      %add3A = arith.constant 0 : i32
      %add3A_222 = arith.addi %mul3A_221, %add3A : i32
      %dma_wait3A_223 = arith.constant 0 : i32
      %dma_wait3A_224 = arith.constant 0 : i32
      %dma_wait3A_225 = arith.constant 0 : i32
      %dma_wait3A_226 = arith.constant 0 : i32
      %dma_wait3A_227 = tpu.memref_slice %arg10[%dma_wait3A_223, %dma_wait3A_225, %dma_wait3A_226] : memref<8x128x32xf32, #tpu.memory_space<vmem>> -> memref<1x128x32xf32, #tpu.memory_space<vmem>>
      %dma_wait3A_228 = tpu.memref_squeeze %dma_wait3A_227 : memref<1x128x32xf32, #tpu.memory_space<vmem>> -> memref<128x32xf32, #tpu.memory_space<vmem>>
      %dma_wait3A_229 = arith.constant 0 : i32
      %dma_wait3A_230 = tpu.memref_slice %arg8[%add3A_222, %dma_wait3A_229] : memref<160x128xi32, #tpu.memory_space<vmem>> -> memref<1x128xi32, #tpu.memory_space<vmem>>
      %dma_wait3A_231 = tpu.memref_squeeze %dma_wait3A_230 : memref<1x128xi32, #tpu.memory_space<vmem>> -> memref<128xi32, #tpu.memory_space<vmem>>
      %dma_wait3A_232 = arith.constant 0 : i32
      %dma_wait3A_233 = arith.constant 0 : i32
      %dma_wait3A_234 = tpu.memref_slice %arg2[%dma_wait3A_232, %dma_wait3A_233] : memref<20480x32xf32, #tpu.memory_space<hbm>> -> memref<20480x32xf32, #tpu.memory_space<hbm>>
      %dma_wait3A_235 = tpu.memref_slice %arg15[%dma_wait3A_224] : memref<8x!tpu.dma_semaphore, #tpu.memory_space<semaphore_mem>> -> memref<1x!tpu.dma_semaphore, #tpu.memory_space<semaphore_mem>>
      %dma_wait3A_236 = tpu.memref_squeeze %dma_wait3A_235 : memref<1x!tpu.dma_semaphore, #tpu.memory_space<semaphore_mem>> -> memref<!tpu.dma_semaphore, #tpu.memory_space<semaphore_mem>>
      tpu.wait_indirect_dma semaphore(%dma_wait3A_236 : memref<!tpu.dma_semaphore, #tpu.memory_space<semaphore_mem>>) src(%dma_wait3A_234 : memref<20480x32xf32, #tpu.memory_space<hbm>>) dst(%dma_wait3A_228 : memref<128x32xf32, #tpu.memory_space<vmem>>)
      %dma_start3A_237 = arith.constant 0 : i32
      %dma_start3A_238 = arith.constant 0 : i32
      %dma_start3A_239 = arith.constant 0 : i32
      %dma_start3A_240 = arith.constant 0 : i32
      %dma_start3A_241 = tpu.memref_slice %arg10[%dma_start3A_237, %dma_start3A_239, %dma_start3A_240] : memref<8x128x32xf32, #tpu.memory_space<vmem>> -> memref<1x128x32xf32, #tpu.memory_space<vmem>>
      %dma_start3A_242 = tpu.memref_squeeze %dma_start3A_241 : memref<1x128x32xf32, #tpu.memory_space<vmem>> -> memref<128x32xf32, #tpu.memory_space<vmem>>
      %dma_start3A_243 = arith.constant 0 : i32
      %dma_start3A_244 = tpu.memref_slice %arg9[%add3A_222, %dma_start3A_243] : memref<160x128xi32, #tpu.memory_space<vmem>> -> memref<1x128xi32, #tpu.memory_space<vmem>>
      %dma_start3A_245 = tpu.memref_squeeze %dma_start3A_244 : memref<1x128xi32, #tpu.memory_space<vmem>> -> memref<128xi32, #tpu.memory_space<vmem>>
      %dma_start3A_246 = arith.constant 0 : i32
      %dma_start3A_247 = arith.constant 0 : i32
      %dma_start3A_248 = tpu.memref_slice %arg14[%dma_start3A_246, %dma_start3A_247] : memref<10240x32xf32, #tpu.memory_space<vmem_shared>> -> memref<10240x32xf32, #tpu.memory_space<vmem_shared>>
      %dma_start3A_249 = tpu.memref_slice %arg16[%dma_start3A_238] : memref<8x!tpu.dma_semaphore, #tpu.memory_space<semaphore_mem>> -> memref<1x!tpu.dma_semaphore, #tpu.memory_space<semaphore_mem>>
      %dma_start3A_250 = tpu.memref_squeeze %dma_start3A_249 : memref<1x!tpu.dma_semaphore, #tpu.memory_space<semaphore_mem>> -> memref<!tpu.dma_semaphore, #tpu.memory_space<semaphore_mem>>
      tpu.enqueue_indirect_dma source(%dma_start3A_242 : memref<128x32xf32, #tpu.memory_space<vmem>>) target(%dma_start3A_248 : memref<10240x32xf32, #tpu.memory_space<vmem_shared>>) offsets(%dma_start3A_245 : memref<128xi32, #tpu.memory_space<vmem>>) semaphore(%dma_start3A_250 : memref<!tpu.dma_semaphore, #tpu.memory_space<semaphore_mem>>) {add = true}
      %add3A_251 = arith.constant 6 : i32
      %add3A_252 = arith.addi %add3A_222, %add3A_251 : i32
      %lt3A = arith.constant 160 : i32
      %lt3A_253 = arith.cmpi slt, %add3A_252, %lt3A : i32
      %convert_element_type3A = arith.extui %lt3A_253 : i1 to i32
      %cond3A = arith.constant 0 : i32
      %cond3A_254 = arith.cmpi ne, %convert_element_type3A, %cond3A : i32
      scf.if %cond3A_254 {
        %add3A_528 = arith.constant 6 : i32
        %add3A_529 = arith.addi %add3A_222, %add3A_528 : i32
        %ge3A = arith.constant 8 : i32
        %ge3A_530 = arith.cmpi sge, %add3A_529, %ge3A : i32
        %convert_element_type3A_531 = arith.extui %ge3A_530 : i1 to i32
        %cond3A_532 = arith.constant 0 : i32
        %cond3A_533 = arith.cmpi ne, %convert_element_type3A_531, %cond3A_532 : i32
        scf.if %cond3A_533 {
          %add3A_550 = arith.constant 6 : i32
          %add3A_551 = arith.addi %add3A_222, %add3A_550 : i32
          %sub3A = arith.constant 8 : i32
          %sub3A_552 = arith.subi %add3A_551, %sub3A : i32
          %dma_wait3A_553 = arith.constant 6 : i32
          %dma_wait3A_554 = arith.constant 6 : i32
          %dma_wait3A_555 = arith.constant 0 : i32
          %dma_wait3A_556 = arith.constant 0 : i32
          %dma_wait3A_557 = tpu.memref_slice %arg10[%dma_wait3A_553, %dma_wait3A_555, %dma_wait3A_556] : memref<8x128x32xf32, #tpu.memory_space<vmem>> -> memref<1x128x32xf32, #tpu.memory_space<vmem>>
          %dma_wait3A_558 = tpu.memref_squeeze %dma_wait3A_557 : memref<1x128x32xf32, #tpu.memory_space<vmem>> -> memref<128x32xf32, #tpu.memory_space<vmem>>
          %dma_wait3A_559 = arith.constant 0 : i32
          %dma_wait3A_560 = tpu.memref_slice %arg9[%sub3A_552, %dma_wait3A_559] : memref<160x128xi32, #tpu.memory_space<vmem>> -> memref<1x128xi32, #tpu.memory_space<vmem>>
          %dma_wait3A_561 = tpu.memref_squeeze %dma_wait3A_560 : memref<1x128xi32, #tpu.memory_space<vmem>> -> memref<128xi32, #tpu.memory_space<vmem>>
          %dma_wait3A_562 = arith.constant 0 : i32
          %dma_wait3A_563 = arith.constant 0 : i32
          %dma_wait3A_564 = tpu.memref_slice %arg14[%dma_wait3A_562, %dma_wait3A_563] : memref<10240x32xf32, #tpu.memory_space<vmem_shared>> -> memref<10240x32xf32, #tpu.memory_space<vmem_shared>>
          %dma_wait3A_565 = tpu.memref_slice %arg16[%dma_wait3A_554] : memref<8x!tpu.dma_semaphore, #tpu.memory_space<semaphore_mem>> -> memref<1x!tpu.dma_semaphore, #tpu.memory_space<semaphore_mem>>
          %dma_wait3A_566 = tpu.memref_squeeze %dma_wait3A_565 : memref<1x!tpu.dma_semaphore, #tpu.memory_space<semaphore_mem>> -> memref<!tpu.dma_semaphore, #tpu.memory_space<semaphore_mem>>
          tpu.wait_indirect_dma semaphore(%dma_wait3A_566 : memref<!tpu.dma_semaphore, #tpu.memory_space<semaphore_mem>>) src(%dma_wait3A_558 : memref<128x32xf32, #tpu.memory_space<vmem>>) dst(%dma_wait3A_564 : memref<10240x32xf32, #tpu.memory_space<vmem_shared>>)
        } else {
        }
        %add3A_534 = arith.constant 6 : i32
        %add3A_535 = arith.addi %add3A_222, %add3A_534 : i32
        %dma_start3A_536 = arith.constant 6 : i32
        %dma_start3A_537 = arith.constant 6 : i32
        %dma_start3A_538 = arith.constant 0 : i32
        %dma_start3A_539 = arith.constant 0 : i32
        %dma_start3A_540 = tpu.memref_slice %arg10[%dma_start3A_536, %dma_start3A_538, %dma_start3A_539] : memref<8x128x32xf32, #tpu.memory_space<vmem>> -> memref<1x128x32xf32, #tpu.memory_space<vmem>>
        %dma_start3A_541 = tpu.memref_squeeze %dma_start3A_540 : memref<1x128x32xf32, #tpu.memory_space<vmem>> -> memref<128x32xf32, #tpu.memory_space<vmem>>
        %dma_start3A_542 = arith.constant 0 : i32
        %dma_start3A_543 = tpu.memref_slice %arg8[%add3A_535, %dma_start3A_542] : memref<160x128xi32, #tpu.memory_space<vmem>> -> memref<1x128xi32, #tpu.memory_space<vmem>>
        %dma_start3A_544 = tpu.memref_squeeze %dma_start3A_543 : memref<1x128xi32, #tpu.memory_space<vmem>> -> memref<128xi32, #tpu.memory_space<vmem>>
        %dma_start3A_545 = arith.constant 0 : i32
        %dma_start3A_546 = arith.constant 0 : i32
        %dma_start3A_547 = tpu.memref_slice %arg2[%dma_start3A_545, %dma_start3A_546] : memref<20480x32xf32, #tpu.memory_space<hbm>> -> memref<20480x32xf32, #tpu.memory_space<hbm>>
        %dma_start3A_548 = tpu.memref_slice %arg15[%dma_start3A_537] : memref<8x!tpu.dma_semaphore, #tpu.memory_space<semaphore_mem>> -> memref<1x!tpu.dma_semaphore, #tpu.memory_space<semaphore_mem>>
        %dma_start3A_549 = tpu.memref_squeeze %dma_start3A_548 : memref<1x!tpu.dma_semaphore, #tpu.memory_space<semaphore_mem>> -> memref<!tpu.dma_semaphore, #tpu.memory_space<semaphore_mem>>
        tpu.enqueue_indirect_dma source(%dma_start3A_547 : memref<20480x32xf32, #tpu.memory_space<hbm>>) target(%dma_start3A_541 : memref<128x32xf32, #tpu.memory_space<vmem>>) offsets(%dma_start3A_544 : memref<128xi32, #tpu.memory_space<vmem>>) semaphore(%dma_start3A_549 : memref<!tpu.dma_semaphore, #tpu.memory_space<semaphore_mem>>)
      } else {
      }
      %mul3A_255 = arith.constant 8 : i32
      %mul3A_256 = arith.muli %scan3A_219, %mul3A_255 : i32
      %add3A_257 = arith.constant 1 : i32
      %add3A_258 = arith.addi %mul3A_256, %add3A_257 : i32
      %dma_wait3A_259 = arith.constant 1 : i32
      %dma_wait3A_260 = arith.constant 1 : i32
      %dma_wait3A_261 = arith.constant 0 : i32
      %dma_wait3A_262 = arith.constant 0 : i32
      %dma_wait3A_263 = tpu.memref_slice %arg10[%dma_wait3A_259, %dma_wait3A_261, %dma_wait3A_262] : memref<8x128x32xf32, #tpu.memory_space<vmem>> -> memref<1x128x32xf32, #tpu.memory_space<vmem>>
      %dma_wait3A_264 = tpu.memref_squeeze %dma_wait3A_263 : memref<1x128x32xf32, #tpu.memory_space<vmem>> -> memref<128x32xf32, #tpu.memory_space<vmem>>
      %dma_wait3A_265 = arith.constant 0 : i32
      %dma_wait3A_266 = tpu.memref_slice %arg8[%add3A_258, %dma_wait3A_265] : memref<160x128xi32, #tpu.memory_space<vmem>> -> memref<1x128xi32, #tpu.memory_space<vmem>>
      %dma_wait3A_267 = tpu.memref_squeeze %dma_wait3A_266 : memref<1x128xi32, #tpu.memory_space<vmem>> -> memref<128xi32, #tpu.memory_space<vmem>>
      %dma_wait3A_268 = arith.constant 0 : i32
      %dma_wait3A_269 = arith.constant 0 : i32
      %dma_wait3A_270 = tpu.memref_slice %arg2[%dma_wait3A_268, %dma_wait3A_269] : memref<20480x32xf32, #tpu.memory_space<hbm>> -> memref<20480x32xf32, #tpu.memory_space<hbm>>
      %dma_wait3A_271 = tpu.memref_slice %arg15[%dma_wait3A_260] : memref<8x!tpu.dma_semaphore, #tpu.memory_space<semaphore_mem>> -> memref<1x!tpu.dma_semaphore, #tpu.memory_space<semaphore_mem>>
      %dma_wait3A_272 = tpu.memref_squeeze %dma_wait3A_271 : memref<1x!tpu.dma_semaphore, #tpu.memory_space<semaphore_mem>> -> memref<!tpu.dma_semaphore, #tpu.memory_space<semaphore_mem>>
      tpu.wait_indirect_dma semaphore(%dma_wait3A_272 : memref<!tpu.dma_semaphore, #tpu.memory_space<semaphore_mem>>) src(%dma_wait3A_270 : memref<20480x32xf32, #tpu.memory_space<hbm>>) dst(%dma_wait3A_264 : memref<128x32xf32, #tpu.memory_space<vmem>>)
      %dma_start3A_273 = arith.constant 1 : i32
      %dma_start3A_274 = arith.constant 1 : i32
      %dma_start3A_275 = arith.constant 0 : i32
      %dma_start3A_276 = arith.constant 0 : i32
      %dma_start3A_277 = tpu.memref_slice %arg10[%dma_start3A_273, %dma_start3A_275, %dma_start3A_276] : memref<8x128x32xf32, #tpu.memory_space<vmem>> -> memref<1x128x32xf32, #tpu.memory_space<vmem>>
      %dma_start3A_278 = tpu.memref_squeeze %dma_start3A_277 : memref<1x128x32xf32, #tpu.memory_space<vmem>> -> memref<128x32xf32, #tpu.memory_space<vmem>>
      %dma_start3A_279 = arith.constant 0 : i32
      %dma_start3A_280 = tpu.memref_slice %arg9[%add3A_258, %dma_start3A_279] : memref<160x128xi32, #tpu.memory_space<vmem>> -> memref<1x128xi32, #tpu.memory_space<vmem>>
      %dma_start3A_281 = tpu.memref_squeeze %dma_start3A_280 : memref<1x128xi32, #tpu.memory_space<vmem>> -> memref<128xi32, #tpu.memory_space<vmem>>
      %dma_start3A_282 = arith.constant 0 : i32
      %dma_start3A_283 = arith.constant 0 : i32
      %dma_start3A_284 = tpu.memref_slice %arg14[%dma_start3A_282, %dma_start3A_283] : memref<10240x32xf32, #tpu.memory_space<vmem_shared>> -> memref<10240x32xf32, #tpu.memory_space<vmem_shared>>
      %dma_start3A_285 = tpu.memref_slice %arg16[%dma_start3A_274] : memref<8x!tpu.dma_semaphore, #tpu.memory_space<semaphore_mem>> -> memref<1x!tpu.dma_semaphore, #tpu.memory_space<semaphore_mem>>
      %dma_start3A_286 = tpu.memref_squeeze %dma_start3A_285 : memref<1x!tpu.dma_semaphore, #tpu.memory_space<semaphore_mem>> -> memref<!tpu.dma_semaphore, #tpu.memory_space<semaphore_mem>>
      tpu.enqueue_indirect_dma source(%dma_start3A_278 : memref<128x32xf32, #tpu.memory_space<vmem>>) target(%dma_start3A_284 : memref<10240x32xf32, #tpu.memory_space<vmem_shared>>) offsets(%dma_start3A_281 : memref<128xi32, #tpu.memory_space<vmem>>) semaphore(%dma_start3A_286 : memref<!tpu.dma_semaphore, #tpu.memory_space<semaphore_mem>>) {add = true}
      %add3A_287 = arith.constant 6 : i32
      %add3A_288 = arith.addi %add3A_258, %add3A_287 : i32
      %lt3A_289 = arith.constant 160 : i32
      %lt3A_290 = arith.cmpi slt, %add3A_288, %lt3A_289 : i32
      %convert_element_type3A_291 = arith.extui %lt3A_290 : i1 to i32
      %cond3A_292 = arith.constant 0 : i32
      %cond3A_293 = arith.cmpi ne, %convert_element_type3A_291, %cond3A_292 : i32
      scf.if %cond3A_293 {
        %add3A_528 = arith.constant 6 : i32
        %add3A_529 = arith.addi %add3A_258, %add3A_528 : i32
        %ge3A = arith.constant 8 : i32
        %ge3A_530 = arith.cmpi sge, %add3A_529, %ge3A : i32
        %convert_element_type3A_531 = arith.extui %ge3A_530 : i1 to i32
        %cond3A_532 = arith.constant 0 : i32
        %cond3A_533 = arith.cmpi ne, %convert_element_type3A_531, %cond3A_532 : i32
        scf.if %cond3A_533 {
          %add3A_550 = arith.constant 6 : i32
          %add3A_551 = arith.addi %add3A_258, %add3A_550 : i32
          %sub3A = arith.constant 8 : i32
          %sub3A_552 = arith.subi %add3A_551, %sub3A : i32
          %dma_wait3A_553 = arith.constant 7 : i32
          %dma_wait3A_554 = arith.constant 7 : i32
          %dma_wait3A_555 = arith.constant 0 : i32
          %dma_wait3A_556 = arith.constant 0 : i32
          %dma_wait3A_557 = tpu.memref_slice %arg10[%dma_wait3A_553, %dma_wait3A_555, %dma_wait3A_556] : memref<8x128x32xf32, #tpu.memory_space<vmem>> -> memref<1x128x32xf32, #tpu.memory_space<vmem>>
          %dma_wait3A_558 = tpu.memref_squeeze %dma_wait3A_557 : memref<1x128x32xf32, #tpu.memory_space<vmem>> -> memref<128x32xf32, #tpu.memory_space<vmem>>
          %dma_wait3A_559 = arith.constant 0 : i32
          %dma_wait3A_560 = tpu.memref_slice %arg9[%sub3A_552, %dma_wait3A_559] : memref<160x128xi32, #tpu.memory_space<vmem>> -> memref<1x128xi32, #tpu.memory_space<vmem>>
          %dma_wait3A_561 = tpu.memref_squeeze %dma_wait3A_560 : memref<1x128xi32, #tpu.memory_space<vmem>> -> memref<128xi32, #tpu.memory_space<vmem>>
          %dma_wait3A_562 = arith.constant 0 : i32
          %dma_wait3A_563 = arith.constant 0 : i32
          %dma_wait3A_564 = tpu.memref_slice %arg14[%dma_wait3A_562, %dma_wait3A_563] : memref<10240x32xf32, #tpu.memory_space<vmem_shared>> -> memref<10240x32xf32, #tpu.memory_space<vmem_shared>>
          %dma_wait3A_565 = tpu.memref_slice %arg16[%dma_wait3A_554] : memref<8x!tpu.dma_semaphore, #tpu.memory_space<semaphore_mem>> -> memref<1x!tpu.dma_semaphore, #tpu.memory_space<semaphore_mem>>
          %dma_wait3A_566 = tpu.memref_squeeze %dma_wait3A_565 : memref<1x!tpu.dma_semaphore, #tpu.memory_space<semaphore_mem>> -> memref<!tpu.dma_semaphore, #tpu.memory_space<semaphore_mem>>
          tpu.wait_indirect_dma semaphore(%dma_wait3A_566 : memref<!tpu.dma_semaphore, #tpu.memory_space<semaphore_mem>>) src(%dma_wait3A_558 : memref<128x32xf32, #tpu.memory_space<vmem>>) dst(%dma_wait3A_564 : memref<10240x32xf32, #tpu.memory_space<vmem_shared>>)
        } else {
        }
        %add3A_534 = arith.constant 6 : i32
        %add3A_535 = arith.addi %add3A_258, %add3A_534 : i32
        %dma_start3A_536 = arith.constant 7 : i32
        %dma_start3A_537 = arith.constant 7 : i32
        %dma_start3A_538 = arith.constant 0 : i32
        %dma_start3A_539 = arith.constant 0 : i32
        %dma_start3A_540 = tpu.memref_slice %arg10[%dma_start3A_536, %dma_start3A_538, %dma_start3A_539] : memref<8x128x32xf32, #tpu.memory_space<vmem>> -> memref<1x128x32xf32, #tpu.memory_space<vmem>>
        %dma_start3A_541 = tpu.memref_squeeze %dma_start3A_540 : memref<1x128x32xf32, #tpu.memory_space<vmem>> -> memref<128x32xf32, #tpu.memory_space<vmem>>
        %dma_start3A_542 = arith.constant 0 : i32
        %dma_start3A_543 = tpu.memref_slice %arg8[%add3A_535, %dma_start3A_542] : memref<160x128xi32, #tpu.memory_space<vmem>> -> memref<1x128xi32, #tpu.memory_space<vmem>>
        %dma_start3A_544 = tpu.memref_squeeze %dma_start3A_543 : memref<1x128xi32, #tpu.memory_space<vmem>> -> memref<128xi32, #tpu.memory_space<vmem>>
        %dma_start3A_545 = arith.constant 0 : i32
        %dma_start3A_546 = arith.constant 0 : i32
        %dma_start3A_547 = tpu.memref_slice %arg2[%dma_start3A_545, %dma_start3A_546] : memref<20480x32xf32, #tpu.memory_space<hbm>> -> memref<20480x32xf32, #tpu.memory_space<hbm>>
        %dma_start3A_548 = tpu.memref_slice %arg15[%dma_start3A_537] : memref<8x!tpu.dma_semaphore, #tpu.memory_space<semaphore_mem>> -> memref<1x!tpu.dma_semaphore, #tpu.memory_space<semaphore_mem>>
        %dma_start3A_549 = tpu.memref_squeeze %dma_start3A_548 : memref<1x!tpu.dma_semaphore, #tpu.memory_space<semaphore_mem>> -> memref<!tpu.dma_semaphore, #tpu.memory_space<semaphore_mem>>
        tpu.enqueue_indirect_dma source(%dma_start3A_547 : memref<20480x32xf32, #tpu.memory_space<hbm>>) target(%dma_start3A_541 : memref<128x32xf32, #tpu.memory_space<vmem>>) offsets(%dma_start3A_544 : memref<128xi32, #tpu.memory_space<vmem>>) semaphore(%dma_start3A_549 : memref<!tpu.dma_semaphore, #tpu.memory_space<semaphore_mem>>)
      } else {
      }
      %mul3A_294 = arith.constant 8 : i32
      %mul3A_295 = arith.muli %scan3A_219, %mul3A_294 : i32
      %add3A_296 = arith.constant 2 : i32
      %add3A_297 = arith.addi %mul3A_295, %add3A_296 : i32
      %dma_wait3A_298 = arith.constant 2 : i32
      %dma_wait3A_299 = arith.constant 2 : i32
      %dma_wait3A_300 = arith.constant 0 : i32
      %dma_wait3A_301 = arith.constant 0 : i32
      %dma_wait3A_302 = tpu.memref_slice %arg10[%dma_wait3A_298, %dma_wait3A_300, %dma_wait3A_301] : memref<8x128x32xf32, #tpu.memory_space<vmem>> -> memref<1x128x32xf32, #tpu.memory_space<vmem>>
      %dma_wait3A_303 = tpu.memref_squeeze %dma_wait3A_302 : memref<1x128x32xf32, #tpu.memory_space<vmem>> -> memref<128x32xf32, #tpu.memory_space<vmem>>
      %dma_wait3A_304 = arith.constant 0 : i32
      %dma_wait3A_305 = tpu.memref_slice %arg8[%add3A_297, %dma_wait3A_304] : memref<160x128xi32, #tpu.memory_space<vmem>> -> memref<1x128xi32, #tpu.memory_space<vmem>>
      %dma_wait3A_306 = tpu.memref_squeeze %dma_wait3A_305 : memref<1x128xi32, #tpu.memory_space<vmem>> -> memref<128xi32, #tpu.memory_space<vmem>>
      %dma_wait3A_307 = arith.constant 0 : i32
      %dma_wait3A_308 = arith.constant 0 : i32
      %dma_wait3A_309 = tpu.memref_slice %arg2[%dma_wait3A_307, %dma_wait3A_308] : memref<20480x32xf32, #tpu.memory_space<hbm>> -> memref<20480x32xf32, #tpu.memory_space<hbm>>
      %dma_wait3A_310 = tpu.memref_slice %arg15[%dma_wait3A_299] : memref<8x!tpu.dma_semaphore, #tpu.memory_space<semaphore_mem>> -> memref<1x!tpu.dma_semaphore, #tpu.memory_space<semaphore_mem>>
      %dma_wait3A_311 = tpu.memref_squeeze %dma_wait3A_310 : memref<1x!tpu.dma_semaphore, #tpu.memory_space<semaphore_mem>> -> memref<!tpu.dma_semaphore, #tpu.memory_space<semaphore_mem>>
      tpu.wait_indirect_dma semaphore(%dma_wait3A_311 : memref<!tpu.dma_semaphore, #tpu.memory_space<semaphore_mem>>) src(%dma_wait3A_309 : memref<20480x32xf32, #tpu.memory_space<hbm>>) dst(%dma_wait3A_303 : memref<128x32xf32, #tpu.memory_space<vmem>>)
      %dma_start3A_312 = arith.constant 2 : i32
      %dma_start3A_313 = arith.constant 2 : i32
      %dma_start3A_314 = arith.constant 0 : i32
      %dma_start3A_315 = arith.constant 0 : i32
      %dma_start3A_316 = tpu.memref_slice %arg10[%dma_start3A_312, %dma_start3A_314, %dma_start3A_315] : memref<8x128x32xf32, #tpu.memory_space<vmem>> -> memref<1x128x32xf32, #tpu.memory_space<vmem>>
      %dma_start3A_317 = tpu.memref_squeeze %dma_start3A_316 : memref<1x128x32xf32, #tpu.memory_space<vmem>> -> memref<128x32xf32, #tpu.memory_space<vmem>>
      %dma_start3A_318 = arith.constant 0 : i32
      %dma_start3A_319 = tpu.memref_slice %arg9[%add3A_297, %dma_start3A_318] : memref<160x128xi32, #tpu.memory_space<vmem>> -> memref<1x128xi32, #tpu.memory_space<vmem>>
      %dma_start3A_320 = tpu.memref_squeeze %dma_start3A_319 : memref<1x128xi32, #tpu.memory_space<vmem>> -> memref<128xi32, #tpu.memory_space<vmem>>
      %dma_start3A_321 = arith.constant 0 : i32
      %dma_start3A_322 = arith.constant 0 : i32
      %dma_start3A_323 = tpu.memref_slice %arg14[%dma_start3A_321, %dma_start3A_322] : memref<10240x32xf32, #tpu.memory_space<vmem_shared>> -> memref<10240x32xf32, #tpu.memory_space<vmem_shared>>
      %dma_start3A_324 = tpu.memref_slice %arg16[%dma_start3A_313] : memref<8x!tpu.dma_semaphore, #tpu.memory_space<semaphore_mem>> -> memref<1x!tpu.dma_semaphore, #tpu.memory_space<semaphore_mem>>
      %dma_start3A_325 = tpu.memref_squeeze %dma_start3A_324 : memref<1x!tpu.dma_semaphore, #tpu.memory_space<semaphore_mem>> -> memref<!tpu.dma_semaphore, #tpu.memory_space<semaphore_mem>>
      tpu.enqueue_indirect_dma source(%dma_start3A_317 : memref<128x32xf32, #tpu.memory_space<vmem>>) target(%dma_start3A_323 : memref<10240x32xf32, #tpu.memory_space<vmem_shared>>) offsets(%dma_start3A_320 : memref<128xi32, #tpu.memory_space<vmem>>) semaphore(%dma_start3A_325 : memref<!tpu.dma_semaphore, #tpu.memory_space<semaphore_mem>>) {add = true}
      %add3A_326 = arith.constant 6 : i32
      %add3A_327 = arith.addi %add3A_297, %add3A_326 : i32
      %lt3A_328 = arith.constant 160 : i32
      %lt3A_329 = arith.cmpi slt, %add3A_327, %lt3A_328 : i32
      %convert_element_type3A_330 = arith.extui %lt3A_329 : i1 to i32
      %cond3A_331 = arith.constant 0 : i32
      %cond3A_332 = arith.cmpi ne, %convert_element_type3A_330, %cond3A_331 : i32
      scf.if %cond3A_332 {
        %add3A_528 = arith.constant 6 : i32
        %add3A_529 = arith.addi %add3A_297, %add3A_528 : i32
        %ge3A = arith.constant 8 : i32
        %ge3A_530 = arith.cmpi sge, %add3A_529, %ge3A : i32
        %convert_element_type3A_531 = arith.extui %ge3A_530 : i1 to i32
        %cond3A_532 = arith.constant 0 : i32
        %cond3A_533 = arith.cmpi ne, %convert_element_type3A_531, %cond3A_532 : i32
        scf.if %cond3A_533 {
          %add3A_550 = arith.constant 6 : i32
          %add3A_551 = arith.addi %add3A_297, %add3A_550 : i32
          %sub3A = arith.constant 8 : i32
          %sub3A_552 = arith.subi %add3A_551, %sub3A : i32
          %dma_wait3A_553 = arith.constant 0 : i32
          %dma_wait3A_554 = arith.constant 0 : i32
          %dma_wait3A_555 = arith.constant 0 : i32
          %dma_wait3A_556 = arith.constant 0 : i32
          %dma_wait3A_557 = tpu.memref_slice %arg10[%dma_wait3A_553, %dma_wait3A_555, %dma_wait3A_556] : memref<8x128x32xf32, #tpu.memory_space<vmem>> -> memref<1x128x32xf32, #tpu.memory_space<vmem>>
          %dma_wait3A_558 = tpu.memref_squeeze %dma_wait3A_557 : memref<1x128x32xf32, #tpu.memory_space<vmem>> -> memref<128x32xf32, #tpu.memory_space<vmem>>
          %dma_wait3A_559 = arith.constant 0 : i32
          %dma_wait3A_560 = tpu.memref_slice %arg9[%sub3A_552, %dma_wait3A_559] : memref<160x128xi32, #tpu.memory_space<vmem>> -> memref<1x128xi32, #tpu.memory_space<vmem>>
          %dma_wait3A_561 = tpu.memref_squeeze %dma_wait3A_560 : memref<1x128xi32, #tpu.memory_space<vmem>> -> memref<128xi32, #tpu.memory_space<vmem>>
          %dma_wait3A_562 = arith.constant 0 : i32
          %dma_wait3A_563 = arith.constant 0 : i32
          %dma_wait3A_564 = tpu.memref_slice %arg14[%dma_wait3A_562, %dma_wait3A_563] : memref<10240x32xf32, #tpu.memory_space<vmem_shared>> -> memref<10240x32xf32, #tpu.memory_space<vmem_shared>>
          %dma_wait3A_565 = tpu.memref_slice %arg16[%dma_wait3A_554] : memref<8x!tpu.dma_semaphore, #tpu.memory_space<semaphore_mem>> -> memref<1x!tpu.dma_semaphore, #tpu.memory_space<semaphore_mem>>
          %dma_wait3A_566 = tpu.memref_squeeze %dma_wait3A_565 : memref<1x!tpu.dma_semaphore, #tpu.memory_space<semaphore_mem>> -> memref<!tpu.dma_semaphore, #tpu.memory_space<semaphore_mem>>
          tpu.wait_indirect_dma semaphore(%dma_wait3A_566 : memref<!tpu.dma_semaphore, #tpu.memory_space<semaphore_mem>>) src(%dma_wait3A_558 : memref<128x32xf32, #tpu.memory_space<vmem>>) dst(%dma_wait3A_564 : memref<10240x32xf32, #tpu.memory_space<vmem_shared>>)
        } else {
        }
        %add3A_534 = arith.constant 6 : i32
        %add3A_535 = arith.addi %add3A_297, %add3A_534 : i32
        %dma_start3A_536 = arith.constant 0 : i32
        %dma_start3A_537 = arith.constant 0 : i32
        %dma_start3A_538 = arith.constant 0 : i32
        %dma_start3A_539 = arith.constant 0 : i32
        %dma_start3A_540 = tpu.memref_slice %arg10[%dma_start3A_536, %dma_start3A_538, %dma_start3A_539] : memref<8x128x32xf32, #tpu.memory_space<vmem>> -> memref<1x128x32xf32, #tpu.memory_space<vmem>>
        %dma_start3A_541 = tpu.memref_squeeze %dma_start3A_540 : memref<1x128x32xf32, #tpu.memory_space<vmem>> -> memref<128x32xf32, #tpu.memory_space<vmem>>
        %dma_start3A_542 = arith.constant 0 : i32
        %dma_start3A_543 = tpu.memref_slice %arg8[%add3A_535, %dma_start3A_542] : memref<160x128xi32, #tpu.memory_space<vmem>> -> memref<1x128xi32, #tpu.memory_space<vmem>>
        %dma_start3A_544 = tpu.memref_squeeze %dma_start3A_543 : memref<1x128xi32, #tpu.memory_space<vmem>> -> memref<128xi32, #tpu.memory_space<vmem>>
        %dma_start3A_545 = arith.constant 0 : i32
        %dma_start3A_546 = arith.constant 0 : i32
        %dma_start3A_547 = tpu.memref_slice %arg2[%dma_start3A_545, %dma_start3A_546] : memref<20480x32xf32, #tpu.memory_space<hbm>> -> memref<20480x32xf32, #tpu.memory_space<hbm>>
        %dma_start3A_548 = tpu.memref_slice %arg15[%dma_start3A_537] : memref<8x!tpu.dma_semaphore, #tpu.memory_space<semaphore_mem>> -> memref<1x!tpu.dma_semaphore, #tpu.memory_space<semaphore_mem>>
        %dma_start3A_549 = tpu.memref_squeeze %dma_start3A_548 : memref<1x!tpu.dma_semaphore, #tpu.memory_space<semaphore_mem>> -> memref<!tpu.dma_semaphore, #tpu.memory_space<semaphore_mem>>
        tpu.enqueue_indirect_dma source(%dma_start3A_547 : memref<20480x32xf32, #tpu.memory_space<hbm>>) target(%dma_start3A_541 : memref<128x32xf32, #tpu.memory_space<vmem>>) offsets(%dma_start3A_544 : memref<128xi32, #tpu.memory_space<vmem>>) semaphore(%dma_start3A_549 : memref<!tpu.dma_semaphore, #tpu.memory_space<semaphore_mem>>)
      } else {
      }
      %mul3A_333 = arith.constant 8 : i32
      %mul3A_334 = arith.muli %scan3A_219, %mul3A_333 : i32
      %add3A_335 = arith.constant 3 : i32
      %add3A_336 = arith.addi %mul3A_334, %add3A_335 : i32
      %dma_wait3A_337 = arith.constant 3 : i32
      %dma_wait3A_338 = arith.constant 3 : i32
      %dma_wait3A_339 = arith.constant 0 : i32
      %dma_wait3A_340 = arith.constant 0 : i32
      %dma_wait3A_341 = tpu.memref_slice %arg10[%dma_wait3A_337, %dma_wait3A_339, %dma_wait3A_340] : memref<8x128x32xf32, #tpu.memory_space<vmem>> -> memref<1x128x32xf32, #tpu.memory_space<vmem>>
      %dma_wait3A_342 = tpu.memref_squeeze %dma_wait3A_341 : memref<1x128x32xf32, #tpu.memory_space<vmem>> -> memref<128x32xf32, #tpu.memory_space<vmem>>
      %dma_wait3A_343 = arith.constant 0 : i32
      %dma_wait3A_344 = tpu.memref_slice %arg8[%add3A_336, %dma_wait3A_343] : memref<160x128xi32, #tpu.memory_space<vmem>> -> memref<1x128xi32, #tpu.memory_space<vmem>>
      %dma_wait3A_345 = tpu.memref_squeeze %dma_wait3A_344 : memref<1x128xi32, #tpu.memory_space<vmem>> -> memref<128xi32, #tpu.memory_space<vmem>>
      %dma_wait3A_346 = arith.constant 0 : i32
      %dma_wait3A_347 = arith.constant 0 : i32
      %dma_wait3A_348 = tpu.memref_slice %arg2[%dma_wait3A_346, %dma_wait3A_347] : memref<20480x32xf32, #tpu.memory_space<hbm>> -> memref<20480x32xf32, #tpu.memory_space<hbm>>
      %dma_wait3A_349 = tpu.memref_slice %arg15[%dma_wait3A_338] : memref<8x!tpu.dma_semaphore, #tpu.memory_space<semaphore_mem>> -> memref<1x!tpu.dma_semaphore, #tpu.memory_space<semaphore_mem>>
      %dma_wait3A_350 = tpu.memref_squeeze %dma_wait3A_349 : memref<1x!tpu.dma_semaphore, #tpu.memory_space<semaphore_mem>> -> memref<!tpu.dma_semaphore, #tpu.memory_space<semaphore_mem>>
      tpu.wait_indirect_dma semaphore(%dma_wait3A_350 : memref<!tpu.dma_semaphore, #tpu.memory_space<semaphore_mem>>) src(%dma_wait3A_348 : memref<20480x32xf32, #tpu.memory_space<hbm>>) dst(%dma_wait3A_342 : memref<128x32xf32, #tpu.memory_space<vmem>>)
      %dma_start3A_351 = arith.constant 3 : i32
      %dma_start3A_352 = arith.constant 3 : i32
      %dma_start3A_353 = arith.constant 0 : i32
      %dma_start3A_354 = arith.constant 0 : i32
      %dma_start3A_355 = tpu.memref_slice %arg10[%dma_start3A_351, %dma_start3A_353, %dma_start3A_354] : memref<8x128x32xf32, #tpu.memory_space<vmem>> -> memref<1x128x32xf32, #tpu.memory_space<vmem>>
      %dma_start3A_356 = tpu.memref_squeeze %dma_start3A_355 : memref<1x128x32xf32, #tpu.memory_space<vmem>> -> memref<128x32xf32, #tpu.memory_space<vmem>>
      %dma_start3A_357 = arith.constant 0 : i32
      %dma_start3A_358 = tpu.memref_slice %arg9[%add3A_336, %dma_start3A_357] : memref<160x128xi32, #tpu.memory_space<vmem>> -> memref<1x128xi32, #tpu.memory_space<vmem>>
      %dma_start3A_359 = tpu.memref_squeeze %dma_start3A_358 : memref<1x128xi32, #tpu.memory_space<vmem>> -> memref<128xi32, #tpu.memory_space<vmem>>
      %dma_start3A_360 = arith.constant 0 : i32
      %dma_start3A_361 = arith.constant 0 : i32
      %dma_start3A_362 = tpu.memref_slice %arg14[%dma_start3A_360, %dma_start3A_361] : memref<10240x32xf32, #tpu.memory_space<vmem_shared>> -> memref<10240x32xf32, #tpu.memory_space<vmem_shared>>
      %dma_start3A_363 = tpu.memref_slice %arg16[%dma_start3A_352] : memref<8x!tpu.dma_semaphore, #tpu.memory_space<semaphore_mem>> -> memref<1x!tpu.dma_semaphore, #tpu.memory_space<semaphore_mem>>
      %dma_start3A_364 = tpu.memref_squeeze %dma_start3A_363 : memref<1x!tpu.dma_semaphore, #tpu.memory_space<semaphore_mem>> -> memref<!tpu.dma_semaphore, #tpu.memory_space<semaphore_mem>>
      tpu.enqueue_indirect_dma source(%dma_start3A_356 : memref<128x32xf32, #tpu.memory_space<vmem>>) target(%dma_start3A_362 : memref<10240x32xf32, #tpu.memory_space<vmem_shared>>) offsets(%dma_start3A_359 : memref<128xi32, #tpu.memory_space<vmem>>) semaphore(%dma_start3A_364 : memref<!tpu.dma_semaphore, #tpu.memory_space<semaphore_mem>>) {add = true}
      %add3A_365 = arith.constant 6 : i32
      %add3A_366 = arith.addi %add3A_336, %add3A_365 : i32
      %lt3A_367 = arith.constant 160 : i32
      %lt3A_368 = arith.cmpi slt, %add3A_366, %lt3A_367 : i32
      %convert_element_type3A_369 = arith.extui %lt3A_368 : i1 to i32
      %cond3A_370 = arith.constant 0 : i32
      %cond3A_371 = arith.cmpi ne, %convert_element_type3A_369, %cond3A_370 : i32
      scf.if %cond3A_371 {
        %add3A_528 = arith.constant 6 : i32
        %add3A_529 = arith.addi %add3A_336, %add3A_528 : i32
        %ge3A = arith.constant 8 : i32
        %ge3A_530 = arith.cmpi sge, %add3A_529, %ge3A : i32
        %convert_element_type3A_531 = arith.extui %ge3A_530 : i1 to i32
        %cond3A_532 = arith.constant 0 : i32
        %cond3A_533 = arith.cmpi ne, %convert_element_type3A_531, %cond3A_532 : i32
        scf.if %cond3A_533 {
          %add3A_550 = arith.constant 6 : i32
          %add3A_551 = arith.addi %add3A_336, %add3A_550 : i32
          %sub3A = arith.constant 8 : i32
          %sub3A_552 = arith.subi %add3A_551, %sub3A : i32
          %dma_wait3A_553 = arith.constant 1 : i32
          %dma_wait3A_554 = arith.constant 1 : i32
          %dma_wait3A_555 = arith.constant 0 : i32
          %dma_wait3A_556 = arith.constant 0 : i32
          %dma_wait3A_557 = tpu.memref_slice %arg10[%dma_wait3A_553, %dma_wait3A_555, %dma_wait3A_556] : memref<8x128x32xf32, #tpu.memory_space<vmem>> -> memref<1x128x32xf32, #tpu.memory_space<vmem>>
          %dma_wait3A_558 = tpu.memref_squeeze %dma_wait3A_557 : memref<1x128x32xf32, #tpu.memory_space<vmem>> -> memref<128x32xf32, #tpu.memory_space<vmem>>
          %dma_wait3A_559 = arith.constant 0 : i32
          %dma_wait3A_560 = tpu.memref_slice %arg9[%sub3A_552, %dma_wait3A_559] : memref<160x128xi32, #tpu.memory_space<vmem>> -> memref<1x128xi32, #tpu.memory_space<vmem>>
          %dma_wait3A_561 = tpu.memref_squeeze %dma_wait3A_560 : memref<1x128xi32, #tpu.memory_space<vmem>> -> memref<128xi32, #tpu.memory_space<vmem>>
          %dma_wait3A_562 = arith.constant 0 : i32
          %dma_wait3A_563 = arith.constant 0 : i32
          %dma_wait3A_564 = tpu.memref_slice %arg14[%dma_wait3A_562, %dma_wait3A_563] : memref<10240x32xf32, #tpu.memory_space<vmem_shared>> -> memref<10240x32xf32, #tpu.memory_space<vmem_shared>>
          %dma_wait3A_565 = tpu.memref_slice %arg16[%dma_wait3A_554] : memref<8x!tpu.dma_semaphore, #tpu.memory_space<semaphore_mem>> -> memref<1x!tpu.dma_semaphore, #tpu.memory_space<semaphore_mem>>
          %dma_wait3A_566 = tpu.memref_squeeze %dma_wait3A_565 : memref<1x!tpu.dma_semaphore, #tpu.memory_space<semaphore_mem>> -> memref<!tpu.dma_semaphore, #tpu.memory_space<semaphore_mem>>
          tpu.wait_indirect_dma semaphore(%dma_wait3A_566 : memref<!tpu.dma_semaphore, #tpu.memory_space<semaphore_mem>>) src(%dma_wait3A_558 : memref<128x32xf32, #tpu.memory_space<vmem>>) dst(%dma_wait3A_564 : memref<10240x32xf32, #tpu.memory_space<vmem_shared>>)
        } else {
        }
        %add3A_534 = arith.constant 6 : i32
        %add3A_535 = arith.addi %add3A_336, %add3A_534 : i32
        %dma_start3A_536 = arith.constant 1 : i32
        %dma_start3A_537 = arith.constant 1 : i32
        %dma_start3A_538 = arith.constant 0 : i32
        %dma_start3A_539 = arith.constant 0 : i32
        %dma_start3A_540 = tpu.memref_slice %arg10[%dma_start3A_536, %dma_start3A_538, %dma_start3A_539] : memref<8x128x32xf32, #tpu.memory_space<vmem>> -> memref<1x128x32xf32, #tpu.memory_space<vmem>>
        %dma_start3A_541 = tpu.memref_squeeze %dma_start3A_540 : memref<1x128x32xf32, #tpu.memory_space<vmem>> -> memref<128x32xf32, #tpu.memory_space<vmem>>
        %dma_start3A_542 = arith.constant 0 : i32
        %dma_start3A_543 = tpu.memref_slice %arg8[%add3A_535, %dma_start3A_542] : memref<160x128xi32, #tpu.memory_space<vmem>> -> memref<1x128xi32, #tpu.memory_space<vmem>>
        %dma_start3A_544 = tpu.memref_squeeze %dma_start3A_543 : memref<1x128xi32, #tpu.memory_space<vmem>> -> memref<128xi32, #tpu.memory_space<vmem>>
        %dma_start3A_545 = arith.constant 0 : i32
        %dma_start3A_546 = arith.constant 0 : i32
        %dma_start3A_547 = tpu.memref_slice %arg2[%dma_start3A_545, %dma_start3A_546] : memref<20480x32xf32, #tpu.memory_space<hbm>> -> memref<20480x32xf32, #tpu.memory_space<hbm>>
        %dma_start3A_548 = tpu.memref_slice %arg15[%dma_start3A_537] : memref<8x!tpu.dma_semaphore, #tpu.memory_space<semaphore_mem>> -> memref<1x!tpu.dma_semaphore, #tpu.memory_space<semaphore_mem>>
        %dma_start3A_549 = tpu.memref_squeeze %dma_start3A_548 : memref<1x!tpu.dma_semaphore, #tpu.memory_space<semaphore_mem>> -> memref<!tpu.dma_semaphore, #tpu.memory_space<semaphore_mem>>
        tpu.enqueue_indirect_dma source(%dma_start3A_547 : memref<20480x32xf32, #tpu.memory_space<hbm>>) target(%dma_start3A_541 : memref<128x32xf32, #tpu.memory_space<vmem>>) offsets(%dma_start3A_544 : memref<128xi32, #tpu.memory_space<vmem>>) semaphore(%dma_start3A_549 : memref<!tpu.dma_semaphore, #tpu.memory_space<semaphore_mem>>)
      } else {
      }
      %mul3A_372 = arith.constant 8 : i32
      %mul3A_373 = arith.muli %scan3A_219, %mul3A_372 : i32
      %add3A_374 = arith.constant 4 : i32
      %add3A_375 = arith.addi %mul3A_373, %add3A_374 : i32
      %dma_wait3A_376 = arith.constant 4 : i32
      %dma_wait3A_377 = arith.constant 4 : i32
      %dma_wait3A_378 = arith.constant 0 : i32
      %dma_wait3A_379 = arith.constant 0 : i32
      %dma_wait3A_380 = tpu.memref_slice %arg10[%dma_wait3A_376, %dma_wait3A_378, %dma_wait3A_379] : memref<8x128x32xf32, #tpu.memory_space<vmem>> -> memref<1x128x32xf32, #tpu.memory_space<vmem>>
      %dma_wait3A_381 = tpu.memref_squeeze %dma_wait3A_380 : memref<1x128x32xf32, #tpu.memory_space<vmem>> -> memref<128x32xf32, #tpu.memory_space<vmem>>
      %dma_wait3A_382 = arith.constant 0 : i32
      %dma_wait3A_383 = tpu.memref_slice %arg8[%add3A_375, %dma_wait3A_382] : memref<160x128xi32, #tpu.memory_space<vmem>> -> memref<1x128xi32, #tpu.memory_space<vmem>>
      %dma_wait3A_384 = tpu.memref_squeeze %dma_wait3A_383 : memref<1x128xi32, #tpu.memory_space<vmem>> -> memref<128xi32, #tpu.memory_space<vmem>>
      %dma_wait3A_385 = arith.constant 0 : i32
      %dma_wait3A_386 = arith.constant 0 : i32
      %dma_wait3A_387 = tpu.memref_slice %arg2[%dma_wait3A_385, %dma_wait3A_386] : memref<20480x32xf32, #tpu.memory_space<hbm>> -> memref<20480x32xf32, #tpu.memory_space<hbm>>
      %dma_wait3A_388 = tpu.memref_slice %arg15[%dma_wait3A_377] : memref<8x!tpu.dma_semaphore, #tpu.memory_space<semaphore_mem>> -> memref<1x!tpu.dma_semaphore, #tpu.memory_space<semaphore_mem>>
      %dma_wait3A_389 = tpu.memref_squeeze %dma_wait3A_388 : memref<1x!tpu.dma_semaphore, #tpu.memory_space<semaphore_mem>> -> memref<!tpu.dma_semaphore, #tpu.memory_space<semaphore_mem>>
      tpu.wait_indirect_dma semaphore(%dma_wait3A_389 : memref<!tpu.dma_semaphore, #tpu.memory_space<semaphore_mem>>) src(%dma_wait3A_387 : memref<20480x32xf32, #tpu.memory_space<hbm>>) dst(%dma_wait3A_381 : memref<128x32xf32, #tpu.memory_space<vmem>>)
      %dma_start3A_390 = arith.constant 4 : i32
      %dma_start3A_391 = arith.constant 4 : i32
      %dma_start3A_392 = arith.constant 0 : i32
      %dma_start3A_393 = arith.constant 0 : i32
      %dma_start3A_394 = tpu.memref_slice %arg10[%dma_start3A_390, %dma_start3A_392, %dma_start3A_393] : memref<8x128x32xf32, #tpu.memory_space<vmem>> -> memref<1x128x32xf32, #tpu.memory_space<vmem>>
      %dma_start3A_395 = tpu.memref_squeeze %dma_start3A_394 : memref<1x128x32xf32, #tpu.memory_space<vmem>> -> memref<128x32xf32, #tpu.memory_space<vmem>>
      %dma_start3A_396 = arith.constant 0 : i32
      %dma_start3A_397 = tpu.memref_slice %arg9[%add3A_375, %dma_start3A_396] : memref<160x128xi32, #tpu.memory_space<vmem>> -> memref<1x128xi32, #tpu.memory_space<vmem>>
      %dma_start3A_398 = tpu.memref_squeeze %dma_start3A_397 : memref<1x128xi32, #tpu.memory_space<vmem>> -> memref<128xi32, #tpu.memory_space<vmem>>
      %dma_start3A_399 = arith.constant 0 : i32
      %dma_start3A_400 = arith.constant 0 : i32
      %dma_start3A_401 = tpu.memref_slice %arg14[%dma_start3A_399, %dma_start3A_400] : memref<10240x32xf32, #tpu.memory_space<vmem_shared>> -> memref<10240x32xf32, #tpu.memory_space<vmem_shared>>
      %dma_start3A_402 = tpu.memref_slice %arg16[%dma_start3A_391] : memref<8x!tpu.dma_semaphore, #tpu.memory_space<semaphore_mem>> -> memref<1x!tpu.dma_semaphore, #tpu.memory_space<semaphore_mem>>
      %dma_start3A_403 = tpu.memref_squeeze %dma_start3A_402 : memref<1x!tpu.dma_semaphore, #tpu.memory_space<semaphore_mem>> -> memref<!tpu.dma_semaphore, #tpu.memory_space<semaphore_mem>>
      tpu.enqueue_indirect_dma source(%dma_start3A_395 : memref<128x32xf32, #tpu.memory_space<vmem>>) target(%dma_start3A_401 : memref<10240x32xf32, #tpu.memory_space<vmem_shared>>) offsets(%dma_start3A_398 : memref<128xi32, #tpu.memory_space<vmem>>) semaphore(%dma_start3A_403 : memref<!tpu.dma_semaphore, #tpu.memory_space<semaphore_mem>>) {add = true}
      %add3A_404 = arith.constant 6 : i32
      %add3A_405 = arith.addi %add3A_375, %add3A_404 : i32
      %lt3A_406 = arith.constant 160 : i32
      %lt3A_407 = arith.cmpi slt, %add3A_405, %lt3A_406 : i32
      %convert_element_type3A_408 = arith.extui %lt3A_407 : i1 to i32
      %cond3A_409 = arith.constant 0 : i32
      %cond3A_410 = arith.cmpi ne, %convert_element_type3A_408, %cond3A_409 : i32
      scf.if %cond3A_410 {
        %add3A_528 = arith.constant 6 : i32
        %add3A_529 = arith.addi %add3A_375, %add3A_528 : i32
        %ge3A = arith.constant 8 : i32
        %ge3A_530 = arith.cmpi sge, %add3A_529, %ge3A : i32
        %convert_element_type3A_531 = arith.extui %ge3A_530 : i1 to i32
        %cond3A_532 = arith.constant 0 : i32
        %cond3A_533 = arith.cmpi ne, %convert_element_type3A_531, %cond3A_532 : i32
        scf.if %cond3A_533 {
          %add3A_550 = arith.constant 6 : i32
          %add3A_551 = arith.addi %add3A_375, %add3A_550 : i32
          %sub3A = arith.constant 8 : i32
          %sub3A_552 = arith.subi %add3A_551, %sub3A : i32
          %dma_wait3A_553 = arith.constant 2 : i32
          %dma_wait3A_554 = arith.constant 2 : i32
          %dma_wait3A_555 = arith.constant 0 : i32
          %dma_wait3A_556 = arith.constant 0 : i32
          %dma_wait3A_557 = tpu.memref_slice %arg10[%dma_wait3A_553, %dma_wait3A_555, %dma_wait3A_556] : memref<8x128x32xf32, #tpu.memory_space<vmem>> -> memref<1x128x32xf32, #tpu.memory_space<vmem>>
          %dma_wait3A_558 = tpu.memref_squeeze %dma_wait3A_557 : memref<1x128x32xf32, #tpu.memory_space<vmem>> -> memref<128x32xf32, #tpu.memory_space<vmem>>
          %dma_wait3A_559 = arith.constant 0 : i32
          %dma_wait3A_560 = tpu.memref_slice %arg9[%sub3A_552, %dma_wait3A_559] : memref<160x128xi32, #tpu.memory_space<vmem>> -> memref<1x128xi32, #tpu.memory_space<vmem>>
          %dma_wait3A_561 = tpu.memref_squeeze %dma_wait3A_560 : memref<1x128xi32, #tpu.memory_space<vmem>> -> memref<128xi32, #tpu.memory_space<vmem>>
          %dma_wait3A_562 = arith.constant 0 : i32
          %dma_wait3A_563 = arith.constant 0 : i32
          %dma_wait3A_564 = tpu.memref_slice %arg14[%dma_wait3A_562, %dma_wait3A_563] : memref<10240x32xf32, #tpu.memory_space<vmem_shared>> -> memref<10240x32xf32, #tpu.memory_space<vmem_shared>>
          %dma_wait3A_565 = tpu.memref_slice %arg16[%dma_wait3A_554] : memref<8x!tpu.dma_semaphore, #tpu.memory_space<semaphore_mem>> -> memref<1x!tpu.dma_semaphore, #tpu.memory_space<semaphore_mem>>
          %dma_wait3A_566 = tpu.memref_squeeze %dma_wait3A_565 : memref<1x!tpu.dma_semaphore, #tpu.memory_space<semaphore_mem>> -> memref<!tpu.dma_semaphore, #tpu.memory_space<semaphore_mem>>
          tpu.wait_indirect_dma semaphore(%dma_wait3A_566 : memref<!tpu.dma_semaphore, #tpu.memory_space<semaphore_mem>>) src(%dma_wait3A_558 : memref<128x32xf32, #tpu.memory_space<vmem>>) dst(%dma_wait3A_564 : memref<10240x32xf32, #tpu.memory_space<vmem_shared>>)
        } else {
        }
        %add3A_534 = arith.constant 6 : i32
        %add3A_535 = arith.addi %add3A_375, %add3A_534 : i32
        %dma_start3A_536 = arith.constant 2 : i32
        %dma_start3A_537 = arith.constant 2 : i32
        %dma_start3A_538 = arith.constant 0 : i32
        %dma_start3A_539 = arith.constant 0 : i32
        %dma_start3A_540 = tpu.memref_slice %arg10[%dma_start3A_536, %dma_start3A_538, %dma_start3A_539] : memref<8x128x32xf32, #tpu.memory_space<vmem>> -> memref<1x128x32xf32, #tpu.memory_space<vmem>>
        %dma_start3A_541 = tpu.memref_squeeze %dma_start3A_540 : memref<1x128x32xf32, #tpu.memory_space<vmem>> -> memref<128x32xf32, #tpu.memory_space<vmem>>
        %dma_start3A_542 = arith.constant 0 : i32
        %dma_start3A_543 = tpu.memref_slice %arg8[%add3A_535, %dma_start3A_542] : memref<160x128xi32, #tpu.memory_space<vmem>> -> memref<1x128xi32, #tpu.memory_space<vmem>>
        %dma_start3A_544 = tpu.memref_squeeze %dma_start3A_543 : memref<1x128xi32, #tpu.memory_space<vmem>> -> memref<128xi32, #tpu.memory_space<vmem>>
        %dma_start3A_545 = arith.constant 0 : i32
        %dma_start3A_546 = arith.constant 0 : i32
        %dma_start3A_547 = tpu.memref_slice %arg2[%dma_start3A_545, %dma_start3A_546] : memref<20480x32xf32, #tpu.memory_space<hbm>> -> memref<20480x32xf32, #tpu.memory_space<hbm>>
        %dma_start3A_548 = tpu.memref_slice %arg15[%dma_start3A_537] : memref<8x!tpu.dma_semaphore, #tpu.memory_space<semaphore_mem>> -> memref<1x!tpu.dma_semaphore, #tpu.memory_space<semaphore_mem>>
        %dma_start3A_549 = tpu.memref_squeeze %dma_start3A_548 : memref<1x!tpu.dma_semaphore, #tpu.memory_space<semaphore_mem>> -> memref<!tpu.dma_semaphore, #tpu.memory_space<semaphore_mem>>
        tpu.enqueue_indirect_dma source(%dma_start3A_547 : memref<20480x32xf32, #tpu.memory_space<hbm>>) target(%dma_start3A_541 : memref<128x32xf32, #tpu.memory_space<vmem>>) offsets(%dma_start3A_544 : memref<128xi32, #tpu.memory_space<vmem>>) semaphore(%dma_start3A_549 : memref<!tpu.dma_semaphore, #tpu.memory_space<semaphore_mem>>)
      } else {
      }
      %mul3A_411 = arith.constant 8 : i32
      %mul3A_412 = arith.muli %scan3A_219, %mul3A_411 : i32
      %add3A_413 = arith.constant 5 : i32
      %add3A_414 = arith.addi %mul3A_412, %add3A_413 : i32
      %dma_wait3A_415 = arith.constant 5 : i32
      %dma_wait3A_416 = arith.constant 5 : i32
      %dma_wait3A_417 = arith.constant 0 : i32
      %dma_wait3A_418 = arith.constant 0 : i32
      %dma_wait3A_419 = tpu.memref_slice %arg10[%dma_wait3A_415, %dma_wait3A_417, %dma_wait3A_418] : memref<8x128x32xf32, #tpu.memory_space<vmem>> -> memref<1x128x32xf32, #tpu.memory_space<vmem>>
      %dma_wait3A_420 = tpu.memref_squeeze %dma_wait3A_419 : memref<1x128x32xf32, #tpu.memory_space<vmem>> -> memref<128x32xf32, #tpu.memory_space<vmem>>
      %dma_wait3A_421 = arith.constant 0 : i32
      %dma_wait3A_422 = tpu.memref_slice %arg8[%add3A_414, %dma_wait3A_421] : memref<160x128xi32, #tpu.memory_space<vmem>> -> memref<1x128xi32, #tpu.memory_space<vmem>>
      %dma_wait3A_423 = tpu.memref_squeeze %dma_wait3A_422 : memref<1x128xi32, #tpu.memory_space<vmem>> -> memref<128xi32, #tpu.memory_space<vmem>>
      %dma_wait3A_424 = arith.constant 0 : i32
      %dma_wait3A_425 = arith.constant 0 : i32
      %dma_wait3A_426 = tpu.memref_slice %arg2[%dma_wait3A_424, %dma_wait3A_425] : memref<20480x32xf32, #tpu.memory_space<hbm>> -> memref<20480x32xf32, #tpu.memory_space<hbm>>
      %dma_wait3A_427 = tpu.memref_slice %arg15[%dma_wait3A_416] : memref<8x!tpu.dma_semaphore, #tpu.memory_space<semaphore_mem>> -> memref<1x!tpu.dma_semaphore, #tpu.memory_space<semaphore_mem>>
      %dma_wait3A_428 = tpu.memref_squeeze %dma_wait3A_427 : memref<1x!tpu.dma_semaphore, #tpu.memory_space<semaphore_mem>> -> memref<!tpu.dma_semaphore, #tpu.memory_space<semaphore_mem>>
      tpu.wait_indirect_dma semaphore(%dma_wait3A_428 : memref<!tpu.dma_semaphore, #tpu.memory_space<semaphore_mem>>) src(%dma_wait3A_426 : memref<20480x32xf32, #tpu.memory_space<hbm>>) dst(%dma_wait3A_420 : memref<128x32xf32, #tpu.memory_space<vmem>>)
      %dma_start3A_429 = arith.constant 5 : i32
      %dma_start3A_430 = arith.constant 5 : i32
      %dma_start3A_431 = arith.constant 0 : i32
      %dma_start3A_432 = arith.constant 0 : i32
      %dma_start3A_433 = tpu.memref_slice %arg10[%dma_start3A_429, %dma_start3A_431, %dma_start3A_432] : memref<8x128x32xf32, #tpu.memory_space<vmem>> -> memref<1x128x32xf32, #tpu.memory_space<vmem>>
      %dma_start3A_434 = tpu.memref_squeeze %dma_start3A_433 : memref<1x128x32xf32, #tpu.memory_space<vmem>> -> memref<128x32xf32, #tpu.memory_space<vmem>>
      %dma_start3A_435 = arith.constant 0 : i32
      %dma_start3A_436 = tpu.memref_slice %arg9[%add3A_414, %dma_start3A_435] : memref<160x128xi32, #tpu.memory_space<vmem>> -> memref<1x128xi32, #tpu.memory_space<vmem>>
      %dma_start3A_437 = tpu.memref_squeeze %dma_start3A_436 : memref<1x128xi32, #tpu.memory_space<vmem>> -> memref<128xi32, #tpu.memory_space<vmem>>
      %dma_start3A_438 = arith.constant 0 : i32
      %dma_start3A_439 = arith.constant 0 : i32
      %dma_start3A_440 = tpu.memref_slice %arg14[%dma_start3A_438, %dma_start3A_439] : memref<10240x32xf32, #tpu.memory_space<vmem_shared>> -> memref<10240x32xf32, #tpu.memory_space<vmem_shared>>
      %dma_start3A_441 = tpu.memref_slice %arg16[%dma_start3A_430] : memref<8x!tpu.dma_semaphore, #tpu.memory_space<semaphore_mem>> -> memref<1x!tpu.dma_semaphore, #tpu.memory_space<semaphore_mem>>
      %dma_start3A_442 = tpu.memref_squeeze %dma_start3A_441 : memref<1x!tpu.dma_semaphore, #tpu.memory_space<semaphore_mem>> -> memref<!tpu.dma_semaphore, #tpu.memory_space<semaphore_mem>>
      tpu.enqueue_indirect_dma source(%dma_start3A_434 : memref<128x32xf32, #tpu.memory_space<vmem>>) target(%dma_start3A_440 : memref<10240x32xf32, #tpu.memory_space<vmem_shared>>) offsets(%dma_start3A_437 : memref<128xi32, #tpu.memory_space<vmem>>) semaphore(%dma_start3A_442 : memref<!tpu.dma_semaphore, #tpu.memory_space<semaphore_mem>>) {add = true}
      %add3A_443 = arith.constant 6 : i32
      %add3A_444 = arith.addi %add3A_414, %add3A_443 : i32
      %lt3A_445 = arith.constant 160 : i32
      %lt3A_446 = arith.cmpi slt, %add3A_444, %lt3A_445 : i32
      %convert_element_type3A_447 = arith.extui %lt3A_446 : i1 to i32
      %cond3A_448 = arith.constant 0 : i32
      %cond3A_449 = arith.cmpi ne, %convert_element_type3A_447, %cond3A_448 : i32
      scf.if %cond3A_449 {
        %add3A_528 = arith.constant 6 : i32
        %add3A_529 = arith.addi %add3A_414, %add3A_528 : i32
        %ge3A = arith.constant 8 : i32
        %ge3A_530 = arith.cmpi sge, %add3A_529, %ge3A : i32
        %convert_element_type3A_531 = arith.extui %ge3A_530 : i1 to i32
        %cond3A_532 = arith.constant 0 : i32
        %cond3A_533 = arith.cmpi ne, %convert_element_type3A_531, %cond3A_532 : i32
        scf.if %cond3A_533 {
          %add3A_550 = arith.constant 6 : i32
          %add3A_551 = arith.addi %add3A_414, %add3A_550 : i32
          %sub3A = arith.constant 8 : i32
          %sub3A_552 = arith.subi %add3A_551, %sub3A : i32
          %dma_wait3A_553 = arith.constant 3 : i32
          %dma_wait3A_554 = arith.constant 3 : i32
          %dma_wait3A_555 = arith.constant 0 : i32
          %dma_wait3A_556 = arith.constant 0 : i32
          %dma_wait3A_557 = tpu.memref_slice %arg10[%dma_wait3A_553, %dma_wait3A_555, %dma_wait3A_556] : memref<8x128x32xf32, #tpu.memory_space<vmem>> -> memref<1x128x32xf32, #tpu.memory_space<vmem>>
          %dma_wait3A_558 = tpu.memref_squeeze %dma_wait3A_557 : memref<1x128x32xf32, #tpu.memory_space<vmem>> -> memref<128x32xf32, #tpu.memory_space<vmem>>
          %dma_wait3A_559 = arith.constant 0 : i32
          %dma_wait3A_560 = tpu.memref_slice %arg9[%sub3A_552, %dma_wait3A_559] : memref<160x128xi32, #tpu.memory_space<vmem>> -> memref<1x128xi32, #tpu.memory_space<vmem>>
          %dma_wait3A_561 = tpu.memref_squeeze %dma_wait3A_560 : memref<1x128xi32, #tpu.memory_space<vmem>> -> memref<128xi32, #tpu.memory_space<vmem>>
          %dma_wait3A_562 = arith.constant 0 : i32
          %dma_wait3A_563 = arith.constant 0 : i32
          %dma_wait3A_564 = tpu.memref_slice %arg14[%dma_wait3A_562, %dma_wait3A_563] : memref<10240x32xf32, #tpu.memory_space<vmem_shared>> -> memref<10240x32xf32, #tpu.memory_space<vmem_shared>>
          %dma_wait3A_565 = tpu.memref_slice %arg16[%dma_wait3A_554] : memref<8x!tpu.dma_semaphore, #tpu.memory_space<semaphore_mem>> -> memref<1x!tpu.dma_semaphore, #tpu.memory_space<semaphore_mem>>
          %dma_wait3A_566 = tpu.memref_squeeze %dma_wait3A_565 : memref<1x!tpu.dma_semaphore, #tpu.memory_space<semaphore_mem>> -> memref<!tpu.dma_semaphore, #tpu.memory_space<semaphore_mem>>
          tpu.wait_indirect_dma semaphore(%dma_wait3A_566 : memref<!tpu.dma_semaphore, #tpu.memory_space<semaphore_mem>>) src(%dma_wait3A_558 : memref<128x32xf32, #tpu.memory_space<vmem>>) dst(%dma_wait3A_564 : memref<10240x32xf32, #tpu.memory_space<vmem_shared>>)
        } else {
        }
        %add3A_534 = arith.constant 6 : i32
        %add3A_535 = arith.addi %add3A_414, %add3A_534 : i32
        %dma_start3A_536 = arith.constant 3 : i32
        %dma_start3A_537 = arith.constant 3 : i32
        %dma_start3A_538 = arith.constant 0 : i32
        %dma_start3A_539 = arith.constant 0 : i32
        %dma_start3A_540 = tpu.memref_slice %arg10[%dma_start3A_536, %dma_start3A_538, %dma_start3A_539] : memref<8x128x32xf32, #tpu.memory_space<vmem>> -> memref<1x128x32xf32, #tpu.memory_space<vmem>>
        %dma_start3A_541 = tpu.memref_squeeze %dma_start3A_540 : memref<1x128x32xf32, #tpu.memory_space<vmem>> -> memref<128x32xf32, #tpu.memory_space<vmem>>
        %dma_start3A_542 = arith.constant 0 : i32
        %dma_start3A_543 = tpu.memref_slice %arg8[%add3A_535, %dma_start3A_542] : memref<160x128xi32, #tpu.memory_space<vmem>> -> memref<1x128xi32, #tpu.memory_space<vmem>>
        %dma_start3A_544 = tpu.memref_squeeze %dma_start3A_543 : memref<1x128xi32, #tpu.memory_space<vmem>> -> memref<128xi32, #tpu.memory_space<vmem>>
        %dma_start3A_545 = arith.constant 0 : i32
        %dma_start3A_546 = arith.constant 0 : i32
        %dma_start3A_547 = tpu.memref_slice %arg2[%dma_start3A_545, %dma_start3A_546] : memref<20480x32xf32, #tpu.memory_space<hbm>> -> memref<20480x32xf32, #tpu.memory_space<hbm>>
        %dma_start3A_548 = tpu.memref_slice %arg15[%dma_start3A_537] : memref<8x!tpu.dma_semaphore, #tpu.memory_space<semaphore_mem>> -> memref<1x!tpu.dma_semaphore, #tpu.memory_space<semaphore_mem>>
        %dma_start3A_549 = tpu.memref_squeeze %dma_start3A_548 : memref<1x!tpu.dma_semaphore, #tpu.memory_space<semaphore_mem>> -> memref<!tpu.dma_semaphore, #tpu.memory_space<semaphore_mem>>
        tpu.enqueue_indirect_dma source(%dma_start3A_547 : memref<20480x32xf32, #tpu.memory_space<hbm>>) target(%dma_start3A_541 : memref<128x32xf32, #tpu.memory_space<vmem>>) offsets(%dma_start3A_544 : memref<128xi32, #tpu.memory_space<vmem>>) semaphore(%dma_start3A_549 : memref<!tpu.dma_semaphore, #tpu.memory_space<semaphore_mem>>)
      } else {
      }
      %mul3A_450 = arith.constant 8 : i32
      %mul3A_451 = arith.muli %scan3A_219, %mul3A_450 : i32
      %add3A_452 = arith.constant 6 : i32
      %add3A_453 = arith.addi %mul3A_451, %add3A_452 : i32
      %dma_wait3A_454 = arith.constant 6 : i32
      %dma_wait3A_455 = arith.constant 6 : i32
      %dma_wait3A_456 = arith.constant 0 : i32
      %dma_wait3A_457 = arith.constant 0 : i32
      %dma_wait3A_458 = tpu.memref_slice %arg10[%dma_wait3A_454, %dma_wait3A_456, %dma_wait3A_457] : memref<8x128x32xf32, #tpu.memory_space<vmem>> -> memref<1x128x32xf32, #tpu.memory_space<vmem>>
      %dma_wait3A_459 = tpu.memref_squeeze %dma_wait3A_458 : memref<1x128x32xf32, #tpu.memory_space<vmem>> -> memref<128x32xf32, #tpu.memory_space<vmem>>
      %dma_wait3A_460 = arith.constant 0 : i32
      %dma_wait3A_461 = tpu.memref_slice %arg8[%add3A_453, %dma_wait3A_460] : memref<160x128xi32, #tpu.memory_space<vmem>> -> memref<1x128xi32, #tpu.memory_space<vmem>>
      %dma_wait3A_462 = tpu.memref_squeeze %dma_wait3A_461 : memref<1x128xi32, #tpu.memory_space<vmem>> -> memref<128xi32, #tpu.memory_space<vmem>>
      %dma_wait3A_463 = arith.constant 0 : i32
      %dma_wait3A_464 = arith.constant 0 : i32
      %dma_wait3A_465 = tpu.memref_slice %arg2[%dma_wait3A_463, %dma_wait3A_464] : memref<20480x32xf32, #tpu.memory_space<hbm>> -> memref<20480x32xf32, #tpu.memory_space<hbm>>
      %dma_wait3A_466 = tpu.memref_slice %arg15[%dma_wait3A_455] : memref<8x!tpu.dma_semaphore, #tpu.memory_space<semaphore_mem>> -> memref<1x!tpu.dma_semaphore, #tpu.memory_space<semaphore_mem>>
      %dma_wait3A_467 = tpu.memref_squeeze %dma_wait3A_466 : memref<1x!tpu.dma_semaphore, #tpu.memory_space<semaphore_mem>> -> memref<!tpu.dma_semaphore, #tpu.memory_space<semaphore_mem>>
      tpu.wait_indirect_dma semaphore(%dma_wait3A_467 : memref<!tpu.dma_semaphore, #tpu.memory_space<semaphore_mem>>) src(%dma_wait3A_465 : memref<20480x32xf32, #tpu.memory_space<hbm>>) dst(%dma_wait3A_459 : memref<128x32xf32, #tpu.memory_space<vmem>>)
      %dma_start3A_468 = arith.constant 6 : i32
      %dma_start3A_469 = arith.constant 6 : i32
      %dma_start3A_470 = arith.constant 0 : i32
      %dma_start3A_471 = arith.constant 0 : i32
      %dma_start3A_472 = tpu.memref_slice %arg10[%dma_start3A_468, %dma_start3A_470, %dma_start3A_471] : memref<8x128x32xf32, #tpu.memory_space<vmem>> -> memref<1x128x32xf32, #tpu.memory_space<vmem>>
      %dma_start3A_473 = tpu.memref_squeeze %dma_start3A_472 : memref<1x128x32xf32, #tpu.memory_space<vmem>> -> memref<128x32xf32, #tpu.memory_space<vmem>>
      %dma_start3A_474 = arith.constant 0 : i32
      %dma_start3A_475 = tpu.memref_slice %arg9[%add3A_453, %dma_start3A_474] : memref<160x128xi32, #tpu.memory_space<vmem>> -> memref<1x128xi32, #tpu.memory_space<vmem>>
      %dma_start3A_476 = tpu.memref_squeeze %dma_start3A_475 : memref<1x128xi32, #tpu.memory_space<vmem>> -> memref<128xi32, #tpu.memory_space<vmem>>
      %dma_start3A_477 = arith.constant 0 : i32
      %dma_start3A_478 = arith.constant 0 : i32
      %dma_start3A_479 = tpu.memref_slice %arg14[%dma_start3A_477, %dma_start3A_478] : memref<10240x32xf32, #tpu.memory_space<vmem_shared>> -> memref<10240x32xf32, #tpu.memory_space<vmem_shared>>
      %dma_start3A_480 = tpu.memref_slice %arg16[%dma_start3A_469] : memref<8x!tpu.dma_semaphore, #tpu.memory_space<semaphore_mem>> -> memref<1x!tpu.dma_semaphore, #tpu.memory_space<semaphore_mem>>
      %dma_start3A_481 = tpu.memref_squeeze %dma_start3A_480 : memref<1x!tpu.dma_semaphore, #tpu.memory_space<semaphore_mem>> -> memref<!tpu.dma_semaphore, #tpu.memory_space<semaphore_mem>>
      tpu.enqueue_indirect_dma source(%dma_start3A_473 : memref<128x32xf32, #tpu.memory_space<vmem>>) target(%dma_start3A_479 : memref<10240x32xf32, #tpu.memory_space<vmem_shared>>) offsets(%dma_start3A_476 : memref<128xi32, #tpu.memory_space<vmem>>) semaphore(%dma_start3A_481 : memref<!tpu.dma_semaphore, #tpu.memory_space<semaphore_mem>>) {add = true}
      %add3A_482 = arith.constant 6 : i32
      %add3A_483 = arith.addi %add3A_453, %add3A_482 : i32
      %lt3A_484 = arith.constant 160 : i32
      %lt3A_485 = arith.cmpi slt, %add3A_483, %lt3A_484 : i32
      %convert_element_type3A_486 = arith.extui %lt3A_485 : i1 to i32
      %cond3A_487 = arith.constant 0 : i32
      %cond3A_488 = arith.cmpi ne, %convert_element_type3A_486, %cond3A_487 : i32
      scf.if %cond3A_488 {
        %add3A_528 = arith.constant 6 : i32
        %add3A_529 = arith.addi %add3A_453, %add3A_528 : i32
        %ge3A = arith.constant 8 : i32
        %ge3A_530 = arith.cmpi sge, %add3A_529, %ge3A : i32
        %convert_element_type3A_531 = arith.extui %ge3A_530 : i1 to i32
        %cond3A_532 = arith.constant 0 : i32
        %cond3A_533 = arith.cmpi ne, %convert_element_type3A_531, %cond3A_532 : i32
        scf.if %cond3A_533 {
          %add3A_550 = arith.constant 6 : i32
          %add3A_551 = arith.addi %add3A_453, %add3A_550 : i32
          %sub3A = arith.constant 8 : i32
          %sub3A_552 = arith.subi %add3A_551, %sub3A : i32
          %dma_wait3A_553 = arith.constant 4 : i32
          %dma_wait3A_554 = arith.constant 4 : i32
          %dma_wait3A_555 = arith.constant 0 : i32
          %dma_wait3A_556 = arith.constant 0 : i32
          %dma_wait3A_557 = tpu.memref_slice %arg10[%dma_wait3A_553, %dma_wait3A_555, %dma_wait3A_556] : memref<8x128x32xf32, #tpu.memory_space<vmem>> -> memref<1x128x32xf32, #tpu.memory_space<vmem>>
          %dma_wait3A_558 = tpu.memref_squeeze %dma_wait3A_557 : memref<1x128x32xf32, #tpu.memory_space<vmem>> -> memref<128x32xf32, #tpu.memory_space<vmem>>
          %dma_wait3A_559 = arith.constant 0 : i32
          %dma_wait3A_560 = tpu.memref_slice %arg9[%sub3A_552, %dma_wait3A_559] : memref<160x128xi32, #tpu.memory_space<vmem>> -> memref<1x128xi32, #tpu.memory_space<vmem>>
          %dma_wait3A_561 = tpu.memref_squeeze %dma_wait3A_560 : memref<1x128xi32, #tpu.memory_space<vmem>> -> memref<128xi32, #tpu.memory_space<vmem>>
          %dma_wait3A_562 = arith.constant 0 : i32
          %dma_wait3A_563 = arith.constant 0 : i32
          %dma_wait3A_564 = tpu.memref_slice %arg14[%dma_wait3A_562, %dma_wait3A_563] : memref<10240x32xf32, #tpu.memory_space<vmem_shared>> -> memref<10240x32xf32, #tpu.memory_space<vmem_shared>>
          %dma_wait3A_565 = tpu.memref_slice %arg16[%dma_wait3A_554] : memref<8x!tpu.dma_semaphore, #tpu.memory_space<semaphore_mem>> -> memref<1x!tpu.dma_semaphore, #tpu.memory_space<semaphore_mem>>
          %dma_wait3A_566 = tpu.memref_squeeze %dma_wait3A_565 : memref<1x!tpu.dma_semaphore, #tpu.memory_space<semaphore_mem>> -> memref<!tpu.dma_semaphore, #tpu.memory_space<semaphore_mem>>
          tpu.wait_indirect_dma semaphore(%dma_wait3A_566 : memref<!tpu.dma_semaphore, #tpu.memory_space<semaphore_mem>>) src(%dma_wait3A_558 : memref<128x32xf32, #tpu.memory_space<vmem>>) dst(%dma_wait3A_564 : memref<10240x32xf32, #tpu.memory_space<vmem_shared>>)
        } else {
        }
        %add3A_534 = arith.constant 6 : i32
        %add3A_535 = arith.addi %add3A_453, %add3A_534 : i32
        %dma_start3A_536 = arith.constant 4 : i32
        %dma_start3A_537 = arith.constant 4 : i32
        %dma_start3A_538 = arith.constant 0 : i32
        %dma_start3A_539 = arith.constant 0 : i32
        %dma_start3A_540 = tpu.memref_slice %arg10[%dma_start3A_536, %dma_start3A_538, %dma_start3A_539] : memref<8x128x32xf32, #tpu.memory_space<vmem>> -> memref<1x128x32xf32, #tpu.memory_space<vmem>>
        %dma_start3A_541 = tpu.memref_squeeze %dma_start3A_540 : memref<1x128x32xf32, #tpu.memory_space<vmem>> -> memref<128x32xf32, #tpu.memory_space<vmem>>
        %dma_start3A_542 = arith.constant 0 : i32
        %dma_start3A_543 = tpu.memref_slice %arg8[%add3A_535, %dma_start3A_542] : memref<160x128xi32, #tpu.memory_space<vmem>> -> memref<1x128xi32, #tpu.memory_space<vmem>>
        %dma_start3A_544 = tpu.memref_squeeze %dma_start3A_543 : memref<1x128xi32, #tpu.memory_space<vmem>> -> memref<128xi32, #tpu.memory_space<vmem>>
        %dma_start3A_545 = arith.constant 0 : i32
        %dma_start3A_546 = arith.constant 0 : i32
        %dma_start3A_547 = tpu.memref_slice %arg2[%dma_start3A_545, %dma_start3A_546] : memref<20480x32xf32, #tpu.memory_space<hbm>> -> memref<20480x32xf32, #tpu.memory_space<hbm>>
        %dma_start3A_548 = tpu.memref_slice %arg15[%dma_start3A_537] : memref<8x!tpu.dma_semaphore, #tpu.memory_space<semaphore_mem>> -> memref<1x!tpu.dma_semaphore, #tpu.memory_space<semaphore_mem>>
        %dma_start3A_549 = tpu.memref_squeeze %dma_start3A_548 : memref<1x!tpu.dma_semaphore, #tpu.memory_space<semaphore_mem>> -> memref<!tpu.dma_semaphore, #tpu.memory_space<semaphore_mem>>
        tpu.enqueue_indirect_dma source(%dma_start3A_547 : memref<20480x32xf32, #tpu.memory_space<hbm>>) target(%dma_start3A_541 : memref<128x32xf32, #tpu.memory_space<vmem>>) offsets(%dma_start3A_544 : memref<128xi32, #tpu.memory_space<vmem>>) semaphore(%dma_start3A_549 : memref<!tpu.dma_semaphore, #tpu.memory_space<semaphore_mem>>)
      } else {
      }
      %mul3A_489 = arith.constant 8 : i32
      %mul3A_490 = arith.muli %scan3A_219, %mul3A_489 : i32
      %add3A_491 = arith.constant 7 : i32
      %add3A_492 = arith.addi %mul3A_490, %add3A_491 : i32
      %dma_wait3A_493 = arith.constant 7 : i32
      %dma_wait3A_494 = arith.constant 7 : i32
      %dma_wait3A_495 = arith.constant 0 : i32
      %dma_wait3A_496 = arith.constant 0 : i32
      %dma_wait3A_497 = tpu.memref_slice %arg10[%dma_wait3A_493, %dma_wait3A_495, %dma_wait3A_496] : memref<8x128x32xf32, #tpu.memory_space<vmem>> -> memref<1x128x32xf32, #tpu.memory_space<vmem>>
      %dma_wait3A_498 = tpu.memref_squeeze %dma_wait3A_497 : memref<1x128x32xf32, #tpu.memory_space<vmem>> -> memref<128x32xf32, #tpu.memory_space<vmem>>
      %dma_wait3A_499 = arith.constant 0 : i32
      %dma_wait3A_500 = tpu.memref_slice %arg8[%add3A_492, %dma_wait3A_499] : memref<160x128xi32, #tpu.memory_space<vmem>> -> memref<1x128xi32, #tpu.memory_space<vmem>>
      %dma_wait3A_501 = tpu.memref_squeeze %dma_wait3A_500 : memref<1x128xi32, #tpu.memory_space<vmem>> -> memref<128xi32, #tpu.memory_space<vmem>>
      %dma_wait3A_502 = arith.constant 0 : i32
      %dma_wait3A_503 = arith.constant 0 : i32
      %dma_wait3A_504 = tpu.memref_slice %arg2[%dma_wait3A_502, %dma_wait3A_503] : memref<20480x32xf32, #tpu.memory_space<hbm>> -> memref<20480x32xf32, #tpu.memory_space<hbm>>
      %dma_wait3A_505 = tpu.memref_slice %arg15[%dma_wait3A_494] : memref<8x!tpu.dma_semaphore, #tpu.memory_space<semaphore_mem>> -> memref<1x!tpu.dma_semaphore, #tpu.memory_space<semaphore_mem>>
      %dma_wait3A_506 = tpu.memref_squeeze %dma_wait3A_505 : memref<1x!tpu.dma_semaphore, #tpu.memory_space<semaphore_mem>> -> memref<!tpu.dma_semaphore, #tpu.memory_space<semaphore_mem>>
      tpu.wait_indirect_dma semaphore(%dma_wait3A_506 : memref<!tpu.dma_semaphore, #tpu.memory_space<semaphore_mem>>) src(%dma_wait3A_504 : memref<20480x32xf32, #tpu.memory_space<hbm>>) dst(%dma_wait3A_498 : memref<128x32xf32, #tpu.memory_space<vmem>>)
      %dma_start3A_507 = arith.constant 7 : i32
      %dma_start3A_508 = arith.constant 7 : i32
      %dma_start3A_509 = arith.constant 0 : i32
      %dma_start3A_510 = arith.constant 0 : i32
      %dma_start3A_511 = tpu.memref_slice %arg10[%dma_start3A_507, %dma_start3A_509, %dma_start3A_510] : memref<8x128x32xf32, #tpu.memory_space<vmem>> -> memref<1x128x32xf32, #tpu.memory_space<vmem>>
      %dma_start3A_512 = tpu.memref_squeeze %dma_start3A_511 : memref<1x128x32xf32, #tpu.memory_space<vmem>> -> memref<128x32xf32, #tpu.memory_space<vmem>>
      %dma_start3A_513 = arith.constant 0 : i32
      %dma_start3A_514 = tpu.memref_slice %arg9[%add3A_492, %dma_start3A_513] : memref<160x128xi32, #tpu.memory_space<vmem>> -> memref<1x128xi32, #tpu.memory_space<vmem>>
      %dma_start3A_515 = tpu.memref_squeeze %dma_start3A_514 : memref<1x128xi32, #tpu.memory_space<vmem>> -> memref<128xi32, #tpu.memory_space<vmem>>
      %dma_start3A_516 = arith.constant 0 : i32
      %dma_start3A_517 = arith.constant 0 : i32
      %dma_start3A_518 = tpu.memref_slice %arg14[%dma_start3A_516, %dma_start3A_517] : memref<10240x32xf32, #tpu.memory_space<vmem_shared>> -> memref<10240x32xf32, #tpu.memory_space<vmem_shared>>
      %dma_start3A_519 = tpu.memref_slice %arg16[%dma_start3A_508] : memref<8x!tpu.dma_semaphore, #tpu.memory_space<semaphore_mem>> -> memref<1x!tpu.dma_semaphore, #tpu.memory_space<semaphore_mem>>
      %dma_start3A_520 = tpu.memref_squeeze %dma_start3A_519 : memref<1x!tpu.dma_semaphore, #tpu.memory_space<semaphore_mem>> -> memref<!tpu.dma_semaphore, #tpu.memory_space<semaphore_mem>>
      tpu.enqueue_indirect_dma source(%dma_start3A_512 : memref<128x32xf32, #tpu.memory_space<vmem>>) target(%dma_start3A_518 : memref<10240x32xf32, #tpu.memory_space<vmem_shared>>) offsets(%dma_start3A_515 : memref<128xi32, #tpu.memory_space<vmem>>) semaphore(%dma_start3A_520 : memref<!tpu.dma_semaphore, #tpu.memory_space<semaphore_mem>>) {add = true}
      %add3A_521 = arith.constant 6 : i32
      %add3A_522 = arith.addi %add3A_492, %add3A_521 : i32
      %lt3A_523 = arith.constant 160 : i32
      %lt3A_524 = arith.cmpi slt, %add3A_522, %lt3A_523 : i32
      %convert_element_type3A_525 = arith.extui %lt3A_524 : i1 to i32
      %cond3A_526 = arith.constant 0 : i32
      %cond3A_527 = arith.cmpi ne, %convert_element_type3A_525, %cond3A_526 : i32
      scf.if %cond3A_527 {
        %add3A_528 = arith.constant 6 : i32
        %add3A_529 = arith.addi %add3A_492, %add3A_528 : i32
        %ge3A = arith.constant 8 : i32
        %ge3A_530 = arith.cmpi sge, %add3A_529, %ge3A : i32
        %convert_element_type3A_531 = arith.extui %ge3A_530 : i1 to i32
        %cond3A_532 = arith.constant 0 : i32
        %cond3A_533 = arith.cmpi ne, %convert_element_type3A_531, %cond3A_532 : i32
        scf.if %cond3A_533 {
          %add3A_550 = arith.constant 6 : i32
          %add3A_551 = arith.addi %add3A_492, %add3A_550 : i32
          %sub3A = arith.constant 8 : i32
          %sub3A_552 = arith.subi %add3A_551, %sub3A : i32
          %dma_wait3A_553 = arith.constant 5 : i32
          %dma_wait3A_554 = arith.constant 5 : i32
          %dma_wait3A_555 = arith.constant 0 : i32
          %dma_wait3A_556 = arith.constant 0 : i32
          %dma_wait3A_557 = tpu.memref_slice %arg10[%dma_wait3A_553, %dma_wait3A_555, %dma_wait3A_556] : memref<8x128x32xf32, #tpu.memory_space<vmem>> -> memref<1x128x32xf32, #tpu.memory_space<vmem>>
          %dma_wait3A_558 = tpu.memref_squeeze %dma_wait3A_557 : memref<1x128x32xf32, #tpu.memory_space<vmem>> -> memref<128x32xf32, #tpu.memory_space<vmem>>
          %dma_wait3A_559 = arith.constant 0 : i32
          %dma_wait3A_560 = tpu.memref_slice %arg9[%sub3A_552, %dma_wait3A_559] : memref<160x128xi32, #tpu.memory_space<vmem>> -> memref<1x128xi32, #tpu.memory_space<vmem>>
          %dma_wait3A_561 = tpu.memref_squeeze %dma_wait3A_560 : memref<1x128xi32, #tpu.memory_space<vmem>> -> memref<128xi32, #tpu.memory_space<vmem>>
          %dma_wait3A_562 = arith.constant 0 : i32
          %dma_wait3A_563 = arith.constant 0 : i32
          %dma_wait3A_564 = tpu.memref_slice %arg14[%dma_wait3A_562, %dma_wait3A_563] : memref<10240x32xf32, #tpu.memory_space<vmem_shared>> -> memref<10240x32xf32, #tpu.memory_space<vmem_shared>>
          %dma_wait3A_565 = tpu.memref_slice %arg16[%dma_wait3A_554] : memref<8x!tpu.dma_semaphore, #tpu.memory_space<semaphore_mem>> -> memref<1x!tpu.dma_semaphore, #tpu.memory_space<semaphore_mem>>
          %dma_wait3A_566 = tpu.memref_squeeze %dma_wait3A_565 : memref<1x!tpu.dma_semaphore, #tpu.memory_space<semaphore_mem>> -> memref<!tpu.dma_semaphore, #tpu.memory_space<semaphore_mem>>
          tpu.wait_indirect_dma semaphore(%dma_wait3A_566 : memref<!tpu.dma_semaphore, #tpu.memory_space<semaphore_mem>>) src(%dma_wait3A_558 : memref<128x32xf32, #tpu.memory_space<vmem>>) dst(%dma_wait3A_564 : memref<10240x32xf32, #tpu.memory_space<vmem_shared>>)
        } else {
        }
        %add3A_534 = arith.constant 6 : i32
        %add3A_535 = arith.addi %add3A_492, %add3A_534 : i32
        %dma_start3A_536 = arith.constant 5 : i32
        %dma_start3A_537 = arith.constant 5 : i32
        %dma_start3A_538 = arith.constant 0 : i32
        %dma_start3A_539 = arith.constant 0 : i32
        %dma_start3A_540 = tpu.memref_slice %arg10[%dma_start3A_536, %dma_start3A_538, %dma_start3A_539] : memref<8x128x32xf32, #tpu.memory_space<vmem>> -> memref<1x128x32xf32, #tpu.memory_space<vmem>>
        %dma_start3A_541 = tpu.memref_squeeze %dma_start3A_540 : memref<1x128x32xf32, #tpu.memory_space<vmem>> -> memref<128x32xf32, #tpu.memory_space<vmem>>
        %dma_start3A_542 = arith.constant 0 : i32
        %dma_start3A_543 = tpu.memref_slice %arg8[%add3A_535, %dma_start3A_542] : memref<160x128xi32, #tpu.memory_space<vmem>> -> memref<1x128xi32, #tpu.memory_space<vmem>>
        %dma_start3A_544 = tpu.memref_squeeze %dma_start3A_543 : memref<1x128xi32, #tpu.memory_space<vmem>> -> memref<128xi32, #tpu.memory_space<vmem>>
        %dma_start3A_545 = arith.constant 0 : i32
        %dma_start3A_546 = arith.constant 0 : i32
        %dma_start3A_547 = tpu.memref_slice %arg2[%dma_start3A_545, %dma_start3A_546] : memref<20480x32xf32, #tpu.memory_space<hbm>> -> memref<20480x32xf32, #tpu.memory_space<hbm>>
        %dma_start3A_548 = tpu.memref_slice %arg15[%dma_start3A_537] : memref<8x!tpu.dma_semaphore, #tpu.memory_space<semaphore_mem>> -> memref<1x!tpu.dma_semaphore, #tpu.memory_space<semaphore_mem>>
        %dma_start3A_549 = tpu.memref_squeeze %dma_start3A_548 : memref<1x!tpu.dma_semaphore, #tpu.memory_space<semaphore_mem>> -> memref<!tpu.dma_semaphore, #tpu.memory_space<semaphore_mem>>
        tpu.enqueue_indirect_dma source(%dma_start3A_547 : memref<20480x32xf32, #tpu.memory_space<hbm>>) target(%dma_start3A_541 : memref<128x32xf32, #tpu.memory_space<vmem>>) offsets(%dma_start3A_544 : memref<128xi32, #tpu.memory_space<vmem>>) semaphore(%dma_start3A_549 : memref<!tpu.dma_semaphore, #tpu.memory_space<semaphore_mem>>)
      } else {
      }
    }
    %scan3A_93 = arith.constant 20 : i32
    %dma_wait3A = arith.constant 0 : i32
    %dma_wait3A_94 = arith.constant 152 : i32
    %dma_wait3A_95 = arith.constant 0 : i32
    %dma_wait3A_96 = arith.constant 0 : i32
    %dma_wait3A_97 = arith.constant 0 : i32
    %dma_wait3A_98 = tpu.memref_slice %arg10[%dma_wait3A, %dma_wait3A_96, %dma_wait3A_97] : memref<8x128x32xf32, #tpu.memory_space<vmem>> -> memref<1x128x32xf32, #tpu.memory_space<vmem>>
    %dma_wait3A_99 = tpu.memref_squeeze %dma_wait3A_98 : memref<1x128x32xf32, #tpu.memory_space<vmem>> -> memref<128x32xf32, #tpu.memory_space<vmem>>
    %dma_wait3A_100 = arith.constant 0 : i32
    %dma_wait3A_101 = tpu.memref_slice %arg9[%dma_wait3A_94, %dma_wait3A_100] : memref<160x128xi32, #tpu.memory_space<vmem>> -> memref<1x128xi32, #tpu.memory_space<vmem>>
    %dma_wait3A_102 = tpu.memref_squeeze %dma_wait3A_101 : memref<1x128xi32, #tpu.memory_space<vmem>> -> memref<128xi32, #tpu.memory_space<vmem>>
    %dma_wait3A_103 = arith.constant 0 : i32
    %dma_wait3A_104 = arith.constant 0 : i32
    %dma_wait3A_105 = tpu.memref_slice %arg14[%dma_wait3A_103, %dma_wait3A_104] : memref<10240x32xf32, #tpu.memory_space<vmem_shared>> -> memref<10240x32xf32, #tpu.memory_space<vmem_shared>>
    %dma_wait3A_106 = tpu.memref_slice %arg16[%dma_wait3A_95] : memref<8x!tpu.dma_semaphore, #tpu.memory_space<semaphore_mem>> -> memref<1x!tpu.dma_semaphore, #tpu.memory_space<semaphore_mem>>
    %dma_wait3A_107 = tpu.memref_squeeze %dma_wait3A_106 : memref<1x!tpu.dma_semaphore, #tpu.memory_space<semaphore_mem>> -> memref<!tpu.dma_semaphore, #tpu.memory_space<semaphore_mem>>
    tpu.wait_indirect_dma semaphore(%dma_wait3A_107 : memref<!tpu.dma_semaphore, #tpu.memory_space<semaphore_mem>>) src(%dma_wait3A_99 : memref<128x32xf32, #tpu.memory_space<vmem>>) dst(%dma_wait3A_105 : memref<10240x32xf32, #tpu.memory_space<vmem_shared>>)
    %dma_wait3A_108 = arith.constant 1 : i32
    %dma_wait3A_109 = arith.constant 153 : i32
    %dma_wait3A_110 = arith.constant 1 : i32
    %dma_wait3A_111 = arith.constant 0 : i32
    %dma_wait3A_112 = arith.constant 0 : i32
    %dma_wait3A_113 = tpu.memref_slice %arg10[%dma_wait3A_108, %dma_wait3A_111, %dma_wait3A_112] : memref<8x128x32xf32, #tpu.memory_space<vmem>> -> memref<1x128x32xf32, #tpu.memory_space<vmem>>
    %dma_wait3A_114 = tpu.memref_squeeze %dma_wait3A_113 : memref<1x128x32xf32, #tpu.memory_space<vmem>> -> memref<128x32xf32, #tpu.memory_space<vmem>>
    %dma_wait3A_115 = arith.constant 0 : i32
    %dma_wait3A_116 = tpu.memref_slice %arg9[%dma_wait3A_109, %dma_wait3A_115] : memref<160x128xi32, #tpu.memory_space<vmem>> -> memref<1x128xi32, #tpu.memory_space<vmem>>
    %dma_wait3A_117 = tpu.memref_squeeze %dma_wait3A_116 : memref<1x128xi32, #tpu.memory_space<vmem>> -> memref<128xi32, #tpu.memory_space<vmem>>
    %dma_wait3A_118 = arith.constant 0 : i32
    %dma_wait3A_119 = arith.constant 0 : i32
    %dma_wait3A_120 = tpu.memref_slice %arg14[%dma_wait3A_118, %dma_wait3A_119] : memref<10240x32xf32, #tpu.memory_space<vmem_shared>> -> memref<10240x32xf32, #tpu.memory_space<vmem_shared>>
    %dma_wait3A_121 = tpu.memref_slice %arg16[%dma_wait3A_110] : memref<8x!tpu.dma_semaphore, #tpu.memory_space<semaphore_mem>> -> memref<1x!tpu.dma_semaphore, #tpu.memory_space<semaphore_mem>>
    %dma_wait3A_122 = tpu.memref_squeeze %dma_wait3A_121 : memref<1x!tpu.dma_semaphore, #tpu.memory_space<semaphore_mem>> -> memref<!tpu.dma_semaphore, #tpu.memory_space<semaphore_mem>>
    tpu.wait_indirect_dma semaphore(%dma_wait3A_122 : memref<!tpu.dma_semaphore, #tpu.memory_space<semaphore_mem>>) src(%dma_wait3A_114 : memref<128x32xf32, #tpu.memory_space<vmem>>) dst(%dma_wait3A_120 : memref<10240x32xf32, #tpu.memory_space<vmem_shared>>)
    %dma_wait3A_123 = arith.constant 2 : i32
    %dma_wait3A_124 = arith.constant 154 : i32
    %dma_wait3A_125 = arith.constant 2 : i32
    %dma_wait3A_126 = arith.constant 0 : i32
    %dma_wait3A_127 = arith.constant 0 : i32
    %dma_wait3A_128 = tpu.memref_slice %arg10[%dma_wait3A_123, %dma_wait3A_126, %dma_wait3A_127] : memref<8x128x32xf32, #tpu.memory_space<vmem>> -> memref<1x128x32xf32, #tpu.memory_space<vmem>>
    %dma_wait3A_129 = tpu.memref_squeeze %dma_wait3A_128 : memref<1x128x32xf32, #tpu.memory_space<vmem>> -> memref<128x32xf32, #tpu.memory_space<vmem>>
    %dma_wait3A_130 = arith.constant 0 : i32
    %dma_wait3A_131 = tpu.memref_slice %arg9[%dma_wait3A_124, %dma_wait3A_130] : memref<160x128xi32, #tpu.memory_space<vmem>> -> memref<1x128xi32, #tpu.memory_space<vmem>>
    %dma_wait3A_132 = tpu.memref_squeeze %dma_wait3A_131 : memref<1x128xi32, #tpu.memory_space<vmem>> -> memref<128xi32, #tpu.memory_space<vmem>>
    %dma_wait3A_133 = arith.constant 0 : i32
    %dma_wait3A_134 = arith.constant 0 : i32
    %dma_wait3A_135 = tpu.memref_slice %arg14[%dma_wait3A_133, %dma_wait3A_134] : memref<10240x32xf32, #tpu.memory_space<vmem_shared>> -> memref<10240x32xf32, #tpu.memory_space<vmem_shared>>
    %dma_wait3A_136 = tpu.memref_slice %arg16[%dma_wait3A_125] : memref<8x!tpu.dma_semaphore, #tpu.memory_space<semaphore_mem>> -> memref<1x!tpu.dma_semaphore, #tpu.memory_space<semaphore_mem>>
    %dma_wait3A_137 = tpu.memref_squeeze %dma_wait3A_136 : memref<1x!tpu.dma_semaphore, #tpu.memory_space<semaphore_mem>> -> memref<!tpu.dma_semaphore, #tpu.memory_space<semaphore_mem>>
    tpu.wait_indirect_dma semaphore(%dma_wait3A_137 : memref<!tpu.dma_semaphore, #tpu.memory_space<semaphore_mem>>) src(%dma_wait3A_129 : memref<128x32xf32, #tpu.memory_space<vmem>>) dst(%dma_wait3A_135 : memref<10240x32xf32, #tpu.memory_space<vmem_shared>>)
    %dma_wait3A_138 = arith.constant 3 : i32
    %dma_wait3A_139 = arith.constant 155 : i32
    %dma_wait3A_140 = arith.constant 3 : i32
    %dma_wait3A_141 = arith.constant 0 : i32
    %dma_wait3A_142 = arith.constant 0 : i32
    %dma_wait3A_143 = tpu.memref_slice %arg10[%dma_wait3A_138, %dma_wait3A_141, %dma_wait3A_142] : memref<8x128x32xf32, #tpu.memory_space<vmem>> -> memref<1x128x32xf32, #tpu.memory_space<vmem>>
    %dma_wait3A_144 = tpu.memref_squeeze %dma_wait3A_143 : memref<1x128x32xf32, #tpu.memory_space<vmem>> -> memref<128x32xf32, #tpu.memory_space<vmem>>
    %dma_wait3A_145 = arith.constant 0 : i32
    %dma_wait3A_146 = tpu.memref_slice %arg9[%dma_wait3A_139, %dma_wait3A_145] : memref<160x128xi32, #tpu.memory_space<vmem>> -> memref<1x128xi32, #tpu.memory_space<vmem>>
    %dma_wait3A_147 = tpu.memref_squeeze %dma_wait3A_146 : memref<1x128xi32, #tpu.memory_space<vmem>> -> memref<128xi32, #tpu.memory_space<vmem>>
    %dma_wait3A_148 = arith.constant 0 : i32
    %dma_wait3A_149 = arith.constant 0 : i32
    %dma_wait3A_150 = tpu.memref_slice %arg14[%dma_wait3A_148, %dma_wait3A_149] : memref<10240x32xf32, #tpu.memory_space<vmem_shared>> -> memref<10240x32xf32, #tpu.memory_space<vmem_shared>>
    %dma_wait3A_151 = tpu.memref_slice %arg16[%dma_wait3A_140] : memref<8x!tpu.dma_semaphore, #tpu.memory_space<semaphore_mem>> -> memref<1x!tpu.dma_semaphore, #tpu.memory_space<semaphore_mem>>
    %dma_wait3A_152 = tpu.memref_squeeze %dma_wait3A_151 : memref<1x!tpu.dma_semaphore, #tpu.memory_space<semaphore_mem>> -> memref<!tpu.dma_semaphore, #tpu.memory_space<semaphore_mem>>
    tpu.wait_indirect_dma semaphore(%dma_wait3A_152 : memref<!tpu.dma_semaphore, #tpu.memory_space<semaphore_mem>>) src(%dma_wait3A_144 : memref<128x32xf32, #tpu.memory_space<vmem>>) dst(%dma_wait3A_150 : memref<10240x32xf32, #tpu.memory_space<vmem_shared>>)
    %dma_wait3A_153 = arith.constant 4 : i32
    %dma_wait3A_154 = arith.constant 156 : i32
    %dma_wait3A_155 = arith.constant 4 : i32
    %dma_wait3A_156 = arith.constant 0 : i32
    %dma_wait3A_157 = arith.constant 0 : i32
    %dma_wait3A_158 = tpu.memref_slice %arg10[%dma_wait3A_153, %dma_wait3A_156, %dma_wait3A_157] : memref<8x128x32xf32, #tpu.memory_space<vmem>> -> memref<1x128x32xf32, #tpu.memory_space<vmem>>
    %dma_wait3A_159 = tpu.memref_squeeze %dma_wait3A_158 : memref<1x128x32xf32, #tpu.memory_space<vmem>> -> memref<128x32xf32, #tpu.memory_space<vmem>>
    %dma_wait3A_160 = arith.constant 0 : i32
    %dma_wait3A_161 = tpu.memref_slice %arg9[%dma_wait3A_154, %dma_wait3A_160] : memref<160x128xi32, #tpu.memory_space<vmem>> -> memref<1x128xi32, #tpu.memory_space<vmem>>
    %dma_wait3A_162 = tpu.memref_squeeze %dma_wait3A_161 : memref<1x128xi32, #tpu.memory_space<vmem>> -> memref<128xi32, #tpu.memory_space<vmem>>
    %dma_wait3A_163 = arith.constant 0 : i32
    %dma_wait3A_164 = arith.constant 0 : i32
    %dma_wait3A_165 = tpu.memref_slice %arg14[%dma_wait3A_163, %dma_wait3A_164] : memref<10240x32xf32, #tpu.memory_space<vmem_shared>> -> memref<10240x32xf32, #tpu.memory_space<vmem_shared>>
    %dma_wait3A_166 = tpu.memref_slice %arg16[%dma_wait3A_155] : memref<8x!tpu.dma_semaphore, #tpu.memory_space<semaphore_mem>> -> memref<1x!tpu.dma_semaphore, #tpu.memory_space<semaphore_mem>>
    %dma_wait3A_167 = tpu.memref_squeeze %dma_wait3A_166 : memref<1x!tpu.dma_semaphore, #tpu.memory_space<semaphore_mem>> -> memref<!tpu.dma_semaphore, #tpu.memory_space<semaphore_mem>>
    tpu.wait_indirect_dma semaphore(%dma_wait3A_167 : memref<!tpu.dma_semaphore, #tpu.memory_space<semaphore_mem>>) src(%dma_wait3A_159 : memref<128x32xf32, #tpu.memory_space<vmem>>) dst(%dma_wait3A_165 : memref<10240x32xf32, #tpu.memory_space<vmem_shared>>)
    %dma_wait3A_168 = arith.constant 5 : i32
    %dma_wait3A_169 = arith.constant 157 : i32
    %dma_wait3A_170 = arith.constant 5 : i32
    %dma_wait3A_171 = arith.constant 0 : i32
    %dma_wait3A_172 = arith.constant 0 : i32
    %dma_wait3A_173 = tpu.memref_slice %arg10[%dma_wait3A_168, %dma_wait3A_171, %dma_wait3A_172] : memref<8x128x32xf32, #tpu.memory_space<vmem>> -> memref<1x128x32xf32, #tpu.memory_space<vmem>>
    %dma_wait3A_174 = tpu.memref_squeeze %dma_wait3A_173 : memref<1x128x32xf32, #tpu.memory_space<vmem>> -> memref<128x32xf32, #tpu.memory_space<vmem>>
    %dma_wait3A_175 = arith.constant 0 : i32
    %dma_wait3A_176 = tpu.memref_slice %arg9[%dma_wait3A_169, %dma_wait3A_175] : memref<160x128xi32, #tpu.memory_space<vmem>> -> memref<1x128xi32, #tpu.memory_space<vmem>>
    %dma_wait3A_177 = tpu.memref_squeeze %dma_wait3A_176 : memref<1x128xi32, #tpu.memory_space<vmem>> -> memref<128xi32, #tpu.memory_space<vmem>>
    %dma_wait3A_178 = arith.constant 0 : i32
    %dma_wait3A_179 = arith.constant 0 : i32
    %dma_wait3A_180 = tpu.memref_slice %arg14[%dma_wait3A_178, %dma_wait3A_179] : memref<10240x32xf32, #tpu.memory_space<vmem_shared>> -> memref<10240x32xf32, #tpu.memory_space<vmem_shared>>
    %dma_wait3A_181 = tpu.memref_slice %arg16[%dma_wait3A_170] : memref<8x!tpu.dma_semaphore, #tpu.memory_space<semaphore_mem>> -> memref<1x!tpu.dma_semaphore, #tpu.memory_space<semaphore_mem>>
    %dma_wait3A_182 = tpu.memref_squeeze %dma_wait3A_181 : memref<1x!tpu.dma_semaphore, #tpu.memory_space<semaphore_mem>> -> memref<!tpu.dma_semaphore, #tpu.memory_space<semaphore_mem>>
    tpu.wait_indirect_dma semaphore(%dma_wait3A_182 : memref<!tpu.dma_semaphore, #tpu.memory_space<semaphore_mem>>) src(%dma_wait3A_174 : memref<128x32xf32, #tpu.memory_space<vmem>>) dst(%dma_wait3A_180 : memref<10240x32xf32, #tpu.memory_space<vmem_shared>>)
    %dma_wait3A_183 = arith.constant 6 : i32
    %dma_wait3A_184 = arith.constant 158 : i32
    %dma_wait3A_185 = arith.constant 6 : i32
    %dma_wait3A_186 = arith.constant 0 : i32
    %dma_wait3A_187 = arith.constant 0 : i32
    %dma_wait3A_188 = tpu.memref_slice %arg10[%dma_wait3A_183, %dma_wait3A_186, %dma_wait3A_187] : memref<8x128x32xf32, #tpu.memory_space<vmem>> -> memref<1x128x32xf32, #tpu.memory_space<vmem>>
    %dma_wait3A_189 = tpu.memref_squeeze %dma_wait3A_188 : memref<1x128x32xf32, #tpu.memory_space<vmem>> -> memref<128x32xf32, #tpu.memory_space<vmem>>
    %dma_wait3A_190 = arith.constant 0 : i32
    %dma_wait3A_191 = tpu.memref_slice %arg9[%dma_wait3A_184, %dma_wait3A_190] : memref<160x128xi32, #tpu.memory_space<vmem>> -> memref<1x128xi32, #tpu.memory_space<vmem>>
    %dma_wait3A_192 = tpu.memref_squeeze %dma_wait3A_191 : memref<1x128xi32, #tpu.memory_space<vmem>> -> memref<128xi32, #tpu.memory_space<vmem>>
    %dma_wait3A_193 = arith.constant 0 : i32
    %dma_wait3A_194 = arith.constant 0 : i32
    %dma_wait3A_195 = tpu.memref_slice %arg14[%dma_wait3A_193, %dma_wait3A_194] : memref<10240x32xf32, #tpu.memory_space<vmem_shared>> -> memref<10240x32xf32, #tpu.memory_space<vmem_shared>>
    %dma_wait3A_196 = tpu.memref_slice %arg16[%dma_wait3A_185] : memref<8x!tpu.dma_semaphore, #tpu.memory_space<semaphore_mem>> -> memref<1x!tpu.dma_semaphore, #tpu.memory_space<semaphore_mem>>
    %dma_wait3A_197 = tpu.memref_squeeze %dma_wait3A_196 : memref<1x!tpu.dma_semaphore, #tpu.memory_space<semaphore_mem>> -> memref<!tpu.dma_semaphore, #tpu.memory_space<semaphore_mem>>
    tpu.wait_indirect_dma semaphore(%dma_wait3A_197 : memref<!tpu.dma_semaphore, #tpu.memory_space<semaphore_mem>>) src(%dma_wait3A_189 : memref<128x32xf32, #tpu.memory_space<vmem>>) dst(%dma_wait3A_195 : memref<10240x32xf32, #tpu.memory_space<vmem_shared>>)
    %dma_wait3A_198 = arith.constant 7 : i32
    %dma_wait3A_199 = arith.constant 159 : i32
    %dma_wait3A_200 = arith.constant 7 : i32
    %dma_wait3A_201 = arith.constant 0 : i32
    %dma_wait3A_202 = arith.constant 0 : i32
    %dma_wait3A_203 = tpu.memref_slice %arg10[%dma_wait3A_198, %dma_wait3A_201, %dma_wait3A_202] : memref<8x128x32xf32, #tpu.memory_space<vmem>> -> memref<1x128x32xf32, #tpu.memory_space<vmem>>
    %dma_wait3A_204 = tpu.memref_squeeze %dma_wait3A_203 : memref<1x128x32xf32, #tpu.memory_space<vmem>> -> memref<128x32xf32, #tpu.memory_space<vmem>>
    %dma_wait3A_205 = arith.constant 0 : i32
    %dma_wait3A_206 = tpu.memref_slice %arg9[%dma_wait3A_199, %dma_wait3A_205] : memref<160x128xi32, #tpu.memory_space<vmem>> -> memref<1x128xi32, #tpu.memory_space<vmem>>
    %dma_wait3A_207 = tpu.memref_squeeze %dma_wait3A_206 : memref<1x128xi32, #tpu.memory_space<vmem>> -> memref<128xi32, #tpu.memory_space<vmem>>
    %dma_wait3A_208 = arith.constant 0 : i32
    %dma_wait3A_209 = arith.constant 0 : i32
    %dma_wait3A_210 = tpu.memref_slice %arg14[%dma_wait3A_208, %dma_wait3A_209] : memref<10240x32xf32, #tpu.memory_space<vmem_shared>> -> memref<10240x32xf32, #tpu.memory_space<vmem_shared>>
    %dma_wait3A_211 = tpu.memref_slice %arg16[%dma_wait3A_200] : memref<8x!tpu.dma_semaphore, #tpu.memory_space<semaphore_mem>> -> memref<1x!tpu.dma_semaphore, #tpu.memory_space<semaphore_mem>>
    %dma_wait3A_212 = tpu.memref_squeeze %dma_wait3A_211 : memref<1x!tpu.dma_semaphore, #tpu.memory_space<semaphore_mem>> -> memref<!tpu.dma_semaphore, #tpu.memory_space<semaphore_mem>>
    tpu.wait_indirect_dma semaphore(%dma_wait3A_212 : memref<!tpu.dma_semaphore, #tpu.memory_space<semaphore_mem>>) src(%dma_wait3A_204 : memref<128x32xf32, #tpu.memory_space<vmem>>) dst(%dma_wait3A_210 : memref<10240x32xf32, #tpu.memory_space<vmem_shared>>)
    %barrier3A_213 = arith.constant 0 : index
    tpu.barrier barrier_id(%barrier3A_213)
    %scan3A_214 = arith.constant 0 : i32
    %scan3A_215 = arith.constant 4 : i32
    %scan3A_216 = arith.addi %scan3A_214, %scan3A_215 : i32
    %scan3A_217 = arith.constant 1 : i32
    scf.for %scan3A_219 = %scan3A_214 to %scan3A_216 step %scan3A_217  : i32 {
      %mul3A_220 = arith.constant 640 : i32
      %mul3A_221 = arith.muli %arg1, %mul3A_220 : i32
      %mul3A_222 = arith.constant 160 : i32
      %mul3A_223 = arith.muli %scan3A_219, %mul3A_222 : i32
      %add3A = arith.addi %mul3A_221, %mul3A_223 : i32
      "tpu.region"() ({
        %run_scoped3A = tpu.sem_alloc : memref<!tpu.dma_semaphore, #tpu.memory_space<semaphore_mem>>
        %dma_start3A_232 = arith.constant 0 : i32
        %dma_start3A_233 = tpu.memref_slice %arg14[%add3A, %dma_start3A_232] : memref<10240x32xf32, #tpu.memory_space<vmem_shared>> -> memref<160x32xf32, #tpu.memory_space<vmem_shared>>
        %dma_start3A_234 = arith.constant 0 : i32
        %dma_start3A_235 = tpu.memref_slice %arg14[%add3A, %dma_start3A_234] : memref<10240x32xf32, #tpu.memory_space<vmem_shared>> -> memref<160x32xf32, #tpu.memory_space<vmem_shared>>
        tpu.enqueue_dma source(%dma_start3A_235 : memref<160x32xf32, #tpu.memory_space<vmem_shared>>) target(%arg11 : memref<160x32xf32, #tpu.memory_space<vmem>>) target_semaphore(%run_scoped3A : memref<!tpu.dma_semaphore, #tpu.memory_space<semaphore_mem>>)
        %dma_wait3A_236 = arith.constant 0 : i32
        %dma_wait3A_237 = tpu.memref_slice %arg14[%add3A, %dma_wait3A_236] : memref<10240x32xf32, #tpu.memory_space<vmem_shared>> -> memref<160x32xf32, #tpu.memory_space<vmem_shared>>
        %dma_wait3A_238 = arith.constant 0 : i32
        %dma_wait3A_239 = tpu.memref_slice %arg14[%add3A, %dma_wait3A_238] : memref<10240x32xf32, #tpu.memory_space<vmem_shared>> -> memref<160x32xf32, #tpu.memory_space<vmem_shared>>
        tpu.wait_dma2 semaphore(%run_scoped3A : memref<!tpu.dma_semaphore, #tpu.memory_space<semaphore_mem>>) src(%dma_wait3A_239 : memref<160x32xf32, #tpu.memory_space<vmem_shared>>) dst(%arg11 : memref<160x32xf32, #tpu.memory_space<vmem>>)
        tpu.yield
      }) : () -> ()
      %mul3A_224 = arith.constant 10240 : i32
      %mul3A_225 = arith.muli %arg0, %mul3A_224 : i32
      %add3A_226 = arith.addi %mul3A_225, %add3A : i32
      "tpu.region"() ({
        %run_scoped3A = tpu.sem_alloc : memref<!tpu.dma_semaphore, #tpu.memory_space<semaphore_mem>>
        %dma_start3A_232 = arith.constant 0 : i32
        %dma_start3A_233 = tpu.memref_slice %arg2[%add3A_226, %dma_start3A_232] : memref<20480x32xf32, #tpu.memory_space<hbm>> -> memref<160x32xf32, #tpu.memory_space<hbm>>
        %dma_start3A_234 = arith.constant 0 : i32
        %dma_start3A_235 = tpu.memref_slice %arg2[%add3A_226, %dma_start3A_234] : memref<20480x32xf32, #tpu.memory_space<hbm>> -> memref<160x32xf32, #tpu.memory_space<hbm>>
        tpu.enqueue_dma source(%dma_start3A_235 : memref<160x32xf32, #tpu.memory_space<hbm>>) target(%arg12 : memref<160x32xf32, #tpu.memory_space<vmem>>) target_semaphore(%run_scoped3A : memref<!tpu.dma_semaphore, #tpu.memory_space<semaphore_mem>>)
        %dma_wait3A_236 = arith.constant 0 : i32
        %dma_wait3A_237 = tpu.memref_slice %arg2[%add3A_226, %dma_wait3A_236] : memref<20480x32xf32, #tpu.memory_space<hbm>> -> memref<160x32xf32, #tpu.memory_space<hbm>>
        %dma_wait3A_238 = arith.constant 0 : i32
        %dma_wait3A_239 = tpu.memref_slice %arg2[%add3A_226, %dma_wait3A_238] : memref<20480x32xf32, #tpu.memory_space<hbm>> -> memref<160x32xf32, #tpu.memory_space<hbm>>
        tpu.wait_dma2 semaphore(%run_scoped3A : memref<!tpu.dma_semaphore, #tpu.memory_space<semaphore_mem>>) src(%dma_wait3A_239 : memref<160x32xf32, #tpu.memory_space<hbm>>) dst(%arg12 : memref<160x32xf32, #tpu.memory_space<vmem>>)
        tpu.yield
      }) : () -> ()
      "tpu.region"() ({
        %run_scoped3A = tpu.sem_alloc : memref<!tpu.dma_semaphore, #tpu.memory_space<semaphore_mem>>
        %dma_start3A_232 = arith.constant 0 : i32
        %dma_start3A_233 = tpu.memref_slice %arg5[%add3A, %dma_start3A_232] : memref<10240x32xf32, #tpu.memory_space<hbm>> -> memref<160x32xf32, #tpu.memory_space<hbm>>
        %dma_start3A_234 = arith.constant 0 : i32
        %dma_start3A_235 = tpu.memref_slice %arg5[%add3A, %dma_start3A_234] : memref<10240x32xf32, #tpu.memory_space<hbm>> -> memref<160x32xf32, #tpu.memory_space<hbm>>
        tpu.enqueue_dma source(%dma_start3A_235 : memref<160x32xf32, #tpu.memory_space<hbm>>) target(%arg13 : memref<160x32xf32, #tpu.memory_space<vmem>>) target_semaphore(%run_scoped3A : memref<!tpu.dma_semaphore, #tpu.memory_space<semaphore_mem>>)
        %dma_wait3A_236 = arith.constant 0 : i32
        %dma_wait3A_237 = tpu.memref_slice %arg5[%add3A, %dma_wait3A_236] : memref<10240x32xf32, #tpu.memory_space<hbm>> -> memref<160x32xf32, #tpu.memory_space<hbm>>
        %dma_wait3A_238 = arith.constant 0 : i32
        %dma_wait3A_239 = tpu.memref_slice %arg5[%add3A, %dma_wait3A_238] : memref<10240x32xf32, #tpu.memory_space<hbm>> -> memref<160x32xf32, #tpu.memory_space<hbm>>
        tpu.wait_dma2 semaphore(%run_scoped3A : memref<!tpu.dma_semaphore, #tpu.memory_space<semaphore_mem>>) src(%dma_wait3A_239 : memref<160x32xf32, #tpu.memory_space<hbm>>) dst(%arg13 : memref<160x32xf32, #tpu.memory_space<vmem>>)
        tpu.yield
      }) : () -> ()
      %scan3A_227 = arith.constant 0 : i32
      %scan3A_228 = arith.constant 160 : i32
      %scan3A_229 = arith.addi %scan3A_227, %scan3A_228 : i32
      %scan3A_230 = arith.constant 1 : i32
      scf.for %scan3A_232 = %scan3A_227 to %scan3A_229 step %scan3A_230  : i32 {
        %get3A = arith.index_cast %scan3A_232 : i32 to index
        %get3A_233 = arith.constant 0 : index
        %get3A_234 = tpu.vector_load %arg11[%get3A, %get3A_233] {strides = array<i32>} : memref<160x32xf32, #tpu.memory_space<vmem>>, vector<1x16xf32>,
        %get3A_235 = vector.shape_cast %get3A_234 : vector<1x16xf32> to vector<16xf32>
        %get3A_236 = arith.index_cast %scan3A_232 : i32 to index
        %get3A_237 = arith.constant 0 : index
        %get3A_238 = tpu.vector_load %arg12[%get3A_236, %get3A_237] {strides = array<i32>} : memref<160x32xf32, #tpu.memory_space<vmem>>, vector<1x16xf32>,
        %get3A_239 = vector.shape_cast %get3A_238 : vector<1x16xf32> to vector<16xf32>
        %add3A_240 = arith.addf %get3A_235, %get3A_239 : vector<16xf32>
        %get3A_241 = arith.index_cast %scan3A_232 : i32 to index
        %get3A_242 = arith.constant 0 : index
        %get3A_243 = tpu.vector_load %arg13[%get3A_241, %get3A_242] {strides = array<i32>} : memref<160x32xf32, #tpu.memory_space<vmem>>, vector<1x16xf32>,
        %get3A_244 = vector.shape_cast %get3A_243 : vector<1x16xf32> to vector<16xf32>
        %mul3A_245 = arith.mulf %add3A_240, %get3A_244 : vector<16xf32>
        %swap3A = arith.index_cast %scan3A_232 : i32 to index
        %swap3A_246 = arith.constant 0 : index
        %swap3A_247 = tpu.vector_load %arg11[%swap3A, %swap3A_246] {strides = array<i32>} : memref<160x32xf32, #tpu.memory_space<vmem>>, vector<1x16xf32>,
        %swap3A_248 = vector.shape_cast %swap3A_247 : vector<1x16xf32> to vector<16xf32>
        %swap3A_249 = vector.shape_cast %mul3A_245 : vector<16xf32> to vector<1x16xf32>
        tpu.vector_store %arg11[%swap3A, %swap3A_246], %swap3A_249 {strides = array<i32>} : memref<160x32xf32, #tpu.memory_space<vmem>>, vector<1x16xf32>,
        %get3A_250 = arith.index_cast %scan3A_232 : i32 to index
        %get3A_251 = arith.constant 16 : index
        %get3A_252 = tpu.vector_load %arg11[%get3A_250, %get3A_251] {strides = array<i32>} : memref<160x32xf32, #tpu.memory_space<vmem>>, vector<1x16xf32>,
        %get3A_253 = vector.shape_cast %get3A_252 : vector<1x16xf32> to vector<16xf32>
        %get3A_254 = arith.index_cast %scan3A_232 : i32 to index
        %get3A_255 = arith.constant 16 : index
        %get3A_256 = tpu.vector_load %arg12[%get3A_254, %get3A_255] {strides = array<i32>} : memref<160x32xf32, #tpu.memory_space<vmem>>, vector<1x16xf32>,
        %get3A_257 = vector.shape_cast %get3A_256 : vector<1x16xf32> to vector<16xf32>
        %add3A_258 = arith.addf %get3A_253, %get3A_257 : vector<16xf32>
        %get3A_259 = arith.index_cast %scan3A_232 : i32 to index
        %get3A_260 = arith.constant 16 : index
        %get3A_261 = tpu.vector_load %arg13[%get3A_259, %get3A_260] {strides = array<i32>} : memref<160x32xf32, #tpu.memory_space<vmem>>, vector<1x16xf32>,
        %get3A_262 = vector.shape_cast %get3A_261 : vector<1x16xf32> to vector<16xf32>
        %mul3A_263 = arith.mulf %add3A_258, %get3A_262 : vector<16xf32>
        %swap3A_264 = arith.index_cast %scan3A_232 : i32 to index
        %swap3A_265 = arith.constant 16 : index
        %swap3A_266 = tpu.vector_load %arg11[%swap3A_264, %swap3A_265] {strides = array<i32>} : memref<160x32xf32, #tpu.memory_space<vmem>>, vector<1x16xf32>,
        %swap3A_267 = vector.shape_cast %swap3A_266 : vector<1x16xf32> to vector<16xf32>
        %swap3A_268 = vector.shape_cast %mul3A_263 : vector<16xf32> to vector<1x16xf32>
        tpu.vector_store %arg11[%swap3A_264, %swap3A_265], %swap3A_268 {strides = array<i32>} : memref<160x32xf32, #tpu.memory_space<vmem>>, vector<1x16xf32>,
      }
      %scan3A_231 = arith.constant 160 : i32
      "tpu.region"() ({
        %run_scoped3A = tpu.sem_alloc : memref<!tpu.dma_semaphore, #tpu.memory_space<semaphore_mem>>
        %dma_start3A_232 = arith.constant 0 : i32
        %dma_start3A_233 = tpu.memref_slice %arg7[%arg0, %add3A, %dma_start3A_232] : memref<2x10240x32xf32, #tpu.memory_space<hbm>> -> memref<1x160x32xf32, #tpu.memory_space<hbm>>
        %dma_start3A_234 = tpu.memref_squeeze %dma_start3A_233 : memref<1x160x32xf32, #tpu.memory_space<hbm>> -> memref<160x32xf32, #tpu.memory_space<hbm>>
        %dma_start3A_235 = arith.constant 0 : i32
        %dma_start3A_236 = tpu.memref_slice %arg7[%arg0, %add3A, %dma_start3A_235] : memref<2x10240x32xf32, #tpu.memory_space<hbm>> -> memref<1x160x32xf32, #tpu.memory_space<hbm>>
        %dma_start3A_237 = tpu.memref_squeeze %dma_start3A_236 : memref<1x160x32xf32, #tpu.memory_space<hbm>> -> memref<160x32xf32, #tpu.memory_space<hbm>>
        tpu.enqueue_dma source(%arg11 : memref<160x32xf32, #tpu.memory_space<vmem>>) target(%dma_start3A_237 : memref<160x32xf32, #tpu.memory_space<hbm>>) target_semaphore(%run_scoped3A : memref<!tpu.dma_semaphore, #tpu.memory_space<semaphore_mem>>)
        %dma_wait3A_238 = arith.constant 0 : i32
        %dma_wait3A_239 = tpu.memref_slice %arg7[%arg0, %add3A, %dma_wait3A_238] : memref<2x10240x32xf32, #tpu.memory_space<hbm>> -> memref<1x160x32xf32, #tpu.memory_space<hbm>>
        %dma_wait3A_240 = tpu.memref_squeeze %dma_wait3A_239 : memref<1x160x32xf32, #tpu.memory_space<hbm>> -> memref<160x32xf32, #tpu.memory_space<hbm>>
        %dma_wait3A_241 = arith.constant 0 : i32
        %dma_wait3A_242 = tpu.memref_slice %arg7[%arg0, %add3A, %dma_wait3A_241] : memref<2x10240x32xf32, #tpu.memory_space<hbm>> -> memref<1x160x32xf32, #tpu.memory_space<hbm>>
        %dma_wait3A_243 = tpu.memref_squeeze %dma_wait3A_242 : memref<1x160x32xf32, #tpu.memory_space<hbm>> -> memref<160x32xf32, #tpu.memory_space<hbm>>
        tpu.wait_dma2 semaphore(%run_scoped3A : memref<!tpu.dma_semaphore, #tpu.memory_space<semaphore_mem>>) src(%arg11 : memref<160x32xf32, #tpu.memory_space<vmem>>) dst(%dma_wait3A_243 : memref<160x32xf32, #tpu.memory_space<hbm>>)
        tpu.yield
      }) : () -> ()
    }
    %scan3A_218 = arith.constant 4 : i32
    return
  }
}

module attributes {stable_mosaic.version = 14 : i64} {
  func.func @_prep_tc(%arg0: memref<10000x128xf32, #tpu.memory_space<vmem>>, %arg1: memref<64x128xf32, #tpu.memory_space<vmem>>, %arg2: memref<2x10240x8xf32, #tpu.memory_space<vmem>>, %arg3: memref<20480x32xf32, #tpu.memory_space<vmem>>, %arg4: memref<10240x32xf32, #tpu.memory_space<vmem>>, %arg5: memref<10240x32xf32, #tpu.memory_space<vmem>>) attributes {dimension_semantics = [], scalar_prefetch = 0 : i64, scratch_operands = 0 : i64, tpu.core_type = #tpu.core_type<tc>} {
    %get3A = arith.constant 0 : index
    %get3A_0 = arith.constant 0 : index
    %get3A_1 = arith.constant 0 : index
    %get3A_2 = vector.load %arg2[%get3A, %get3A_0, %get3A_1] : memref<2x10240x8xf32, #tpu.memory_space<vmem>>, vector<1x10240x1xf32>
    %get3A_3 = vector.shape_cast %get3A_2 : vector<1x10240x1xf32> to vector<10240x1xf32>
    %get3A_4 = arith.constant 1 : index
    %get3A_5 = arith.constant 0 : index
    %get3A_6 = arith.constant 0 : index
    %get3A_7 = vector.load %arg2[%get3A_4, %get3A_5, %get3A_6] : memref<2x10240x8xf32, #tpu.memory_space<vmem>>, vector<1x10240x1xf32>
    %get3A_8 = vector.shape_cast %get3A_7 : vector<1x10240x1xf32> to vector<10240x1xf32>
    %add3A = arith.addf %get3A_3, %get3A_8 : vector<10240x1xf32>
    %add3A_9 = arith.constant 1.000000e+00 : f32
    %add3A_10 = vector.broadcast %add3A_9 : f32 to vector<10240x1xf32>
    %add3A_11 = arith.addf %add3A, %add3A_10 : vector<10240x1xf32>
    %iota3A = tpu.iota {dimensions = array<i32: 0>} : vector<10240x1xi32>
    %lt3A = arith.constant 10000 : i32
    %lt3A_12 = vector.broadcast %lt3A : i32 to vector<10240x1xi32>
    %lt3A_13 = arith.cmpi slt, %iota3A, %lt3A_12 : vector<10240x1xi32>
    %rsqrt3A = math.rsqrt %add3A_11 : vector<10240x1xf32>
    %jit3A = arith.constant 0.000000e+00 : f32
    %broadcast_in_dim3A = vector.broadcast %jit3A : f32 to vector<10240x1xf32>
    %select_n3A = arith.select %lt3A_13, %rsqrt3A, %broadcast_in_dim3A : vector<10240x1xi1>, vector<10240x1xf32>
    %div3A = arith.constant 1.000000e+00 : f32
    %div3A_14 = vector.broadcast %div3A : f32 to vector<10240x1xf32>
    %div3A_15 = arith.divf %div3A_14, %add3A_11 : vector<10240x1xf32>
    %jit3A_16 = arith.constant 0.000000e+00 : f32
    %broadcast_in_dim3A_17 = vector.broadcast %jit3A_16 : f32 to vector<10240x1xf32>
    %select_n3A_18 = arith.select %lt3A_13, %div3A_15, %broadcast_in_dim3A_17 : vector<10240x1xi1>, vector<10240x1xf32>
    %broadcast_in_dim3A_19 = vector.shape_cast %select_n3A_18 : vector<10240x1xf32> to vector<10240x1xf32>
    %broadcast_in_dim3A_20 = vector.broadcast %broadcast_in_dim3A_19 : vector<10240x1xf32> to vector<10240x32xf32>
    %swap3A = arith.constant 0 : index
    %swap3A_21 = arith.constant 0 : index
    %swap3A_22 = vector.load %arg4[%swap3A, %swap3A_21] : memref<10240x32xf32, #tpu.memory_space<vmem>>, vector<10240x32xf32>
    tpu.vector_store %arg4[%swap3A, %swap3A_21], %broadcast_in_dim3A_20 {strides = array<i32>} : memref<10240x32xf32, #tpu.memory_space<vmem>>, vector<10240x32xf32>,
    %broadcast_in_dim3A_23 = vector.shape_cast %select_n3A : vector<10240x1xf32> to vector<10240x1xf32>
    %broadcast_in_dim3A_24 = vector.broadcast %broadcast_in_dim3A_23 : vector<10240x1xf32> to vector<10240x32xf32>
    %swap3A_25 = arith.constant 0 : index
    %swap3A_26 = arith.constant 0 : index
    %swap3A_27 = vector.load %arg5[%swap3A_25, %swap3A_26] : memref<10240x32xf32, #tpu.memory_space<vmem>>, vector<10240x32xf32>
    tpu.vector_store %arg5[%swap3A_25, %swap3A_26], %broadcast_in_dim3A_24 {strides = array<i32>} : memref<10240x32xf32, #tpu.memory_space<vmem>>, vector<10240x32xf32>,
    %get3A_28 = arith.constant 0 : index
    %get3A_29 = arith.constant 0 : index
    %get3A_30 = vector.load %arg0[%get3A_28, %get3A_29] : memref<10000x128xf32, #tpu.memory_space<vmem>>, vector<10000x128xf32>
    %get3A_31 = arith.constant 0 : index
    %get3A_32 = arith.constant 0 : index
    %get3A_33 = vector.load %arg1[%get3A_31, %get3A_32] : memref<64x128xf32, #tpu.memory_space<vmem>>, vector<64x128xf32>
    %dot_general3A = arith.constant dense<0.000000e+00> : vector<10000x64xf32>
    %dot_general3A_34 = tpu.matmul %get3A_30, %get3A_33, %dot_general3A {dimension_numbers = #tpu.dot_dimension_numbers<[1], [1], [0], [0], [0, 0, 1, 0], [], []>, transpose_lhs_hint = false} : vector<10000x128xf32>, vector<64x128xf32>, vector<10000x64xf32> -> vector<10000x64xf32>
    %slice3A = vector.extract_strided_slice %select_n3A {offsets = [0, 0], sizes = [10000, 1], strides = [1, 1]} : vector<10240x1xf32> to vector<10000x1xf32>
    %mul3A = vector.broadcast %slice3A : vector<10000x1xf32> to vector<10000x64xf32>
    %mul3A_35 = arith.mulf %dot_general3A_34, %mul3A : vector<10000x64xf32>
    %broadcast_in_dim3A_36 = arith.constant 0.000000e+00 : f32
    %broadcast_in_dim3A_37 = vector.broadcast %broadcast_in_dim3A_36 : f32 to vector<240x32xf32>
    %slice3A_38 = vector.extract_strided_slice %mul3A_35 {offsets = [0, 0], sizes = [10000, 32], strides = [1, 1]} : vector<10000x64xf32> to vector<10000x32xf32>
    %swap3A_39 = arith.constant 0 : index
    %swap3A_40 = arith.constant 0 : index
    %swap3A_41 = vector.load %arg3[%swap3A_39, %swap3A_40] : memref<20480x32xf32, #tpu.memory_space<vmem>>, vector<10000x32xf32>
    tpu.vector_store %arg3[%swap3A_39, %swap3A_40], %slice3A_38 {strides = array<i32>} : memref<20480x32xf32, #tpu.memory_space<vmem>>, vector<10000x32xf32>,
    %swap3A_42 = arith.constant 10000 : index
    %swap3A_43 = arith.constant 0 : index
    %swap3A_44 = vector.load %arg3[%swap3A_42, %swap3A_43] : memref<20480x32xf32, #tpu.memory_space<vmem>>, vector<240x32xf32>
    tpu.vector_store %arg3[%swap3A_42, %swap3A_43], %broadcast_in_dim3A_37 {strides = array<i32>} : memref<20480x32xf32, #tpu.memory_space<vmem>>, vector<240x32xf32>,
    %slice3A_45 = vector.extract_strided_slice %mul3A_35 {offsets = [0, 32], sizes = [10000, 32], strides = [1, 1]} : vector<10000x64xf32> to vector<10000x32xf32>
    %swap3A_46 = arith.constant 10240 : index
    %swap3A_47 = arith.constant 0 : index
    %swap3A_48 = vector.load %arg3[%swap3A_46, %swap3A_47] : memref<20480x32xf32, #tpu.memory_space<vmem>>, vector<10000x32xf32>
    tpu.vector_store %arg3[%swap3A_46, %swap3A_47], %slice3A_45 {strides = array<i32>} : memref<20480x32xf32, #tpu.memory_space<vmem>>, vector<10000x32xf32>,
    %swap3A_49 = arith.constant 20240 : index
    %swap3A_50 = arith.constant 0 : index
    %swap3A_51 = vector.load %arg3[%swap3A_49, %swap3A_50] : memref<20480x32xf32, #tpu.memory_space<vmem>>, vector<240x32xf32>
    tpu.vector_store %arg3[%swap3A_49, %swap3A_50], %broadcast_in_dim3A_37 {strides = array<i32>} : memref<20480x32xf32, #tpu.memory_space<vmem>>, vector<240x32xf32>,
    return
  }
}

module attributes {stable_mosaic.version = 14 : i64} {
  func.func @_final_tc(%arg0: memref<20480x32xf32, #tpu.memory_space<vmem>>, %arg1: memref<1x64xf32, #tpu.memory_space<vmem>>, %arg2: memref<10000x64xf32, #tpu.memory_space<vmem>>) attributes {dimension_semantics = [], scalar_prefetch = 0 : i64, scratch_operands = 0 : i64, tpu.core_type = #tpu.core_type<tc>} {
    %get3A = arith.constant 0 : index
    %get3A_0 = arith.constant 0 : index
    %get3A_1 = vector.load %arg0[%get3A, %get3A_0] : memref<20480x32xf32, #tpu.memory_space<vmem>>, vector<10000x32xf32>
    %get3A_2 = arith.constant 10240 : index
    %get3A_3 = arith.constant 0 : index
    %get3A_4 = vector.load %arg0[%get3A_2, %get3A_3] : memref<20480x32xf32, #tpu.memory_space<vmem>>, vector<10000x32xf32>
    %concatenate3A = tpu.concatenate %get3A_1, %get3A_4 in 1 : vector<10000x32xf32>, vector<10000x32xf32> -> vector<10000x64xf32>
    %get3A_5 = arith.constant 0 : index
    %get3A_6 = arith.constant 0 : index
    %get3A_7 = vector.load %arg1[%get3A_5, %get3A_6] : memref<1x64xf32, #tpu.memory_space<vmem>>, vector<1x64xf32>
    %add3A = vector.broadcast %get3A_7 : vector<1x64xf32> to vector<10000x64xf32>
    %add3A_8 = arith.addf %concatenate3A, %add3A : vector<10000x64xf32>
    %reduce_max3A = arith.constant dense<0xFF800000> : vector<10000xf32>
    %reduce_max3A_9 = vector.multi_reduction <maximumf>, %add3A_8, %reduce_max3A [1] : vector<10000x64xf32> to vector<10000xf32>
    %broadcast_in_dim3A = vector.shape_cast %reduce_max3A_9 : vector<10000xf32> to vector<10000x1xf32>
    %sub3A = vector.broadcast %broadcast_in_dim3A : vector<10000x1xf32> to vector<10000x64xf32>
    %sub3A_10 = arith.subf %add3A_8, %sub3A : vector<10000x64xf32>
    %exp3A = math.exp %sub3A_10 : vector<10000x64xf32>
    %reduce_sum3A = arith.constant dense<0.000000e+00> : vector<10000xf32>
    %reduce_sum3A_11 = vector.multi_reduction <add>, %exp3A, %reduce_sum3A [1] : vector<10000x64xf32> to vector<10000xf32>
    %broadcast_in_dim3A_12 = vector.shape_cast %reduce_sum3A_11 : vector<10000xf32> to vector<10000x1xf32>
    %log3A = math.log %broadcast_in_dim3A_12 : vector<10000x1xf32>
    %add3A_13 = arith.addf %log3A, %broadcast_in_dim3A : vector<10000x1xf32>
    %sub3A_14 = vector.broadcast %add3A_13 : vector<10000x1xf32> to vector<10000x64xf32>
    %sub3A_15 = arith.subf %add3A_8, %sub3A_14 : vector<10000x64xf32>
    %swap3A = arith.constant 0 : index
    %swap3A_16 = arith.constant 0 : index
    %swap3A_17 = vector.load %arg2[%swap3A, %swap3A_16] : memref<10000x64xf32, #tpu.memory_space<vmem>>, vector<10000x64xf32>
    tpu.vector_store %arg2[%swap3A, %swap3A_16], %sub3A_15 {strides = array<i32>} : memref<10000x64xf32, #tpu.memory_space<vmem>>, vector<10000x64xf32>,
    return
  }
}

</mosaic_0001>

<sc_bundles>
// kernel: kernel.10.cloned.1.call-start
scs
__scs_entry_jumppad:
0x0: {  	(pc) =	sbr.rel $0x88, $3  }
0x1: {  	(tag) =	ssettag $0x0;
	lr =	simm.s32 $0x1  }
0x2: {  	[smem:$0x3F9D] =	sst lr;
	_ =	strace $0xD0000000  }
0x3: {  	_ = 	snop  }
0x4: {  	_ = 	snop  }
0x5: {  	_ = 	snop  }
0x6: {  	_ = 	snop  }
0x7: {  	_ = 	snop  }
__scs_overlays_trampoline_lowered:
0x8: {  	[smem:$0x3FAC] =	sst s0  }
0x9: {  	[smem:$0x3FAD] =	sst s1  }
0xa: {  	[smem:$0x3FAE] =	sst s2  }
0xb: {  	[smem:$0x3FAF] =	sst s3  }
0xc: {  	[smem:$0x3FB0] =	sst s4  }
0xd: {  	[smem:$0x3FB1] =	sst s5  }
0xe: {  	[smem:$0x3FB2] =	sst s6  }
0xf: {  	[smem:$0x3FB3] =	sst s7  }
0x10: {  	[smem:$0x3FB4] =	sst s8  }
0x11: {  	[smem:$0x3FB5] =	sst s9;
	s0 =	simm.s32 @!p0 $0x0  }
0x12: {  	s1 =	sld [smem:$0x3F9B];
	s0 =	simm.s32 @p0 $0x1  }
0x13: {  	[smem:$0x3FB6] =	sst s0;
	s0 =	simm.s32 @!p1 $0x0  }
0x14: {  	s2 =	sld [smem:$0x3F9A];
	s0 =	simm.s32 @p1 $0x1  }
0x15: {  	[smem:$0x3FB7] =	sst s0;
	s0 =	simm.s32 @!p2 $0x0  }
0x16: {  	s3 =	sld [smem:$0x3FDB];
	s0 =	simm.s32 @p2 $0x1  }
0x17: {  	s4 =	simm.s32 $0x1BF5;
	[smem:$0x3FB9] =	sst s0  }
0x18: {  	s0 =	sld [smem:$0x3F9C];
	_ =	swait.ge [sflag:s4], $0x0  }
0x19: {  	s7 =	sld [smem:$0x3F9D]  }
0x1a: {  	s8 =	sadd.s32 $0xFFFFE003, lr  }
0x1b: {  	s9 =	sadd.s32 $0xFFFFFEF7, lr;
	s5 =	simm.s32 $0xFFFFFFFF;
	p2 =	slt.u32 s8, $0xFFFFF086  }
0x1c: {  	p1 =	slt.u32 s9, $0xF7A;
	s5 =	simm.s32 @!p2 $0x0  }
0x1d: {  	s5 =	simm.s32 @p1 $0x1;
	p0 =	seq.s32 s7, s2  }
0x1e: {  	s7 =	smul.u32 @!p0 $0xF7A, s2;
	p2 =	seq.s32 @!p0 s5, $0x0  }
0x1f: {  	s9 =	smul.u32 $0xF7A, s1;
	s8 =	simm.s32 @!p0 $0x1BF5;
	p2 =	por !p2, p0  }
0x20: {  	[sflag:s8] =	ssyncset.s32 @!p0 $0xFFFFF086;
	s6 =	sadd.s32 @!p0 s3, s7;
	s7 =	simm.s32 @!p0 $0x108  }
0x21: {  	s3 =	sadd.s32 s3, s9;
	s6 =	sadd.s32 @!p0 $0x88, s6;
	s7 =	simm.s32 @p2 $0x1082  }
0x22: {  	[simem:s7], [sflag:s8] =	dma.local @!p0 [hbm:s6], $0xF7A  }
0x23: {  	s9 =	sor.u32 $0xD0000000, s2;
	s6 =	simm.s32 $0x108;
	_ =	swait.ge @!p0 [sflag:s8], $0x0  }
0x24: {  	s3 =	sadd.s32 $0x88, s3;
	s6 =	simm.s32 @!p1 $0x1082;
	[sflag:s4] =	ssyncset.s32 $0xFFFFF086  }
0x25: {  	[simem:s6], [sflag:s4] =	dma.local [hbm:s3], $0xF7A  }
0x26: {  	[smem:$0x3F9D] =	sst s1;
	(tag) =	ssettag s2;
	_ =	strace s9  }
0x27: {  	s1 =	sld [smem:$0x3FAD]  }
0x28: {  	s2 =	sld [smem:$0x3FAE]  }
0x29: {  	s4 =	sld [smem:$0x3FB0]  }
0x2a: {  	p0 =	seq.s32 s5, $0x0;
	s5 =	sld [smem:$0x3FB1]  }
0x2b: {  	s6 =	sld [smem:$0x3FB2]  }
0x2c: {  	s7 =	sld [smem:$0x3FB3]  }
0x2d: {  	s3 =	simm.s32 $0x108;
	s8 =	sld [smem:$0x3FB4]  }
0x2e: {  	s3 =	simm.s32 @!p0 $0x1082;
	s9 =	sld [smem:$0x3FB5]  }
0x2f: {  	lr =	sadd.s32 s0, s3;
	s0 =	sld [smem:$0x3FAC]  }
0x30: {  	s3 =	sld [smem:$0x3FAF]  }
0x31: {  	[smem:$0x3FB8] =	sst s10  }
0x32: {  	s10 =	sld [smem:$0x3FB6];
	_ =	sdelay $0x3  }
0x33: {  	p0 =	seq.s32 s10, $0x1;
	s10 =	sld [smem:$0x3FB8];
	_ =	sdelay $0x3  }
0x34: {  	[smem:$0x3FB8] =	sst s10  }
0x35: {  	s10 =	sld [smem:$0x3FB7];
	_ =	sdelay $0x3  }
0x36: {  	p1 =	seq.s32 s10, $0x1;
	s10 =	sld [smem:$0x3FB8];
	_ =	sdelay $0x3  }
0x37: {  	[smem:$0x3FB8] =	sst s10  }
0x38: {  	s10 =	sld [smem:$0x3FB9]  }
0x39: {  	_ = 	snop;
	(pc) =	sbr.ind lr, $3  }
0x3a: {  	_ = 	snop  }
0x3b: {  	_ = 	snop  }
0x3c: {  	p2 =	seq.s32 s10, $0x1;
	s10 =	sld [smem:$0x3FB8]  }
0x3d: {  	_ =	shalt  }
0x3e: {  	_ =	shalt  }
0x3f: {  	_ =	shalt  }
0x40: {  	_ =	shalt  }
0x41: {  	_ =	shalt  }
0x42: {  	_ =	shalt  }
0x43: {  	_ =	shalt  }
0x44: {  	_ =	shalt  }
0x45: {  	_ =	shalt  }
0x46: {  	_ =	shalt  }
0x47: {  	_ =	shalt  }
0x48: {  	_ =	shalt  }
0x49: {  	_ =	shalt  }
0x4a: {  	_ =	shalt  }
0x4b: {  	_ =	shalt  }
0x4c: {  	_ =	shalt  }
0x4d: {  	_ =	shalt  }
0x4e: {  	_ =	shalt  }
0x4f: {  	_ =	shalt  }
0x50: {  	_ =	shalt  }
0x51: {  	_ =	shalt  }
0x52: {  	_ =	shalt  }
0x53: {  	_ =	shalt  }
0x54: {  	_ =	shalt  }
0x55: {  	_ =	shalt  }
0x56: {  	_ =	shalt  }
0x57: {  	_ =	shalt  }
0x58: {  	_ =	shalt  }
0x59: {  	_ =	shalt  }
0x5a: {  	_ =	shalt  }
0x5b: {  	_ =	shalt  }
0x5c: {  	_ =	shalt  }
0x5d: {  	_ =	shalt  }
0x5e: {  	_ =	shalt  }
0x5f: {  	_ =	shalt  }
0x60: {  	_ =	shalt  }
0x61: {  	_ =	shalt  }
0x62: {  	_ =	shalt  }
0x63: {  	_ =	shalt  }
0x64: {  	_ =	shalt  }
0x65: {  	_ =	shalt  }
0x66: {  	_ =	shalt  }
0x67: {  	_ =	shalt  }
0x68: {  	_ =	shalt  }
0x69: {  	_ =	shalt  }
0x6a: {  	_ =	shalt  }
0x6b: {  	_ =	shalt  }
0x6c: {  	_ =	shalt  }
0x6d: {  	_ =	shalt  }
0x6e: {  	_ =	shalt  }
0x6f: {  	_ =	shalt  }
0x70: {  	_ =	shalt  }
0x71: {  	_ =	shalt  }
0x72: {  	_ =	shalt  }
0x73: {  	_ =	shalt  }
0x74: {  	_ =	shalt  }
0x75: {  	_ =	shalt  }
0x76: {  	_ =	shalt  }
0x77: {  	_ =	shalt  }
0x78: {  	_ =	shalt  }
0x79: {  	_ =	shalt  }
0x7a: {  	_ =	shalt  }
0x7b: {  	_ =	shalt  }
0x7c: {  	_ =	shalt  }
0x7d: {  	_ =	shalt  }
0x7e: {  	_ =	shalt  }
0x7f: {  	_ =	shalt  }
0x80: {  	_ =	shalt  }
0x81: {  	_ =	shalt  }
0x82: {  	_ =	shalt  }
0x83: {  	_ =	shalt  }
0x84: {  	_ =	shalt  }
0x85: {  	_ =	shalt  }
0x86: {  	_ =	shalt  }
0x87: {  	_ =	shalt  }
.Lfunc_end0:
.L_simem_size_0:
called_computation.1_lowered:
.L_overlay_start_0:
0x88: {  	s2 =	sld [smem:$0x3FD9]  }
0x89: {  	s3 =	sld [smem:$0x3FFE];
	_ =	sdelay $0x1  }
0x8a: {  	s1 =	srdreg.scid  }
0x8b: {  	s0 =	sand.u32 $0x1, s1  }
0x8c: {  	s17 =	sshll.u32 s0, $0xA;
	s2 =	sadd.s32 s3, s2  }
0x8d: {  	s2 =	sadd.s32 s2, s17  }
0x8e: {  	[smem:$0x3FC4] =	sst s2  }
0x8f: {  	_ = 	snop  }
0x90: {  	s2 =	sld [smem:$0x3FD0];
	(tm) =	ssettm $0x1  }
0x91: {  	s18 =	sld [smem:$0x3FFB];
	_ =	sdelay $0x3  }
0x92: {  	_ =	strace s18  }
0x93: {  	s3 =	sld [smem:$0x3FFC];
	_ =	sdelay $0x3  }
0x94: {  	_ =	strace s3  }
0x95: {  	s3 =	sld [smem:$0x3FFD];
	_ =	sdelay $0x3  }
0x96: {  	_ =	strace s3  }
0x97: {  	_ =	strace $0x8FFFFFFF  }
0x98: {  	s19 =	sld [smem:$0x3FDB];
	_ =	sdelay $0x1  }
0x99: {  	s4 =	simm.s32 $_scs_section_size  }
0x9a: {  	s5 =	simm.s32 $_size__tile_overlayer_lowered;
	s6 =	simm.s32 $_tile_overlayer_lowered  }
0x9b: {  	s22 =	simm.s32 $0x1BFF;
	s21 =	sshll.u32 s6, $0x1;
	s3 =	sadd.s32 s4, s19  }
0x9c: {  	s7 =	simm.s32 $0x0;
	s20 =	sshll.u32 s5, $0x1;
	s5 =	sadd.s32 s21, s3  }
0x9d: {  	[timem:s7], [sflag:s22] =	dma.local [hbm:s5], s20  }
0x9e: {  	_ =	swait.ge [sflag:s22], s20  }
0x9f: {  	s4 =	ssub.s32 $0x0, s20;
	[sflag:s22] =	ssyncset.done $0x0  }
0xa0: {  	[sflag:s22] =	ssyncadd.s32 s4;
	_ =	sdelay $0x1  }
0xa1: {  	s23 =	simm.s32 $0x1B8B  }
0xa2: {  	_ =	swait.ge [sflag:s23], $0x1  }
0xa3: {  	[sflag:s23] =	ssyncset.done $0x0  }
0xa4: {  	s25 =	simm.s32 $0x1B8E;
	s24 =	sld [smem:$0x3FFE];
	[sflag:s23] =	ssyncadd.s32 $0xFFFFFFFF  }
0xa5: {  	s26 =	simm.s32 $execute0_lowered;
	[smem:$0x3FD2] =	sst s25  }
0xa6: {  	s5 =	sshll.u32 s26, $0x1;
	_ =	strace $0x80000049;
	[dreg:$0x1] =	wrdreg $0xFFFFFFFF  }
0xa7: {  	s28 =	simm.s32 $_size_execute0_lowered;
	s3 =	sadd.s32 s3, s5;
	[dreg:$0x0] =	wrdreg $0x0  }
0xa8: {  	s5 =	sshll.u32 s28, $0x1;
	[dreg:$0x2] =	wrdreg s3  }
0xa9: {  	[dreg:$0x3] =	wrdreg s5  }
0xaa: {  	[dreg:$0x4] =	wrdreg $0xC0  }
0xab: {  	_ =	task [dreg:s7], $0x5FFFF  }
0xac: {  	[dreg:$0x1] =	wrdreg $0xFFFFFFFF  }
0xad: {  	[dreg:$0x0] =	wrdreg $0x60  }
0xae: {  	[dreg:$0x2] =	wrdreg s24  }
0xaf: {  	[dreg:$0x3] =	wrdreg s2  }
0xb0: {  	[dreg:$0x4] =	wrdreg $0x15C000  }
0xb1: {  	[dreg:$0x5] =	wrdreg $0x9  }
0xb2: {  	_ =	task.clear_ibuf [dreg:s7], $0x6FFFF;
	_ =	strace $0x90000049  }
0xb3: {  	s29 =	simm.s32 $0x9;
	_ =	strace $0x8000004B  }
0xb4: {  	_ =	swait.ge [sflag:s29], $0x1  }
0xb5: {  	[sflag:s29] =	ssyncadd.s32 $0xFFFFFFFF  }
0xb6: {  	_ =	strace $0x9000004B  }
0xb7: {  	_ =	sfence  }
0xb8: {  	s30 =	sld [smem:$0x0];
	_ =	sdelay $0x2  }
0xb9: {  	s31 =	sshll.u32 s1, $0xD;
	s1 =	sshrl.u32 s1, $0x2  }
0xba: {  	s3 =	sand.u32 $0x4000, s31;
	s1 =	sadd.s32 s1, s30  }
0xbb: {  	s0 =	sor.u32 s3, s0;
	s1 =	sshll.u32 s1, $0x11  }
0xbc: {  	s0 =	sor.u32 s1, s0  }
0xbd: {  	s0 =	sadd.s32 $0x8F2B, s0  }
0xbe: {  	[sflag:s0] =	ssyncadd.remote.s32 $0x1  }
0xbf: {  	_ =	sfence.sel $0xFFFF  }
0xc0: {  	[dreg:$0x0] =	wrdreg $0xFFFFFFFF;
	(pc) =	sbr.abs _section_cstart, $3  }
0xc1: {  	[dreg:$0x1] =	wrdreg $0xFFFFFFFF  }
0xc2: {  	_ =	task.clear_ibuf [dreg:s7], $0x2FFFF;
	_ =	strace $0x9FFFFFFF  }
0xc3: {  	(tm) =	ssettm $0x7FFFFFFF  }
tec
execute0_lowered:
.L_overlay_start_1:
0x0: {  	(tag) =	ssettag $0x1  }
0x1: {  	s0 =	rddreg [dreg:$0x0];
	s1 =	srdreg.scid  }
0x2: {  	s7 =	rddreg [dreg:$0x1];
	s4 =	stileid.u32  }
0x3: {  	s3 =	rddreg [dreg:$0x2];
	s19 =	simm.s32 $0x0;
	s14 =	simm.s32 $0x11  }
0x4: {  	s18 =	simm.s32 $0x80;
	s22 =	simm.s32 $0xC000;
	s30 =	simm.s32 $0x1  }
0x5: {  	s31 =	simm.s32 $0x10000;
	s15 =	simm.s32 $0x3;
	s21 =	simm.s32 $0x5  }
0x6: {  	s23 =	simm.s32 $0x8;
	s17 =	simm.s32 $0x12000;
	s1 =	sand.u32 $0x1, s1  }
0x7: {  	s9 =	smul.u32 $0x5000, s4;
	[smem:$0x7FF] =	sst s19;
	s5 =	sadd.s32 $0x1A800, s0  }
0x8: {  	s8 =	sadd.s32 $0x1200, s0;
	s13 =	smul.u32 $0x14000, s4;
	s28 =	sshll.u32 s4, $0x6  }
0x9: {  	s2 =	smul.u32 $0x50000, s1;
	_ =	strace $0x8000004A;
	s11 =	ssub.s32 $0x2, s1  }
0xa: {  	[dreg:$0x4] =	wrdreg s8;
	s8 =	sadd.s32 $0x38800, s0;
	s12 =	sshrl.u32 s11, $0x1  }
0xb: {  	s25 =	sshrl.u32 s13, $0x2;
	s6 =	sadd.s32 s9, s2;
	s24 =	ssub.s32 s11, s12  }
0xc: {  	s9 =	sshrl.u32 s9, $0x3;
	s26 =	sadd.s32 s25, s3;
	s12 =	smul.u32 $0x2800, s1  }
0xd: {  	s1 =	simm.s32 $0x2;
	s11 =	simm.s32 $0xE;
	s25 =	simm.s32 $0x14800  }
0xe: {  	s6 =	sshrl.u32 s6, $0x3;
	s7 =	sadd.s32 s7, s9;
	s29 =	sshrl.u32 s26, $0x3  }
0xf: {  	s26 =	simm.s32 $0xE000;
	s10 =	sadd.s32 s6, s0;
	[dreg:$0x6] =	wrdreg s7  }
0x10: {  	s6 =	sadd.s32 $0x2E800, s0;
	s0 =	smax.u32 s24, $0x1;
	[dreg:$0x9] =	wrdreg s29  }
0x11: {  	s24 =	simm.s32 $0x13400;
	s10 =	sadd.s32 $0x6800, s10;
	[dreg:$0x7] =	wrdreg s0  }
0x12: {  	s7 =	simm.s32 $0x0;
	s0 =	sor.u32 $0x1C11, s28;
	[dreg:$0x5] =	wrdreg s10  }
0x13: {  	s10 =	smul.u32 $0x280, s4;
	[dreg:$0x8] =	wrdreg s0;
	s0 =	simm.s32 $0x11000  }
.LBB2_1:
0x14: {  	[dreg:$0xa] =	wrdreg s7  }
0x15: {  	s4 =	rddreg [dreg:$0x5]  }
0x16: {  	[tilespmem:s19], [sflag:$0x11] =	stream.linear.gather [hbm4b:s4+s19], $0x5000, $0x38;
	[tilespmem:$0x1AC00] =	vst v63  }
0x17: {  	_ =	swait.ge [sflag:s14], $0x5000  }
0x18: {  	[sflag:s14] =	ssyncset.done $0x0  }
0x19: {  	s20 =	simm.s32 $0x5000;
	s16 =	rddreg [dreg:$0x6];
	[sflag:s14] =	ssyncadd.s32 $0xFFFFB000  }
0x1a: {  	[tilespmem:s20], [sflag:$0x11] =	stream.linear.gather [hbm4b:s16+s19], $0x5000, $0x38;
	[tilespmem:$0x1AC00] =	vst v63  }
0x1b: {  	_ =	swait.ge [sflag:s14], $0x5000  }
0x1c: {  	s28 =	rddreg [dreg:$0x4]  }
0x1d: {  	[sflag:s14] =	ssyncset.done $0x0;
	s29 =	rddreg [dreg:$0x8]  }
0x1e: {  	s9 =	rddreg [dreg:$0x9];
	[sflag:s14] =	ssyncadd.s32 $0xFFFFB000  }
0x1f: {  	[spmem:s9], [sflag:s29] =	dma.local [hbm:s28], $0xA00  }
0x20: {  	_ =	swait.ge [sflag:s14], $0xA00  }
0x21: {  	[sflag:s14] =	ssyncset.done $0x0  }
0x22: {  	[sflag:s14] =	ssyncadd.s32 $0xFFFFF600  }
0x23: {  	s7 =	simm.s32 $0xA000;
	[bflag:$0x0] =	sbarrier.arrive $0xFFFF  }
0x24: {  	[tilespmem:s7], [sflag:$0x1] =	stream.indirect.gather [hbm4b:s5+s18], $0x20, s19, s18, $0xb8;
	[tilespmem:$0x1AC00] =	vst v63  }
0x25: {  	s9 =	simm.s32 $0xB000  }
0x26: {  	[tilespmem:s9], [sflag:$0x2] =	stream.indirect.gather [hbm4b:s5+s18], $0x20, s18, s18, $0xb8;
	[tilespmem:$0x1AC00] =	vst v63  }
0x27: {  	s13 =	simm.s32 $0x100  }
0x28: {  	[tilespmem:s22], [sflag:$0x3] =	stream.indirect.gather [hbm4b:s5+s18], $0x20, s13, s18, $0xb8;
	[tilespmem:$0x1AC00] =	vst v63  }
0x29: {  	s16 =	simm.s32 $0x180;
	s19 =	simm.s32 $0xD000  }
0x2a: {  	[tilespmem:s19], [sflag:$0x4] =	stream.indirect.gather [hbm4b:s5+s18], $0x20, s16, s18, $0xb8;
	[tilespmem:$0x1AC00] =	vst v63  }
0x2b: {  	s20 =	simm.s32 $0x200  }
0x2c: {  	[tilespmem:s26], [sflag:$0x5] =	stream.indirect.gather [hbm4b:s5+s18], $0x20, s20, s18, $0xb8;
	[tilespmem:$0x1AC00] =	vst v63  }
0x2d: {  	s28 =	simm.s32 $0x280;
	s29 =	simm.s32 $0xF000;
	s7 =	simm.s32 $0x0  }
0x2e: {  	[tilespmem:s29], [sflag:$0x6] =	stream.indirect.gather [hbm4b:s5+s18], $0x20, s28, s18, $0xb8;
	[tilespmem:$0x1AC00] =	vst v63  }
.LBB2_2:
0x2f: {  	_ =	swait.ge [sflag:s30], $0x1000  }
0x30: {  	s9 =	sshra.s32 s7, $0x2;
	s4 =	simm.s32 $0xA000;
	[sflag:s30] =	ssyncset.done $0x0  }
0x31: {  	p0 =	seq.s32 s7, $0x0;
	s13 =	sadd.s32 $0x5000, s9;
	[sflag:s30] =	ssyncadd.s32 $0xFFFFF000  }
0x32: {  	[spmem:s3] =	stream.indirect.scatter.add.f32 [tilespmem:s4], [sflag:$0x9], $0x20, s13, s18, $0xb8;
	[tilespmem:$0x1AC00] =	vst v63  }
0x33: {  	s13 =	simm.s32 @!p0 $0xF  }
0x34: {  	_ =	swait.ge @!p0 [sflag:s13], $0x1000  }
0x35: {  	[sflag:s13] =	ssyncset.done @!p0 $0x0  }
0x36: {  	s20 =	sadd.s32 $0x300, s9;
	[sflag:s13] =	ssyncadd.s32 @!p0 $0xFFFFF000  }
0x37: {  	[tilespmem:s31], [sflag:$0x7] =	stream.indirect.gather [hbm4b:s5+s18], $0x20, s20, s18, $0xb8;
	[tilespmem:$0x1AC00] =	vst v63  }
0x38: {  	_ =	swait.ge [sflag:s1], $0x1000  }
0x39: {  	s29 =	simm.s32 $0xB000;
	[sflag:s1] =	ssyncset.done $0x0  }
0x3a: {  	s28 =	sadd.s32 $0x5080, s9;
	s13 =	simm.s32 @!p0 $0x10;
	[sflag:s1] =	ssyncadd.s32 $0xFFFFF000  }
0x3b: {  	[spmem:s3] =	stream.indirect.scatter.add.f32 [tilespmem:s29], [sflag:$0xA], $0x20, s28, s18, $0xb8;
	[tilespmem:$0x1AC00] =	vst v63  }
0x3c: {  	_ =	swait.ge @!p0 [sflag:s13], $0x1000  }
0x3d: {  	[sflag:s13] =	ssyncset.done @!p0 $0x0  }
0x3e: {  	s16 =	sadd.s32 $0x380, s9;
	[sflag:s13] =	ssyncadd.s32 @!p0 $0xFFFFF000  }
0x3f: {  	[tilespmem:s0], [sflag:$0x8] =	stream.indirect.gather [hbm4b:s5+s18], $0x20, s16, s18, $0xb8;
	[tilespmem:$0x1AC00] =	vst v63  }
0x40: {  	_ =	swait.ge [sflag:s15], $0x1000  }
0x41: {  	p0 =	seq.s32 s7, $0x13000;
	[sflag:s15] =	ssyncset.done $0x0  }
0x42: {  	s19 =	sadd.s32 $0x5100, s9;
	s13 =	simm.s32 @p0 $0x4;
	[sflag:s15] =	ssyncadd.s32 $0xFFFFF000  }
0x43: {  	[spmem:s3] =	stream.indirect.scatter.add.f32 [tilespmem:s22], [sflag:$0xB], $0x20, s19, s18, $0xb8;
	[tilespmem:$0x1AC00] =	vst v63  }
0x44: {  	_ =	swait.ge @p0 [sflag:s13], $0x1000  }
0x45: {  	s28 =	sshra.s32 @p0 s7, $0x2;
	s4 =	simm.s32 @p0 $0x80;
	[sflag:s13] =	ssyncset.done @p0 $0x0  }
0x46: {  	s16 =	simm.s32 @p0 $0xD000;
	[sflag:s13] =	ssyncadd.s32 @p0 $0xFFFFF000;
	s13 =	sadd.s32 @p0 $0x5180, s28  }
0x47: {  	[spmem:s3] =	stream.indirect.scatter.add.f32 @p0 [tilespmem:s16], [sflag:$0xC], $0x20, s13, s4, $0xb8;
	[tilespmem:$0x1AC00] =	vst v63  }
0x48: {  	s13 =	simm.s32 @!p0 $0x9  }
0x49: {  	_ =	swait.ge @!p0 [sflag:s13], $0x1000  }
0x4a: {  	[sflag:s13] =	ssyncset.done @!p0 $0x0  }
0x4b: {  	[sflag:s13] =	ssyncadd.s32 @!p0 $0xFFFFF000;
	s13 =	sshra.s32 @!p0 s7, $0x2  }
0x4c: {  	s19 =	simm.s32 @!p0 $0xA000;
	s16 =	simm.s32 @!p0 $0x80;
	s29 =	sadd.s32 @!p0 $0x400, s13  }
0x4d: {  	[tilespmem:s19], [sflag:$0x1] =	stream.indirect.gather @!p0 [hbm4b:s5+s16], $0x20, s29, s16, $0xb8;
	[tilespmem:$0x1AC00] =	vst v63  }
0x4e: {  	s19 =	simm.s32 @!p0 $0x4  }
0x4f: {  	_ =	swait.ge @!p0 [sflag:s19], $0x1000  }
0x50: {  	[sflag:s19] =	ssyncset.done @!p0 $0x0  }
0x51: {  	s29 =	simm.s32 @!p0 $0xD000;
	[sflag:s19] =	ssyncadd.s32 @!p0 $0xFFFFF000;
	s19 =	sadd.s32 @!p0 $0x5180, s13  }
0x52: {  	[spmem:s3] =	stream.indirect.scatter.add.f32 @!p0 [tilespmem:s29], [sflag:$0xC], $0x20, s19, s16, $0xb8;
	[tilespmem:$0x1AC00] =	vst v63  }
0x53: {  	s19 =	simm.s32 @!p0 $0xA  }
0x54: {  	_ =	swait.ge @!p0 [sflag:s19], $0x1000  }
0x55: {  	[sflag:s19] =	ssyncset.done @!p0 $0x0  }
0x56: {  	s20 =	simm.s32 @!p0 $0xB000;
	[sflag:s19] =	ssyncadd.s32 @!p0 $0xFFFFF000;
	s19 =	sadd.s32 @!p0 $0x480, s13  }
0x57: {  	[tilespmem:s20], [sflag:$0x2] =	stream.indirect.gather @!p0 [hbm4b:s5+s16], $0x20, s19, s16, $0xb8;
	[tilespmem:$0x1AC00] =	vst v63  }
0x58: {  	_ =	swait.ge [sflag:s21], $0x1000  }
0x59: {  	[sflag:s21] =	ssyncset.done $0x0  }
0x5a: {  	s20 =	sadd.s32 $0x5200, s9;
	s19 =	simm.s32 @p0 $0x6;
	[sflag:s21] =	ssyncadd.s32 $0xFFFFF000  }
0x5b: {  	[spmem:s3] =	stream.indirect.scatter.add.f32 [tilespmem:s26], [sflag:$0xD], $0x20, s20, s18, $0xb8;
	[tilespmem:$0x1AC00] =	vst v63  }
0x5c: {  	_ =	swait.ge @p0 [sflag:s19], $0x1000  }
0x5d: {  	[sflag:s19] =	ssyncset.done @p0 $0x0  }
0x5e: {  	s20 =	simm.s32 @p0 $0xF000;
	[sflag:s19] =	ssyncadd.s32 @p0 $0xFFFFF000;
	s19 =	sadd.s32 @p0 $0x5280, s28  }
0x5f: {  	[spmem:s3] =	stream.indirect.scatter.add.f32 @p0 [tilespmem:s20], [sflag:$0xE], $0x20, s19, s4, $0xb8;
	[tilespmem:$0x1AC00] =	vst v63  }
0x60: {  	s19 =	simm.s32 @p0 $0x7  }
0x61: {  	_ =	swait.ge @p0 [sflag:s19], $0x1000  }
0x62: {  	[sflag:s19] =	ssyncset.done @p0 $0x0  }
0x63: {  	s20 =	simm.s32 @p0 $0x10000;
	[sflag:s19] =	ssyncadd.s32 @p0 $0xFFFFF000;
	s19 =	sadd.s32 @p0 $0x5300, s28  }
0x64: {  	[spmem:s3] =	stream.indirect.scatter.add.f32 @p0 [tilespmem:s20], [sflag:$0xF], $0x20, s19, s4, $0xb8;
	[tilespmem:$0x1AC00] =	vst v63  }
0x65: {  	s4 =	simm.s32 @!p0 $0xB  }
0x66: {  	_ =	swait.ge @!p0 [sflag:s4], $0x1000  }
0x67: {  	[sflag:s4] =	ssyncset.done @!p0 $0x0  }
0x68: {  	s19 =	simm.s32 @!p0 $0xC000;
	[sflag:s4] =	ssyncadd.s32 @!p0 $0xFFFFF000;
	s4 =	sadd.s32 @!p0 $0x500, s13  }
0x69: {  	[tilespmem:s19], [sflag:$0x3] =	stream.indirect.gather @!p0 [hbm4b:s5+s16], $0x20, s4, s16, $0xb8;
	[tilespmem:$0x1AC00] =	vst v63  }
0x6a: {  	s4 =	simm.s32 @!p0 $0x6  }
0x6b: {  	_ =	swait.ge @!p0 [sflag:s4], $0x1000  }
0x6c: {  	[sflag:s4] =	ssyncset.done @!p0 $0x0  }
0x6d: {  	s19 =	simm.s32 @!p0 $0xF000;
	[sflag:s4] =	ssyncadd.s32 @!p0 $0xFFFFF000;
	s4 =	sadd.s32 @!p0 $0x5280, s13  }
0x6e: {  	[spmem:s3] =	stream.indirect.scatter.add.f32 @!p0 [tilespmem:s19], [sflag:$0xE], $0x20, s4, s16, $0xb8;
	[tilespmem:$0x1AC00] =	vst v63  }
0x6f: {  	s4 =	simm.s32 @!p0 $0xC  }
0x70: {  	_ =	swait.ge @!p0 [sflag:s4], $0x1000  }
0x71: {  	[sflag:s4] =	ssyncset.done @!p0 $0x0  }
0x72: {  	[sflag:s4] =	ssyncadd.s32 @!p0 $0xFFFFF000;
	s4 =	sadd.s32 @!p0 $0x580, s13  }
0x73: {  	[tilespmem:s29], [sflag:$0x4] =	stream.indirect.gather @!p0 [hbm4b:s5+s16], $0x20, s4, s16, $0xb8;
	[tilespmem:$0x1AC00] =	vst v63  }
0x74: {  	s4 =	simm.s32 @!p0 $0x7  }
0x75: {  	_ =	swait.ge @!p0 [sflag:s4], $0x1000  }
0x76: {  	[sflag:s4] =	ssyncset.done @!p0 $0x0  }
0x77: {  	s19 =	simm.s32 @!p0 $0x10000;
	[sflag:s4] =	ssyncadd.s32 @!p0 $0xFFFFF000;
	s4 =	sadd.s32 @!p0 $0x5300, s13  }
0x78: {  	[spmem:s3] =	stream.indirect.scatter.add.f32 @!p0 [tilespmem:s19], [sflag:$0xF], $0x20, s4, s16, $0xb8;
	[tilespmem:$0x1AC00] =	vst v63  }
0x79: {  	s4 =	simm.s32 @!p0 $0xD  }
0x7a: {  	_ =	swait.ge @!p0 [sflag:s4], $0x1000  }
0x7b: {  	[sflag:s4] =	ssyncset.done @!p0 $0x0  }
0x7c: {  	[sflag:s4] =	ssyncadd.s32 @!p0 $0xFFFFF000;
	s4 =	sadd.s32 @!p0 $0x600, s13;
	s13 =	simm.s32 @!p0 $0xE000  }
0x7d: {  	[tilespmem:s13], [sflag:$0x5] =	stream.indirect.gather @!p0 [hbm4b:s5+s16], $0x20, s4, s16, $0xb8;
	[tilespmem:$0x1AC00] =	vst v63  }
.Ltmp0:
0x7e: {  	_ = 	snop;
	(pc) =	sbr.rel @p0 .LBB2_4-.Ltmp0, $4  }
0x7f: {  	_ =	swait.ge [sflag:s23], $0x1000  }
0x80: {  	[sflag:s23] =	ssyncset.done $0x0  }
0x81: {  	s29 =	sadd.s32 $0x5380, s9;
	[sflag:s23] =	ssyncadd.s32 $0xFFFFF000  }
0x82: {  	[spmem:s3] =	stream.indirect.scatter.add.f32 [tilespmem:s0], [sflag:$0x10], $0x20, s29, s18, $0xb8;
	[tilespmem:$0x1AC00] =	vst v63  }
.Ltmp1:
0x83: {  	(pc) =	sbr.rel .LBB2_2-.Ltmp1, $4  }
0x84: {  	_ =	swait.ge [sflag:s11], $0x1000  }
0x85: {  	s4 =	sadd.s32 $0x680, s9;
	[sflag:s11] =	ssyncset.done $0x0  }
0x86: {  	s29 =	simm.s32 $0xF000;
	s7 =	sadd.s32 $0x1000, s7;
	[sflag:s11] =	ssyncadd.s32 $0xFFFFF000  }
0x87: {  	[tilespmem:s29], [sflag:$0x6] =	stream.indirect.gather [hbm4b:s5+s18], $0x20, s4, s18, $0xb8;
	[tilespmem:$0x1AC00] =	vst v63  }
.LBB2_4:
0x88: {  	s4 =	simm.s32 $0x9  }
0x89: {  	_ =	swait.ge [sflag:s4], $0x1000  }
0x8a: {  	[sflag:s4] =	ssyncset.done $0x0  }
0x8b: {  	s13 =	simm.s32 $0xA;
	[sflag:s4] =	ssyncadd.s32 $0xFFFFF000  }
0x8c: {  	_ =	swait.ge [sflag:s13], $0x1000  }
0x8d: {  	[sflag:s13] =	ssyncset.done $0x0  }
0x8e: {  	s16 =	simm.s32 $0xB;
	[sflag:s13] =	ssyncadd.s32 $0xFFFFF000  }
0x8f: {  	_ =	swait.ge [sflag:s16], $0x1000  }
0x90: {  	[sflag:s16] =	ssyncset.done $0x0  }
0x91: {  	s19 =	simm.s32 $0xC;
	[sflag:s16] =	ssyncadd.s32 $0xFFFFF000  }
0x92: {  	_ =	swait.ge [sflag:s19], $0x1000  }
0x93: {  	[sflag:s19] =	ssyncset.done $0x0  }
0x94: {  	s20 =	simm.s32 $0xD;
	[sflag:s19] =	ssyncadd.s32 $0xFFFFF000  }
0x95: {  	_ =	swait.ge [sflag:s20], $0x1000  }
0x96: {  	[sflag:s20] =	ssyncset.done $0x0  }
0x97: {  	[sflag:s20] =	ssyncadd.s32 $0xFFFFF000  }
0x98: {  	_ =	swait.ge [sflag:s11], $0x1000  }
0x99: {  	[sflag:s11] =	ssyncset.done $0x0  }
0x9a: {  	s28 =	simm.s32 $0xF;
	[sflag:s11] =	ssyncadd.s32 $0xFFFFF000  }
0x9b: {  	_ =	swait.ge [sflag:s28], $0x1000  }
0x9c: {  	[sflag:s28] =	ssyncset.done $0x0  }
0x9d: {  	s29 =	simm.s32 $0x10;
	[sflag:s28] =	ssyncadd.s32 $0xFFFFF000  }
0x9e: {  	_ =	swait.ge [sflag:s29], $0x1000  }
0x9f: {  	[sflag:s29] =	ssyncset.done $0x0  }
0xa0: {  	s7 =	simm.s32 $0x0;
	[sflag:s29] =	ssyncadd.s32 $0xFFFFF000  }
0xa1: {  	s9 =	simm.s32 $0x0;
	s19 =	simm.s32 $0x0;
	[bflag:$0x0] =	sbarrier.arrive $0xFFFF  }
.LBB2_5:
0xa2: {  	s4 =	smul.u32 $0xA0, s9;
	_ =	sdelay $0x1  }
0xa3: {  	s4 =	sadd.s32 s10, s4  }
0xa4: {  	s13 =	sshll.u32 s4, $0x5  }
0xa5: {  	s16 =	sadd.s32 s13, s3  }
0xa6: {  	[tilespmem:s17], [sflag:$0x11] =	stream.linear.gather [spmem:s16], $0x1400, $0x38;
	[tilespmem:$0x1AC00] =	vst v63  }
0xa7: {  	s29 =	sadd.s32 s12, s4;
	_ =	swait.ge [sflag:s14], $0x1400  }
0xa8: {  	s16 =	sshll.u32 s29, $0x2;
	[sflag:s14] =	ssyncset.done $0x0  }
0xa9: {  	s16 =	sadd.s32 s5, s16;
	[sflag:s14] =	ssyncadd.s32 $0xFFFFEC00  }
0xaa: {  	[tilespmem:s24], [sflag:$0x11] =	stream.linear.gather [hbm4b:s16+s7], $0x1400, $0x38;
	[tilespmem:$0x1AC00] =	vst v63  }
0xab: {  	_ =	swait.ge [sflag:s14], $0x1400  }
0xac: {  	s4 =	sshll.u32 s4, $0x2;
	[sflag:s14] =	ssyncset.done $0x0  }
0xad: {  	s4 =	sadd.s32 s6, s4;
	[sflag:s14] =	ssyncadd.s32 $0xFFFFEC00  }
0xae: {  	[tilespmem:s25], [sflag:$0x11] =	stream.linear.gather [hbm4b:s4+s7], $0x1400, $0x38;
	[tilespmem:$0x1AC00] =	vst v63  }
0xaf: {  	_ =	swait.ge [sflag:s14], $0x1400  }
0xb0: {  	[sflag:s14] =	ssyncset.done $0x0  }
0xb1: {  	s16 =	simm.s32 $0x0;
	[sflag:s14] =	ssyncadd.s32 $0xFFFFEC00  }
0xb2: {  	v0 =	vld [tilespmem:s16+$0x13400]  }
0xb3: {  	v1 =	vld [tilespmem:s16+$0x13410]  }
0xb4: {  	s28 =	simm.s32 $0x80;
	v2 =	vld [tilespmem:s16+$0x12000]  }
.LBB2_6:
0xb5: {  	p0 =	sne.s32 s28, $0x4F80;
	v3 =	vld [tilespmem:s16+$0x12010]  }
0xb6: {  	v4 =	vld [tilespmem:s16+$0x14800]  }
0xb7: {  	v5 =	vld [tilespmem:s16+$0x14810];
	_ =	sdelay $0x1  }
0xb8: {  	v0 =	vadd.f32 v0, v2  }
.Ltmp2:
0xb9: {  	v1 =	vadd.f32 v1, v3;
	(pc) =	sbr.rel @p0 .LBB2_6-.Ltmp2, $4  }
0xba: {  	s4 =	sshra.s32 s28, $0x2;
	v2 =	vmul.f32 v4, v0  }
0xbb: {  	v0 =	vld [tilespmem:s4+$0x13400];
	v3 =	vmul.f32 v5, v1  }
0xbc: {  	v1 =	vld [tilespmem:s4+$0x13410];
	[tilespmem:s16+$0x12000] =	vst v2  }
0xbd: {  	s28 =	sadd.s32 $0x80, s28;
	v2 =	vld [tilespmem:s4+$0x12000];
	[tilespmem:s16+$0x12010] =	vst v3;
	s16 =	smov.u32 s4  }
0xbe: {  	v3 =	vld [tilespmem:s16+$0x12010]  }
0xbf: {  	v4 =	vld [tilespmem:s16+$0x14800]  }
0xc0: {  	v5 =	vld [tilespmem:s16+$0x14810];
	_ =	sdelay $0x1  }
0xc1: {  	v0 =	vadd.f32 v0, v2  }
0xc2: {  	v1 =	vadd.f32 v1, v3  }
0xc3: {  	v0 =	vmul.f32 v4, v0  }
0xc4: {  	s4 =	sadd.s32 s2, s13;
	s9 =	sadd.s32 $0x1, s9;
	v1 =	vmul.f32 v5, v1  }
0xc5: {  	s4 =	sshrl.u32 s4, $0x3;
	p0 =	sne.s32 s9, $0x4;
	[tilespmem:s16+$0x12000] =	vst v0  }
.Ltmp3:
0xc6: {  	s4 =	sadd.s32 s8, s4;
	[tilespmem:s16+$0x12010] =	vst v1;
	(pc) =	sbr.rel @p0 .LBB2_5-.Ltmp3, $4  }
0xc7: {  	[hbm4b:s4+s19] =	stream.linear.scatter [tilespmem:s17], [sflag:$0x11], $0x1400, $0x38;
	[tilespmem:$0x1AC00] =	vst v63  }
0xc8: {  	_ =	swait.ge [sflag:s14], $0x1400  }
0xc9: {  	[sflag:s14] =	ssyncset.done $0x0  }
0xca: {  	[sflag:s14] =	ssyncadd.s32 $0xFFFFEC00  }
0xcb: {  	s7 =	rddreg [dreg:$0xa]  }
0xcc: {  	s4 =	rddreg [dreg:$0x7];
	s7 =	sadd.s32 $0x1, s7  }
0xcd: {  	p0 =	sne.s32 s7, s4  }
.Ltmp4:
0xce: {  	_ = 	snop;
	(pc) =	sbr.rel @p0 .LBB2_1-.Ltmp4, $1  }
0xcf: {  	_ =	sdelay $0x3  }
0xd0: {  	_ =	sfence.sel $0x180000  }
0xd1: {  	[bflag:$0x0] =	sbarrier.arrive $0xFFFF  }
0xd2: {  	_ =	strace $0x9000004A  }
0xd3: {  	s0 =	stileid.u32;
	[bflag:$0x2] =	sbarrier.arrive $0xFFFF  }
0xd4: {  	p0 =	sne.s32 s0, $0x0;
	s0 =	rddreg [dreg:$0x3]  }
0xd5: {  	s0 =	sadd.s32 @!p0 $0x100000, s0  }
0xd6: {  	[sflag:s0] =	ssyncadd.tile.s32 @!p0 $0x1;
	_ =	shalt  }
.Lfunc_end2:
_tile_overlayer_lowered:
.L_overlay_start_2:
0xd7: {  	(tag) =	ssettag $0x2  }
0xd8: {  	s0 =	rddreg [dreg:$0x0];
	s2 =	stileid.u32  }
0xd9: {  	s1 =	rddreg [dreg:$0x1];
	p0 =	sne.s32 s2, $0x0  }
0xda: {  	s3 =	rddreg [dreg:$0x2];
	[bflag:$0x3] =	sbarrier.arrive $0xFFFF;
	s2 =	simm.s32 @!p0 $0x1C11  }
0xdb: {  	[timem:s3], [sflag:s2] =	dma.local @!p0 [hbm:s0], s1  }
0xdc: {  	s0 =	simm.s32 @!p0 $0x11  }
0xdd: {  	_ =	swait.ge @!p0 [sflag:s0], s1  }
0xde: {  	s1 =	ssub.s32 @!p0 $0x0, s1;
	[sflag:s0] =	ssyncset.done @!p0 $0x0  }
0xdf: {  	[sflag:s0] =	ssyncadd.s32 @!p0 s1  }
0xe0: {  	[bflag:$0x3] =	sbarrier.arrive $0xFFFF  }
0xe1: {  	_ =	shalt  }

// kernel: kernel.13.cloned.1.call-start
scs
__scs_entry_jumppad:
0x0: {  	(pc) =	sbr.rel $0x88, $3  }
0x1: {  	(tag) =	ssettag $0x0;
	lr =	simm.s32 $0x1  }
0x2: {  	[smem:$0x3F9D] =	sst lr;
	_ =	strace $0xD0000000  }
0x3: {  	_ = 	snop  }
0x4: {  	_ = 	snop  }
0x5: {  	_ = 	snop  }
0x6: {  	_ = 	snop  }
0x7: {  	_ = 	snop  }
__scs_overlays_trampoline_lowered:
0x8: {  	[smem:$0x3FAC] =	sst s0  }
0x9: {  	[smem:$0x3FAD] =	sst s1  }
0xa: {  	[smem:$0x3FAE] =	sst s2  }
0xb: {  	[smem:$0x3FAF] =	sst s3  }
0xc: {  	[smem:$0x3FB0] =	sst s4  }
0xd: {  	[smem:$0x3FB1] =	sst s5  }
0xe: {  	[smem:$0x3FB2] =	sst s6  }
0xf: {  	[smem:$0x3FB3] =	sst s7  }
0x10: {  	[smem:$0x3FB4] =	sst s8  }
0x11: {  	[smem:$0x3FB5] =	sst s9;
	s0 =	simm.s32 @!p0 $0x0  }
0x12: {  	s1 =	sld [smem:$0x3F9B];
	s0 =	simm.s32 @p0 $0x1  }
0x13: {  	[smem:$0x3FB6] =	sst s0;
	s0 =	simm.s32 @!p1 $0x0  }
0x14: {  	s2 =	sld [smem:$0x3F9A];
	s0 =	simm.s32 @p1 $0x1  }
0x15: {  	[smem:$0x3FB7] =	sst s0;
	s0 =	simm.s32 @!p2 $0x0  }
0x16: {  	s3 =	sld [smem:$0x3FDB];
	s0 =	simm.s32 @p2 $0x1  }
0x17: {  	s4 =	simm.s32 $0x1BF5;
	[smem:$0x3FB9] =	sst s0  }
0x18: {  	s0 =	sld [smem:$0x3F9C];
	_ =	swait.ge [sflag:s4], $0x0  }
0x19: {  	s7 =	sld [smem:$0x3F9D]  }
0x1a: {  	s8 =	sadd.s32 $0xFFFFE003, lr  }
0x1b: {  	s9 =	sadd.s32 $0xFFFFFEF7, lr;
	s5 =	simm.s32 $0xFFFFFFFF;
	p2 =	slt.u32 s8, $0xFFFFF086  }
0x1c: {  	p1 =	slt.u32 s9, $0xF7A;
	s5 =	simm.s32 @!p2 $0x0  }
0x1d: {  	s5 =	simm.s32 @p1 $0x1;
	p0 =	seq.s32 s7, s2  }
0x1e: {  	s7 =	smul.u32 @!p0 $0xF7A, s2;
	p2 =	seq.s32 @!p0 s5, $0x0  }
0x1f: {  	s9 =	smul.u32 $0xF7A, s1;
	s8 =	simm.s32 @!p0 $0x1BF5;
	p2 =	por !p2, p0  }
0x20: {  	[sflag:s8] =	ssyncset.s32 @!p0 $0xFFFFF086;
	s6 =	sadd.s32 @!p0 s3, s7;
	s7 =	simm.s32 @!p0 $0x108  }
0x21: {  	s3 =	sadd.s32 s3, s9;
	s6 =	sadd.s32 @!p0 $0x88, s6;
	s7 =	simm.s32 @p2 $0x1082  }
0x22: {  	[simem:s7], [sflag:s8] =	dma.local @!p0 [hbm:s6], $0xF7A  }
0x23: {  	s9 =	sor.u32 $0xD0000000, s2;
	s6 =	simm.s32 $0x108;
	_ =	swait.ge @!p0 [sflag:s8], $0x0  }
0x24: {  	s3 =	sadd.s32 $0x88, s3;
	s6 =	simm.s32 @!p1 $0x1082;
	[sflag:s4] =	ssyncset.s32 $0xFFFFF086  }
0x25: {  	[simem:s6], [sflag:s4] =	dma.local [hbm:s3], $0xF7A  }
0x26: {  	[smem:$0x3F9D] =	sst s1;
	(tag) =	ssettag s2;
	_ =	strace s9  }
0x27: {  	s1 =	sld [smem:$0x3FAD]  }
0x28: {  	s2 =	sld [smem:$0x3FAE]  }
0x29: {  	s4 =	sld [smem:$0x3FB0]  }
0x2a: {  	p0 =	seq.s32 s5, $0x0;
	s5 =	sld [smem:$0x3FB1]  }
0x2b: {  	s6 =	sld [smem:$0x3FB2]  }
0x2c: {  	s7 =	sld [smem:$0x3FB3]  }
0x2d: {  	s3 =	simm.s32 $0x108;
	s8 =	sld [smem:$0x3FB4]  }
0x2e: {  	s3 =	simm.s32 @!p0 $0x1082;
	s9 =	sld [smem:$0x3FB5]  }
0x2f: {  	lr =	sadd.s32 s0, s3;
	s0 =	sld [smem:$0x3FAC]  }
0x30: {  	s3 =	sld [smem:$0x3FAF]  }
0x31: {  	[smem:$0x3FB8] =	sst s10  }
0x32: {  	s10 =	sld [smem:$0x3FB6];
	_ =	sdelay $0x3  }
0x33: {  	p0 =	seq.s32 s10, $0x1;
	s10 =	sld [smem:$0x3FB8];
	_ =	sdelay $0x3  }
0x34: {  	[smem:$0x3FB8] =	sst s10  }
0x35: {  	s10 =	sld [smem:$0x3FB7];
	_ =	sdelay $0x3  }
0x36: {  	p1 =	seq.s32 s10, $0x1;
	s10 =	sld [smem:$0x3FB8];
	_ =	sdelay $0x3  }
0x37: {  	[smem:$0x3FB8] =	sst s10  }
0x38: {  	s10 =	sld [smem:$0x3FB9]  }
0x39: {  	_ = 	snop;
	(pc) =	sbr.ind lr, $3  }
0x3a: {  	_ = 	snop  }
0x3b: {  	_ = 	snop  }
0x3c: {  	p2 =	seq.s32 s10, $0x1;
	s10 =	sld [smem:$0x3FB8]  }
0x3d: {  	_ =	shalt  }
0x3e: {  	_ =	shalt  }
0x3f: {  	_ =	shalt  }
0x40: {  	_ =	shalt  }
0x41: {  	_ =	shalt  }
0x42: {  	_ =	shalt  }
0x43: {  	_ =	shalt  }
0x44: {  	_ =	shalt  }
0x45: {  	_ =	shalt  }
0x46: {  	_ =	shalt  }
0x47: {  	_ =	shalt  }
0x48: {  	_ =	shalt  }
0x49: {  	_ =	shalt  }
0x4a: {  	_ =	shalt  }
0x4b: {  	_ =	shalt  }
0x4c: {  	_ =	shalt  }
0x4d: {  	_ =	shalt  }
0x4e: {  	_ =	shalt  }
0x4f: {  	_ =	shalt  }
0x50: {  	_ =	shalt  }
0x51: {  	_ =	shalt  }
0x52: {  	_ =	shalt  }
0x53: {  	_ =	shalt  }
0x54: {  	_ =	shalt  }
0x55: {  	_ =	shalt  }
0x56: {  	_ =	shalt  }
0x57: {  	_ =	shalt  }
0x58: {  	_ =	shalt  }
0x59: {  	_ =	shalt  }
0x5a: {  	_ =	shalt  }
0x5b: {  	_ =	shalt  }
0x5c: {  	_ =	shalt  }
0x5d: {  	_ =	shalt  }
0x5e: {  	_ =	shalt  }
0x5f: {  	_ =	shalt  }
0x60: {  	_ =	shalt  }
0x61: {  	_ =	shalt  }
0x62: {  	_ =	shalt  }
0x63: {  	_ =	shalt  }
0x64: {  	_ =	shalt  }
0x65: {  	_ =	shalt  }
0x66: {  	_ =	shalt  }
0x67: {  	_ =	shalt  }
0x68: {  	_ =	shalt  }
0x69: {  	_ =	shalt  }
0x6a: {  	_ =	shalt  }
0x6b: {  	_ =	shalt  }
0x6c: {  	_ =	shalt  }
0x6d: {  	_ =	shalt  }
0x6e: {  	_ =	shalt  }
0x6f: {  	_ =	shalt  }
0x70: {  	_ =	shalt  }
0x71: {  	_ =	shalt  }
0x72: {  	_ =	shalt  }
0x73: {  	_ =	shalt  }
0x74: {  	_ =	shalt  }
0x75: {  	_ =	shalt  }
0x76: {  	_ =	shalt  }
0x77: {  	_ =	shalt  }
0x78: {  	_ =	shalt  }
0x79: {  	_ =	shalt  }
0x7a: {  	_ =	shalt  }
0x7b: {  	_ =	shalt  }
0x7c: {  	_ =	shalt  }
0x7d: {  	_ =	shalt  }
0x7e: {  	_ =	shalt  }
0x7f: {  	_ =	shalt  }
0x80: {  	_ =	shalt  }
0x81: {  	_ =	shalt  }
0x82: {  	_ =	shalt  }
0x83: {  	_ =	shalt  }
0x84: {  	_ =	shalt  }
0x85: {  	_ =	shalt  }
0x86: {  	_ =	shalt  }
0x87: {  	_ =	shalt  }
.Lfunc_end0:
.L_simem_size_0:
called_computation.2_lowered:
.L_overlay_start_0:
0x88: {  	s2 =	sld [smem:$0x3FD9]  }
0x89: {  	s3 =	sld [smem:$0x3FFE];
	_ =	sdelay $0x1  }
0x8a: {  	s1 =	srdreg.scid  }
0x8b: {  	s0 =	sand.u32 $0x1, s1  }
0x8c: {  	s17 =	sshll.u32 s0, $0xA;
	s2 =	sadd.s32 s3, s2  }
0x8d: {  	s2 =	sadd.s32 s2, s17  }
0x8e: {  	[smem:$0x3FC4] =	sst s2  }
0x8f: {  	_ = 	snop  }
0x90: {  	s2 =	sld [smem:$0x3FD0];
	(tm) =	ssettm $0x1  }
0x91: {  	s18 =	sld [smem:$0x3FFB];
	_ =	sdelay $0x3  }
0x92: {  	_ =	strace s18  }
0x93: {  	s3 =	sld [smem:$0x3FFC];
	_ =	sdelay $0x3  }
0x94: {  	_ =	strace s3  }
0x95: {  	s3 =	sld [smem:$0x3FFD];
	_ =	sdelay $0x3  }
0x96: {  	_ =	strace s3  }
0x97: {  	_ =	strace $0x8FFFFFFF  }
0x98: {  	s19 =	sld [smem:$0x3FDB];
	_ =	sdelay $0x1  }
0x99: {  	s4 =	simm.s32 $_scs_section_size  }
0x9a: {  	s5 =	simm.s32 $_size__tile_overlayer_lowered;
	s6 =	simm.s32 $_tile_overlayer_lowered  }
0x9b: {  	s22 =	simm.s32 $0x1BFF;
	s21 =	sshll.u32 s6, $0x1;
	s3 =	sadd.s32 s4, s19  }
0x9c: {  	s7 =	simm.s32 $0x0;
	s20 =	sshll.u32 s5, $0x1;
	s5 =	sadd.s32 s21, s3  }
0x9d: {  	[timem:s7], [sflag:s22] =	dma.local [hbm:s5], s20  }
0x9e: {  	_ =	swait.ge [sflag:s22], s20  }
0x9f: {  	s4 =	ssub.s32 $0x0, s20;
	[sflag:s22] =	ssyncset.done $0x0  }
0xa0: {  	[sflag:s22] =	ssyncadd.s32 s4;
	_ =	sdelay $0x1  }
0xa1: {  	s23 =	simm.s32 $0x1B8B  }
0xa2: {  	_ =	swait.ge [sflag:s23], $0x1  }
0xa3: {  	[sflag:s23] =	ssyncset.done $0x0  }
0xa4: {  	s25 =	simm.s32 $0x1B8E;
	s24 =	sld [smem:$0x3FFE];
	[sflag:s23] =	ssyncadd.s32 $0xFFFFFFFF  }
0xa5: {  	s26 =	simm.s32 $execute0_lowered;
	[smem:$0x3FD2] =	sst s25  }
0xa6: {  	s5 =	sshll.u32 s26, $0x1;
	_ =	strace $0x8000004C;
	[dreg:$0x1] =	wrdreg $0xFFFFFFFF  }
0xa7: {  	s28 =	simm.s32 $_size_execute0_lowered;
	s3 =	sadd.s32 s3, s5;
	[dreg:$0x0] =	wrdreg $0x0  }
0xa8: {  	s5 =	sshll.u32 s28, $0x1;
	[dreg:$0x2] =	wrdreg s3  }
0xa9: {  	[dreg:$0x3] =	wrdreg s5  }
0xaa: {  	[dreg:$0x4] =	wrdreg $0xC0  }
0xab: {  	_ =	task [dreg:s7], $0x5FFFF  }
0xac: {  	[dreg:$0x1] =	wrdreg $0xFFFFFFFF  }
0xad: {  	[dreg:$0x0] =	wrdreg $0x60  }
0xae: {  	[dreg:$0x2] =	wrdreg s24  }
0xaf: {  	[dreg:$0x3] =	wrdreg s2  }
0xb0: {  	[dreg:$0x4] =	wrdreg $0x15C000  }
0xb1: {  	[dreg:$0x5] =	wrdreg $0x9  }
0xb2: {  	_ =	task.clear_ibuf [dreg:s7], $0x6FFFF;
	_ =	strace $0x9000004C  }
0xb3: {  	s29 =	simm.s32 $0x9;
	_ =	strace $0x8000004E  }
0xb4: {  	_ =	swait.ge [sflag:s29], $0x1  }
0xb5: {  	[sflag:s29] =	ssyncadd.s32 $0xFFFFFFFF  }
0xb6: {  	_ =	strace $0x9000004E  }
0xb7: {  	_ =	sfence  }
0xb8: {  	s30 =	sld [smem:$0x0];
	_ =	sdelay $0x2  }
0xb9: {  	s31 =	sshll.u32 s1, $0xD;
	s1 =	sshrl.u32 s1, $0x2  }
0xba: {  	s3 =	sand.u32 $0x4000, s31;
	s1 =	sadd.s32 s1, s30  }
0xbb: {  	s0 =	sor.u32 s3, s0;
	s1 =	sshll.u32 s1, $0x11  }
0xbc: {  	s0 =	sor.u32 s1, s0  }
0xbd: {  	s0 =	sadd.s32 $0x8F2B, s0  }
0xbe: {  	[sflag:s0] =	ssyncadd.remote.s32 $0x1  }
0xbf: {  	_ =	sfence.sel $0xFFFF  }
0xc0: {  	[dreg:$0x0] =	wrdreg $0xFFFFFFFF;
	(pc) =	sbr.abs _section_cstart, $3  }
0xc1: {  	[dreg:$0x1] =	wrdreg $0xFFFFFFFF  }
0xc2: {  	_ =	task.clear_ibuf [dreg:s7], $0x2FFFF;
	_ =	strace $0x9FFFFFFF  }
0xc3: {  	(tm) =	ssettm $0x7FFFFFFF  }
tec
execute0_lowered:
.L_overlay_start_1:
0x0: {  	(tag) =	ssettag $0x1  }
0x1: {  	s0 =	rddreg [dreg:$0x0];
	s1 =	srdreg.scid  }
0x2: {  	s7 =	rddreg [dreg:$0x1];
	s4 =	stileid.u32  }
0x3: {  	s3 =	rddreg [dreg:$0x2];
	s19 =	simm.s32 $0x0;
	s14 =	simm.s32 $0x11  }
0x4: {  	s18 =	simm.s32 $0x80;
	s22 =	simm.s32 $0xC000;
	s30 =	simm.s32 $0x1  }
0x5: {  	s31 =	simm.s32 $0x10000;
	s15 =	simm.s32 $0x3;
	s21 =	simm.s32 $0x5  }
0x6: {  	s23 =	simm.s32 $0x8;
	s17 =	simm.s32 $0x12000;
	s1 =	sand.u32 $0x1, s1  }
0x7: {  	s9 =	smul.u32 $0x5000, s4;
	[smem:$0x7FF] =	sst s19;
	s5 =	sadd.s32 $0x38800, s0  }
0x8: {  	s8 =	sadd.s32 $0x1200, s0;
	s13 =	smul.u32 $0x14000, s4;
	s28 =	sshll.u32 s4, $0x6  }
0x9: {  	s2 =	smul.u32 $0x50000, s1;
	_ =	strace $0x8000004D;
	s11 =	ssub.s32 $0x2, s1  }
0xa: {  	[dreg:$0x4] =	wrdreg s8;
	s8 =	sadd.s32 $0x1A800, s0;
	s12 =	sshrl.u32 s11, $0x1  }
0xb: {  	s25 =	sshrl.u32 s13, $0x2;
	s6 =	sadd.s32 s9, s2;
	s24 =	ssub.s32 s11, s12  }
0xc: {  	s9 =	sshrl.u32 s9, $0x3;
	s26 =	sadd.s32 s25, s3;
	s12 =	smul.u32 $0x2800, s1  }
0xd: {  	s1 =	simm.s32 $0x2;
	s11 =	simm.s32 $0xE;
	s25 =	simm.s32 $0x14800  }
0xe: {  	s6 =	sshrl.u32 s6, $0x3;
	s7 =	sadd.s32 s7, s9;
	s29 =	sshrl.u32 s26, $0x3  }
0xf: {  	s26 =	simm.s32 $0xE000;
	s10 =	sadd.s32 s6, s0;
	[dreg:$0x6] =	wrdreg s7  }
0x10: {  	s6 =	sadd.s32 $0x4C800, s0;
	s0 =	smax.u32 s24, $0x1;
	[dreg:$0x9] =	wrdreg s29  }
0x11: {  	s24 =	simm.s32 $0x13400;
	s10 =	sadd.s32 $0x6800, s10;
	[dreg:$0x7] =	wrdreg s0  }
0x12: {  	s7 =	simm.s32 $0x0;
	s0 =	sor.u32 $0x1C11, s28;
	[dreg:$0x5] =	wrdreg s10  }
0x13: {  	s10 =	smul.u32 $0x280, s4;
	[dreg:$0x8] =	wrdreg s0;
	s0 =	simm.s32 $0x11000  }
.LBB2_1:
0x14: {  	[dreg:$0xa] =	wrdreg s7  }
0x15: {  	s4 =	rddreg [dreg:$0x5]  }
0x16: {  	[tilespmem:s19], [sflag:$0x11] =	stream.linear.gather [hbm4b:s4+s19], $0x5000, $0x38;
	[tilespmem:$0x1AC00] =	vst v63  }
0x17: {  	_ =	swait.ge [sflag:s14], $0x5000  }
0x18: {  	[sflag:s14] =	ssyncset.done $0x0  }
0x19: {  	s20 =	simm.s32 $0x5000;
	s16 =	rddreg [dreg:$0x6];
	[sflag:s14] =	ssyncadd.s32 $0xFFFFB000  }
0x1a: {  	[tilespmem:s20], [sflag:$0x11] =	stream.linear.gather [hbm4b:s16+s19], $0x5000, $0x38;
	[tilespmem:$0x1AC00] =	vst v63  }
0x1b: {  	_ =	swait.ge [sflag:s14], $0x5000  }
0x1c: {  	s28 =	rddreg [dreg:$0x4]  }
0x1d: {  	[sflag:s14] =	ssyncset.done $0x0;
	s29 =	rddreg [dreg:$0x8]  }
0x1e: {  	s9 =	rddreg [dreg:$0x9];
	[sflag:s14] =	ssyncadd.s32 $0xFFFFB000  }
0x1f: {  	[spmem:s9], [sflag:s29] =	dma.local [hbm:s28], $0xA00  }
0x20: {  	_ =	swait.ge [sflag:s14], $0xA00  }
0x21: {  	[sflag:s14] =	ssyncset.done $0x0  }
0x22: {  	[sflag:s14] =	ssyncadd.s32 $0xFFFFF600  }
0x23: {  	s7 =	simm.s32 $0xA000;
	[bflag:$0x0] =	sbarrier.arrive $0xFFFF  }
0x24: {  	[tilespmem:s7], [sflag:$0x1] =	stream.indirect.gather [hbm4b:s5+s18], $0x20, s19, s18, $0xb8;
	[tilespmem:$0x1AC00] =	vst v63  }
0x25: {  	s9 =	simm.s32 $0xB000  }
0x26: {  	[tilespmem:s9], [sflag:$0x2] =	stream.indirect.gather [hbm4b:s5+s18], $0x20, s18, s18, $0xb8;
	[tilespmem:$0x1AC00] =	vst v63  }
0x27: {  	s13 =	simm.s32 $0x100  }
0x28: {  	[tilespmem:s22], [sflag:$0x3] =	stream.indirect.gather [hbm4b:s5+s18], $0x20, s13, s18, $0xb8;
	[tilespmem:$0x1AC00] =	vst v63  }
0x29: {  	s16 =	simm.s32 $0x180;
	s19 =	simm.s32 $0xD000  }
0x2a: {  	[tilespmem:s19], [sflag:$0x4] =	stream.indirect.gather [hbm4b:s5+s18], $0x20, s16, s18, $0xb8;
	[tilespmem:$0x1AC00] =	vst v63  }
0x2b: {  	s20 =	simm.s32 $0x200  }
0x2c: {  	[tilespmem:s26], [sflag:$0x5] =	stream.indirect.gather [hbm4b:s5+s18], $0x20, s20, s18, $0xb8;
	[tilespmem:$0x1AC00] =	vst v63  }
0x2d: {  	s28 =	simm.s32 $0x280;
	s29 =	simm.s32 $0xF000;
	s7 =	simm.s32 $0x0  }
0x2e: {  	[tilespmem:s29], [sflag:$0x6] =	stream.indirect.gather [hbm4b:s5+s18], $0x20, s28, s18, $0xb8;
	[tilespmem:$0x1AC00] =	vst v63  }
.LBB2_2:
0x2f: {  	_ =	swait.ge [sflag:s30], $0x1000  }
0x30: {  	s9 =	sshra.s32 s7, $0x2;
	s4 =	simm.s32 $0xA000;
	[sflag:s30] =	ssyncset.done $0x0  }
0x31: {  	p0 =	seq.s32 s7, $0x0;
	s13 =	sadd.s32 $0x5000, s9;
	[sflag:s30] =	ssyncadd.s32 $0xFFFFF000  }
0x32: {  	[spmem:s3] =	stream.indirect.scatter.add.f32 [tilespmem:s4], [sflag:$0x9], $0x20, s13, s18, $0xb8;
	[tilespmem:$0x1AC00] =	vst v63  }
0x33: {  	s13 =	simm.s32 @!p0 $0xF  }
0x34: {  	_ =	swait.ge @!p0 [sflag:s13], $0x1000  }
0x35: {  	[sflag:s13] =	ssyncset.done @!p0 $0x0  }
0x36: {  	s20 =	sadd.s32 $0x300, s9;
	[sflag:s13] =	ssyncadd.s32 @!p0 $0xFFFFF000  }
0x37: {  	[tilespmem:s31], [sflag:$0x7] =	stream.indirect.gather [hbm4b:s5+s18], $0x20, s20, s18, $0xb8;
	[tilespmem:$0x1AC00] =	vst v63  }
0x38: {  	_ =	swait.ge [sflag:s1], $0x1000  }
0x39: {  	s29 =	simm.s32 $0xB000;
	[sflag:s1] =	ssyncset.done $0x0  }
0x3a: {  	s28 =	sadd.s32 $0x5080, s9;
	s13 =	simm.s32 @!p0 $0x10;
	[sflag:s1] =	ssyncadd.s32 $0xFFFFF000  }
0x3b: {  	[spmem:s3] =	stream.indirect.scatter.add.f32 [tilespmem:s29], [sflag:$0xA], $0x20, s28, s18, $0xb8;
	[tilespmem:$0x1AC00] =	vst v63  }
0x3c: {  	_ =	swait.ge @!p0 [sflag:s13], $0x1000  }
0x3d: {  	[sflag:s13] =	ssyncset.done @!p0 $0x0  }
0x3e: {  	s16 =	sadd.s32 $0x380, s9;
	[sflag:s13] =	ssyncadd.s32 @!p0 $0xFFFFF000  }
0x3f: {  	[tilespmem:s0], [sflag:$0x8] =	stream.indirect.gather [hbm4b:s5+s18], $0x20, s16, s18, $0xb8;
	[tilespmem:$0x1AC00] =	vst v63  }
0x40: {  	_ =	swait.ge [sflag:s15], $0x1000  }
0x41: {  	p0 =	seq.s32 s7, $0x13000;
	[sflag:s15] =	ssyncset.done $0x0  }
0x42: {  	s19 =	sadd.s32 $0x5100, s9;
	s13 =	simm.s32 @p0 $0x4;
	[sflag:s15] =	ssyncadd.s32 $0xFFFFF000  }
0x43: {  	[spmem:s3] =	stream.indirect.scatter.add.f32 [tilespmem:s22], [sflag:$0xB], $0x20, s19, s18, $0xb8;
	[tilespmem:$0x1AC00] =	vst v63  }
0x44: {  	_ =	swait.ge @p0 [sflag:s13], $0x1000  }
0x45: {  	s28 =	sshra.s32 @p0 s7, $0x2;
	s4 =	simm.s32 @p0 $0x80;
	[sflag:s13] =	ssyncset.done @p0 $0x0  }
0x46: {  	s16 =	simm.s32 @p0 $0xD000;
	[sflag:s13] =	ssyncadd.s32 @p0 $0xFFFFF000;
	s13 =	sadd.s32 @p0 $0x5180, s28  }
0x47: {  	[spmem:s3] =	stream.indirect.scatter.add.f32 @p0 [tilespmem:s16], [sflag:$0xC], $0x20, s13, s4, $0xb8;
	[tilespmem:$0x1AC00] =	vst v63  }
0x48: {  	s13 =	simm.s32 @!p0 $0x9  }
0x49: {  	_ =	swait.ge @!p0 [sflag:s13], $0x1000  }
0x4a: {  	[sflag:s13] =	ssyncset.done @!p0 $0x0  }
0x4b: {  	[sflag:s13] =	ssyncadd.s32 @!p0 $0xFFFFF000;
	s13 =	sshra.s32 @!p0 s7, $0x2  }
0x4c: {  	s19 =	simm.s32 @!p0 $0xA000;
	s16 =	simm.s32 @!p0 $0x80;
	s29 =	sadd.s32 @!p0 $0x400, s13  }
0x4d: {  	[tilespmem:s19], [sflag:$0x1] =	stream.indirect.gather @!p0 [hbm4b:s5+s16], $0x20, s29, s16, $0xb8;
	[tilespmem:$0x1AC00] =	vst v63  }
0x4e: {  	s19 =	simm.s32 @!p0 $0x4  }
0x4f: {  	_ =	swait.ge @!p0 [sflag:s19], $0x1000  }
0x50: {  	[sflag:s19] =	ssyncset.done @!p0 $0x0  }
0x51: {  	s29 =	simm.s32 @!p0 $0xD000;
	[sflag:s19] =	ssyncadd.s32 @!p0 $0xFFFFF000;
	s19 =	sadd.s32 @!p0 $0x5180, s13  }
0x52: {  	[spmem:s3] =	stream.indirect.scatter.add.f32 @!p0 [tilespmem:s29], [sflag:$0xC], $0x20, s19, s16, $0xb8;
	[tilespmem:$0x1AC00] =	vst v63  }
0x53: {  	s19 =	simm.s32 @!p0 $0xA  }
0x54: {  	_ =	swait.ge @!p0 [sflag:s19], $0x1000  }
0x55: {  	[sflag:s19] =	ssyncset.done @!p0 $0x0  }
0x56: {  	s20 =	simm.s32 @!p0 $0xB000;
	[sflag:s19] =	ssyncadd.s32 @!p0 $0xFFFFF000;
	s19 =	sadd.s32 @!p0 $0x480, s13  }
0x57: {  	[tilespmem:s20], [sflag:$0x2] =	stream.indirect.gather @!p0 [hbm4b:s5+s16], $0x20, s19, s16, $0xb8;
	[tilespmem:$0x1AC00] =	vst v63  }
0x58: {  	_ =	swait.ge [sflag:s21], $0x1000  }
0x59: {  	[sflag:s21] =	ssyncset.done $0x0  }
0x5a: {  	s20 =	sadd.s32 $0x5200, s9;
	s19 =	simm.s32 @p0 $0x6;
	[sflag:s21] =	ssyncadd.s32 $0xFFFFF000  }
0x5b: {  	[spmem:s3] =	stream.indirect.scatter.add.f32 [tilespmem:s26], [sflag:$0xD], $0x20, s20, s18, $0xb8;
	[tilespmem:$0x1AC00] =	vst v63  }
0x5c: {  	_ =	swait.ge @p0 [sflag:s19], $0x1000  }
0x5d: {  	[sflag:s19] =	ssyncset.done @p0 $0x0  }
0x5e: {  	s20 =	simm.s32 @p0 $0xF000;
	[sflag:s19] =	ssyncadd.s32 @p0 $0xFFFFF000;
	s19 =	sadd.s32 @p0 $0x5280, s28  }
0x5f: {  	[spmem:s3] =	stream.indirect.scatter.add.f32 @p0 [tilespmem:s20], [sflag:$0xE], $0x20, s19, s4, $0xb8;
	[tilespmem:$0x1AC00] =	vst v63  }
0x60: {  	s19 =	simm.s32 @p0 $0x7  }
0x61: {  	_ =	swait.ge @p0 [sflag:s19], $0x1000  }
0x62: {  	[sflag:s19] =	ssyncset.done @p0 $0x0  }
0x63: {  	s20 =	simm.s32 @p0 $0x10000;
	[sflag:s19] =	ssyncadd.s32 @p0 $0xFFFFF000;
	s19 =	sadd.s32 @p0 $0x5300, s28  }
0x64: {  	[spmem:s3] =	stream.indirect.scatter.add.f32 @p0 [tilespmem:s20], [sflag:$0xF], $0x20, s19, s4, $0xb8;
	[tilespmem:$0x1AC00] =	vst v63  }
0x65: {  	s4 =	simm.s32 @!p0 $0xB  }
0x66: {  	_ =	swait.ge @!p0 [sflag:s4], $0x1000  }
0x67: {  	[sflag:s4] =	ssyncset.done @!p0 $0x0  }
0x68: {  	s19 =	simm.s32 @!p0 $0xC000;
	[sflag:s4] =	ssyncadd.s32 @!p0 $0xFFFFF000;
	s4 =	sadd.s32 @!p0 $0x500, s13  }
0x69: {  	[tilespmem:s19], [sflag:$0x3] =	stream.indirect.gather @!p0 [hbm4b:s5+s16], $0x20, s4, s16, $0xb8;
	[tilespmem:$0x1AC00] =	vst v63  }
0x6a: {  	s4 =	simm.s32 @!p0 $0x6  }
0x6b: {  	_ =	swait.ge @!p0 [sflag:s4], $0x1000  }
0x6c: {  	[sflag:s4] =	ssyncset.done @!p0 $0x0  }
0x6d: {  	s19 =	simm.s32 @!p0 $0xF000;
	[sflag:s4] =	ssyncadd.s32 @!p0 $0xFFFFF000;
	s4 =	sadd.s32 @!p0 $0x5280, s13  }
0x6e: {  	[spmem:s3] =	stream.indirect.scatter.add.f32 @!p0 [tilespmem:s19], [sflag:$0xE], $0x20, s4, s16, $0xb8;
	[tilespmem:$0x1AC00] =	vst v63  }
0x6f: {  	s4 =	simm.s32 @!p0 $0xC  }
0x70: {  	_ =	swait.ge @!p0 [sflag:s4], $0x1000  }
0x71: {  	[sflag:s4] =	ssyncset.done @!p0 $0x0  }
0x72: {  	[sflag:s4] =	ssyncadd.s32 @!p0 $0xFFFFF000;
	s4 =	sadd.s32 @!p0 $0x580, s13  }
0x73: {  	[tilespmem:s29], [sflag:$0x4] =	stream.indirect.gather @!p0 [hbm4b:s5+s16], $0x20, s4, s16, $0xb8;
	[tilespmem:$0x1AC00] =	vst v63  }
0x74: {  	s4 =	simm.s32 @!p0 $0x7  }
0x75: {  	_ =	swait.ge @!p0 [sflag:s4], $0x1000  }
0x76: {  	[sflag:s4] =	ssyncset.done @!p0 $0x0  }
0x77: {  	s19 =	simm.s32 @!p0 $0x10000;
	[sflag:s4] =	ssyncadd.s32 @!p0 $0xFFFFF000;
	s4 =	sadd.s32 @!p0 $0x5300, s13  }
0x78: {  	[spmem:s3] =	stream.indirect.scatter.add.f32 @!p0 [tilespmem:s19], [sflag:$0xF], $0x20, s4, s16, $0xb8;
	[tilespmem:$0x1AC00] =	vst v63  }
0x79: {  	s4 =	simm.s32 @!p0 $0xD  }
0x7a: {  	_ =	swait.ge @!p0 [sflag:s4], $0x1000  }
0x7b: {  	[sflag:s4] =	ssyncset.done @!p0 $0x0  }
0x7c: {  	[sflag:s4] =	ssyncadd.s32 @!p0 $0xFFFFF000;
	s4 =	sadd.s32 @!p0 $0x600, s13;
	s13 =	simm.s32 @!p0 $0xE000  }
0x7d: {  	[tilespmem:s13], [sflag:$0x5] =	stream.indirect.gather @!p0 [hbm4b:s5+s16], $0x20, s4, s16, $0xb8;
	[tilespmem:$0x1AC00] =	vst v63  }
.Ltmp0:
0x7e: {  	_ = 	snop;
	(pc) =	sbr.rel @p0 .LBB2_4-.Ltmp0, $4  }
0x7f: {  	_ =	swait.ge [sflag:s23], $0x1000  }
0x80: {  	[sflag:s23] =	ssyncset.done $0x0  }
0x81: {  	s29 =	sadd.s32 $0x5380, s9;
	[sflag:s23] =	ssyncadd.s32 $0xFFFFF000  }
0x82: {  	[spmem:s3] =	stream.indirect.scatter.add.f32 [tilespmem:s0], [sflag:$0x10], $0x20, s29, s18, $0xb8;
	[tilespmem:$0x1AC00] =	vst v63  }
.Ltmp1:
0x83: {  	(pc) =	sbr.rel .LBB2_2-.Ltmp1, $4  }
0x84: {  	_ =	swait.ge [sflag:s11], $0x1000  }
0x85: {  	s4 =	sadd.s32 $0x680, s9;
	[sflag:s11] =	ssyncset.done $0x0  }
0x86: {  	s29 =	simm.s32 $0xF000;
	s7 =	sadd.s32 $0x1000, s7;
	[sflag:s11] =	ssyncadd.s32 $0xFFFFF000  }
0x87: {  	[tilespmem:s29], [sflag:$0x6] =	stream.indirect.gather [hbm4b:s5+s18], $0x20, s4, s18, $0xb8;
	[tilespmem:$0x1AC00] =	vst v63  }
.LBB2_4:
0x88: {  	s4 =	simm.s32 $0x9  }
0x89: {  	_ =	swait.ge [sflag:s4], $0x1000  }
0x8a: {  	[sflag:s4] =	ssyncset.done $0x0  }
0x8b: {  	s13 =	simm.s32 $0xA;
	[sflag:s4] =	ssyncadd.s32 $0xFFFFF000  }
0x8c: {  	_ =	swait.ge [sflag:s13], $0x1000  }
0x8d: {  	[sflag:s13] =	ssyncset.done $0x0  }
0x8e: {  	s16 =	simm.s32 $0xB;
	[sflag:s13] =	ssyncadd.s32 $0xFFFFF000  }
0x8f: {  	_ =	swait.ge [sflag:s16], $0x1000  }
0x90: {  	[sflag:s16] =	ssyncset.done $0x0  }
0x91: {  	s19 =	simm.s32 $0xC;
	[sflag:s16] =	ssyncadd.s32 $0xFFFFF000  }
0x92: {  	_ =	swait.ge [sflag:s19], $0x1000  }
0x93: {  	[sflag:s19] =	ssyncset.done $0x0  }
0x94: {  	s20 =	simm.s32 $0xD;
	[sflag:s19] =	ssyncadd.s32 $0xFFFFF000  }
0x95: {  	_ =	swait.ge [sflag:s20], $0x1000  }
0x96: {  	[sflag:s20] =	ssyncset.done $0x0  }
0x97: {  	[sflag:s20] =	ssyncadd.s32 $0xFFFFF000  }
0x98: {  	_ =	swait.ge [sflag:s11], $0x1000  }
0x99: {  	[sflag:s11] =	ssyncset.done $0x0  }
0x9a: {  	s28 =	simm.s32 $0xF;
	[sflag:s11] =	ssyncadd.s32 $0xFFFFF000  }
0x9b: {  	_ =	swait.ge [sflag:s28], $0x1000  }
0x9c: {  	[sflag:s28] =	ssyncset.done $0x0  }
0x9d: {  	s29 =	simm.s32 $0x10;
	[sflag:s28] =	ssyncadd.s32 $0xFFFFF000  }
0x9e: {  	_ =	swait.ge [sflag:s29], $0x1000  }
0x9f: {  	[sflag:s29] =	ssyncset.done $0x0  }
0xa0: {  	s7 =	simm.s32 $0x0;
	[sflag:s29] =	ssyncadd.s32 $0xFFFFF000  }
0xa1: {  	s9 =	simm.s32 $0x0;
	s19 =	simm.s32 $0x0;
	[bflag:$0x0] =	sbarrier.arrive $0xFFFF  }
.LBB2_5:
0xa2: {  	s4 =	smul.u32 $0xA0, s9;
	_ =	sdelay $0x1  }
0xa3: {  	s4 =	sadd.s32 s10, s4  }
0xa4: {  	s13 =	sshll.u32 s4, $0x5  }
0xa5: {  	s16 =	sadd.s32 s13, s3  }
0xa6: {  	[tilespmem:s17], [sflag:$0x11] =	stream.linear.gather [spmem:s16], $0x1400, $0x38;
	[tilespmem:$0x1AC00] =	vst v63  }
0xa7: {  	s29 =	sadd.s32 s12, s4;
	_ =	swait.ge [sflag:s14], $0x1400  }
0xa8: {  	s16 =	sshll.u32 s29, $0x2;
	[sflag:s14] =	ssyncset.done $0x0  }
0xa9: {  	s16 =	sadd.s32 s5, s16;
	[sflag:s14] =	ssyncadd.s32 $0xFFFFEC00  }
0xaa: {  	[tilespmem:s24], [sflag:$0x11] =	stream.linear.gather [hbm4b:s16+s7], $0x1400, $0x38;
	[tilespmem:$0x1AC00] =	vst v63  }
0xab: {  	_ =	swait.ge [sflag:s14], $0x1400  }
0xac: {  	s4 =	sshll.u32 s4, $0x2;
	[sflag:s14] =	ssyncset.done $0x0  }
0xad: {  	s4 =	sadd.s32 s6, s4;
	[sflag:s14] =	ssyncadd.s32 $0xFFFFEC00  }
0xae: {  	[tilespmem:s25], [sflag:$0x11] =	stream.linear.gather [hbm4b:s4+s7], $0x1400, $0x38;
	[tilespmem:$0x1AC00] =	vst v63  }
0xaf: {  	_ =	swait.ge [sflag:s14], $0x1400  }
0xb0: {  	[sflag:s14] =	ssyncset.done $0x0  }
0xb1: {  	s16 =	simm.s32 $0x0;
	[sflag:s14] =	ssyncadd.s32 $0xFFFFEC00  }
0xb2: {  	v0 =	vld [tilespmem:s16+$0x13400]  }
0xb3: {  	v1 =	vld [tilespmem:s16+$0x13410]  }
0xb4: {  	s28 =	simm.s32 $0x80;
	v2 =	vld [tilespmem:s16+$0x12000]  }
.LBB2_6:
0xb5: {  	p0 =	sne.s32 s28, $0x4F80;
	v3 =	vld [tilespmem:s16+$0x12010]  }
0xb6: {  	v4 =	vld [tilespmem:s16+$0x14800]  }
0xb7: {  	v5 =	vld [tilespmem:s16+$0x14810];
	_ =	sdelay $0x1  }
0xb8: {  	v0 =	vadd.f32 v0, v2  }
.Ltmp2:
0xb9: {  	v1 =	vadd.f32 v1, v3;
	(pc) =	sbr.rel @p0 .LBB2_6-.Ltmp2, $4  }
0xba: {  	s4 =	sshra.s32 s28, $0x2;
	v2 =	vmul.f32 v4, v0  }
0xbb: {  	v0 =	vld [tilespmem:s4+$0x13400];
	v3 =	vmul.f32 v5, v1  }
0xbc: {  	v1 =	vld [tilespmem:s4+$0x13410];
	[tilespmem:s16+$0x12000] =	vst v2  }
0xbd: {  	s28 =	sadd.s32 $0x80, s28;
	v2 =	vld [tilespmem:s4+$0x12000];
	[tilespmem:s16+$0x12010] =	vst v3;
	s16 =	smov.u32 s4  }
0xbe: {  	v3 =	vld [tilespmem:s16+$0x12010]  }
0xbf: {  	v4 =	vld [tilespmem:s16+$0x14800]  }
0xc0: {  	v5 =	vld [tilespmem:s16+$0x14810];
	_ =	sdelay $0x1  }
0xc1: {  	v0 =	vadd.f32 v0, v2  }
0xc2: {  	v1 =	vadd.f32 v1, v3  }
0xc3: {  	v0 =	vmul.f32 v4, v0  }
0xc4: {  	s4 =	sadd.s32 s2, s13;
	s9 =	sadd.s32 $0x1, s9;
	v1 =	vmul.f32 v5, v1  }
0xc5: {  	s4 =	sshrl.u32 s4, $0x3;
	p0 =	sne.s32 s9, $0x4;
	[tilespmem:s16+$0x12000] =	vst v0  }
.Ltmp3:
0xc6: {  	s4 =	sadd.s32 s8, s4;
	[tilespmem:s16+$0x12010] =	vst v1;
	(pc) =	sbr.rel @p0 .LBB2_5-.Ltmp3, $4  }
0xc7: {  	[hbm4b:s4+s19] =	stream.linear.scatter [tilespmem:s17], [sflag:$0x11], $0x1400, $0x38;
	[tilespmem:$0x1AC00] =	vst v63  }
0xc8: {  	_ =	swait.ge [sflag:s14], $0x1400  }
0xc9: {  	[sflag:s14] =	ssyncset.done $0x0  }
0xca: {  	[sflag:s14] =	ssyncadd.s32 $0xFFFFEC00  }
0xcb: {  	s7 =	rddreg [dreg:$0xa]  }
0xcc: {  	s4 =	rddreg [dreg:$0x7];
	s7 =	sadd.s32 $0x1, s7  }
0xcd: {  	p0 =	sne.s32 s7, s4  }
.Ltmp4:
0xce: {  	_ = 	snop;
	(pc) =	sbr.rel @p0 .LBB2_1-.Ltmp4, $1  }
0xcf: {  	_ =	sdelay $0x3  }
0xd0: {  	_ =	sfence.sel $0x180000  }
0xd1: {  	[bflag:$0x0] =	sbarrier.arrive $0xFFFF  }
0xd2: {  	_ =	strace $0x9000004D  }
0xd3: {  	s0 =	stileid.u32;
	[bflag:$0x2] =	sbarrier.arrive $0xFFFF  }
0xd4: {  	p0 =	sne.s32 s0, $0x0;
	s0 =	rddreg [dreg:$0x3]  }
0xd5: {  	s0 =	sadd.s32 @!p0 $0x100000, s0  }
0xd6: {  	[sflag:s0] =	ssyncadd.tile.s32 @!p0 $0x1;
	_ =	shalt  }
.Lfunc_end2:
_tile_overlayer_lowered:
.L_overlay_start_2:
0xd7: {  	(tag) =	ssettag $0x2  }
0xd8: {  	s0 =	rddreg [dreg:$0x0];
	s2 =	stileid.u32  }
0xd9: {  	s1 =	rddreg [dreg:$0x1];
	p0 =	sne.s32 s2, $0x0  }
0xda: {  	s3 =	rddreg [dreg:$0x2];
	[bflag:$0x3] =	sbarrier.arrive $0xFFFF;
	s2 =	simm.s32 @!p0 $0x1C11  }
0xdb: {  	[timem:s3], [sflag:s2] =	dma.local @!p0 [hbm:s0], s1  }
0xdc: {  	s0 =	simm.s32 @!p0 $0x11  }
0xdd: {  	_ =	swait.ge @!p0 [sflag:s0], s1  }
0xde: {  	s1 =	ssub.s32 @!p0 $0x0, s1;
	[sflag:s0] =	ssyncset.done @!p0 $0x0  }
0xdf: {  	[sflag:s0] =	ssyncadd.s32 @!p0 s1  }
0xe0: {  	[bflag:$0x3] =	sbarrier.arrive $0xFFFF  }
0xe1: {  	_ =	shalt  }

// kernel: kernel.7.cloned.1.call-start
scs
__scs_entry_jumppad:
0x0: {  	(pc) =	sbr.rel $0x88, $3  }
0x1: {  	(tag) =	ssettag $0x0;
	lr =	simm.s32 $0x1  }
0x2: {  	[smem:$0x3F9D] =	sst lr;
	_ =	strace $0xD0000000  }
0x3: {  	_ = 	snop  }
0x4: {  	_ = 	snop  }
0x5: {  	_ = 	snop  }
0x6: {  	_ = 	snop  }
0x7: {  	_ = 	snop  }
__scs_overlays_trampoline_lowered:
0x8: {  	[smem:$0x3FAC] =	sst s0  }
0x9: {  	[smem:$0x3FAD] =	sst s1  }
0xa: {  	[smem:$0x3FAE] =	sst s2  }
0xb: {  	[smem:$0x3FAF] =	sst s3  }
0xc: {  	[smem:$0x3FB0] =	sst s4  }
0xd: {  	[smem:$0x3FB1] =	sst s5  }
0xe: {  	[smem:$0x3FB2] =	sst s6  }
0xf: {  	[smem:$0x3FB3] =	sst s7  }
0x10: {  	[smem:$0x3FB4] =	sst s8  }
0x11: {  	[smem:$0x3FB5] =	sst s9;
	s0 =	simm.s32 @!p0 $0x0  }
0x12: {  	s1 =	sld [smem:$0x3F9B];
	s0 =	simm.s32 @p0 $0x1  }
0x13: {  	[smem:$0x3FB6] =	sst s0;
	s0 =	simm.s32 @!p1 $0x0  }
0x14: {  	s2 =	sld [smem:$0x3F9A];
	s0 =	simm.s32 @p1 $0x1  }
0x15: {  	[smem:$0x3FB7] =	sst s0;
	s0 =	simm.s32 @!p2 $0x0  }
0x16: {  	s3 =	sld [smem:$0x3FDB];
	s0 =	simm.s32 @p2 $0x1  }
0x17: {  	s4 =	simm.s32 $0x1BF5;
	[smem:$0x3FB9] =	sst s0  }
0x18: {  	s0 =	sld [smem:$0x3F9C];
	_ =	swait.ge [sflag:s4], $0x0  }
0x19: {  	s7 =	sld [smem:$0x3F9D]  }
0x1a: {  	s8 =	sadd.s32 $0xFFFFE003, lr  }
0x1b: {  	s9 =	sadd.s32 $0xFFFFFEF7, lr;
	s5 =	simm.s32 $0xFFFFFFFF;
	p2 =	slt.u32 s8, $0xFFFFF086  }
0x1c: {  	p1 =	slt.u32 s9, $0xF7A;
	s5 =	simm.s32 @!p2 $0x0  }
0x1d: {  	s5 =	simm.s32 @p1 $0x1;
	p0 =	seq.s32 s7, s2  }
0x1e: {  	s7 =	smul.u32 @!p0 $0xF7A, s2;
	p2 =	seq.s32 @!p0 s5, $0x0  }
0x1f: {  	s9 =	smul.u32 $0xF7A, s1;
	s8 =	simm.s32 @!p0 $0x1BF5;
	p2 =	por !p2, p0  }
0x20: {  	[sflag:s8] =	ssyncset.s32 @!p0 $0xFFFFF086;
	s6 =	sadd.s32 @!p0 s3, s7;
	s7 =	simm.s32 @!p0 $0x108  }
0x21: {  	s3 =	sadd.s32 s3, s9;
	s6 =	sadd.s32 @!p0 $0x88, s6;
	s7 =	simm.s32 @p2 $0x1082  }
0x22: {  	[simem:s7], [sflag:s8] =	dma.local @!p0 [hbm:s6], $0xF7A  }
0x23: {  	s9 =	sor.u32 $0xD0000000, s2;
	s6 =	simm.s32 $0x108;
	_ =	swait.ge @!p0 [sflag:s8], $0x0  }
0x24: {  	s3 =	sadd.s32 $0x88, s3;
	s6 =	simm.s32 @!p1 $0x1082;
	[sflag:s4] =	ssyncset.s32 $0xFFFFF086  }
0x25: {  	[simem:s6], [sflag:s4] =	dma.local [hbm:s3], $0xF7A  }
0x26: {  	[smem:$0x3F9D] =	sst s1;
	(tag) =	ssettag s2;
	_ =	strace s9  }
0x27: {  	s1 =	sld [smem:$0x3FAD]  }
0x28: {  	s2 =	sld [smem:$0x3FAE]  }
0x29: {  	s4 =	sld [smem:$0x3FB0]  }
0x2a: {  	p0 =	seq.s32 s5, $0x0;
	s5 =	sld [smem:$0x3FB1]  }
0x2b: {  	s6 =	sld [smem:$0x3FB2]  }
0x2c: {  	s7 =	sld [smem:$0x3FB3]  }
0x2d: {  	s3 =	simm.s32 $0x108;
	s8 =	sld [smem:$0x3FB4]  }
0x2e: {  	s3 =	simm.s32 @!p0 $0x1082;
	s9 =	sld [smem:$0x3FB5]  }
0x2f: {  	lr =	sadd.s32 s0, s3;
	s0 =	sld [smem:$0x3FAC]  }
0x30: {  	s3 =	sld [smem:$0x3FAF]  }
0x31: {  	[smem:$0x3FB8] =	sst s10  }
0x32: {  	s10 =	sld [smem:$0x3FB6];
	_ =	sdelay $0x3  }
0x33: {  	p0 =	seq.s32 s10, $0x1;
	s10 =	sld [smem:$0x3FB8];
	_ =	sdelay $0x3  }
0x34: {  	[smem:$0x3FB8] =	sst s10  }
0x35: {  	s10 =	sld [smem:$0x3FB7];
	_ =	sdelay $0x3  }
0x36: {  	p1 =	seq.s32 s10, $0x1;
	s10 =	sld [smem:$0x3FB8];
	_ =	sdelay $0x3  }
0x37: {  	[smem:$0x3FB8] =	sst s10  }
0x38: {  	s10 =	sld [smem:$0x3FB9]  }
0x39: {  	_ = 	snop;
	(pc) =	sbr.ind lr, $3  }
0x3a: {  	_ = 	snop  }
0x3b: {  	_ = 	snop  }
0x3c: {  	p2 =	seq.s32 s10, $0x1;
	s10 =	sld [smem:$0x3FB8]  }
0x3d: {  	_ =	shalt  }
0x3e: {  	_ =	shalt  }
0x3f: {  	_ =	shalt  }
0x40: {  	_ =	shalt  }
0x41: {  	_ =	shalt  }
0x42: {  	_ =	shalt  }
0x43: {  	_ =	shalt  }
0x44: {  	_ =	shalt  }
0x45: {  	_ =	shalt  }
0x46: {  	_ =	shalt  }
0x47: {  	_ =	shalt  }
0x48: {  	_ =	shalt  }
0x49: {  	_ =	shalt  }
0x4a: {  	_ =	shalt  }
0x4b: {  	_ =	shalt  }
0x4c: {  	_ =	shalt  }
0x4d: {  	_ =	shalt  }
0x4e: {  	_ =	shalt  }
0x4f: {  	_ =	shalt  }
0x50: {  	_ =	shalt  }
0x51: {  	_ =	shalt  }
0x52: {  	_ =	shalt  }
0x53: {  	_ =	shalt  }
0x54: {  	_ =	shalt  }
0x55: {  	_ =	shalt  }
0x56: {  	_ =	shalt  }
0x57: {  	_ =	shalt  }
0x58: {  	_ =	shalt  }
0x59: {  	_ =	shalt  }
0x5a: {  	_ =	shalt  }
0x5b: {  	_ =	shalt  }
0x5c: {  	_ =	shalt  }
0x5d: {  	_ =	shalt  }
0x5e: {  	_ =	shalt  }
0x5f: {  	_ =	shalt  }
0x60: {  	_ =	shalt  }
0x61: {  	_ =	shalt  }
0x62: {  	_ =	shalt  }
0x63: {  	_ =	shalt  }
0x64: {  	_ =	shalt  }
0x65: {  	_ =	shalt  }
0x66: {  	_ =	shalt  }
0x67: {  	_ =	shalt  }
0x68: {  	_ =	shalt  }
0x69: {  	_ =	shalt  }
0x6a: {  	_ =	shalt  }
0x6b: {  	_ =	shalt  }
0x6c: {  	_ =	shalt  }
0x6d: {  	_ =	shalt  }
0x6e: {  	_ =	shalt  }
0x6f: {  	_ =	shalt  }
0x70: {  	_ =	shalt  }
0x71: {  	_ =	shalt  }
0x72: {  	_ =	shalt  }
0x73: {  	_ =	shalt  }
0x74: {  	_ =	shalt  }
0x75: {  	_ =	shalt  }
0x76: {  	_ =	shalt  }
0x77: {  	_ =	shalt  }
0x78: {  	_ =	shalt  }
0x79: {  	_ =	shalt  }
0x7a: {  	_ =	shalt  }
0x7b: {  	_ =	shalt  }
0x7c: {  	_ =	shalt  }
0x7d: {  	_ =	shalt  }
0x7e: {  	_ =	shalt  }
0x7f: {  	_ =	shalt  }
0x80: {  	_ =	shalt  }
0x81: {  	_ =	shalt  }
0x82: {  	_ =	shalt  }
0x83: {  	_ =	shalt  }
0x84: {  	_ =	shalt  }
0x85: {  	_ =	shalt  }
0x86: {  	_ =	shalt  }
0x87: {  	_ =	shalt  }
.Lfunc_end0:
.L_simem_size_0:
called_computation_lowered:
.L_overlay_start_0:
0x88: {  	s2 =	sld [smem:$0x3FD9]  }
0x89: {  	s3 =	sld [smem:$0x3FFE];
	_ =	sdelay $0x1  }
0x8a: {  	s1 =	srdreg.scid  }
0x8b: {  	s0 =	sand.u32 $0x1, s1  }
0x8c: {  	s17 =	sshll.u32 s0, $0xA;
	s2 =	sadd.s32 s3, s2  }
0x8d: {  	s2 =	sadd.s32 s2, s17  }
0x8e: {  	[smem:$0x3FC4] =	sst s2  }
0x8f: {  	_ = 	snop  }
0x90: {  	s2 =	sld [smem:$0x3FD0];
	(tm) =	ssettm $0x1  }
0x91: {  	s18 =	sld [smem:$0x3FFB];
	_ =	sdelay $0x3  }
0x92: {  	_ =	strace s18  }
0x93: {  	s3 =	sld [smem:$0x3FFC];
	_ =	sdelay $0x3  }
0x94: {  	_ =	strace s3  }
0x95: {  	s3 =	sld [smem:$0x3FFD];
	_ =	sdelay $0x3  }
0x96: {  	_ =	strace s3  }
0x97: {  	_ =	strace $0x8FFFFFFF  }
0x98: {  	s19 =	sld [smem:$0x3FDB];
	_ =	sdelay $0x1  }
0x99: {  	s4 =	simm.s32 $_scs_section_size  }
0x9a: {  	s5 =	simm.s32 $_size__tile_overlayer_lowered;
	s6 =	simm.s32 $_tile_overlayer_lowered  }
0x9b: {  	s22 =	simm.s32 $0x1BFF;
	s21 =	sshll.u32 s6, $0x1;
	s3 =	sadd.s32 s4, s19  }
0x9c: {  	s7 =	simm.s32 $0x0;
	s20 =	sshll.u32 s5, $0x1;
	s5 =	sadd.s32 s21, s3  }
0x9d: {  	[timem:s7], [sflag:s22] =	dma.local [hbm:s5], s20  }
0x9e: {  	_ =	swait.ge [sflag:s22], s20  }
0x9f: {  	s4 =	ssub.s32 $0x0, s20;
	[sflag:s22] =	ssyncset.done $0x0  }
0xa0: {  	[sflag:s22] =	ssyncadd.s32 s4;
	_ =	sdelay $0x1  }
0xa1: {  	s23 =	simm.s32 $0x1B8B  }
0xa2: {  	_ =	swait.ge [sflag:s23], $0x1  }
0xa3: {  	[sflag:s23] =	ssyncset.done $0x0  }
0xa4: {  	s25 =	simm.s32 $0x1B8E;
	s24 =	sld [smem:$0x3FFE];
	[sflag:s23] =	ssyncadd.s32 $0xFFFFFFFF  }
0xa5: {  	s26 =	simm.s32 $execute0_lowered;
	[smem:$0x3FD2] =	sst s25  }
0xa6: {  	s5 =	sshll.u32 s26, $0x1;
	_ =	strace $0x80000046;
	[dreg:$0x1] =	wrdreg $0xFFFFFFFF  }
0xa7: {  	s28 =	simm.s32 $_size_execute0_lowered;
	s3 =	sadd.s32 s3, s5;
	[dreg:$0x0] =	wrdreg $0x0  }
0xa8: {  	s5 =	sshll.u32 s28, $0x1;
	[dreg:$0x2] =	wrdreg s3  }
0xa9: {  	[dreg:$0x3] =	wrdreg s5  }
0xaa: {  	[dreg:$0x4] =	wrdreg $0xC0  }
0xab: {  	_ =	task [dreg:s7], $0x5FFFF  }
0xac: {  	[dreg:$0x1] =	wrdreg $0xFFFFFFFF  }
0xad: {  	[dreg:$0x0] =	wrdreg $0x60  }
0xae: {  	[dreg:$0x2] =	wrdreg s2  }
0xaf: {  	[dreg:$0x3] =	wrdreg s24  }
0xb0: {  	[dreg:$0x4] =	wrdreg $0x2C000  }
0xb1: {  	[dreg:$0x5] =	wrdreg $0x9  }
0xb2: {  	_ =	task.clear_ibuf [dreg:s7], $0x6FFFF;
	_ =	strace $0x90000046  }
0xb3: {  	s29 =	simm.s32 $0x9;
	_ =	strace $0x80000048  }
0xb4: {  	_ =	swait.ge [sflag:s29], $0x1  }
0xb5: {  	[sflag:s29] =	ssyncadd.s32 $0xFFFFFFFF  }
0xb6: {  	_ =	strace $0x90000048  }
0xb7: {  	_ =	sfence  }
0xb8: {  	s30 =	sld [smem:$0x0];
	_ =	sdelay $0x2  }
0xb9: {  	s31 =	sshll.u32 s1, $0xD;
	s1 =	sshrl.u32 s1, $0x2  }
0xba: {  	s3 =	sand.u32 $0x4000, s31;
	s1 =	sadd.s32 s1, s30  }
0xbb: {  	s0 =	sor.u32 s3, s0;
	s1 =	sshll.u32 s1, $0x11  }
0xbc: {  	s0 =	sor.u32 s1, s0  }
0xbd: {  	s0 =	sadd.s32 $0x8F2B, s0  }
0xbe: {  	[sflag:s0] =	ssyncadd.remote.s32 $0x1  }
0xbf: {  	_ =	sfence.sel $0xFFFF  }
0xc0: {  	[dreg:$0x0] =	wrdreg $0xFFFFFFFF;
	(pc) =	sbr.abs _section_cstart, $3  }
0xc1: {  	[dreg:$0x1] =	wrdreg $0xFFFFFFFF  }
0xc2: {  	_ =	task.clear_ibuf [dreg:s7], $0x2FFFF;
	_ =	strace $0x9FFFFFFF  }
0xc3: {  	(tm) =	ssettm $0x7FFFFFFF  }
tec
execute0_lowered:
.L_overlay_start_1:
0x0: {  	(tag) =	ssettag $0x1  }
0x1: {  	s6 =	rddreg [dreg:$0x0]  }
0x2: {  	s1 =	srdreg.scid;
	s7 =	rddreg [dreg:$0x1]  }
0x3: {  	s0 =	stileid.u32;
	s2 =	rddreg [dreg:$0x2];
	s3 =	simm.s32 $0x0  }
0x4: {  	s13 =	simm.s32 $0x80;
	s14 =	simm.s32 $0x100;
	s15 =	simm.s32 $0x180  }
0x5: {  	s16 =	simm.s32 $0x200;
	s17 =	simm.s32 $0x280;
	s18 =	simm.s32 $0x300  }
0x6: {  	s19 =	simm.s32 $0x380;
	s20 =	simm.s32 $0x1;
	s21 =	simm.s32 $0x2  }
0x7: {  	s22 =	simm.s32 $0x3;
	s23 =	simm.s32 $0x4;
	s24 =	simm.s32 $0x5  }
0x8: {  	s25 =	simm.s32 $0x6;
	s28 =	simm.s32 $0x8;
	s9 =	smul.u32 $0x1400, s0  }
0x9: {  	s29 =	simm.s32 $0x0;
	s8 =	sand.u32 $0x1, s1;
	s11 =	smul.u32 $0x5000, s0  }
0xa: {  	[smem:$0x7FF] =	sst s3;
	s4 =	sadd.s32 $0x1600, s7;
	s10 =	smul.u32 $0x14000, s8  }
0xb: {  	s5 =	sadd.s32 $0x1200, s7;
	s12 =	smul.u32 $0x2800, s8;
	s8 =	ssub.s32 $0x2, s8  }
0xc: {  	s31 =	sshll.u32 s0, $0x6;
	_ =	strace $0x80000047;
	s26 =	sshrl.u32 s8, $0x1  }
0xd: {  	s30 =	sadd.s32 s9, s2;
	s10 =	sadd.s32 s9, s10;
	s11 =	sadd.s32 s12, s11  }
0xe: {  	s8 =	ssub.s32 s8, s26;
	s9 =	simm.s32 $0x9;
	s12 =	sshrl.u32 s30, $0x3  }
0xf: {  	s26 =	simm.s32 $0x7;
	s10 =	sshrl.u32 s10, $0x3;
	s11 =	sshrl.u32 s11, $0x3  }
0x10: {  	s8 =	smax.u32 s8, $0x1;
	s7 =	sadd.s32 s10, s7;
	s6 =	sadd.s32 s6, s11  }
0x11: {  	s10 =	simm.s32 $0x2800;
	s11 =	sor.u32 $0x1C09, s31;
	s7 =	sadd.s32 $0x1800, s7  }
.LBB2_1:
0x12: {  	[tilespmem:s3], [sflag:$0x9] =	stream.linear.gather [hbm4b:s6+s3], $0x2800, $0x38;
	[tilespmem:$0x4000] =	vst v63  }
0x13: {  	_ =	swait.ge [sflag:s9], $0x2800  }
0x14: {  	[sflag:s9] =	ssyncset.done $0x0  }
0x15: {  	[sflag:s9] =	ssyncadd.s32 $0xFFFFD800  }
0x16: {  	[tilespmem:s10], [sflag:$0x9] =	stream.linear.gather [hbm4b:s4+s3], $0x400, $0x38;
	[tilespmem:$0x4000] =	vst v63  }
0x17: {  	_ =	swait.ge [sflag:s9], $0x400  }
0x18: {  	[sflag:s9] =	ssyncset.done $0x0  }
0x19: {  	[sflag:s9] =	ssyncadd.s32 $0xFFFFFC00  }
0x1a: {  	[spmem:s12], [sflag:s11] =	dma.local [hbm:s5], $0x280  }
0x1b: {  	_ =	swait.ge [sflag:s9], $0x280  }
0x1c: {  	[sflag:s9] =	ssyncset.done $0x0  }
0x1d: {  	[sflag:s9] =	ssyncadd.s32 $0xFFFFFD80  }
0x1e: {  	[bflag:$0x0] =	sbarrier.arrive $0xFFFF  }
0x1f: {  	[spmem:s2] =	stream.indirect.scatter.add.f32 [tilespmem:s10], [sflag:$0x1], $0x8, s3, s13, $0xb8;
	[tilespmem:$0x4000] =	vst v63  }
0x20: {  	_ = 	snop  }
0x21: {  	[spmem:s2] =	stream.indirect.scatter.add.f32 [tilespmem:s10], [sflag:$0x2], $0x8, s13, s13, $0xb8;
	[tilespmem:$0x4000] =	vst v63  }
0x22: {  	_ = 	snop  }
0x23: {  	[spmem:s2] =	stream.indirect.scatter.add.f32 [tilespmem:s10], [sflag:$0x3], $0x8, s14, s13, $0xb8;
	[tilespmem:$0x4000] =	vst v63  }
0x24: {  	_ = 	snop  }
0x25: {  	[spmem:s2] =	stream.indirect.scatter.add.f32 [tilespmem:s10], [sflag:$0x4], $0x8, s15, s13, $0xb8;
	[tilespmem:$0x4000] =	vst v63  }
0x26: {  	_ = 	snop  }
0x27: {  	[spmem:s2] =	stream.indirect.scatter.add.f32 [tilespmem:s10], [sflag:$0x5], $0x8, s16, s13, $0xb8;
	[tilespmem:$0x4000] =	vst v63  }
0x28: {  	_ = 	snop  }
0x29: {  	[spmem:s2] =	stream.indirect.scatter.add.f32 [tilespmem:s10], [sflag:$0x6], $0x8, s17, s13, $0xb8;
	[tilespmem:$0x4000] =	vst v63  }
0x2a: {  	_ = 	snop  }
0x2b: {  	[spmem:s2] =	stream.indirect.scatter.add.f32 [tilespmem:s10], [sflag:$0x7], $0x8, s18, s13, $0xb8;
	[tilespmem:$0x4000] =	vst v63  }
0x2c: {  	_ = 	snop  }
0x2d: {  	[spmem:s2] =	stream.indirect.scatter.add.f32 [tilespmem:s10], [sflag:$0x8], $0x8, s19, s13, $0xb8;
	[tilespmem:$0x4000] =	vst v63  }
0x2e: {  	_ =	swait.ge [sflag:s20], $0x400  }
0x2f: {  	[sflag:s20] =	ssyncset.done $0x0  }
0x30: {  	s30 =	simm.s32 $0x400;
	[sflag:s20] =	ssyncadd.s32 $0xFFFFFC00  }
0x31: {  	[spmem:s2] =	stream.indirect.scatter.add.f32 [tilespmem:s10], [sflag:$0x1], $0x8, s30, s13, $0xb8;
	[tilespmem:$0x4000] =	vst v63  }
0x32: {  	_ =	swait.ge [sflag:s21], $0x400  }
0x33: {  	[sflag:s21] =	ssyncset.done $0x0  }
0x34: {  	s30 =	simm.s32 $0x480;
	[sflag:s21] =	ssyncadd.s32 $0xFFFFFC00  }
0x35: {  	[spmem:s2] =	stream.indirect.scatter.add.f32 [tilespmem:s10], [sflag:$0x2], $0x8, s30, s13, $0xb8;
	[tilespmem:$0x4000] =	vst v63  }
0x36: {  	_ =	swait.ge [sflag:s22], $0x400  }
0x37: {  	[sflag:s22] =	ssyncset.done $0x0  }
0x38: {  	s30 =	simm.s32 $0x500;
	[sflag:s22] =	ssyncadd.s32 $0xFFFFFC00  }
0x39: {  	[spmem:s2] =	stream.indirect.scatter.add.f32 [tilespmem:s10], [sflag:$0x3], $0x8, s30, s13, $0xb8;
	[tilespmem:$0x4000] =	vst v63  }
0x3a: {  	_ =	swait.ge [sflag:s23], $0x400  }
0x3b: {  	[sflag:s23] =	ssyncset.done $0x0  }
0x3c: {  	s30 =	simm.s32 $0x580;
	[sflag:s23] =	ssyncadd.s32 $0xFFFFFC00  }
0x3d: {  	[spmem:s2] =	stream.indirect.scatter.add.f32 [tilespmem:s10], [sflag:$0x4], $0x8, s30, s13, $0xb8;
	[tilespmem:$0x4000] =	vst v63  }
0x3e: {  	_ =	swait.ge [sflag:s24], $0x400  }
0x3f: {  	[sflag:s24] =	ssyncset.done $0x0  }
0x40: {  	s30 =	simm.s32 $0x600;
	[sflag:s24] =	ssyncadd.s32 $0xFFFFFC00  }
0x41: {  	[spmem:s2] =	stream.indirect.scatter.add.f32 [tilespmem:s10], [sflag:$0x5], $0x8, s30, s13, $0xb8;
	[tilespmem:$0x4000] =	vst v63  }
0x42: {  	_ =	swait.ge [sflag:s25], $0x400  }
0x43: {  	[sflag:s25] =	ssyncset.done $0x0  }
0x44: {  	s30 =	simm.s32 $0x680;
	[sflag:s25] =	ssyncadd.s32 $0xFFFFFC00  }
0x45: {  	[spmem:s2] =	stream.indirect.scatter.add.f32 [tilespmem:s10], [sflag:$0x6], $0x8, s30, s13, $0xb8;
	[tilespmem:$0x4000] =	vst v63  }
0x46: {  	_ =	swait.ge [sflag:s26], $0x400  }
0x47: {  	[sflag:s26] =	ssyncset.done $0x0  }
0x48: {  	s30 =	simm.s32 $0x700;
	[sflag:s26] =	ssyncadd.s32 $0xFFFFFC00  }
0x49: {  	[spmem:s2] =	stream.indirect.scatter.add.f32 [tilespmem:s10], [sflag:$0x7], $0x8, s30, s13, $0xb8;
	[tilespmem:$0x4000] =	vst v63  }
0x4a: {  	_ =	swait.ge [sflag:s28], $0x400  }
0x4b: {  	[sflag:s28] =	ssyncset.done $0x0  }
0x4c: {  	s31 =	simm.s32 $0x780;
	s30 =	simm.s32 $0x1000;
	[sflag:s28] =	ssyncadd.s32 $0xFFFFFC00  }
.LBB2_2:
0x4d: {  	[spmem:s2] =	stream.indirect.scatter.add.f32 [tilespmem:s10], [sflag:$0x8], $0x8, s31, s13, $0xb8;
	[tilespmem:$0x4000] =	vst v63  }
0x4e: {  	s31 =	smov.u32 s30  }
0x4f: {  	p0 =	sne.s32 s30, $0x8000;
	s30 =	sadd.s32 $0x1000, s30;
	_ =	swait.ge [sflag:s20], $0x400  }
0x50: {  	s31 =	sshra.s32 s31, $0x2;
	[sflag:s20] =	ssyncset.done $0x0  }
0x51: {  	s1 =	sadd.s32 $0x400, s31;
	[sflag:s20] =	ssyncadd.s32 $0xFFFFFC00  }
0x52: {  	[spmem:s2] =	stream.indirect.scatter.add.f32 [tilespmem:s10], [sflag:$0x1], $0x8, s1, s13, $0xb8;
	[tilespmem:$0x4000] =	vst v63  }
0x53: {  	_ =	swait.ge [sflag:s21], $0x400  }
0x54: {  	[sflag:s21] =	ssyncset.done $0x0  }
0x55: {  	s1 =	sadd.s32 $0x480, s31;
	[sflag:s21] =	ssyncadd.s32 $0xFFFFFC00  }
0x56: {  	[spmem:s2] =	stream.indirect.scatter.add.f32 [tilespmem:s10], [sflag:$0x2], $0x8, s1, s13, $0xb8;
	[tilespmem:$0x4000] =	vst v63  }
0x57: {  	_ =	swait.ge [sflag:s22], $0x400  }
0x58: {  	[sflag:s22] =	ssyncset.done $0x0  }
0x59: {  	s1 =	sadd.s32 $0x500, s31;
	[sflag:s22] =	ssyncadd.s32 $0xFFFFFC00  }
0x5a: {  	[spmem:s2] =	stream.indirect.scatter.add.f32 [tilespmem:s10], [sflag:$0x3], $0x8, s1, s13, $0xb8;
	[tilespmem:$0x4000] =	vst v63  }
0x5b: {  	_ =	swait.ge [sflag:s23], $0x400  }
0x5c: {  	[sflag:s23] =	ssyncset.done $0x0  }
0x5d: {  	s1 =	sadd.s32 $0x580, s31;
	[sflag:s23] =	ssyncadd.s32 $0xFFFFFC00  }
0x5e: {  	[spmem:s2] =	stream.indirect.scatter.add.f32 [tilespmem:s10], [sflag:$0x4], $0x8, s1, s13, $0xb8;
	[tilespmem:$0x4000] =	vst v63  }
0x5f: {  	_ =	swait.ge [sflag:s24], $0x400  }
0x60: {  	[sflag:s24] =	ssyncset.done $0x0  }
0x61: {  	s1 =	sadd.s32 $0x600, s31;
	[sflag:s24] =	ssyncadd.s32 $0xFFFFFC00  }
0x62: {  	[spmem:s2] =	stream.indirect.scatter.add.f32 [tilespmem:s10], [sflag:$0x5], $0x8, s1, s13, $0xb8;
	[tilespmem:$0x4000] =	vst v63  }
0x63: {  	_ =	swait.ge [sflag:s25], $0x400  }
0x64: {  	[sflag:s25] =	ssyncset.done $0x0  }
0x65: {  	s1 =	sadd.s32 $0x680, s31;
	[sflag:s25] =	ssyncadd.s32 $0xFFFFFC00  }
0x66: {  	[spmem:s2] =	stream.indirect.scatter.add.f32 [tilespmem:s10], [sflag:$0x6], $0x8, s1, s13, $0xb8;
	[tilespmem:$0x4000] =	vst v63  }
0x67: {  	_ =	swait.ge [sflag:s26], $0x400  }
0x68: {  	[sflag:s26] =	ssyncset.done $0x0  }
.Ltmp0:
0x69: {  	s1 =	sadd.s32 $0x700, s31;
	[sflag:s26] =	ssyncadd.s32 $0xFFFFFC00;
	(pc) =	sbr.rel @p0 .LBB2_2-.Ltmp0, $4  }
0x6a: {  	[spmem:s2] =	stream.indirect.scatter.add.f32 [tilespmem:s10], [sflag:$0x7], $0x8, s1, s13, $0xb8;
	[tilespmem:$0x4000] =	vst v63  }
0x6b: {  	_ =	swait.ge [sflag:s28], $0x400  }
0x6c: {  	[sflag:s28] =	ssyncset.done $0x0  }
0x6d: {  	s31 =	sadd.s32 $0x780, s31;
	[sflag:s28] =	ssyncadd.s32 $0xFFFFFC00  }
0x6e: {  	[spmem:s2] =	stream.indirect.scatter.add.f32 [tilespmem:s10], [sflag:$0x8], $0x8, s31, s13, $0xb8;
	[tilespmem:$0x4000] =	vst v63  }
0x6f: {  	_ =	swait.ge [sflag:s20], $0x400  }
0x70: {  	[sflag:s20] =	ssyncset.done $0x0  }
0x71: {  	[sflag:s20] =	ssyncadd.s32 $0xFFFFFC00  }
0x72: {  	_ =	swait.ge [sflag:s21], $0x400  }
0x73: {  	[sflag:s21] =	ssyncset.done $0x0  }
0x74: {  	[sflag:s21] =	ssyncadd.s32 $0xFFFFFC00  }
0x75: {  	_ =	swait.ge [sflag:s22], $0x400  }
0x76: {  	[sflag:s22] =	ssyncset.done $0x0  }
0x77: {  	[sflag:s22] =	ssyncadd.s32 $0xFFFFFC00  }
0x78: {  	_ =	swait.ge [sflag:s23], $0x400  }
0x79: {  	[sflag:s23] =	ssyncset.done $0x0  }
0x7a: {  	[sflag:s23] =	ssyncadd.s32 $0xFFFFFC00  }
0x7b: {  	_ =	swait.ge [sflag:s24], $0x400  }
0x7c: {  	[sflag:s24] =	ssyncset.done $0x0  }
0x7d: {  	[sflag:s24] =	ssyncadd.s32 $0xFFFFFC00  }
0x7e: {  	_ =	swait.ge [sflag:s25], $0x400  }
0x7f: {  	[sflag:s25] =	ssyncset.done $0x0  }
0x80: {  	[sflag:s25] =	ssyncadd.s32 $0xFFFFFC00  }
0x81: {  	_ =	swait.ge [sflag:s26], $0x400  }
0x82: {  	[sflag:s26] =	ssyncset.done $0x0  }
0x83: {  	[sflag:s26] =	ssyncadd.s32 $0xFFFFFC00  }
0x84: {  	_ =	swait.ge [sflag:s28], $0x400  }
0x85: {  	s29 =	sadd.s32 $0x1, s29;
	[sflag:s28] =	ssyncset.done $0x0  }
0x86: {  	p0 =	sne.s32 s29, s8;
	[sflag:s28] =	ssyncadd.s32 $0xFFFFFC00  }
.Ltmp1:
0x87: {  	[bflag:$0x0] =	sbarrier.arrive $0xFFFF;
	(pc) =	sbr.rel @p0 .LBB2_1-.Ltmp1, $4  }
0x88: {  	[hbm:s7], [sflag:s11] =	dma.local [spmem:s12], $0x280  }
0x89: {  	_ =	swait.ge [sflag:s9], $0x280  }
0x8a: {  	[sflag:s9] =	ssyncset.done $0x0  }
0x8b: {  	[sflag:s9] =	ssyncadd.s32 $0xFFFFFD80  }
0x8c: {  	_ =	sfence.sel $0x180000  }
0x8d: {  	[bflag:$0x0] =	sbarrier.arrive $0xFFFF  }
0x8e: {  	_ =	strace $0x90000047  }
0x8f: {  	[bflag:$0x2] =	sbarrier.arrive $0xFFFF  }
0x90: {  	p0 =	sne.s32 s0, $0x0;
	s0 =	rddreg [dreg:$0x3]  }
0x91: {  	s0 =	sadd.s32 @!p0 $0x100000, s0  }
0x92: {  	[sflag:s0] =	ssyncadd.tile.s32 @!p0 $0x1;
	_ =	shalt  }
.Lfunc_end2:
_tile_overlayer_lowered:
.L_overlay_start_2:
0x93: {  	(tag) =	ssettag $0x2  }
0x94: {  	s0 =	rddreg [dreg:$0x0];
	s2 =	stileid.u32  }
0x95: {  	s1 =	rddreg [dreg:$0x1];
	p0 =	sne.s32 s2, $0x0  }
0x96: {  	s3 =	rddreg [dreg:$0x2];
	[bflag:$0x3] =	sbarrier.arrive $0xFFFF;
	s2 =	simm.s32 @!p0 $0x1C09  }
0x97: {  	[timem:s3], [sflag:s2] =	dma.local @!p0 [hbm:s0], s1  }
0x98: {  	s0 =	simm.s32 @!p0 $0x9  }
0x99: {  	_ =	swait.ge @!p0 [sflag:s0], s1  }
0x9a: {  	s1 =	ssub.s32 @!p0 $0x0, s1;
	[sflag:s0] =	ssyncset.done @!p0 $0x0  }
0x9b: {  	[sflag:s0] =	ssyncadd.s32 @!p0 s1  }
0x9c: {  	[bflag:$0x3] =	sbarrier.arrive $0xFFFF  }
0x9d: {  	_ =	shalt  }

</sc_bundles>
